<compile_context>
chip_gen: v7x
topology: tpu7x:2x2x1
jax: 0.10.2.dev20260603
libtpu: 0.0.44.dev20260713+nightly
codegen_flags: <defaults>
</compile_context>

<pallas_src>
import functools
import math

import jax
import jax.numpy as jnp
from jax.experimental import pallas as pl
from jax.experimental.pallas import tpu as pltpu
from jax.experimental.pallas import tpu_sc as plsc

D = 768
H = 12
DH = D // H
E = 22
BN = 64
S = 2048
SCALE = 0.3
EPS = 1e-5

TB = 512
NTB = S // TB

F32 = jnp.float32
BF16 = jnp.bfloat16


def _ln(x, g, b):
    m = jnp.mean(x, axis=-1, keepdims=True)
    xc = x - m
    v = jnp.mean(xc * xc, axis=-1, keepdims=True)
    return xc * jax.lax.rsqrt(v + EPS) * g + b


def _dot(a, b, dims):
    return jax.lax.dot_general(a, b, (dims, ((), ())),
                               preferred_element_type=F32)


def _k1_body(x_ref, g_ref, b_ref, w_ref, wb_ref, qkvt_ref):
    x = x_ref[...]
    xn = _ln(x, g_ref[...], b_ref[...]).astype(BF16)
    qkvt = _dot(w_ref[...], xn, ((1,), (1,))) + wb_ref[...]
    rows = jax.lax.broadcasted_iota(jnp.int32, (3 * D, 1), 0)
    qkvt = qkvt * jnp.where(rows < D, 1.0 / math.sqrt(DH), 1.0)
    qkvt_ref[...] = qkvt.astype(BF16)


def _k1(x2d, ln1_g, ln1_b, w_bf, attn_in_b):
    return pl.pallas_call(
        _k1_body,
        grid=(NTB,),
        in_specs=[
            pl.BlockSpec((TB, D), lambda i: (i, 0)),
            pl.BlockSpec((1, D), lambda i: (0, 0)),
            pl.BlockSpec((1, D), lambda i: (0, 0)),
            pl.BlockSpec((3 * D, D), lambda i: (0, 0)),
            pl.BlockSpec((3 * D, 1), lambda i: (0, 0)),
        ],
        out_specs=pl.BlockSpec((3 * D, TB), lambda i: (0, i)),
        out_shape=jax.ShapeDtypeStruct((3 * D, S), BF16),
    )(x2d, ln1_g.reshape(1, D), ln1_b.reshape(1, D), w_bf,
      attn_in_b.reshape(3 * D, 1))


TA = 2048
NTA = S // TA


def _k2_body(q_ref, k_ref, v_ref, o_ref):
    qt = q_ref[...]
    kt = k_ref[...]
    vt = v_ref[...]
    s = _dot(qt, kt, ((0,), (0,)))
    p = jnp.exp(s).astype(BF16)
    vt1 = jnp.concatenate([vt, jnp.ones((1, S), BF16)], axis=0)
    oz = _dot(vt1, p, ((1,), (1,)))
    o_ref[...] = (oz[:DH] / oz[DH:DH + 1]).astype(BF16)


def _k2(qkvt):
    return pl.pallas_call(
        _k2_body,
        grid=(H, NTA),
        in_specs=[
            pl.BlockSpec((DH, TA), lambda h, i: (h, i)),
            pl.BlockSpec((DH, S), lambda h, i: (H + h, 0)),
            pl.BlockSpec((DH, S), lambda h, i: (2 * H + h, 0)),
        ],
        out_specs=pl.BlockSpec((DH, TA), lambda h, i: (h, i)),
        out_shape=jax.ShapeDtypeStruct((D, S), BF16),
    )(qkvt, qkvt, qkvt)


def _k3_body(o_ref, wo_ref, bo_ref, x_ref, wg_ref, h_ref, lt_ref):
    ot = o_ref[...]
    h = x_ref[...] + _dot(ot, wo_ref[...], ((0,), (1,))) + bo_ref[...]
    h_ref[...] = h
    lt_ref[...] = _dot(wg_ref[...], h, ((0,), (1,)))


def _k3(ot, wo_bf, attn_out_b, x2d, w_gate):
    return pl.pallas_call(
        _k3_body,
        grid=(NTB,),
        in_specs=[
            pl.BlockSpec((D, TB), lambda i: (0, i)),
            pl.BlockSpec((D, D), lambda i: (0, 0)),
            pl.BlockSpec((1, D), lambda i: (0, 0)),
            pl.BlockSpec((TB, D), lambda i: (i, 0)),
            pl.BlockSpec((D, E), lambda i: (0, 0)),
        ],
        out_specs=[
            pl.BlockSpec((TB, D), lambda i: (i, 0)),
            pl.BlockSpec((E, TB), lambda i: (0, i)),
        ],
        out_shape=[
            jax.ShapeDtypeStruct((S, D), F32),
            jax.ShapeDtypeStruct((E, S), F32),
        ],
    )(ot, wo_bf, attn_out_b.reshape(1, D), x2d, w_gate)


NW = 32
TOK_W = S // NW
LANES = 16


def _sc_gating(logits_t):
    mesh = plsc.VectorSubcoreMesh(core_axis_name="c", subcore_axis_name="s")

    @functools.partial(
        pl.kernel,
        out_type=[jax.ShapeDtypeStruct((S,), F32),
                  jax.ShapeDtypeStruct((S,), jnp.int32)],
        mesh=mesh,
        scratch_types=[pltpu.VMEM((E, TOK_W), F32),
                       pltpu.VMEM((TOK_W,), F32),
                       pltpu.VMEM((TOK_W,), jnp.int32)],
    )
    def run(logits_hbm, gate_hbm, idx_hbm, buf, gbuf, ibuf):
        wid = jax.lax.axis_index("s") * 2 + jax.lax.axis_index("c")
        base = wid * TOK_W
        for e in range(E):
            pltpu.sync_copy(logits_hbm.at[e, pl.ds(base, TOK_W)], buf.at[e])
        for g in range(TOK_W // LANES):
            sl = pl.ds(g * LANES, LANES)
            m = buf[0, sl]
            idxv = jnp.zeros((LANES,), jnp.int32)
            for e in range(1, E):
                l = buf[e, sl]
                upd = l > m
                m = jnp.where(upd, l, m)
                idxv = jnp.where(upd, jnp.full((LANES,), e, jnp.int32), idxv)
            z = jnp.zeros((LANES,), F32)
            for e in range(E):
                z = z + jnp.exp(buf[e, sl] - m)
            topv = 1.0 / z
            gbuf[sl] = topv / (topv + 1e-6)
            ibuf[sl] = idxv
        pltpu.sync_copy(gbuf, gate_hbm.at[pl.ds(base, TOK_W)])
        pltpu.sync_copy(ibuf, idx_hbm.at[pl.ds(base, TOK_W)])

    return run(logits_t)


def _k45_body(h_ref, gate_ref, idx_ref, wd_ref, bd_ref, wsd_ref, bsd_ref,
              wu_ref, wsu_ref, ub_ref,
              sub_ref, g_ref, b_ref, wf_ref, bf_ref, wp_ref, bp_ref, out_ref):
    h = h_ref[...]
    hb = h.astype(BF16)
    gate = gate_ref[...]
    idx = idx_ref[...]
    hid_e = jnp.maximum(_dot(hb, wd_ref[...], ((1,), (0,))) + bd_ref[...], 0.0)
    cols = jax.lax.broadcasted_iota(jnp.int32, (TB, E * BN), 1) // BN
    mask_e = jnp.where(cols == idx, gate, 0.0)
    hid_e = (hid_e * mask_e).astype(BF16)
    hid_s = jnp.maximum(
        _dot(hb, wsd_ref[...], ((1,), (0,))) + bsd_ref[...], 0.0).astype(BF16)
    moe = (_dot(hid_e, wu_ref[...], ((1,), (0,))) +
           _dot(hid_s, wsu_ref[...], ((1,), (0,))))
    ecols = jax.lax.broadcasted_iota(jnp.int32, (TB, E), 1)
    gates_dense = jnp.where(ecols == idx, gate, 0.0)
    ub = _dot(gates_dense, ub_ref[...], ((1,), (0,)))
    y = _ln(h, g_ref[...], b_ref[...]).astype(BF16)
    y = _dot(y, wf_ref[...], ((1,), (1,))) + bf_ref[...]
    y = y * jax.nn.sigmoid(1.702 * y)
    y = _dot(y.astype(BF16), wp_ref[...], ((1,), (1,))) + bp_ref[...]
    out_ref[...] = h + y + (moe + ub + sub_ref[...]) * SCALE


def _k45(h, gate, idx, wd_e, bd_e, sh_dw_bf, sh_db, wu_e, sh_uw_bf, exp_ub,
         sh_ub, ln2_g, ln2_b, wf_bf, c_fc_b, wp_bf, c_proj_b):
    return pl.pallas_call(
        _k45_body,
        grid=(NTB,),
        in_specs=[
            pl.BlockSpec((TB, D), lambda i: (i, 0)),
            pl.BlockSpec((TB, 1), lambda i: (i, 0)),
            pl.BlockSpec((TB, 1), lambda i: (i, 0)),
            pl.BlockSpec((D, E * BN), lambda i: (0, 0)),
            pl.BlockSpec((1, E * BN), lambda i: (0, 0)),
            pl.BlockSpec((D, E * BN), lambda i: (0, 0)),
            pl.BlockSpec((1, E * BN), lambda i: (0, 0)),
            pl.BlockSpec((E * BN, D), lambda i: (0, 0)),
            pl.BlockSpec((E * BN, D), lambda i: (0, 0)),
            pl.BlockSpec((E, D), lambda i: (0, 0)),
            pl.BlockSpec((1, D), lambda i: (0, 0)),
            pl.BlockSpec((1, D), lambda i: (0, 0)),
            pl.BlockSpec((1, D), lambda i: (0, 0)),
            pl.BlockSpec((4 * D, D), lambda i: (0, 0)),
            pl.BlockSpec((1, 4 * D), lambda i: (0, 0)),
            pl.BlockSpec((D, 4 * D), lambda i: (0, 0)),
            pl.BlockSpec((1, D), lambda i: (0, 0)),
        ],
        out_specs=pl.BlockSpec((TB, D), lambda i: (i, 0)),
        out_shape=jax.ShapeDtypeStruct((S, D), F32),
    )(h, gate, idx, wd_e, bd_e.reshape(1, -1), sh_dw_bf, sh_db.reshape(1, -1),
      wu_e, sh_uw_bf, exp_ub,
      sh_ub.reshape(1, D), ln2_g.reshape(1, D), ln2_b.reshape(1, D), wf_bf,
      c_fc_b.reshape(1, 4 * D), wp_bf, c_proj_b.reshape(1, D))


def kernel(x, ln1_g, ln1_b, attn_in_w, attn_in_b, attn_out_w, attn_out_b,
           ln2_g, ln2_b, c_fc_w, c_fc_b, c_proj_w, c_proj_b, w_gate,
           exp_dw, exp_db, exp_uw, exp_ub, sh_dw, sh_db, sh_uw, sh_ub):
    x2d = x.reshape(S, D)

    qkvt = _k1(x2d, ln1_g, ln1_b, attn_in_w.astype(BF16), attn_in_b)
    ot = _k2(qkvt)
    h, logits_t = _k3(ot, attn_out_w.astype(BF16), attn_out_b, x2d, w_gate)
    gate, idx = _sc_gating(logits_t)
    gate = gate.reshape(S, 1)
    idx = idx.reshape(S, 1)
    wd_e = exp_dw.astype(BF16).transpose(1, 0, 2).reshape(D, E * BN)
    wu_e = exp_uw.astype(BF16).reshape(E * BN, D)

    out = _k45(h, gate, idx, wd_e, exp_db.reshape(E * BN),
               sh_dw.astype(BF16), sh_db, wu_e, sh_uw.astype(BF16), exp_ub,
               sh_ub, ln2_g, ln2_b, c_fc_w.astype(BF16), c_fc_b,
               c_proj_w.astype(BF16), c_proj_b)
    return out.reshape(S, 1, D)

# --- scband reference (transcript-rebuilt; emitter-appended) ---
"""Pipeline reference for scband-residual-attention-block-38079180046987 (READ-ONLY COPY).

The authoritative reference and input builder live on the scoring server;
editing this copy changes nothing except your own understanding.
"""

import jax, jax.numpy as jnp
import numpy as np

D = 768
H = 12
E = 22
TOPK = 1
BN = 64
S = 2048
B = 1
SCALE = 0.3
MOE_SCALAR = 1.0


def setup_inputs(seed: int = 0):
    key = jax.random.key(seed)
    ks = jax.random.split(key, 16)
    def rn(k, shape, s=0.02):
        return jax.random.normal(k, shape, dtype=jnp.float32) * s
    inp = {}
    inp['x'] = jax.random.normal(ks[0], (S, B, D), dtype=jnp.float32)
    inp['ln1_g'] = jnp.ones((D,), jnp.float32)
    inp['ln1_b'] = jnp.zeros((D,), jnp.float32)
    inp['attn_in_w'] = rn(ks[1], (3 * D, D))
    inp['attn_in_b'] = jnp.zeros((3 * D,), jnp.float32)
    inp['attn_out_w'] = rn(ks[2], (D, D))
    inp['attn_out_b'] = jnp.zeros((D,), jnp.float32)
    inp['ln2_g'] = jnp.ones((D,), jnp.float32)
    inp['ln2_b'] = jnp.zeros((D,), jnp.float32)
    inp['c_fc_w'] = rn(ks[3], (4 * D, D))
    inp['c_fc_b'] = jnp.zeros((4 * D,), jnp.float32)
    inp['c_proj_w'] = rn(ks[4], (D, 4 * D))
    inp['c_proj_b'] = jnp.zeros((D,), jnp.float32)
    inp['w_gate'] = rn(ks[5], (D, E), 0.1)
    inp['exp_dw'] = rn(ks[6], (E, D, BN))
    inp['exp_db'] = jnp.zeros((E, BN), jnp.float32)
    inp['exp_uw'] = rn(ks[7], (E, BN, D))
    inp['exp_ub'] = jnp.zeros((E, D), jnp.float32)
    inp['sh_dw'] = rn(ks[8], (D, BN * E))
    inp['sh_db'] = jnp.zeros((BN * E,), jnp.float32)
    inp['sh_uw'] = rn(ks[9], (BN * E, D))
    inp['sh_ub'] = jnp.zeros((D,), jnp.float32)
    return inp


def _ln(x, g, b, eps=1e-5):
    m = x.mean(-1, keepdims=True)
    v = ((x - m) ** 2).mean(-1, keepdims=True)
    return (x - m) / jnp.sqrt(v + eps) * g + b


def _mha(x, wi, bi, wo, bo):
    s, bsz, d = x.shape
    dh = d // H
    qkv = x @ wi.T + bi
    q, k, v = jnp.split(qkv, 3, axis=-1)
    def rs(t):
        return t.reshape(s, bsz, H, dh).transpose(1, 2, 0, 3)
    q, k, v = rs(q), rs(k), rs(v)
    att = jax.nn.softmax((q @ k.transpose(0, 1, 3, 2)) / jnp.sqrt(jnp.float32(dh)), axis=-1)
    o = (att @ v).transpose(2, 0, 1, 3).reshape(s, bsz, d)
    return o @ wo.T + bo


def _forward(x, ln1_g, ln1_b, attn_in_w, attn_in_b, attn_out_w, attn_out_b, ln2_g, ln2_b, c_fc_w, c_fc_b, c_proj_w, c_proj_b, w_gate, exp_dw, exp_db, exp_uw, exp_ub, sh_dw, sh_db, sh_uw, sh_ub):
    # x: [S, B, D] (torch MultiheadAttention seq-first convention)
    h = x + _mha(_ln(x, ln1_g, ln1_b), attn_in_w, attn_in_b, attn_out_w, attn_out_b)
    tokens = h.reshape(-1, D)
    # noisy_top_k_gating in eval mode (no noise): clean logits -> softmax -> top-k -> renormalize -> scatter to dense gates
    logits = tokens @ w_gate
    probs = jax.nn.softmax(logits, axis=1)
    top_vals, top_idx = jax.lax.top_k(probs, TOPK)
    gates_k = top_vals / (jnp.sum(top_vals, axis=1, keepdims=True) + 1e-6)
    gates = jnp.sum(jax.nn.one_hot(top_idx, E, dtype=tokens.dtype) * gates_k[..., None], axis=1)
    # SparseDispatcher dispatch/combine is mathematically: out[b] = sum_e gates[b,e] * expert_e(tokens[b])
    moe = jnp.zeros_like(tokens)
    for e in range(E):
        he = jax.nn.relu(tokens @ exp_dw[e] + exp_db[e])
        oe = (he @ exp_uw[e] + exp_ub[e]) * SCALE
        moe = moe + gates[:, e:e + 1] * oe
    shared = (jax.nn.relu(tokens @ sh_dw + sh_db) @ sh_uw + sh_ub) * SCALE
    adapt = (moe + shared).reshape(h.shape)
    y = _ln(h, ln2_g, ln2_b)
    y = y @ c_fc_w.T + c_fc_b
    y = y * jax.nn.sigmoid(1.702 * y)  # QuickGELU
    y = y @ c_proj_w.T + c_proj_b
    return h + y + MOE_SCALAR * adapt


def reference(x, ln1_g, ln1_b, attn_in_w, attn_in_b, attn_out_w, attn_out_b, ln2_g, ln2_b, c_fc_w, c_fc_b, c_proj_w, c_proj_b, w_gate, exp_dw, exp_db, exp_uw, exp_ub, sh_dw, sh_db, sh_uw, sh_ub):
    return _forward(x, ln1_g, ln1_b, attn_in_w, attn_in_b, attn_out_w, attn_out_b, ln2_g, ln2_b, c_fc_w, c_fc_b, c_proj_w, c_proj_b, w_gate, exp_dw, exp_db, exp_uw, exp_ub, sh_dw, sh_db, sh_uw, sh_ub)

if __name__ == "__main__":
    import jax
    _d = setup_inputs()
    print(jax.jit(kernel)(*tuple(_d.values())))

</pallas_src>

<mosaic_0001>
#map = affine_map<(d0, d1) -> (0, 0)>
#map1 = affine_map<(d0, d1) -> (0)>
module attributes {stable_mosaic.version = 14 : i64} {
  func.func @run(%arg0: i32, %arg1: i32, %arg2: memref<22x2048xf32, #tpu.memory_space<hbm>>, %arg3: memref<2048xf32, #tpu.memory_space<hbm>>, %arg4: memref<2048xi32, #tpu.memory_space<hbm>>, %arg5: memref<22x64xf32, #tpu.memory_space<vmem>>, %arg6: memref<64xf32, #tpu.memory_space<vmem>>, %arg7: memref<64xi32, #tpu.memory_space<vmem>>) attributes {dimension_semantics = [#tpu.dimension_semantics<core_parallel>, #tpu.dimension_semantics<subcore_parallel>], iteration_bounds = array<i64: 2, 16>, scalar_prefetch = 0 : i64, scratch_operands = 3 : i64, tpu.core_type = #tpu.core_type<sc_vector_subcore>, window_params = [{transform_indices = #map}, {transform_indices = #map1}, {transform_indices = #map1}]} {
    %mul3A = arith.constant 2 : i32
    %mul3A_0 = arith.muli %arg1, %mul3A : i32
    %add3A = arith.addi %mul3A_0, %arg0 : i32
    %mul3A_1 = arith.constant 64 : i32
    %mul3A_2 = arith.muli %add3A, %mul3A_1 : i32
    %run_scoped3A = arith.constant 0 : i32
    %run_scoped3A_3 = arith.constant 0 : i32
    "tpu.region"() ({
      %run_scoped3A_1678 = tpu.sem_alloc : memref<!tpu.dma_semaphore, #tpu.memory_space<semaphore_mem>>
      %dma_start3A = arith.constant 0 : i32
      %dma_start3A_1679 = tpu.memref_slice %arg5[%run_scoped3A_3, %dma_start3A] : memref<22x64xf32, #tpu.memory_space<vmem>> -> memref<1x64xf32, #tpu.memory_space<vmem>>
      %dma_start3A_1680 = tpu.memref_squeeze %dma_start3A_1679 : memref<1x64xf32, #tpu.memory_space<vmem>> -> memref<64xf32, #tpu.memory_space<vmem>>
      %dma_start3A_1681 = tpu.memref_slice %arg2[%run_scoped3A, %mul3A_2] : memref<22x2048xf32, #tpu.memory_space<hbm>> -> memref<1x64xf32, #tpu.memory_space<hbm>>
      %dma_start3A_1682 = tpu.memref_squeeze %dma_start3A_1681 : memref<1x64xf32, #tpu.memory_space<hbm>> -> memref<64xf32, #tpu.memory_space<hbm>>
      %dma_start3A_1683 = arith.constant 0 : i32
      %dma_start3A_1684 = tpu.memref_slice %arg5[%run_scoped3A_3, %dma_start3A_1683] : memref<22x64xf32, #tpu.memory_space<vmem>> -> memref<1x64xf32, #tpu.memory_space<vmem>>
      %dma_start3A_1685 = tpu.memref_squeeze %dma_start3A_1684 : memref<1x64xf32, #tpu.memory_space<vmem>> -> memref<64xf32, #tpu.memory_space<vmem>>
      %dma_start3A_1686 = tpu.memref_slice %arg2[%run_scoped3A, %mul3A_2] : memref<22x2048xf32, #tpu.memory_space<hbm>> -> memref<1x64xf32, #tpu.memory_space<hbm>>
      %dma_start3A_1687 = tpu.memref_squeeze %dma_start3A_1686 : memref<1x64xf32, #tpu.memory_space<hbm>> -> memref<64xf32, #tpu.memory_space<hbm>>
      tpu.enqueue_dma source(%dma_start3A_1687 : memref<64xf32, #tpu.memory_space<hbm>>) target(%dma_start3A_1685 : memref<64xf32, #tpu.memory_space<vmem>>) target_semaphore(%run_scoped3A_1678 : memref<!tpu.dma_semaphore, #tpu.memory_space<semaphore_mem>>)
      %dma_wait3A = arith.constant 0 : i32
      %dma_wait3A_1688 = tpu.memref_slice %arg5[%run_scoped3A_3, %dma_wait3A] : memref<22x64xf32, #tpu.memory_space<vmem>> -> memref<1x64xf32, #tpu.memory_space<vmem>>
      %dma_wait3A_1689 = tpu.memref_squeeze %dma_wait3A_1688 : memref<1x64xf32, #tpu.memory_space<vmem>> -> memref<64xf32, #tpu.memory_space<vmem>>
      %dma_wait3A_1690 = tpu.memref_slice %arg2[%run_scoped3A, %mul3A_2] : memref<22x2048xf32, #tpu.memory_space<hbm>> -> memref<1x64xf32, #tpu.memory_space<hbm>>
      %dma_wait3A_1691 = tpu.memref_squeeze %dma_wait3A_1690 : memref<1x64xf32, #tpu.memory_space<hbm>> -> memref<64xf32, #tpu.memory_space<hbm>>
      %dma_wait3A_1692 = arith.constant 0 : i32
      %dma_wait3A_1693 = tpu.memref_slice %arg5[%run_scoped3A_3, %dma_wait3A_1692] : memref<22x64xf32, #tpu.memory_space<vmem>> -> memref<1x64xf32, #tpu.memory_space<vmem>>
      %dma_wait3A_1694 = tpu.memref_squeeze %dma_wait3A_1693 : memref<1x64xf32, #tpu.memory_space<vmem>> -> memref<64xf32, #tpu.memory_space<vmem>>
      %dma_wait3A_1695 = tpu.memref_slice %arg2[%run_scoped3A, %mul3A_2] : memref<22x2048xf32, #tpu.memory_space<hbm>> -> memref<1x64xf32, #tpu.memory_space<hbm>>
      %dma_wait3A_1696 = tpu.memref_squeeze %dma_wait3A_1695 : memref<1x64xf32, #tpu.memory_space<hbm>> -> memref<64xf32, #tpu.memory_space<hbm>>
      tpu.wait_dma2 semaphore(%run_scoped3A_1678 : memref<!tpu.dma_semaphore, #tpu.memory_space<semaphore_mem>>) src(%dma_wait3A_1696 : memref<64xf32, #tpu.memory_space<hbm>>) dst(%dma_wait3A_1694 : memref<64xf32, #tpu.memory_space<vmem>>)
      tpu.yield
    }) : () -> ()
    %run_scoped3A_4 = arith.constant 1 : i32
    %run_scoped3A_5 = arith.constant 1 : i32
    "tpu.region"() ({
      %run_scoped3A_1678 = tpu.sem_alloc : memref<!tpu.dma_semaphore, #tpu.memory_space<semaphore_mem>>
      %dma_start3A = arith.constant 0 : i32
      %dma_start3A_1679 = tpu.memref_slice %arg5[%run_scoped3A_5, %dma_start3A] : memref<22x64xf32, #tpu.memory_space<vmem>> -> memref<1x64xf32, #tpu.memory_space<vmem>>
      %dma_start3A_1680 = tpu.memref_squeeze %dma_start3A_1679 : memref<1x64xf32, #tpu.memory_space<vmem>> -> memref<64xf32, #tpu.memory_space<vmem>>
      %dma_start3A_1681 = tpu.memref_slice %arg2[%run_scoped3A_4, %mul3A_2] : memref<22x2048xf32, #tpu.memory_space<hbm>> -> memref<1x64xf32, #tpu.memory_space<hbm>>
      %dma_start3A_1682 = tpu.memref_squeeze %dma_start3A_1681 : memref<1x64xf32, #tpu.memory_space<hbm>> -> memref<64xf32, #tpu.memory_space<hbm>>
      %dma_start3A_1683 = arith.constant 0 : i32
      %dma_start3A_1684 = tpu.memref_slice %arg5[%run_scoped3A_5, %dma_start3A_1683] : memref<22x64xf32, #tpu.memory_space<vmem>> -> memref<1x64xf32, #tpu.memory_space<vmem>>
      %dma_start3A_1685 = tpu.memref_squeeze %dma_start3A_1684 : memref<1x64xf32, #tpu.memory_space<vmem>> -> memref<64xf32, #tpu.memory_space<vmem>>
      %dma_start3A_1686 = tpu.memref_slice %arg2[%run_scoped3A_4, %mul3A_2] : memref<22x2048xf32, #tpu.memory_space<hbm>> -> memref<1x64xf32, #tpu.memory_space<hbm>>
      %dma_start3A_1687 = tpu.memref_squeeze %dma_start3A_1686 : memref<1x64xf32, #tpu.memory_space<hbm>> -> memref<64xf32, #tpu.memory_space<hbm>>
      tpu.enqueue_dma source(%dma_start3A_1687 : memref<64xf32, #tpu.memory_space<hbm>>) target(%dma_start3A_1685 : memref<64xf32, #tpu.memory_space<vmem>>) target_semaphore(%run_scoped3A_1678 : memref<!tpu.dma_semaphore, #tpu.memory_space<semaphore_mem>>)
      %dma_wait3A = arith.constant 0 : i32
      %dma_wait3A_1688 = tpu.memref_slice %arg5[%run_scoped3A_5, %dma_wait3A] : memref<22x64xf32, #tpu.memory_space<vmem>> -> memref<1x64xf32, #tpu.memory_space<vmem>>
      %dma_wait3A_1689 = tpu.memref_squeeze %dma_wait3A_1688 : memref<1x64xf32, #tpu.memory_space<vmem>> -> memref<64xf32, #tpu.memory_space<vmem>>
      %dma_wait3A_1690 = tpu.memref_slice %arg2[%run_scoped3A_4, %mul3A_2] : memref<22x2048xf32, #tpu.memory_space<hbm>> -> memref<1x64xf32, #tpu.memory_space<hbm>>
      %dma_wait3A_1691 = tpu.memref_squeeze %dma_wait3A_1690 : memref<1x64xf32, #tpu.memory_space<hbm>> -> memref<64xf32, #tpu.memory_space<hbm>>
      %dma_wait3A_1692 = arith.constant 0 : i32
      %dma_wait3A_1693 = tpu.memref_slice %arg5[%run_scoped3A_5, %dma_wait3A_1692] : memref<22x64xf32, #tpu.memory_space<vmem>> -> memref<1x64xf32, #tpu.memory_space<vmem>>
      %dma_wait3A_1694 = tpu.memref_squeeze %dma_wait3A_1693 : memref<1x64xf32, #tpu.memory_space<vmem>> -> memref<64xf32, #tpu.memory_space<vmem>>
      %dma_wait3A_1695 = tpu.memref_slice %arg2[%run_scoped3A_4, %mul3A_2] : memref<22x2048xf32, #tpu.memory_space<hbm>> -> memref<1x64xf32, #tpu.memory_space<hbm>>
      %dma_wait3A_1696 = tpu.memref_squeeze %dma_wait3A_1695 : memref<1x64xf32, #tpu.memory_space<hbm>> -> memref<64xf32, #tpu.memory_space<hbm>>
      tpu.wait_dma2 semaphore(%run_scoped3A_1678 : memref<!tpu.dma_semaphore, #tpu.memory_space<semaphore_mem>>) src(%dma_wait3A_1696 : memref<64xf32, #tpu.memory_space<hbm>>) dst(%dma_wait3A_1694 : memref<64xf32, #tpu.memory_space<vmem>>)
      tpu.yield
    }) : () -> ()
    %run_scoped3A_6 = arith.constant 2 : i32
    %run_scoped3A_7 = arith.constant 2 : i32
    "tpu.region"() ({
      %run_scoped3A_1678 = tpu.sem_alloc : memref<!tpu.dma_semaphore, #tpu.memory_space<semaphore_mem>>
      %dma_start3A = arith.constant 0 : i32
      %dma_start3A_1679 = tpu.memref_slice %arg5[%run_scoped3A_7, %dma_start3A] : memref<22x64xf32, #tpu.memory_space<vmem>> -> memref<1x64xf32, #tpu.memory_space<vmem>>
      %dma_start3A_1680 = tpu.memref_squeeze %dma_start3A_1679 : memref<1x64xf32, #tpu.memory_space<vmem>> -> memref<64xf32, #tpu.memory_space<vmem>>
      %dma_start3A_1681 = tpu.memref_slice %arg2[%run_scoped3A_6, %mul3A_2] : memref<22x2048xf32, #tpu.memory_space<hbm>> -> memref<1x64xf32, #tpu.memory_space<hbm>>
      %dma_start3A_1682 = tpu.memref_squeeze %dma_start3A_1681 : memref<1x64xf32, #tpu.memory_space<hbm>> -> memref<64xf32, #tpu.memory_space<hbm>>
      %dma_start3A_1683 = arith.constant 0 : i32
      %dma_start3A_1684 = tpu.memref_slice %arg5[%run_scoped3A_7, %dma_start3A_1683] : memref<22x64xf32, #tpu.memory_space<vmem>> -> memref<1x64xf32, #tpu.memory_space<vmem>>
      %dma_start3A_1685 = tpu.memref_squeeze %dma_start3A_1684 : memref<1x64xf32, #tpu.memory_space<vmem>> -> memref<64xf32, #tpu.memory_space<vmem>>
      %dma_start3A_1686 = tpu.memref_slice %arg2[%run_scoped3A_6, %mul3A_2] : memref<22x2048xf32, #tpu.memory_space<hbm>> -> memref<1x64xf32, #tpu.memory_space<hbm>>
      %dma_start3A_1687 = tpu.memref_squeeze %dma_start3A_1686 : memref<1x64xf32, #tpu.memory_space<hbm>> -> memref<64xf32, #tpu.memory_space<hbm>>
      tpu.enqueue_dma source(%dma_start3A_1687 : memref<64xf32, #tpu.memory_space<hbm>>) target(%dma_start3A_1685 : memref<64xf32, #tpu.memory_space<vmem>>) target_semaphore(%run_scoped3A_1678 : memref<!tpu.dma_semaphore, #tpu.memory_space<semaphore_mem>>)
      %dma_wait3A = arith.constant 0 : i32
      %dma_wait3A_1688 = tpu.memref_slice %arg5[%run_scoped3A_7, %dma_wait3A] : memref<22x64xf32, #tpu.memory_space<vmem>> -> memref<1x64xf32, #tpu.memory_space<vmem>>
      %dma_wait3A_1689 = tpu.memref_squeeze %dma_wait3A_1688 : memref<1x64xf32, #tpu.memory_space<vmem>> -> memref<64xf32, #tpu.memory_space<vmem>>
      %dma_wait3A_1690 = tpu.memref_slice %arg2[%run_scoped3A_6, %mul3A_2] : memref<22x2048xf32, #tpu.memory_space<hbm>> -> memref<1x64xf32, #tpu.memory_space<hbm>>
      %dma_wait3A_1691 = tpu.memref_squeeze %dma_wait3A_1690 : memref<1x64xf32, #tpu.memory_space<hbm>> -> memref<64xf32, #tpu.memory_space<hbm>>
      %dma_wait3A_1692 = arith.constant 0 : i32
      %dma_wait3A_1693 = tpu.memref_slice %arg5[%run_scoped3A_7, %dma_wait3A_1692] : memref<22x64xf32, #tpu.memory_space<vmem>> -> memref<1x64xf32, #tpu.memory_space<vmem>>
      %dma_wait3A_1694 = tpu.memref_squeeze %dma_wait3A_1693 : memref<1x64xf32, #tpu.memory_space<vmem>> -> memref<64xf32, #tpu.memory_space<vmem>>
      %dma_wait3A_1695 = tpu.memref_slice %arg2[%run_scoped3A_6, %mul3A_2] : memref<22x2048xf32, #tpu.memory_space<hbm>> -> memref<1x64xf32, #tpu.memory_space<hbm>>
      %dma_wait3A_1696 = tpu.memref_squeeze %dma_wait3A_1695 : memref<1x64xf32, #tpu.memory_space<hbm>> -> memref<64xf32, #tpu.memory_space<hbm>>
      tpu.wait_dma2 semaphore(%run_scoped3A_1678 : memref<!tpu.dma_semaphore, #tpu.memory_space<semaphore_mem>>) src(%dma_wait3A_1696 : memref<64xf32, #tpu.memory_space<hbm>>) dst(%dma_wait3A_1694 : memref<64xf32, #tpu.memory_space<vmem>>)
      tpu.yield
    }) : () -> ()
    %run_scoped3A_8 = arith.constant 3 : i32
    %run_scoped3A_9 = arith.constant 3 : i32
    "tpu.region"() ({
      %run_scoped3A_1678 = tpu.sem_alloc : memref<!tpu.dma_semaphore, #tpu.memory_space<semaphore_mem>>
      %dma_start3A = arith.constant 0 : i32
      %dma_start3A_1679 = tpu.memref_slice %arg5[%run_scoped3A_9, %dma_start3A] : memref<22x64xf32, #tpu.memory_space<vmem>> -> memref<1x64xf32, #tpu.memory_space<vmem>>
      %dma_start3A_1680 = tpu.memref_squeeze %dma_start3A_1679 : memref<1x64xf32, #tpu.memory_space<vmem>> -> memref<64xf32, #tpu.memory_space<vmem>>
      %dma_start3A_1681 = tpu.memref_slice %arg2[%run_scoped3A_8, %mul3A_2] : memref<22x2048xf32, #tpu.memory_space<hbm>> -> memref<1x64xf32, #tpu.memory_space<hbm>>
      %dma_start3A_1682 = tpu.memref_squeeze %dma_start3A_1681 : memref<1x64xf32, #tpu.memory_space<hbm>> -> memref<64xf32, #tpu.memory_space<hbm>>
      %dma_start3A_1683 = arith.constant 0 : i32
      %dma_start3A_1684 = tpu.memref_slice %arg5[%run_scoped3A_9, %dma_start3A_1683] : memref<22x64xf32, #tpu.memory_space<vmem>> -> memref<1x64xf32, #tpu.memory_space<vmem>>
      %dma_start3A_1685 = tpu.memref_squeeze %dma_start3A_1684 : memref<1x64xf32, #tpu.memory_space<vmem>> -> memref<64xf32, #tpu.memory_space<vmem>>
      %dma_start3A_1686 = tpu.memref_slice %arg2[%run_scoped3A_8, %mul3A_2] : memref<22x2048xf32, #tpu.memory_space<hbm>> -> memref<1x64xf32, #tpu.memory_space<hbm>>
      %dma_start3A_1687 = tpu.memref_squeeze %dma_start3A_1686 : memref<1x64xf32, #tpu.memory_space<hbm>> -> memref<64xf32, #tpu.memory_space<hbm>>
      tpu.enqueue_dma source(%dma_start3A_1687 : memref<64xf32, #tpu.memory_space<hbm>>) target(%dma_start3A_1685 : memref<64xf32, #tpu.memory_space<vmem>>) target_semaphore(%run_scoped3A_1678 : memref<!tpu.dma_semaphore, #tpu.memory_space<semaphore_mem>>)
      %dma_wait3A = arith.constant 0 : i32
      %dma_wait3A_1688 = tpu.memref_slice %arg5[%run_scoped3A_9, %dma_wait3A] : memref<22x64xf32, #tpu.memory_space<vmem>> -> memref<1x64xf32, #tpu.memory_space<vmem>>
      %dma_wait3A_1689 = tpu.memref_squeeze %dma_wait3A_1688 : memref<1x64xf32, #tpu.memory_space<vmem>> -> memref<64xf32, #tpu.memory_space<vmem>>
      %dma_wait3A_1690 = tpu.memref_slice %arg2[%run_scoped3A_8, %mul3A_2] : memref<22x2048xf32, #tpu.memory_space<hbm>> -> memref<1x64xf32, #tpu.memory_space<hbm>>
      %dma_wait3A_1691 = tpu.memref_squeeze %dma_wait3A_1690 : memref<1x64xf32, #tpu.memory_space<hbm>> -> memref<64xf32, #tpu.memory_space<hbm>>
      %dma_wait3A_1692 = arith.constant 0 : i32
      %dma_wait3A_1693 = tpu.memref_slice %arg5[%run_scoped3A_9, %dma_wait3A_1692] : memref<22x64xf32, #tpu.memory_space<vmem>> -> memref<1x64xf32, #tpu.memory_space<vmem>>
      %dma_wait3A_1694 = tpu.memref_squeeze %dma_wait3A_1693 : memref<1x64xf32, #tpu.memory_space<vmem>> -> memref<64xf32, #tpu.memory_space<vmem>>
      %dma_wait3A_1695 = tpu.memref_slice %arg2[%run_scoped3A_8, %mul3A_2] : memref<22x2048xf32, #tpu.memory_space<hbm>> -> memref<1x64xf32, #tpu.memory_space<hbm>>
      %dma_wait3A_1696 = tpu.memref_squeeze %dma_wait3A_1695 : memref<1x64xf32, #tpu.memory_space<hbm>> -> memref<64xf32, #tpu.memory_space<hbm>>
      tpu.wait_dma2 semaphore(%run_scoped3A_1678 : memref<!tpu.dma_semaphore, #tpu.memory_space<semaphore_mem>>) src(%dma_wait3A_1696 : memref<64xf32, #tpu.memory_space<hbm>>) dst(%dma_wait3A_1694 : memref<64xf32, #tpu.memory_space<vmem>>)
      tpu.yield
    }) : () -> ()
    %run_scoped3A_10 = arith.constant 4 : i32
    %run_scoped3A_11 = arith.constant 4 : i32
    "tpu.region"() ({
      %run_scoped3A_1678 = tpu.sem_alloc : memref<!tpu.dma_semaphore, #tpu.memory_space<semaphore_mem>>
      %dma_start3A = arith.constant 0 : i32
      %dma_start3A_1679 = tpu.memref_slice %arg5[%run_scoped3A_11, %dma_start3A] : memref<22x64xf32, #tpu.memory_space<vmem>> -> memref<1x64xf32, #tpu.memory_space<vmem>>
      %dma_start3A_1680 = tpu.memref_squeeze %dma_start3A_1679 : memref<1x64xf32, #tpu.memory_space<vmem>> -> memref<64xf32, #tpu.memory_space<vmem>>
      %dma_start3A_1681 = tpu.memref_slice %arg2[%run_scoped3A_10, %mul3A_2] : memref<22x2048xf32, #tpu.memory_space<hbm>> -> memref<1x64xf32, #tpu.memory_space<hbm>>
      %dma_start3A_1682 = tpu.memref_squeeze %dma_start3A_1681 : memref<1x64xf32, #tpu.memory_space<hbm>> -> memref<64xf32, #tpu.memory_space<hbm>>
      %dma_start3A_1683 = arith.constant 0 : i32
      %dma_start3A_1684 = tpu.memref_slice %arg5[%run_scoped3A_11, %dma_start3A_1683] : memref<22x64xf32, #tpu.memory_space<vmem>> -> memref<1x64xf32, #tpu.memory_space<vmem>>
      %dma_start3A_1685 = tpu.memref_squeeze %dma_start3A_1684 : memref<1x64xf32, #tpu.memory_space<vmem>> -> memref<64xf32, #tpu.memory_space<vmem>>
      %dma_start3A_1686 = tpu.memref_slice %arg2[%run_scoped3A_10, %mul3A_2] : memref<22x2048xf32, #tpu.memory_space<hbm>> -> memref<1x64xf32, #tpu.memory_space<hbm>>
      %dma_start3A_1687 = tpu.memref_squeeze %dma_start3A_1686 : memref<1x64xf32, #tpu.memory_space<hbm>> -> memref<64xf32, #tpu.memory_space<hbm>>
      tpu.enqueue_dma source(%dma_start3A_1687 : memref<64xf32, #tpu.memory_space<hbm>>) target(%dma_start3A_1685 : memref<64xf32, #tpu.memory_space<vmem>>) target_semaphore(%run_scoped3A_1678 : memref<!tpu.dma_semaphore, #tpu.memory_space<semaphore_mem>>)
      %dma_wait3A = arith.constant 0 : i32
      %dma_wait3A_1688 = tpu.memref_slice %arg5[%run_scoped3A_11, %dma_wait3A] : memref<22x64xf32, #tpu.memory_space<vmem>> -> memref<1x64xf32, #tpu.memory_space<vmem>>
      %dma_wait3A_1689 = tpu.memref_squeeze %dma_wait3A_1688 : memref<1x64xf32, #tpu.memory_space<vmem>> -> memref<64xf32, #tpu.memory_space<vmem>>
      %dma_wait3A_1690 = tpu.memref_slice %arg2[%run_scoped3A_10, %mul3A_2] : memref<22x2048xf32, #tpu.memory_space<hbm>> -> memref<1x64xf32, #tpu.memory_space<hbm>>
      %dma_wait3A_1691 = tpu.memref_squeeze %dma_wait3A_1690 : memref<1x64xf32, #tpu.memory_space<hbm>> -> memref<64xf32, #tpu.memory_space<hbm>>
      %dma_wait3A_1692 = arith.constant 0 : i32
      %dma_wait3A_1693 = tpu.memref_slice %arg5[%run_scoped3A_11, %dma_wait3A_1692] : memref<22x64xf32, #tpu.memory_space<vmem>> -> memref<1x64xf32, #tpu.memory_space<vmem>>
      %dma_wait3A_1694 = tpu.memref_squeeze %dma_wait3A_1693 : memref<1x64xf32, #tpu.memory_space<vmem>> -> memref<64xf32, #tpu.memory_space<vmem>>
      %dma_wait3A_1695 = tpu.memref_slice %arg2[%run_scoped3A_10, %mul3A_2] : memref<22x2048xf32, #tpu.memory_space<hbm>> -> memref<1x64xf32, #tpu.memory_space<hbm>>
      %dma_wait3A_1696 = tpu.memref_squeeze %dma_wait3A_1695 : memref<1x64xf32, #tpu.memory_space<hbm>> -> memref<64xf32, #tpu.memory_space<hbm>>
      tpu.wait_dma2 semaphore(%run_scoped3A_1678 : memref<!tpu.dma_semaphore, #tpu.memory_space<semaphore_mem>>) src(%dma_wait3A_1696 : memref<64xf32, #tpu.memory_space<hbm>>) dst(%dma_wait3A_1694 : memref<64xf32, #tpu.memory_space<vmem>>)
      tpu.yield
    }) : () -> ()
    %run_scoped3A_12 = arith.constant 5 : i32
    %run_scoped3A_13 = arith.constant 5 : i32
    "tpu.region"() ({
      %run_scoped3A_1678 = tpu.sem_alloc : memref<!tpu.dma_semaphore, #tpu.memory_space<semaphore_mem>>
      %dma_start3A = arith.constant 0 : i32
      %dma_start3A_1679 = tpu.memref_slice %arg5[%run_scoped3A_13, %dma_start3A] : memref<22x64xf32, #tpu.memory_space<vmem>> -> memref<1x64xf32, #tpu.memory_space<vmem>>
      %dma_start3A_1680 = tpu.memref_squeeze %dma_start3A_1679 : memref<1x64xf32, #tpu.memory_space<vmem>> -> memref<64xf32, #tpu.memory_space<vmem>>
      %dma_start3A_1681 = tpu.memref_slice %arg2[%run_scoped3A_12, %mul3A_2] : memref<22x2048xf32, #tpu.memory_space<hbm>> -> memref<1x64xf32, #tpu.memory_space<hbm>>
      %dma_start3A_1682 = tpu.memref_squeeze %dma_start3A_1681 : memref<1x64xf32, #tpu.memory_space<hbm>> -> memref<64xf32, #tpu.memory_space<hbm>>
      %dma_start3A_1683 = arith.constant 0 : i32
      %dma_start3A_1684 = tpu.memref_slice %arg5[%run_scoped3A_13, %dma_start3A_1683] : memref<22x64xf32, #tpu.memory_space<vmem>> -> memref<1x64xf32, #tpu.memory_space<vmem>>
      %dma_start3A_1685 = tpu.memref_squeeze %dma_start3A_1684 : memref<1x64xf32, #tpu.memory_space<vmem>> -> memref<64xf32, #tpu.memory_space<vmem>>
      %dma_start3A_1686 = tpu.memref_slice %arg2[%run_scoped3A_12, %mul3A_2] : memref<22x2048xf32, #tpu.memory_space<hbm>> -> memref<1x64xf32, #tpu.memory_space<hbm>>
      %dma_start3A_1687 = tpu.memref_squeeze %dma_start3A_1686 : memref<1x64xf32, #tpu.memory_space<hbm>> -> memref<64xf32, #tpu.memory_space<hbm>>
      tpu.enqueue_dma source(%dma_start3A_1687 : memref<64xf32, #tpu.memory_space<hbm>>) target(%dma_start3A_1685 : memref<64xf32, #tpu.memory_space<vmem>>) target_semaphore(%run_scoped3A_1678 : memref<!tpu.dma_semaphore, #tpu.memory_space<semaphore_mem>>)
      %dma_wait3A = arith.constant 0 : i32
      %dma_wait3A_1688 = tpu.memref_slice %arg5[%run_scoped3A_13, %dma_wait3A] : memref<22x64xf32, #tpu.memory_space<vmem>> -> memref<1x64xf32, #tpu.memory_space<vmem>>
      %dma_wait3A_1689 = tpu.memref_squeeze %dma_wait3A_1688 : memref<1x64xf32, #tpu.memory_space<vmem>> -> memref<64xf32, #tpu.memory_space<vmem>>
      %dma_wait3A_1690 = tpu.memref_slice %arg2[%run_scoped3A_12, %mul3A_2] : memref<22x2048xf32, #tpu.memory_space<hbm>> -> memref<1x64xf32, #tpu.memory_space<hbm>>
      %dma_wait3A_1691 = tpu.memref_squeeze %dma_wait3A_1690 : memref<1x64xf32, #tpu.memory_space<hbm>> -> memref<64xf32, #tpu.memory_space<hbm>>
      %dma_wait3A_1692 = arith.constant 0 : i32
      %dma_wait3A_1693 = tpu.memref_slice %arg5[%run_scoped3A_13, %dma_wait3A_1692] : memref<22x64xf32, #tpu.memory_space<vmem>> -> memref<1x64xf32, #tpu.memory_space<vmem>>
      %dma_wait3A_1694 = tpu.memref_squeeze %dma_wait3A_1693 : memref<1x64xf32, #tpu.memory_space<vmem>> -> memref<64xf32, #tpu.memory_space<vmem>>
      %dma_wait3A_1695 = tpu.memref_slice %arg2[%run_scoped3A_12, %mul3A_2] : memref<22x2048xf32, #tpu.memory_space<hbm>> -> memref<1x64xf32, #tpu.memory_space<hbm>>
      %dma_wait3A_1696 = tpu.memref_squeeze %dma_wait3A_1695 : memref<1x64xf32, #tpu.memory_space<hbm>> -> memref<64xf32, #tpu.memory_space<hbm>>
      tpu.wait_dma2 semaphore(%run_scoped3A_1678 : memref<!tpu.dma_semaphore, #tpu.memory_space<semaphore_mem>>) src(%dma_wait3A_1696 : memref<64xf32, #tpu.memory_space<hbm>>) dst(%dma_wait3A_1694 : memref<64xf32, #tpu.memory_space<vmem>>)
      tpu.yield
    }) : () -> ()
    %run_scoped3A_14 = arith.constant 6 : i32
    %run_scoped3A_15 = arith.constant 6 : i32
    "tpu.region"() ({
      %run_scoped3A_1678 = tpu.sem_alloc : memref<!tpu.dma_semaphore, #tpu.memory_space<semaphore_mem>>
      %dma_start3A = arith.constant 0 : i32
      %dma_start3A_1679 = tpu.memref_slice %arg5[%run_scoped3A_15, %dma_start3A] : memref<22x64xf32, #tpu.memory_space<vmem>> -> memref<1x64xf32, #tpu.memory_space<vmem>>
      %dma_start3A_1680 = tpu.memref_squeeze %dma_start3A_1679 : memref<1x64xf32, #tpu.memory_space<vmem>> -> memref<64xf32, #tpu.memory_space<vmem>>
      %dma_start3A_1681 = tpu.memref_slice %arg2[%run_scoped3A_14, %mul3A_2] : memref<22x2048xf32, #tpu.memory_space<hbm>> -> memref<1x64xf32, #tpu.memory_space<hbm>>
      %dma_start3A_1682 = tpu.memref_squeeze %dma_start3A_1681 : memref<1x64xf32, #tpu.memory_space<hbm>> -> memref<64xf32, #tpu.memory_space<hbm>>
      %dma_start3A_1683 = arith.constant 0 : i32
      %dma_start3A_1684 = tpu.memref_slice %arg5[%run_scoped3A_15, %dma_start3A_1683] : memref<22x64xf32, #tpu.memory_space<vmem>> -> memref<1x64xf32, #tpu.memory_space<vmem>>
      %dma_start3A_1685 = tpu.memref_squeeze %dma_start3A_1684 : memref<1x64xf32, #tpu.memory_space<vmem>> -> memref<64xf32, #tpu.memory_space<vmem>>
      %dma_start3A_1686 = tpu.memref_slice %arg2[%run_scoped3A_14, %mul3A_2] : memref<22x2048xf32, #tpu.memory_space<hbm>> -> memref<1x64xf32, #tpu.memory_space<hbm>>
      %dma_start3A_1687 = tpu.memref_squeeze %dma_start3A_1686 : memref<1x64xf32, #tpu.memory_space<hbm>> -> memref<64xf32, #tpu.memory_space<hbm>>
      tpu.enqueue_dma source(%dma_start3A_1687 : memref<64xf32, #tpu.memory_space<hbm>>) target(%dma_start3A_1685 : memref<64xf32, #tpu.memory_space<vmem>>) target_semaphore(%run_scoped3A_1678 : memref<!tpu.dma_semaphore, #tpu.memory_space<semaphore_mem>>)
      %dma_wait3A = arith.constant 0 : i32
      %dma_wait3A_1688 = tpu.memref_slice %arg5[%run_scoped3A_15, %dma_wait3A] : memref<22x64xf32, #tpu.memory_space<vmem>> -> memref<1x64xf32, #tpu.memory_space<vmem>>
      %dma_wait3A_1689 = tpu.memref_squeeze %dma_wait3A_1688 : memref<1x64xf32, #tpu.memory_space<vmem>> -> memref<64xf32, #tpu.memory_space<vmem>>
      %dma_wait3A_1690 = tpu.memref_slice %arg2[%run_scoped3A_14, %mul3A_2] : memref<22x2048xf32, #tpu.memory_space<hbm>> -> memref<1x64xf32, #tpu.memory_space<hbm>>
      %dma_wait3A_1691 = tpu.memref_squeeze %dma_wait3A_1690 : memref<1x64xf32, #tpu.memory_space<hbm>> -> memref<64xf32, #tpu.memory_space<hbm>>
      %dma_wait3A_1692 = arith.constant 0 : i32
      %dma_wait3A_1693 = tpu.memref_slice %arg5[%run_scoped3A_15, %dma_wait3A_1692] : memref<22x64xf32, #tpu.memory_space<vmem>> -> memref<1x64xf32, #tpu.memory_space<vmem>>
      %dma_wait3A_1694 = tpu.memref_squeeze %dma_wait3A_1693 : memref<1x64xf32, #tpu.memory_space<vmem>> -> memref<64xf32, #tpu.memory_space<vmem>>
      %dma_wait3A_1695 = tpu.memref_slice %arg2[%run_scoped3A_14, %mul3A_2] : memref<22x2048xf32, #tpu.memory_space<hbm>> -> memref<1x64xf32, #tpu.memory_space<hbm>>
      %dma_wait3A_1696 = tpu.memref_squeeze %dma_wait3A_1695 : memref<1x64xf32, #tpu.memory_space<hbm>> -> memref<64xf32, #tpu.memory_space<hbm>>
      tpu.wait_dma2 semaphore(%run_scoped3A_1678 : memref<!tpu.dma_semaphore, #tpu.memory_space<semaphore_mem>>) src(%dma_wait3A_1696 : memref<64xf32, #tpu.memory_space<hbm>>) dst(%dma_wait3A_1694 : memref<64xf32, #tpu.memory_space<vmem>>)
      tpu.yield
    }) : () -> ()
    %run_scoped3A_16 = arith.constant 7 : i32
    %run_scoped3A_17 = arith.constant 7 : i32
    "tpu.region"() ({
      %run_scoped3A_1678 = tpu.sem_alloc : memref<!tpu.dma_semaphore, #tpu.memory_space<semaphore_mem>>
      %dma_start3A = arith.constant 0 : i32
      %dma_start3A_1679 = tpu.memref_slice %arg5[%run_scoped3A_17, %dma_start3A] : memref<22x64xf32, #tpu.memory_space<vmem>> -> memref<1x64xf32, #tpu.memory_space<vmem>>
      %dma_start3A_1680 = tpu.memref_squeeze %dma_start3A_1679 : memref<1x64xf32, #tpu.memory_space<vmem>> -> memref<64xf32, #tpu.memory_space<vmem>>
      %dma_start3A_1681 = tpu.memref_slice %arg2[%run_scoped3A_16, %mul3A_2] : memref<22x2048xf32, #tpu.memory_space<hbm>> -> memref<1x64xf32, #tpu.memory_space<hbm>>
      %dma_start3A_1682 = tpu.memref_squeeze %dma_start3A_1681 : memref<1x64xf32, #tpu.memory_space<hbm>> -> memref<64xf32, #tpu.memory_space<hbm>>
      %dma_start3A_1683 = arith.constant 0 : i32
      %dma_start3A_1684 = tpu.memref_slice %arg5[%run_scoped3A_17, %dma_start3A_1683] : memref<22x64xf32, #tpu.memory_space<vmem>> -> memref<1x64xf32, #tpu.memory_space<vmem>>
      %dma_start3A_1685 = tpu.memref_squeeze %dma_start3A_1684 : memref<1x64xf32, #tpu.memory_space<vmem>> -> memref<64xf32, #tpu.memory_space<vmem>>
      %dma_start3A_1686 = tpu.memref_slice %arg2[%run_scoped3A_16, %mul3A_2] : memref<22x2048xf32, #tpu.memory_space<hbm>> -> memref<1x64xf32, #tpu.memory_space<hbm>>
      %dma_start3A_1687 = tpu.memref_squeeze %dma_start3A_1686 : memref<1x64xf32, #tpu.memory_space<hbm>> -> memref<64xf32, #tpu.memory_space<hbm>>
      tpu.enqueue_dma source(%dma_start3A_1687 : memref<64xf32, #tpu.memory_space<hbm>>) target(%dma_start3A_1685 : memref<64xf32, #tpu.memory_space<vmem>>) target_semaphore(%run_scoped3A_1678 : memref<!tpu.dma_semaphore, #tpu.memory_space<semaphore_mem>>)
      %dma_wait3A = arith.constant 0 : i32
      %dma_wait3A_1688 = tpu.memref_slice %arg5[%run_scoped3A_17, %dma_wait3A] : memref<22x64xf32, #tpu.memory_space<vmem>> -> memref<1x64xf32, #tpu.memory_space<vmem>>
      %dma_wait3A_1689 = tpu.memref_squeeze %dma_wait3A_1688 : memref<1x64xf32, #tpu.memory_space<vmem>> -> memref<64xf32, #tpu.memory_space<vmem>>
      %dma_wait3A_1690 = tpu.memref_slice %arg2[%run_scoped3A_16, %mul3A_2] : memref<22x2048xf32, #tpu.memory_space<hbm>> -> memref<1x64xf32, #tpu.memory_space<hbm>>
      %dma_wait3A_1691 = tpu.memref_squeeze %dma_wait3A_1690 : memref<1x64xf32, #tpu.memory_space<hbm>> -> memref<64xf32, #tpu.memory_space<hbm>>
      %dma_wait3A_1692 = arith.constant 0 : i32
      %dma_wait3A_1693 = tpu.memref_slice %arg5[%run_scoped3A_17, %dma_wait3A_1692] : memref<22x64xf32, #tpu.memory_space<vmem>> -> memref<1x64xf32, #tpu.memory_space<vmem>>
      %dma_wait3A_1694 = tpu.memref_squeeze %dma_wait3A_1693 : memref<1x64xf32, #tpu.memory_space<vmem>> -> memref<64xf32, #tpu.memory_space<vmem>>
      %dma_wait3A_1695 = tpu.memref_slice %arg2[%run_scoped3A_16, %mul3A_2] : memref<22x2048xf32, #tpu.memory_space<hbm>> -> memref<1x64xf32, #tpu.memory_space<hbm>>
      %dma_wait3A_1696 = tpu.memref_squeeze %dma_wait3A_1695 : memref<1x64xf32, #tpu.memory_space<hbm>> -> memref<64xf32, #tpu.memory_space<hbm>>
      tpu.wait_dma2 semaphore(%run_scoped3A_1678 : memref<!tpu.dma_semaphore, #tpu.memory_space<semaphore_mem>>) src(%dma_wait3A_1696 : memref<64xf32, #tpu.memory_space<hbm>>) dst(%dma_wait3A_1694 : memref<64xf32, #tpu.memory_space<vmem>>)
      tpu.yield
    }) : () -> ()
    %run_scoped3A_18 = arith.constant 8 : i32
    %run_scoped3A_19 = arith.constant 8 : i32
    "tpu.region"() ({
      %run_scoped3A_1678 = tpu.sem_alloc : memref<!tpu.dma_semaphore, #tpu.memory_space<semaphore_mem>>
      %dma_start3A = arith.constant 0 : i32
      %dma_start3A_1679 = tpu.memref_slice %arg5[%run_scoped3A_19, %dma_start3A] : memref<22x64xf32, #tpu.memory_space<vmem>> -> memref<1x64xf32, #tpu.memory_space<vmem>>
      %dma_start3A_1680 = tpu.memref_squeeze %dma_start3A_1679 : memref<1x64xf32, #tpu.memory_space<vmem>> -> memref<64xf32, #tpu.memory_space<vmem>>
      %dma_start3A_1681 = tpu.memref_slice %arg2[%run_scoped3A_18, %mul3A_2] : memref<22x2048xf32, #tpu.memory_space<hbm>> -> memref<1x64xf32, #tpu.memory_space<hbm>>
      %dma_start3A_1682 = tpu.memref_squeeze %dma_start3A_1681 : memref<1x64xf32, #tpu.memory_space<hbm>> -> memref<64xf32, #tpu.memory_space<hbm>>
      %dma_start3A_1683 = arith.constant 0 : i32
      %dma_start3A_1684 = tpu.memref_slice %arg5[%run_scoped3A_19, %dma_start3A_1683] : memref<22x64xf32, #tpu.memory_space<vmem>> -> memref<1x64xf32, #tpu.memory_space<vmem>>
      %dma_start3A_1685 = tpu.memref_squeeze %dma_start3A_1684 : memref<1x64xf32, #tpu.memory_space<vmem>> -> memref<64xf32, #tpu.memory_space<vmem>>
      %dma_start3A_1686 = tpu.memref_slice %arg2[%run_scoped3A_18, %mul3A_2] : memref<22x2048xf32, #tpu.memory_space<hbm>> -> memref<1x64xf32, #tpu.memory_space<hbm>>
      %dma_start3A_1687 = tpu.memref_squeeze %dma_start3A_1686 : memref<1x64xf32, #tpu.memory_space<hbm>> -> memref<64xf32, #tpu.memory_space<hbm>>
      tpu.enqueue_dma source(%dma_start3A_1687 : memref<64xf32, #tpu.memory_space<hbm>>) target(%dma_start3A_1685 : memref<64xf32, #tpu.memory_space<vmem>>) target_semaphore(%run_scoped3A_1678 : memref<!tpu.dma_semaphore, #tpu.memory_space<semaphore_mem>>)
      %dma_wait3A = arith.constant 0 : i32
      %dma_wait3A_1688 = tpu.memref_slice %arg5[%run_scoped3A_19, %dma_wait3A] : memref<22x64xf32, #tpu.memory_space<vmem>> -> memref<1x64xf32, #tpu.memory_space<vmem>>
      %dma_wait3A_1689 = tpu.memref_squeeze %dma_wait3A_1688 : memref<1x64xf32, #tpu.memory_space<vmem>> -> memref<64xf32, #tpu.memory_space<vmem>>
      %dma_wait3A_1690 = tpu.memref_slice %arg2[%run_scoped3A_18, %mul3A_2] : memref<22x2048xf32, #tpu.memory_space<hbm>> -> memref<1x64xf32, #tpu.memory_space<hbm>>
      %dma_wait3A_1691 = tpu.memref_squeeze %dma_wait3A_1690 : memref<1x64xf32, #tpu.memory_space<hbm>> -> memref<64xf32, #tpu.memory_space<hbm>>
      %dma_wait3A_1692 = arith.constant 0 : i32
      %dma_wait3A_1693 = tpu.memref_slice %arg5[%run_scoped3A_19, %dma_wait3A_1692] : memref<22x64xf32, #tpu.memory_space<vmem>> -> memref<1x64xf32, #tpu.memory_space<vmem>>
      %dma_wait3A_1694 = tpu.memref_squeeze %dma_wait3A_1693 : memref<1x64xf32, #tpu.memory_space<vmem>> -> memref<64xf32, #tpu.memory_space<vmem>>
      %dma_wait3A_1695 = tpu.memref_slice %arg2[%run_scoped3A_18, %mul3A_2] : memref<22x2048xf32, #tpu.memory_space<hbm>> -> memref<1x64xf32, #tpu.memory_space<hbm>>
      %dma_wait3A_1696 = tpu.memref_squeeze %dma_wait3A_1695 : memref<1x64xf32, #tpu.memory_space<hbm>> -> memref<64xf32, #tpu.memory_space<hbm>>
      tpu.wait_dma2 semaphore(%run_scoped3A_1678 : memref<!tpu.dma_semaphore, #tpu.memory_space<semaphore_mem>>) src(%dma_wait3A_1696 : memref<64xf32, #tpu.memory_space<hbm>>) dst(%dma_wait3A_1694 : memref<64xf32, #tpu.memory_space<vmem>>)
      tpu.yield
    }) : () -> ()
    %run_scoped3A_20 = arith.constant 9 : i32
    %run_scoped3A_21 = arith.constant 9 : i32
    "tpu.region"() ({
      %run_scoped3A_1678 = tpu.sem_alloc : memref<!tpu.dma_semaphore, #tpu.memory_space<semaphore_mem>>
      %dma_start3A = arith.constant 0 : i32
      %dma_start3A_1679 = tpu.memref_slice %arg5[%run_scoped3A_21, %dma_start3A] : memref<22x64xf32, #tpu.memory_space<vmem>> -> memref<1x64xf32, #tpu.memory_space<vmem>>
      %dma_start3A_1680 = tpu.memref_squeeze %dma_start3A_1679 : memref<1x64xf32, #tpu.memory_space<vmem>> -> memref<64xf32, #tpu.memory_space<vmem>>
      %dma_start3A_1681 = tpu.memref_slice %arg2[%run_scoped3A_20, %mul3A_2] : memref<22x2048xf32, #tpu.memory_space<hbm>> -> memref<1x64xf32, #tpu.memory_space<hbm>>
      %dma_start3A_1682 = tpu.memref_squeeze %dma_start3A_1681 : memref<1x64xf32, #tpu.memory_space<hbm>> -> memref<64xf32, #tpu.memory_space<hbm>>
      %dma_start3A_1683 = arith.constant 0 : i32
      %dma_start3A_1684 = tpu.memref_slice %arg5[%run_scoped3A_21, %dma_start3A_1683] : memref<22x64xf32, #tpu.memory_space<vmem>> -> memref<1x64xf32, #tpu.memory_space<vmem>>
      %dma_start3A_1685 = tpu.memref_squeeze %dma_start3A_1684 : memref<1x64xf32, #tpu.memory_space<vmem>> -> memref<64xf32, #tpu.memory_space<vmem>>
      %dma_start3A_1686 = tpu.memref_slice %arg2[%run_scoped3A_20, %mul3A_2] : memref<22x2048xf32, #tpu.memory_space<hbm>> -> memref<1x64xf32, #tpu.memory_space<hbm>>
      %dma_start3A_1687 = tpu.memref_squeeze %dma_start3A_1686 : memref<1x64xf32, #tpu.memory_space<hbm>> -> memref<64xf32, #tpu.memory_space<hbm>>
      tpu.enqueue_dma source(%dma_start3A_1687 : memref<64xf32, #tpu.memory_space<hbm>>) target(%dma_start3A_1685 : memref<64xf32, #tpu.memory_space<vmem>>) target_semaphore(%run_scoped3A_1678 : memref<!tpu.dma_semaphore, #tpu.memory_space<semaphore_mem>>)
      %dma_wait3A = arith.constant 0 : i32
      %dma_wait3A_1688 = tpu.memref_slice %arg5[%run_scoped3A_21, %dma_wait3A] : memref<22x64xf32, #tpu.memory_space<vmem>> -> memref<1x64xf32, #tpu.memory_space<vmem>>
      %dma_wait3A_1689 = tpu.memref_squeeze %dma_wait3A_1688 : memref<1x64xf32, #tpu.memory_space<vmem>> -> memref<64xf32, #tpu.memory_space<vmem>>
      %dma_wait3A_1690 = tpu.memref_slice %arg2[%run_scoped3A_20, %mul3A_2] : memref<22x2048xf32, #tpu.memory_space<hbm>> -> memref<1x64xf32, #tpu.memory_space<hbm>>
      %dma_wait3A_1691 = tpu.memref_squeeze %dma_wait3A_1690 : memref<1x64xf32, #tpu.memory_space<hbm>> -> memref<64xf32, #tpu.memory_space<hbm>>
      %dma_wait3A_1692 = arith.constant 0 : i32
      %dma_wait3A_1693 = tpu.memref_slice %arg5[%run_scoped3A_21, %dma_wait3A_1692] : memref<22x64xf32, #tpu.memory_space<vmem>> -> memref<1x64xf32, #tpu.memory_space<vmem>>
      %dma_wait3A_1694 = tpu.memref_squeeze %dma_wait3A_1693 : memref<1x64xf32, #tpu.memory_space<vmem>> -> memref<64xf32, #tpu.memory_space<vmem>>
      %dma_wait3A_1695 = tpu.memref_slice %arg2[%run_scoped3A_20, %mul3A_2] : memref<22x2048xf32, #tpu.memory_space<hbm>> -> memref<1x64xf32, #tpu.memory_space<hbm>>
      %dma_wait3A_1696 = tpu.memref_squeeze %dma_wait3A_1695 : memref<1x64xf32, #tpu.memory_space<hbm>> -> memref<64xf32, #tpu.memory_space<hbm>>
      tpu.wait_dma2 semaphore(%run_scoped3A_1678 : memref<!tpu.dma_semaphore, #tpu.memory_space<semaphore_mem>>) src(%dma_wait3A_1696 : memref<64xf32, #tpu.memory_space<hbm>>) dst(%dma_wait3A_1694 : memref<64xf32, #tpu.memory_space<vmem>>)
      tpu.yield
    }) : () -> ()
    %run_scoped3A_22 = arith.constant 10 : i32
    %run_scoped3A_23 = arith.constant 10 : i32
    "tpu.region"() ({
      %run_scoped3A_1678 = tpu.sem_alloc : memref<!tpu.dma_semaphore, #tpu.memory_space<semaphore_mem>>
      %dma_start3A = arith.constant 0 : i32
      %dma_start3A_1679 = tpu.memref_slice %arg5[%run_scoped3A_23, %dma_start3A] : memref<22x64xf32, #tpu.memory_space<vmem>> -> memref<1x64xf32, #tpu.memory_space<vmem>>
      %dma_start3A_1680 = tpu.memref_squeeze %dma_start3A_1679 : memref<1x64xf32, #tpu.memory_space<vmem>> -> memref<64xf32, #tpu.memory_space<vmem>>
      %dma_start3A_1681 = tpu.memref_slice %arg2[%run_scoped3A_22, %mul3A_2] : memref<22x2048xf32, #tpu.memory_space<hbm>> -> memref<1x64xf32, #tpu.memory_space<hbm>>
      %dma_start3A_1682 = tpu.memref_squeeze %dma_start3A_1681 : memref<1x64xf32, #tpu.memory_space<hbm>> -> memref<64xf32, #tpu.memory_space<hbm>>
      %dma_start3A_1683 = arith.constant 0 : i32
      %dma_start3A_1684 = tpu.memref_slice %arg5[%run_scoped3A_23, %dma_start3A_1683] : memref<22x64xf32, #tpu.memory_space<vmem>> -> memref<1x64xf32, #tpu.memory_space<vmem>>
      %dma_start3A_1685 = tpu.memref_squeeze %dma_start3A_1684 : memref<1x64xf32, #tpu.memory_space<vmem>> -> memref<64xf32, #tpu.memory_space<vmem>>
      %dma_start3A_1686 = tpu.memref_slice %arg2[%run_scoped3A_22, %mul3A_2] : memref<22x2048xf32, #tpu.memory_space<hbm>> -> memref<1x64xf32, #tpu.memory_space<hbm>>
      %dma_start3A_1687 = tpu.memref_squeeze %dma_start3A_1686 : memref<1x64xf32, #tpu.memory_space<hbm>> -> memref<64xf32, #tpu.memory_space<hbm>>
      tpu.enqueue_dma source(%dma_start3A_1687 : memref<64xf32, #tpu.memory_space<hbm>>) target(%dma_start3A_1685 : memref<64xf32, #tpu.memory_space<vmem>>) target_semaphore(%run_scoped3A_1678 : memref<!tpu.dma_semaphore, #tpu.memory_space<semaphore_mem>>)
      %dma_wait3A = arith.constant 0 : i32
      %dma_wait3A_1688 = tpu.memref_slice %arg5[%run_scoped3A_23, %dma_wait3A] : memref<22x64xf32, #tpu.memory_space<vmem>> -> memref<1x64xf32, #tpu.memory_space<vmem>>
      %dma_wait3A_1689 = tpu.memref_squeeze %dma_wait3A_1688 : memref<1x64xf32, #tpu.memory_space<vmem>> -> memref<64xf32, #tpu.memory_space<vmem>>
      %dma_wait3A_1690 = tpu.memref_slice %arg2[%run_scoped3A_22, %mul3A_2] : memref<22x2048xf32, #tpu.memory_space<hbm>> -> memref<1x64xf32, #tpu.memory_space<hbm>>
      %dma_wait3A_1691 = tpu.memref_squeeze %dma_wait3A_1690 : memref<1x64xf32, #tpu.memory_space<hbm>> -> memref<64xf32, #tpu.memory_space<hbm>>
      %dma_wait3A_1692 = arith.constant 0 : i32
      %dma_wait3A_1693 = tpu.memref_slice %arg5[%run_scoped3A_23, %dma_wait3A_1692] : memref<22x64xf32, #tpu.memory_space<vmem>> -> memref<1x64xf32, #tpu.memory_space<vmem>>
      %dma_wait3A_1694 = tpu.memref_squeeze %dma_wait3A_1693 : memref<1x64xf32, #tpu.memory_space<vmem>> -> memref<64xf32, #tpu.memory_space<vmem>>
      %dma_wait3A_1695 = tpu.memref_slice %arg2[%run_scoped3A_22, %mul3A_2] : memref<22x2048xf32, #tpu.memory_space<hbm>> -> memref<1x64xf32, #tpu.memory_space<hbm>>
      %dma_wait3A_1696 = tpu.memref_squeeze %dma_wait3A_1695 : memref<1x64xf32, #tpu.memory_space<hbm>> -> memref<64xf32, #tpu.memory_space<hbm>>
      tpu.wait_dma2 semaphore(%run_scoped3A_1678 : memref<!tpu.dma_semaphore, #tpu.memory_space<semaphore_mem>>) src(%dma_wait3A_1696 : memref<64xf32, #tpu.memory_space<hbm>>) dst(%dma_wait3A_1694 : memref<64xf32, #tpu.memory_space<vmem>>)
      tpu.yield
    }) : () -> ()
    %run_scoped3A_24 = arith.constant 11 : i32
    %run_scoped3A_25 = arith.constant 11 : i32
    "tpu.region"() ({
      %run_scoped3A_1678 = tpu.sem_alloc : memref<!tpu.dma_semaphore, #tpu.memory_space<semaphore_mem>>
      %dma_start3A = arith.constant 0 : i32
      %dma_start3A_1679 = tpu.memref_slice %arg5[%run_scoped3A_25, %dma_start3A] : memref<22x64xf32, #tpu.memory_space<vmem>> -> memref<1x64xf32, #tpu.memory_space<vmem>>
      %dma_start3A_1680 = tpu.memref_squeeze %dma_start3A_1679 : memref<1x64xf32, #tpu.memory_space<vmem>> -> memref<64xf32, #tpu.memory_space<vmem>>
      %dma_start3A_1681 = tpu.memref_slice %arg2[%run_scoped3A_24, %mul3A_2] : memref<22x2048xf32, #tpu.memory_space<hbm>> -> memref<1x64xf32, #tpu.memory_space<hbm>>
      %dma_start3A_1682 = tpu.memref_squeeze %dma_start3A_1681 : memref<1x64xf32, #tpu.memory_space<hbm>> -> memref<64xf32, #tpu.memory_space<hbm>>
      %dma_start3A_1683 = arith.constant 0 : i32
      %dma_start3A_1684 = tpu.memref_slice %arg5[%run_scoped3A_25, %dma_start3A_1683] : memref<22x64xf32, #tpu.memory_space<vmem>> -> memref<1x64xf32, #tpu.memory_space<vmem>>
      %dma_start3A_1685 = tpu.memref_squeeze %dma_start3A_1684 : memref<1x64xf32, #tpu.memory_space<vmem>> -> memref<64xf32, #tpu.memory_space<vmem>>
      %dma_start3A_1686 = tpu.memref_slice %arg2[%run_scoped3A_24, %mul3A_2] : memref<22x2048xf32, #tpu.memory_space<hbm>> -> memref<1x64xf32, #tpu.memory_space<hbm>>
      %dma_start3A_1687 = tpu.memref_squeeze %dma_start3A_1686 : memref<1x64xf32, #tpu.memory_space<hbm>> -> memref<64xf32, #tpu.memory_space<hbm>>
      tpu.enqueue_dma source(%dma_start3A_1687 : memref<64xf32, #tpu.memory_space<hbm>>) target(%dma_start3A_1685 : memref<64xf32, #tpu.memory_space<vmem>>) target_semaphore(%run_scoped3A_1678 : memref<!tpu.dma_semaphore, #tpu.memory_space<semaphore_mem>>)
      %dma_wait3A = arith.constant 0 : i32
      %dma_wait3A_1688 = tpu.memref_slice %arg5[%run_scoped3A_25, %dma_wait3A] : memref<22x64xf32, #tpu.memory_space<vmem>> -> memref<1x64xf32, #tpu.memory_space<vmem>>
      %dma_wait3A_1689 = tpu.memref_squeeze %dma_wait3A_1688 : memref<1x64xf32, #tpu.memory_space<vmem>> -> memref<64xf32, #tpu.memory_space<vmem>>
      %dma_wait3A_1690 = tpu.memref_slice %arg2[%run_scoped3A_24, %mul3A_2] : memref<22x2048xf32, #tpu.memory_space<hbm>> -> memref<1x64xf32, #tpu.memory_space<hbm>>
      %dma_wait3A_1691 = tpu.memref_squeeze %dma_wait3A_1690 : memref<1x64xf32, #tpu.memory_space<hbm>> -> memref<64xf32, #tpu.memory_space<hbm>>
      %dma_wait3A_1692 = arith.constant 0 : i32
      %dma_wait3A_1693 = tpu.memref_slice %arg5[%run_scoped3A_25, %dma_wait3A_1692] : memref<22x64xf32, #tpu.memory_space<vmem>> -> memref<1x64xf32, #tpu.memory_space<vmem>>
      %dma_wait3A_1694 = tpu.memref_squeeze %dma_wait3A_1693 : memref<1x64xf32, #tpu.memory_space<vmem>> -> memref<64xf32, #tpu.memory_space<vmem>>
      %dma_wait3A_1695 = tpu.memref_slice %arg2[%run_scoped3A_24, %mul3A_2] : memref<22x2048xf32, #tpu.memory_space<hbm>> -> memref<1x64xf32, #tpu.memory_space<hbm>>
      %dma_wait3A_1696 = tpu.memref_squeeze %dma_wait3A_1695 : memref<1x64xf32, #tpu.memory_space<hbm>> -> memref<64xf32, #tpu.memory_space<hbm>>
      tpu.wait_dma2 semaphore(%run_scoped3A_1678 : memref<!tpu.dma_semaphore, #tpu.memory_space<semaphore_mem>>) src(%dma_wait3A_1696 : memref<64xf32, #tpu.memory_space<hbm>>) dst(%dma_wait3A_1694 : memref<64xf32, #tpu.memory_space<vmem>>)
      tpu.yield
    }) : () -> ()
    %run_scoped3A_26 = arith.constant 12 : i32
    %run_scoped3A_27 = arith.constant 12 : i32
    "tpu.region"() ({
      %run_scoped3A_1678 = tpu.sem_alloc : memref<!tpu.dma_semaphore, #tpu.memory_space<semaphore_mem>>
      %dma_start3A = arith.constant 0 : i32
      %dma_start3A_1679 = tpu.memref_slice %arg5[%run_scoped3A_27, %dma_start3A] : memref<22x64xf32, #tpu.memory_space<vmem>> -> memref<1x64xf32, #tpu.memory_space<vmem>>
      %dma_start3A_1680 = tpu.memref_squeeze %dma_start3A_1679 : memref<1x64xf32, #tpu.memory_space<vmem>> -> memref<64xf32, #tpu.memory_space<vmem>>
      %dma_start3A_1681 = tpu.memref_slice %arg2[%run_scoped3A_26, %mul3A_2] : memref<22x2048xf32, #tpu.memory_space<hbm>> -> memref<1x64xf32, #tpu.memory_space<hbm>>
      %dma_start3A_1682 = tpu.memref_squeeze %dma_start3A_1681 : memref<1x64xf32, #tpu.memory_space<hbm>> -> memref<64xf32, #tpu.memory_space<hbm>>
      %dma_start3A_1683 = arith.constant 0 : i32
      %dma_start3A_1684 = tpu.memref_slice %arg5[%run_scoped3A_27, %dma_start3A_1683] : memref<22x64xf32, #tpu.memory_space<vmem>> -> memref<1x64xf32, #tpu.memory_space<vmem>>
      %dma_start3A_1685 = tpu.memref_squeeze %dma_start3A_1684 : memref<1x64xf32, #tpu.memory_space<vmem>> -> memref<64xf32, #tpu.memory_space<vmem>>
      %dma_start3A_1686 = tpu.memref_slice %arg2[%run_scoped3A_26, %mul3A_2] : memref<22x2048xf32, #tpu.memory_space<hbm>> -> memref<1x64xf32, #tpu.memory_space<hbm>>
      %dma_start3A_1687 = tpu.memref_squeeze %dma_start3A_1686 : memref<1x64xf32, #tpu.memory_space<hbm>> -> memref<64xf32, #tpu.memory_space<hbm>>
      tpu.enqueue_dma source(%dma_start3A_1687 : memref<64xf32, #tpu.memory_space<hbm>>) target(%dma_start3A_1685 : memref<64xf32, #tpu.memory_space<vmem>>) target_semaphore(%run_scoped3A_1678 : memref<!tpu.dma_semaphore, #tpu.memory_space<semaphore_mem>>)
      %dma_wait3A = arith.constant 0 : i32
      %dma_wait3A_1688 = tpu.memref_slice %arg5[%run_scoped3A_27, %dma_wait3A] : memref<22x64xf32, #tpu.memory_space<vmem>> -> memref<1x64xf32, #tpu.memory_space<vmem>>
      %dma_wait3A_1689 = tpu.memref_squeeze %dma_wait3A_1688 : memref<1x64xf32, #tpu.memory_space<vmem>> -> memref<64xf32, #tpu.memory_space<vmem>>
      %dma_wait3A_1690 = tpu.memref_slice %arg2[%run_scoped3A_26, %mul3A_2] : memref<22x2048xf32, #tpu.memory_space<hbm>> -> memref<1x64xf32, #tpu.memory_space<hbm>>
      %dma_wait3A_1691 = tpu.memref_squeeze %dma_wait3A_1690 : memref<1x64xf32, #tpu.memory_space<hbm>> -> memref<64xf32, #tpu.memory_space<hbm>>
      %dma_wait3A_1692 = arith.constant 0 : i32
      %dma_wait3A_1693 = tpu.memref_slice %arg5[%run_scoped3A_27, %dma_wait3A_1692] : memref<22x64xf32, #tpu.memory_space<vmem>> -> memref<1x64xf32, #tpu.memory_space<vmem>>
      %dma_wait3A_1694 = tpu.memref_squeeze %dma_wait3A_1693 : memref<1x64xf32, #tpu.memory_space<vmem>> -> memref<64xf32, #tpu.memory_space<vmem>>
      %dma_wait3A_1695 = tpu.memref_slice %arg2[%run_scoped3A_26, %mul3A_2] : memref<22x2048xf32, #tpu.memory_space<hbm>> -> memref<1x64xf32, #tpu.memory_space<hbm>>
      %dma_wait3A_1696 = tpu.memref_squeeze %dma_wait3A_1695 : memref<1x64xf32, #tpu.memory_space<hbm>> -> memref<64xf32, #tpu.memory_space<hbm>>
      tpu.wait_dma2 semaphore(%run_scoped3A_1678 : memref<!tpu.dma_semaphore, #tpu.memory_space<semaphore_mem>>) src(%dma_wait3A_1696 : memref<64xf32, #tpu.memory_space<hbm>>) dst(%dma_wait3A_1694 : memref<64xf32, #tpu.memory_space<vmem>>)
      tpu.yield
    }) : () -> ()
    %run_scoped3A_28 = arith.constant 13 : i32
    %run_scoped3A_29 = arith.constant 13 : i32
    "tpu.region"() ({
      %run_scoped3A_1678 = tpu.sem_alloc : memref<!tpu.dma_semaphore, #tpu.memory_space<semaphore_mem>>
      %dma_start3A = arith.constant 0 : i32
      %dma_start3A_1679 = tpu.memref_slice %arg5[%run_scoped3A_29, %dma_start3A] : memref<22x64xf32, #tpu.memory_space<vmem>> -> memref<1x64xf32, #tpu.memory_space<vmem>>
      %dma_start3A_1680 = tpu.memref_squeeze %dma_start3A_1679 : memref<1x64xf32, #tpu.memory_space<vmem>> -> memref<64xf32, #tpu.memory_space<vmem>>
      %dma_start3A_1681 = tpu.memref_slice %arg2[%run_scoped3A_28, %mul3A_2] : memref<22x2048xf32, #tpu.memory_space<hbm>> -> memref<1x64xf32, #tpu.memory_space<hbm>>
      %dma_start3A_1682 = tpu.memref_squeeze %dma_start3A_1681 : memref<1x64xf32, #tpu.memory_space<hbm>> -> memref<64xf32, #tpu.memory_space<hbm>>
      %dma_start3A_1683 = arith.constant 0 : i32
      %dma_start3A_1684 = tpu.memref_slice %arg5[%run_scoped3A_29, %dma_start3A_1683] : memref<22x64xf32, #tpu.memory_space<vmem>> -> memref<1x64xf32, #tpu.memory_space<vmem>>
      %dma_start3A_1685 = tpu.memref_squeeze %dma_start3A_1684 : memref<1x64xf32, #tpu.memory_space<vmem>> -> memref<64xf32, #tpu.memory_space<vmem>>
      %dma_start3A_1686 = tpu.memref_slice %arg2[%run_scoped3A_28, %mul3A_2] : memref<22x2048xf32, #tpu.memory_space<hbm>> -> memref<1x64xf32, #tpu.memory_space<hbm>>
      %dma_start3A_1687 = tpu.memref_squeeze %dma_start3A_1686 : memref<1x64xf32, #tpu.memory_space<hbm>> -> memref<64xf32, #tpu.memory_space<hbm>>
      tpu.enqueue_dma source(%dma_start3A_1687 : memref<64xf32, #tpu.memory_space<hbm>>) target(%dma_start3A_1685 : memref<64xf32, #tpu.memory_space<vmem>>) target_semaphore(%run_scoped3A_1678 : memref<!tpu.dma_semaphore, #tpu.memory_space<semaphore_mem>>)
      %dma_wait3A = arith.constant 0 : i32
      %dma_wait3A_1688 = tpu.memref_slice %arg5[%run_scoped3A_29, %dma_wait3A] : memref<22x64xf32, #tpu.memory_space<vmem>> -> memref<1x64xf32, #tpu.memory_space<vmem>>
      %dma_wait3A_1689 = tpu.memref_squeeze %dma_wait3A_1688 : memref<1x64xf32, #tpu.memory_space<vmem>> -> memref<64xf32, #tpu.memory_space<vmem>>
      %dma_wait3A_1690 = tpu.memref_slice %arg2[%run_scoped3A_28, %mul3A_2] : memref<22x2048xf32, #tpu.memory_space<hbm>> -> memref<1x64xf32, #tpu.memory_space<hbm>>
      %dma_wait3A_1691 = tpu.memref_squeeze %dma_wait3A_1690 : memref<1x64xf32, #tpu.memory_space<hbm>> -> memref<64xf32, #tpu.memory_space<hbm>>
      %dma_wait3A_1692 = arith.constant 0 : i32
      %dma_wait3A_1693 = tpu.memref_slice %arg5[%run_scoped3A_29, %dma_wait3A_1692] : memref<22x64xf32, #tpu.memory_space<vmem>> -> memref<1x64xf32, #tpu.memory_space<vmem>>
      %dma_wait3A_1694 = tpu.memref_squeeze %dma_wait3A_1693 : memref<1x64xf32, #tpu.memory_space<vmem>> -> memref<64xf32, #tpu.memory_space<vmem>>
      %dma_wait3A_1695 = tpu.memref_slice %arg2[%run_scoped3A_28, %mul3A_2] : memref<22x2048xf32, #tpu.memory_space<hbm>> -> memref<1x64xf32, #tpu.memory_space<hbm>>
      %dma_wait3A_1696 = tpu.memref_squeeze %dma_wait3A_1695 : memref<1x64xf32, #tpu.memory_space<hbm>> -> memref<64xf32, #tpu.memory_space<hbm>>
      tpu.wait_dma2 semaphore(%run_scoped3A_1678 : memref<!tpu.dma_semaphore, #tpu.memory_space<semaphore_mem>>) src(%dma_wait3A_1696 : memref<64xf32, #tpu.memory_space<hbm>>) dst(%dma_wait3A_1694 : memref<64xf32, #tpu.memory_space<vmem>>)
      tpu.yield
    }) : () -> ()
    %run_scoped3A_30 = arith.constant 14 : i32
    %run_scoped3A_31 = arith.constant 14 : i32
    "tpu.region"() ({
      %run_scoped3A_1678 = tpu.sem_alloc : memref<!tpu.dma_semaphore, #tpu.memory_space<semaphore_mem>>
      %dma_start3A = arith.constant 0 : i32
      %dma_start3A_1679 = tpu.memref_slice %arg5[%run_scoped3A_31, %dma_start3A] : memref<22x64xf32, #tpu.memory_space<vmem>> -> memref<1x64xf32, #tpu.memory_space<vmem>>
      %dma_start3A_1680 = tpu.memref_squeeze %dma_start3A_1679 : memref<1x64xf32, #tpu.memory_space<vmem>> -> memref<64xf32, #tpu.memory_space<vmem>>
      %dma_start3A_1681 = tpu.memref_slice %arg2[%run_scoped3A_30, %mul3A_2] : memref<22x2048xf32, #tpu.memory_space<hbm>> -> memref<1x64xf32, #tpu.memory_space<hbm>>
      %dma_start3A_1682 = tpu.memref_squeeze %dma_start3A_1681 : memref<1x64xf32, #tpu.memory_space<hbm>> -> memref<64xf32, #tpu.memory_space<hbm>>
      %dma_start3A_1683 = arith.constant 0 : i32
      %dma_start3A_1684 = tpu.memref_slice %arg5[%run_scoped3A_31, %dma_start3A_1683] : memref<22x64xf32, #tpu.memory_space<vmem>> -> memref<1x64xf32, #tpu.memory_space<vmem>>
      %dma_start3A_1685 = tpu.memref_squeeze %dma_start3A_1684 : memref<1x64xf32, #tpu.memory_space<vmem>> -> memref<64xf32, #tpu.memory_space<vmem>>
      %dma_start3A_1686 = tpu.memref_slice %arg2[%run_scoped3A_30, %mul3A_2] : memref<22x2048xf32, #tpu.memory_space<hbm>> -> memref<1x64xf32, #tpu.memory_space<hbm>>
      %dma_start3A_1687 = tpu.memref_squeeze %dma_start3A_1686 : memref<1x64xf32, #tpu.memory_space<hbm>> -> memref<64xf32, #tpu.memory_space<hbm>>
      tpu.enqueue_dma source(%dma_start3A_1687 : memref<64xf32, #tpu.memory_space<hbm>>) target(%dma_start3A_1685 : memref<64xf32, #tpu.memory_space<vmem>>) target_semaphore(%run_scoped3A_1678 : memref<!tpu.dma_semaphore, #tpu.memory_space<semaphore_mem>>)
      %dma_wait3A = arith.constant 0 : i32
      %dma_wait3A_1688 = tpu.memref_slice %arg5[%run_scoped3A_31, %dma_wait3A] : memref<22x64xf32, #tpu.memory_space<vmem>> -> memref<1x64xf32, #tpu.memory_space<vmem>>
      %dma_wait3A_1689 = tpu.memref_squeeze %dma_wait3A_1688 : memref<1x64xf32, #tpu.memory_space<vmem>> -> memref<64xf32, #tpu.memory_space<vmem>>
      %dma_wait3A_1690 = tpu.memref_slice %arg2[%run_scoped3A_30, %mul3A_2] : memref<22x2048xf32, #tpu.memory_space<hbm>> -> memref<1x64xf32, #tpu.memory_space<hbm>>
      %dma_wait3A_1691 = tpu.memref_squeeze %dma_wait3A_1690 : memref<1x64xf32, #tpu.memory_space<hbm>> -> memref<64xf32, #tpu.memory_space<hbm>>
      %dma_wait3A_1692 = arith.constant 0 : i32
      %dma_wait3A_1693 = tpu.memref_slice %arg5[%run_scoped3A_31, %dma_wait3A_1692] : memref<22x64xf32, #tpu.memory_space<vmem>> -> memref<1x64xf32, #tpu.memory_space<vmem>>
      %dma_wait3A_1694 = tpu.memref_squeeze %dma_wait3A_1693 : memref<1x64xf32, #tpu.memory_space<vmem>> -> memref<64xf32, #tpu.memory_space<vmem>>
      %dma_wait3A_1695 = tpu.memref_slice %arg2[%run_scoped3A_30, %mul3A_2] : memref<22x2048xf32, #tpu.memory_space<hbm>> -> memref<1x64xf32, #tpu.memory_space<hbm>>
      %dma_wait3A_1696 = tpu.memref_squeeze %dma_wait3A_1695 : memref<1x64xf32, #tpu.memory_space<hbm>> -> memref<64xf32, #tpu.memory_space<hbm>>
      tpu.wait_dma2 semaphore(%run_scoped3A_1678 : memref<!tpu.dma_semaphore, #tpu.memory_space<semaphore_mem>>) src(%dma_wait3A_1696 : memref<64xf32, #tpu.memory_space<hbm>>) dst(%dma_wait3A_1694 : memref<64xf32, #tpu.memory_space<vmem>>)
      tpu.yield
    }) : () -> ()
    %run_scoped3A_32 = arith.constant 15 : i32
    %run_scoped3A_33 = arith.constant 15 : i32
    "tpu.region"() ({
      %run_scoped3A_1678 = tpu.sem_alloc : memref<!tpu.dma_semaphore, #tpu.memory_space<semaphore_mem>>
      %dma_start3A = arith.constant 0 : i32
      %dma_start3A_1679 = tpu.memref_slice %arg5[%run_scoped3A_33, %dma_start3A] : memref<22x64xf32, #tpu.memory_space<vmem>> -> memref<1x64xf32, #tpu.memory_space<vmem>>
      %dma_start3A_1680 = tpu.memref_squeeze %dma_start3A_1679 : memref<1x64xf32, #tpu.memory_space<vmem>> -> memref<64xf32, #tpu.memory_space<vmem>>
      %dma_start3A_1681 = tpu.memref_slice %arg2[%run_scoped3A_32, %mul3A_2] : memref<22x2048xf32, #tpu.memory_space<hbm>> -> memref<1x64xf32, #tpu.memory_space<hbm>>
      %dma_start3A_1682 = tpu.memref_squeeze %dma_start3A_1681 : memref<1x64xf32, #tpu.memory_space<hbm>> -> memref<64xf32, #tpu.memory_space<hbm>>
      %dma_start3A_1683 = arith.constant 0 : i32
      %dma_start3A_1684 = tpu.memref_slice %arg5[%run_scoped3A_33, %dma_start3A_1683] : memref<22x64xf32, #tpu.memory_space<vmem>> -> memref<1x64xf32, #tpu.memory_space<vmem>>
      %dma_start3A_1685 = tpu.memref_squeeze %dma_start3A_1684 : memref<1x64xf32, #tpu.memory_space<vmem>> -> memref<64xf32, #tpu.memory_space<vmem>>
      %dma_start3A_1686 = tpu.memref_slice %arg2[%run_scoped3A_32, %mul3A_2] : memref<22x2048xf32, #tpu.memory_space<hbm>> -> memref<1x64xf32, #tpu.memory_space<hbm>>
      %dma_start3A_1687 = tpu.memref_squeeze %dma_start3A_1686 : memref<1x64xf32, #tpu.memory_space<hbm>> -> memref<64xf32, #tpu.memory_space<hbm>>
      tpu.enqueue_dma source(%dma_start3A_1687 : memref<64xf32, #tpu.memory_space<hbm>>) target(%dma_start3A_1685 : memref<64xf32, #tpu.memory_space<vmem>>) target_semaphore(%run_scoped3A_1678 : memref<!tpu.dma_semaphore, #tpu.memory_space<semaphore_mem>>)
      %dma_wait3A = arith.constant 0 : i32
      %dma_wait3A_1688 = tpu.memref_slice %arg5[%run_scoped3A_33, %dma_wait3A] : memref<22x64xf32, #tpu.memory_space<vmem>> -> memref<1x64xf32, #tpu.memory_space<vmem>>
      %dma_wait3A_1689 = tpu.memref_squeeze %dma_wait3A_1688 : memref<1x64xf32, #tpu.memory_space<vmem>> -> memref<64xf32, #tpu.memory_space<vmem>>
      %dma_wait3A_1690 = tpu.memref_slice %arg2[%run_scoped3A_32, %mul3A_2] : memref<22x2048xf32, #tpu.memory_space<hbm>> -> memref<1x64xf32, #tpu.memory_space<hbm>>
      %dma_wait3A_1691 = tpu.memref_squeeze %dma_wait3A_1690 : memref<1x64xf32, #tpu.memory_space<hbm>> -> memref<64xf32, #tpu.memory_space<hbm>>
      %dma_wait3A_1692 = arith.constant 0 : i32
      %dma_wait3A_1693 = tpu.memref_slice %arg5[%run_scoped3A_33, %dma_wait3A_1692] : memref<22x64xf32, #tpu.memory_space<vmem>> -> memref<1x64xf32, #tpu.memory_space<vmem>>
      %dma_wait3A_1694 = tpu.memref_squeeze %dma_wait3A_1693 : memref<1x64xf32, #tpu.memory_space<vmem>> -> memref<64xf32, #tpu.memory_space<vmem>>
      %dma_wait3A_1695 = tpu.memref_slice %arg2[%run_scoped3A_32, %mul3A_2] : memref<22x2048xf32, #tpu.memory_space<hbm>> -> memref<1x64xf32, #tpu.memory_space<hbm>>
      %dma_wait3A_1696 = tpu.memref_squeeze %dma_wait3A_1695 : memref<1x64xf32, #tpu.memory_space<hbm>> -> memref<64xf32, #tpu.memory_space<hbm>>
      tpu.wait_dma2 semaphore(%run_scoped3A_1678 : memref<!tpu.dma_semaphore, #tpu.memory_space<semaphore_mem>>) src(%dma_wait3A_1696 : memref<64xf32, #tpu.memory_space<hbm>>) dst(%dma_wait3A_1694 : memref<64xf32, #tpu.memory_space<vmem>>)
      tpu.yield
    }) : () -> ()
    %run_scoped3A_34 = arith.constant 16 : i32
    %run_scoped3A_35 = arith.constant 16 : i32
    "tpu.region"() ({
      %run_scoped3A_1678 = tpu.sem_alloc : memref<!tpu.dma_semaphore, #tpu.memory_space<semaphore_mem>>
      %dma_start3A = arith.constant 0 : i32
      %dma_start3A_1679 = tpu.memref_slice %arg5[%run_scoped3A_35, %dma_start3A] : memref<22x64xf32, #tpu.memory_space<vmem>> -> memref<1x64xf32, #tpu.memory_space<vmem>>
      %dma_start3A_1680 = tpu.memref_squeeze %dma_start3A_1679 : memref<1x64xf32, #tpu.memory_space<vmem>> -> memref<64xf32, #tpu.memory_space<vmem>>
      %dma_start3A_1681 = tpu.memref_slice %arg2[%run_scoped3A_34, %mul3A_2] : memref<22x2048xf32, #tpu.memory_space<hbm>> -> memref<1x64xf32, #tpu.memory_space<hbm>>
      %dma_start3A_1682 = tpu.memref_squeeze %dma_start3A_1681 : memref<1x64xf32, #tpu.memory_space<hbm>> -> memref<64xf32, #tpu.memory_space<hbm>>
      %dma_start3A_1683 = arith.constant 0 : i32
      %dma_start3A_1684 = tpu.memref_slice %arg5[%run_scoped3A_35, %dma_start3A_1683] : memref<22x64xf32, #tpu.memory_space<vmem>> -> memref<1x64xf32, #tpu.memory_space<vmem>>
      %dma_start3A_1685 = tpu.memref_squeeze %dma_start3A_1684 : memref<1x64xf32, #tpu.memory_space<vmem>> -> memref<64xf32, #tpu.memory_space<vmem>>
      %dma_start3A_1686 = tpu.memref_slice %arg2[%run_scoped3A_34, %mul3A_2] : memref<22x2048xf32, #tpu.memory_space<hbm>> -> memref<1x64xf32, #tpu.memory_space<hbm>>
      %dma_start3A_1687 = tpu.memref_squeeze %dma_start3A_1686 : memref<1x64xf32, #tpu.memory_space<hbm>> -> memref<64xf32, #tpu.memory_space<hbm>>
      tpu.enqueue_dma source(%dma_start3A_1687 : memref<64xf32, #tpu.memory_space<hbm>>) target(%dma_start3A_1685 : memref<64xf32, #tpu.memory_space<vmem>>) target_semaphore(%run_scoped3A_1678 : memref<!tpu.dma_semaphore, #tpu.memory_space<semaphore_mem>>)
      %dma_wait3A = arith.constant 0 : i32
      %dma_wait3A_1688 = tpu.memref_slice %arg5[%run_scoped3A_35, %dma_wait3A] : memref<22x64xf32, #tpu.memory_space<vmem>> -> memref<1x64xf32, #tpu.memory_space<vmem>>
      %dma_wait3A_1689 = tpu.memref_squeeze %dma_wait3A_1688 : memref<1x64xf32, #tpu.memory_space<vmem>> -> memref<64xf32, #tpu.memory_space<vmem>>
      %dma_wait3A_1690 = tpu.memref_slice %arg2[%run_scoped3A_34, %mul3A_2] : memref<22x2048xf32, #tpu.memory_space<hbm>> -> memref<1x64xf32, #tpu.memory_space<hbm>>
      %dma_wait3A_1691 = tpu.memref_squeeze %dma_wait3A_1690 : memref<1x64xf32, #tpu.memory_space<hbm>> -> memref<64xf32, #tpu.memory_space<hbm>>
      %dma_wait3A_1692 = arith.constant 0 : i32
      %dma_wait3A_1693 = tpu.memref_slice %arg5[%run_scoped3A_35, %dma_wait3A_1692] : memref<22x64xf32, #tpu.memory_space<vmem>> -> memref<1x64xf32, #tpu.memory_space<vmem>>
      %dma_wait3A_1694 = tpu.memref_squeeze %dma_wait3A_1693 : memref<1x64xf32, #tpu.memory_space<vmem>> -> memref<64xf32, #tpu.memory_space<vmem>>
      %dma_wait3A_1695 = tpu.memref_slice %arg2[%run_scoped3A_34, %mul3A_2] : memref<22x2048xf32, #tpu.memory_space<hbm>> -> memref<1x64xf32, #tpu.memory_space<hbm>>
      %dma_wait3A_1696 = tpu.memref_squeeze %dma_wait3A_1695 : memref<1x64xf32, #tpu.memory_space<hbm>> -> memref<64xf32, #tpu.memory_space<hbm>>
      tpu.wait_dma2 semaphore(%run_scoped3A_1678 : memref<!tpu.dma_semaphore, #tpu.memory_space<semaphore_mem>>) src(%dma_wait3A_1696 : memref<64xf32, #tpu.memory_space<hbm>>) dst(%dma_wait3A_1694 : memref<64xf32, #tpu.memory_space<vmem>>)
      tpu.yield
    }) : () -> ()
    %run_scoped3A_36 = arith.constant 17 : i32
    %run_scoped3A_37 = arith.constant 17 : i32
    "tpu.region"() ({
      %run_scoped3A_1678 = tpu.sem_alloc : memref<!tpu.dma_semaphore, #tpu.memory_space<semaphore_mem>>
      %dma_start3A = arith.constant 0 : i32
      %dma_start3A_1679 = tpu.memref_slice %arg5[%run_scoped3A_37, %dma_start3A] : memref<22x64xf32, #tpu.memory_space<vmem>> -> memref<1x64xf32, #tpu.memory_space<vmem>>
      %dma_start3A_1680 = tpu.memref_squeeze %dma_start3A_1679 : memref<1x64xf32, #tpu.memory_space<vmem>> -> memref<64xf32, #tpu.memory_space<vmem>>
      %dma_start3A_1681 = tpu.memref_slice %arg2[%run_scoped3A_36, %mul3A_2] : memref<22x2048xf32, #tpu.memory_space<hbm>> -> memref<1x64xf32, #tpu.memory_space<hbm>>
      %dma_start3A_1682 = tpu.memref_squeeze %dma_start3A_1681 : memref<1x64xf32, #tpu.memory_space<hbm>> -> memref<64xf32, #tpu.memory_space<hbm>>
      %dma_start3A_1683 = arith.constant 0 : i32
      %dma_start3A_1684 = tpu.memref_slice %arg5[%run_scoped3A_37, %dma_start3A_1683] : memref<22x64xf32, #tpu.memory_space<vmem>> -> memref<1x64xf32, #tpu.memory_space<vmem>>
      %dma_start3A_1685 = tpu.memref_squeeze %dma_start3A_1684 : memref<1x64xf32, #tpu.memory_space<vmem>> -> memref<64xf32, #tpu.memory_space<vmem>>
      %dma_start3A_1686 = tpu.memref_slice %arg2[%run_scoped3A_36, %mul3A_2] : memref<22x2048xf32, #tpu.memory_space<hbm>> -> memref<1x64xf32, #tpu.memory_space<hbm>>
      %dma_start3A_1687 = tpu.memref_squeeze %dma_start3A_1686 : memref<1x64xf32, #tpu.memory_space<hbm>> -> memref<64xf32, #tpu.memory_space<hbm>>
      tpu.enqueue_dma source(%dma_start3A_1687 : memref<64xf32, #tpu.memory_space<hbm>>) target(%dma_start3A_1685 : memref<64xf32, #tpu.memory_space<vmem>>) target_semaphore(%run_scoped3A_1678 : memref<!tpu.dma_semaphore, #tpu.memory_space<semaphore_mem>>)
      %dma_wait3A = arith.constant 0 : i32
      %dma_wait3A_1688 = tpu.memref_slice %arg5[%run_scoped3A_37, %dma_wait3A] : memref<22x64xf32, #tpu.memory_space<vmem>> -> memref<1x64xf32, #tpu.memory_space<vmem>>
      %dma_wait3A_1689 = tpu.memref_squeeze %dma_wait3A_1688 : memref<1x64xf32, #tpu.memory_space<vmem>> -> memref<64xf32, #tpu.memory_space<vmem>>
      %dma_wait3A_1690 = tpu.memref_slice %arg2[%run_scoped3A_36, %mul3A_2] : memref<22x2048xf32, #tpu.memory_space<hbm>> -> memref<1x64xf32, #tpu.memory_space<hbm>>
      %dma_wait3A_1691 = tpu.memref_squeeze %dma_wait3A_1690 : memref<1x64xf32, #tpu.memory_space<hbm>> -> memref<64xf32, #tpu.memory_space<hbm>>
      %dma_wait3A_1692 = arith.constant 0 : i32
      %dma_wait3A_1693 = tpu.memref_slice %arg5[%run_scoped3A_37, %dma_wait3A_1692] : memref<22x64xf32, #tpu.memory_space<vmem>> -> memref<1x64xf32, #tpu.memory_space<vmem>>
      %dma_wait3A_1694 = tpu.memref_squeeze %dma_wait3A_1693 : memref<1x64xf32, #tpu.memory_space<vmem>> -> memref<64xf32, #tpu.memory_space<vmem>>
      %dma_wait3A_1695 = tpu.memref_slice %arg2[%run_scoped3A_36, %mul3A_2] : memref<22x2048xf32, #tpu.memory_space<hbm>> -> memref<1x64xf32, #tpu.memory_space<hbm>>
      %dma_wait3A_1696 = tpu.memref_squeeze %dma_wait3A_1695 : memref<1x64xf32, #tpu.memory_space<hbm>> -> memref<64xf32, #tpu.memory_space<hbm>>
      tpu.wait_dma2 semaphore(%run_scoped3A_1678 : memref<!tpu.dma_semaphore, #tpu.memory_space<semaphore_mem>>) src(%dma_wait3A_1696 : memref<64xf32, #tpu.memory_space<hbm>>) dst(%dma_wait3A_1694 : memref<64xf32, #tpu.memory_space<vmem>>)
      tpu.yield
    }) : () -> ()
    %run_scoped3A_38 = arith.constant 18 : i32
    %run_scoped3A_39 = arith.constant 18 : i32
    "tpu.region"() ({
      %run_scoped3A_1678 = tpu.sem_alloc : memref<!tpu.dma_semaphore, #tpu.memory_space<semaphore_mem>>
      %dma_start3A = arith.constant 0 : i32
      %dma_start3A_1679 = tpu.memref_slice %arg5[%run_scoped3A_39, %dma_start3A] : memref<22x64xf32, #tpu.memory_space<vmem>> -> memref<1x64xf32, #tpu.memory_space<vmem>>
      %dma_start3A_1680 = tpu.memref_squeeze %dma_start3A_1679 : memref<1x64xf32, #tpu.memory_space<vmem>> -> memref<64xf32, #tpu.memory_space<vmem>>
      %dma_start3A_1681 = tpu.memref_slice %arg2[%run_scoped3A_38, %mul3A_2] : memref<22x2048xf32, #tpu.memory_space<hbm>> -> memref<1x64xf32, #tpu.memory_space<hbm>>
      %dma_start3A_1682 = tpu.memref_squeeze %dma_start3A_1681 : memref<1x64xf32, #tpu.memory_space<hbm>> -> memref<64xf32, #tpu.memory_space<hbm>>
      %dma_start3A_1683 = arith.constant 0 : i32
      %dma_start3A_1684 = tpu.memref_slice %arg5[%run_scoped3A_39, %dma_start3A_1683] : memref<22x64xf32, #tpu.memory_space<vmem>> -> memref<1x64xf32, #tpu.memory_space<vmem>>
      %dma_start3A_1685 = tpu.memref_squeeze %dma_start3A_1684 : memref<1x64xf32, #tpu.memory_space<vmem>> -> memref<64xf32, #tpu.memory_space<vmem>>
      %dma_start3A_1686 = tpu.memref_slice %arg2[%run_scoped3A_38, %mul3A_2] : memref<22x2048xf32, #tpu.memory_space<hbm>> -> memref<1x64xf32, #tpu.memory_space<hbm>>
      %dma_start3A_1687 = tpu.memref_squeeze %dma_start3A_1686 : memref<1x64xf32, #tpu.memory_space<hbm>> -> memref<64xf32, #tpu.memory_space<hbm>>
      tpu.enqueue_dma source(%dma_start3A_1687 : memref<64xf32, #tpu.memory_space<hbm>>) target(%dma_start3A_1685 : memref<64xf32, #tpu.memory_space<vmem>>) target_semaphore(%run_scoped3A_1678 : memref<!tpu.dma_semaphore, #tpu.memory_space<semaphore_mem>>)
      %dma_wait3A = arith.constant 0 : i32
      %dma_wait3A_1688 = tpu.memref_slice %arg5[%run_scoped3A_39, %dma_wait3A] : memref<22x64xf32, #tpu.memory_space<vmem>> -> memref<1x64xf32, #tpu.memory_space<vmem>>
      %dma_wait3A_1689 = tpu.memref_squeeze %dma_wait3A_1688 : memref<1x64xf32, #tpu.memory_space<vmem>> -> memref<64xf32, #tpu.memory_space<vmem>>
      %dma_wait3A_1690 = tpu.memref_slice %arg2[%run_scoped3A_38, %mul3A_2] : memref<22x2048xf32, #tpu.memory_space<hbm>> -> memref<1x64xf32, #tpu.memory_space<hbm>>
      %dma_wait3A_1691 = tpu.memref_squeeze %dma_wait3A_1690 : memref<1x64xf32, #tpu.memory_space<hbm>> -> memref<64xf32, #tpu.memory_space<hbm>>
      %dma_wait3A_1692 = arith.constant 0 : i32
      %dma_wait3A_1693 = tpu.memref_slice %arg5[%run_scoped3A_39, %dma_wait3A_1692] : memref<22x64xf32, #tpu.memory_space<vmem>> -> memref<1x64xf32, #tpu.memory_space<vmem>>
      %dma_wait3A_1694 = tpu.memref_squeeze %dma_wait3A_1693 : memref<1x64xf32, #tpu.memory_space<vmem>> -> memref<64xf32, #tpu.memory_space<vmem>>
      %dma_wait3A_1695 = tpu.memref_slice %arg2[%run_scoped3A_38, %mul3A_2] : memref<22x2048xf32, #tpu.memory_space<hbm>> -> memref<1x64xf32, #tpu.memory_space<hbm>>
      %dma_wait3A_1696 = tpu.memref_squeeze %dma_wait3A_1695 : memref<1x64xf32, #tpu.memory_space<hbm>> -> memref<64xf32, #tpu.memory_space<hbm>>
      tpu.wait_dma2 semaphore(%run_scoped3A_1678 : memref<!tpu.dma_semaphore, #tpu.memory_space<semaphore_mem>>) src(%dma_wait3A_1696 : memref<64xf32, #tpu.memory_space<hbm>>) dst(%dma_wait3A_1694 : memref<64xf32, #tpu.memory_space<vmem>>)
      tpu.yield
    }) : () -> ()
    %run_scoped3A_40 = arith.constant 19 : i32
    %run_scoped3A_41 = arith.constant 19 : i32
    "tpu.region"() ({
      %run_scoped3A_1678 = tpu.sem_alloc : memref<!tpu.dma_semaphore, #tpu.memory_space<semaphore_mem>>
      %dma_start3A = arith.constant 0 : i32
      %dma_start3A_1679 = tpu.memref_slice %arg5[%run_scoped3A_41, %dma_start3A] : memref<22x64xf32, #tpu.memory_space<vmem>> -> memref<1x64xf32, #tpu.memory_space<vmem>>
      %dma_start3A_1680 = tpu.memref_squeeze %dma_start3A_1679 : memref<1x64xf32, #tpu.memory_space<vmem>> -> memref<64xf32, #tpu.memory_space<vmem>>
      %dma_start3A_1681 = tpu.memref_slice %arg2[%run_scoped3A_40, %mul3A_2] : memref<22x2048xf32, #tpu.memory_space<hbm>> -> memref<1x64xf32, #tpu.memory_space<hbm>>
      %dma_start3A_1682 = tpu.memref_squeeze %dma_start3A_1681 : memref<1x64xf32, #tpu.memory_space<hbm>> -> memref<64xf32, #tpu.memory_space<hbm>>
      %dma_start3A_1683 = arith.constant 0 : i32
      %dma_start3A_1684 = tpu.memref_slice %arg5[%run_scoped3A_41, %dma_start3A_1683] : memref<22x64xf32, #tpu.memory_space<vmem>> -> memref<1x64xf32, #tpu.memory_space<vmem>>
      %dma_start3A_1685 = tpu.memref_squeeze %dma_start3A_1684 : memref<1x64xf32, #tpu.memory_space<vmem>> -> memref<64xf32, #tpu.memory_space<vmem>>
      %dma_start3A_1686 = tpu.memref_slice %arg2[%run_scoped3A_40, %mul3A_2] : memref<22x2048xf32, #tpu.memory_space<hbm>> -> memref<1x64xf32, #tpu.memory_space<hbm>>
      %dma_start3A_1687 = tpu.memref_squeeze %dma_start3A_1686 : memref<1x64xf32, #tpu.memory_space<hbm>> -> memref<64xf32, #tpu.memory_space<hbm>>
      tpu.enqueue_dma source(%dma_start3A_1687 : memref<64xf32, #tpu.memory_space<hbm>>) target(%dma_start3A_1685 : memref<64xf32, #tpu.memory_space<vmem>>) target_semaphore(%run_scoped3A_1678 : memref<!tpu.dma_semaphore, #tpu.memory_space<semaphore_mem>>)
      %dma_wait3A = arith.constant 0 : i32
      %dma_wait3A_1688 = tpu.memref_slice %arg5[%run_scoped3A_41, %dma_wait3A] : memref<22x64xf32, #tpu.memory_space<vmem>> -> memref<1x64xf32, #tpu.memory_space<vmem>>
      %dma_wait3A_1689 = tpu.memref_squeeze %dma_wait3A_1688 : memref<1x64xf32, #tpu.memory_space<vmem>> -> memref<64xf32, #tpu.memory_space<vmem>>
      %dma_wait3A_1690 = tpu.memref_slice %arg2[%run_scoped3A_40, %mul3A_2] : memref<22x2048xf32, #tpu.memory_space<hbm>> -> memref<1x64xf32, #tpu.memory_space<hbm>>
      %dma_wait3A_1691 = tpu.memref_squeeze %dma_wait3A_1690 : memref<1x64xf32, #tpu.memory_space<hbm>> -> memref<64xf32, #tpu.memory_space<hbm>>
      %dma_wait3A_1692 = arith.constant 0 : i32
      %dma_wait3A_1693 = tpu.memref_slice %arg5[%run_scoped3A_41, %dma_wait3A_1692] : memref<22x64xf32, #tpu.memory_space<vmem>> -> memref<1x64xf32, #tpu.memory_space<vmem>>
      %dma_wait3A_1694 = tpu.memref_squeeze %dma_wait3A_1693 : memref<1x64xf32, #tpu.memory_space<vmem>> -> memref<64xf32, #tpu.memory_space<vmem>>
      %dma_wait3A_1695 = tpu.memref_slice %arg2[%run_scoped3A_40, %mul3A_2] : memref<22x2048xf32, #tpu.memory_space<hbm>> -> memref<1x64xf32, #tpu.memory_space<hbm>>
      %dma_wait3A_1696 = tpu.memref_squeeze %dma_wait3A_1695 : memref<1x64xf32, #tpu.memory_space<hbm>> -> memref<64xf32, #tpu.memory_space<hbm>>
      tpu.wait_dma2 semaphore(%run_scoped3A_1678 : memref<!tpu.dma_semaphore, #tpu.memory_space<semaphore_mem>>) src(%dma_wait3A_1696 : memref<64xf32, #tpu.memory_space<hbm>>) dst(%dma_wait3A_1694 : memref<64xf32, #tpu.memory_space<vmem>>)
      tpu.yield
    }) : () -> ()
    %run_scoped3A_42 = arith.constant 20 : i32
    %run_scoped3A_43 = arith.constant 20 : i32
    "tpu.region"() ({
      %run_scoped3A_1678 = tpu.sem_alloc : memref<!tpu.dma_semaphore, #tpu.memory_space<semaphore_mem>>
      %dma_start3A = arith.constant 0 : i32
      %dma_start3A_1679 = tpu.memref_slice %arg5[%run_scoped3A_43, %dma_start3A] : memref<22x64xf32, #tpu.memory_space<vmem>> -> memref<1x64xf32, #tpu.memory_space<vmem>>
      %dma_start3A_1680 = tpu.memref_squeeze %dma_start3A_1679 : memref<1x64xf32, #tpu.memory_space<vmem>> -> memref<64xf32, #tpu.memory_space<vmem>>
      %dma_start3A_1681 = tpu.memref_slice %arg2[%run_scoped3A_42, %mul3A_2] : memref<22x2048xf32, #tpu.memory_space<hbm>> -> memref<1x64xf32, #tpu.memory_space<hbm>>
      %dma_start3A_1682 = tpu.memref_squeeze %dma_start3A_1681 : memref<1x64xf32, #tpu.memory_space<hbm>> -> memref<64xf32, #tpu.memory_space<hbm>>
      %dma_start3A_1683 = arith.constant 0 : i32
      %dma_start3A_1684 = tpu.memref_slice %arg5[%run_scoped3A_43, %dma_start3A_1683] : memref<22x64xf32, #tpu.memory_space<vmem>> -> memref<1x64xf32, #tpu.memory_space<vmem>>
      %dma_start3A_1685 = tpu.memref_squeeze %dma_start3A_1684 : memref<1x64xf32, #tpu.memory_space<vmem>> -> memref<64xf32, #tpu.memory_space<vmem>>
      %dma_start3A_1686 = tpu.memref_slice %arg2[%run_scoped3A_42, %mul3A_2] : memref<22x2048xf32, #tpu.memory_space<hbm>> -> memref<1x64xf32, #tpu.memory_space<hbm>>
      %dma_start3A_1687 = tpu.memref_squeeze %dma_start3A_1686 : memref<1x64xf32, #tpu.memory_space<hbm>> -> memref<64xf32, #tpu.memory_space<hbm>>
      tpu.enqueue_dma source(%dma_start3A_1687 : memref<64xf32, #tpu.memory_space<hbm>>) target(%dma_start3A_1685 : memref<64xf32, #tpu.memory_space<vmem>>) target_semaphore(%run_scoped3A_1678 : memref<!tpu.dma_semaphore, #tpu.memory_space<semaphore_mem>>)
      %dma_wait3A = arith.constant 0 : i32
      %dma_wait3A_1688 = tpu.memref_slice %arg5[%run_scoped3A_43, %dma_wait3A] : memref<22x64xf32, #tpu.memory_space<vmem>> -> memref<1x64xf32, #tpu.memory_space<vmem>>
      %dma_wait3A_1689 = tpu.memref_squeeze %dma_wait3A_1688 : memref<1x64xf32, #tpu.memory_space<vmem>> -> memref<64xf32, #tpu.memory_space<vmem>>
      %dma_wait3A_1690 = tpu.memref_slice %arg2[%run_scoped3A_42, %mul3A_2] : memref<22x2048xf32, #tpu.memory_space<hbm>> -> memref<1x64xf32, #tpu.memory_space<hbm>>
      %dma_wait3A_1691 = tpu.memref_squeeze %dma_wait3A_1690 : memref<1x64xf32, #tpu.memory_space<hbm>> -> memref<64xf32, #tpu.memory_space<hbm>>
      %dma_wait3A_1692 = arith.constant 0 : i32
      %dma_wait3A_1693 = tpu.memref_slice %arg5[%run_scoped3A_43, %dma_wait3A_1692] : memref<22x64xf32, #tpu.memory_space<vmem>> -> memref<1x64xf32, #tpu.memory_space<vmem>>
      %dma_wait3A_1694 = tpu.memref_squeeze %dma_wait3A_1693 : memref<1x64xf32, #tpu.memory_space<vmem>> -> memref<64xf32, #tpu.memory_space<vmem>>
      %dma_wait3A_1695 = tpu.memref_slice %arg2[%run_scoped3A_42, %mul3A_2] : memref<22x2048xf32, #tpu.memory_space<hbm>> -> memref<1x64xf32, #tpu.memory_space<hbm>>
      %dma_wait3A_1696 = tpu.memref_squeeze %dma_wait3A_1695 : memref<1x64xf32, #tpu.memory_space<hbm>> -> memref<64xf32, #tpu.memory_space<hbm>>
      tpu.wait_dma2 semaphore(%run_scoped3A_1678 : memref<!tpu.dma_semaphore, #tpu.memory_space<semaphore_mem>>) src(%dma_wait3A_1696 : memref<64xf32, #tpu.memory_space<hbm>>) dst(%dma_wait3A_1694 : memref<64xf32, #tpu.memory_space<vmem>>)
      tpu.yield
    }) : () -> ()
    %run_scoped3A_44 = arith.constant 21 : i32
    %run_scoped3A_45 = arith.constant 21 : i32
    "tpu.region"() ({
      %run_scoped3A_1678 = tpu.sem_alloc : memref<!tpu.dma_semaphore, #tpu.memory_space<semaphore_mem>>
      %dma_start3A = arith.constant 0 : i32
      %dma_start3A_1679 = tpu.memref_slice %arg5[%run_scoped3A_45, %dma_start3A] : memref<22x64xf32, #tpu.memory_space<vmem>> -> memref<1x64xf32, #tpu.memory_space<vmem>>
      %dma_start3A_1680 = tpu.memref_squeeze %dma_start3A_1679 : memref<1x64xf32, #tpu.memory_space<vmem>> -> memref<64xf32, #tpu.memory_space<vmem>>
      %dma_start3A_1681 = tpu.memref_slice %arg2[%run_scoped3A_44, %mul3A_2] : memref<22x2048xf32, #tpu.memory_space<hbm>> -> memref<1x64xf32, #tpu.memory_space<hbm>>
      %dma_start3A_1682 = tpu.memref_squeeze %dma_start3A_1681 : memref<1x64xf32, #tpu.memory_space<hbm>> -> memref<64xf32, #tpu.memory_space<hbm>>
      %dma_start3A_1683 = arith.constant 0 : i32
      %dma_start3A_1684 = tpu.memref_slice %arg5[%run_scoped3A_45, %dma_start3A_1683] : memref<22x64xf32, #tpu.memory_space<vmem>> -> memref<1x64xf32, #tpu.memory_space<vmem>>
      %dma_start3A_1685 = tpu.memref_squeeze %dma_start3A_1684 : memref<1x64xf32, #tpu.memory_space<vmem>> -> memref<64xf32, #tpu.memory_space<vmem>>
      %dma_start3A_1686 = tpu.memref_slice %arg2[%run_scoped3A_44, %mul3A_2] : memref<22x2048xf32, #tpu.memory_space<hbm>> -> memref<1x64xf32, #tpu.memory_space<hbm>>
      %dma_start3A_1687 = tpu.memref_squeeze %dma_start3A_1686 : memref<1x64xf32, #tpu.memory_space<hbm>> -> memref<64xf32, #tpu.memory_space<hbm>>
      tpu.enqueue_dma source(%dma_start3A_1687 : memref<64xf32, #tpu.memory_space<hbm>>) target(%dma_start3A_1685 : memref<64xf32, #tpu.memory_space<vmem>>) target_semaphore(%run_scoped3A_1678 : memref<!tpu.dma_semaphore, #tpu.memory_space<semaphore_mem>>)
      %dma_wait3A = arith.constant 0 : i32
      %dma_wait3A_1688 = tpu.memref_slice %arg5[%run_scoped3A_45, %dma_wait3A] : memref<22x64xf32, #tpu.memory_space<vmem>> -> memref<1x64xf32, #tpu.memory_space<vmem>>
      %dma_wait3A_1689 = tpu.memref_squeeze %dma_wait3A_1688 : memref<1x64xf32, #tpu.memory_space<vmem>> -> memref<64xf32, #tpu.memory_space<vmem>>
      %dma_wait3A_1690 = tpu.memref_slice %arg2[%run_scoped3A_44, %mul3A_2] : memref<22x2048xf32, #tpu.memory_space<hbm>> -> memref<1x64xf32, #tpu.memory_space<hbm>>
      %dma_wait3A_1691 = tpu.memref_squeeze %dma_wait3A_1690 : memref<1x64xf32, #tpu.memory_space<hbm>> -> memref<64xf32, #tpu.memory_space<hbm>>
      %dma_wait3A_1692 = arith.constant 0 : i32
      %dma_wait3A_1693 = tpu.memref_slice %arg5[%run_scoped3A_45, %dma_wait3A_1692] : memref<22x64xf32, #tpu.memory_space<vmem>> -> memref<1x64xf32, #tpu.memory_space<vmem>>
      %dma_wait3A_1694 = tpu.memref_squeeze %dma_wait3A_1693 : memref<1x64xf32, #tpu.memory_space<vmem>> -> memref<64xf32, #tpu.memory_space<vmem>>
      %dma_wait3A_1695 = tpu.memref_slice %arg2[%run_scoped3A_44, %mul3A_2] : memref<22x2048xf32, #tpu.memory_space<hbm>> -> memref<1x64xf32, #tpu.memory_space<hbm>>
      %dma_wait3A_1696 = tpu.memref_squeeze %dma_wait3A_1695 : memref<1x64xf32, #tpu.memory_space<hbm>> -> memref<64xf32, #tpu.memory_space<hbm>>
      tpu.wait_dma2 semaphore(%run_scoped3A_1678 : memref<!tpu.dma_semaphore, #tpu.memory_space<semaphore_mem>>) src(%dma_wait3A_1696 : memref<64xf32, #tpu.memory_space<hbm>>) dst(%dma_wait3A_1694 : memref<64xf32, #tpu.memory_space<vmem>>)
      tpu.yield
    }) : () -> ()
    %get3A = arith.constant 0 : i32
    %get3A_46 = arith.index_cast %get3A : i32 to index
    %get3A_47 = arith.constant 0 : index
    %get3A_48 = tpu.vector_load %arg5[%get3A_46, %get3A_47] {strides = array<i32>} : memref<22x64xf32, #tpu.memory_space<vmem>>, vector<1x16xf32>,
    %get3A_49 = vector.shape_cast %get3A_48 : vector<1x16xf32> to vector<16xf32>
    %broadcast_in_dim3A = arith.constant 0 : i32
    %broadcast_in_dim3A_50 = vector.broadcast %broadcast_in_dim3A : i32 to vector<16xi32>
    %get3A_51 = arith.constant 1 : i32
    %get3A_52 = arith.index_cast %get3A_51 : i32 to index
    %get3A_53 = arith.constant 0 : index
    %get3A_54 = tpu.vector_load %arg5[%get3A_52, %get3A_53] {strides = array<i32>} : memref<22x64xf32, #tpu.memory_space<vmem>>, vector<1x16xf32>,
    %get3A_55 = vector.shape_cast %get3A_54 : vector<1x16xf32> to vector<16xf32>
    %gt3A = arith.cmpf ogt, %get3A_55, %get3A_49 : vector<16xf32>
    %select_n3A = arith.select %gt3A, %get3A_55, %get3A_49 : vector<16xi1>, vector<16xf32>
    %broadcast_in_dim3A_56 = arith.constant 1 : i32
    %broadcast_in_dim3A_57 = vector.broadcast %broadcast_in_dim3A_56 : i32 to vector<16xi32>
    %select_n3A_58 = arith.select %gt3A, %broadcast_in_dim3A_57, %broadcast_in_dim3A_50 : vector<16xi1>, vector<16xi32>
    %get3A_59 = arith.constant 2 : i32
    %get3A_60 = arith.index_cast %get3A_59 : i32 to index
    %get3A_61 = arith.constant 0 : index
    %get3A_62 = tpu.vector_load %arg5[%get3A_60, %get3A_61] {strides = array<i32>} : memref<22x64xf32, #tpu.memory_space<vmem>>, vector<1x16xf32>,
    %get3A_63 = vector.shape_cast %get3A_62 : vector<1x16xf32> to vector<16xf32>
    %gt3A_64 = arith.cmpf ogt, %get3A_63, %select_n3A : vector<16xf32>
    %select_n3A_65 = arith.select %gt3A_64, %get3A_63, %select_n3A : vector<16xi1>, vector<16xf32>
    %broadcast_in_dim3A_66 = arith.constant 2 : i32
    %broadcast_in_dim3A_67 = vector.broadcast %broadcast_in_dim3A_66 : i32 to vector<16xi32>
    %select_n3A_68 = arith.select %gt3A_64, %broadcast_in_dim3A_67, %select_n3A_58 : vector<16xi1>, vector<16xi32>
    %get3A_69 = arith.constant 3 : i32
    %get3A_70 = arith.index_cast %get3A_69 : i32 to index
    %get3A_71 = arith.constant 0 : index
    %get3A_72 = tpu.vector_load %arg5[%get3A_70, %get3A_71] {strides = array<i32>} : memref<22x64xf32, #tpu.memory_space<vmem>>, vector<1x16xf32>,
    %get3A_73 = vector.shape_cast %get3A_72 : vector<1x16xf32> to vector<16xf32>
    %gt3A_74 = arith.cmpf ogt, %get3A_73, %select_n3A_65 : vector<16xf32>
    %select_n3A_75 = arith.select %gt3A_74, %get3A_73, %select_n3A_65 : vector<16xi1>, vector<16xf32>
    %broadcast_in_dim3A_76 = arith.constant 3 : i32
    %broadcast_in_dim3A_77 = vector.broadcast %broadcast_in_dim3A_76 : i32 to vector<16xi32>
    %select_n3A_78 = arith.select %gt3A_74, %broadcast_in_dim3A_77, %select_n3A_68 : vector<16xi1>, vector<16xi32>
    %get3A_79 = arith.constant 4 : i32
    %get3A_80 = arith.index_cast %get3A_79 : i32 to index
    %get3A_81 = arith.constant 0 : index
    %get3A_82 = tpu.vector_load %arg5[%get3A_80, %get3A_81] {strides = array<i32>} : memref<22x64xf32, #tpu.memory_space<vmem>>, vector<1x16xf32>,
    %get3A_83 = vector.shape_cast %get3A_82 : vector<1x16xf32> to vector<16xf32>
    %gt3A_84 = arith.cmpf ogt, %get3A_83, %select_n3A_75 : vector<16xf32>
    %select_n3A_85 = arith.select %gt3A_84, %get3A_83, %select_n3A_75 : vector<16xi1>, vector<16xf32>
    %broadcast_in_dim3A_86 = arith.constant 4 : i32
    %broadcast_in_dim3A_87 = vector.broadcast %broadcast_in_dim3A_86 : i32 to vector<16xi32>
    %select_n3A_88 = arith.select %gt3A_84, %broadcast_in_dim3A_87, %select_n3A_78 : vector<16xi1>, vector<16xi32>
    %get3A_89 = arith.constant 5 : i32
    %get3A_90 = arith.index_cast %get3A_89 : i32 to index
    %get3A_91 = arith.constant 0 : index
    %get3A_92 = tpu.vector_load %arg5[%get3A_90, %get3A_91] {strides = array<i32>} : memref<22x64xf32, #tpu.memory_space<vmem>>, vector<1x16xf32>,
    %get3A_93 = vector.shape_cast %get3A_92 : vector<1x16xf32> to vector<16xf32>
    %gt3A_94 = arith.cmpf ogt, %get3A_93, %select_n3A_85 : vector<16xf32>
    %select_n3A_95 = arith.select %gt3A_94, %get3A_93, %select_n3A_85 : vector<16xi1>, vector<16xf32>
    %broadcast_in_dim3A_96 = arith.constant 5 : i32
    %broadcast_in_dim3A_97 = vector.broadcast %broadcast_in_dim3A_96 : i32 to vector<16xi32>
    %select_n3A_98 = arith.select %gt3A_94, %broadcast_in_dim3A_97, %select_n3A_88 : vector<16xi1>, vector<16xi32>
    %get3A_99 = arith.constant 6 : i32
    %get3A_100 = arith.index_cast %get3A_99 : i32 to index
    %get3A_101 = arith.constant 0 : index
    %get3A_102 = tpu.vector_load %arg5[%get3A_100, %get3A_101] {strides = array<i32>} : memref<22x64xf32, #tpu.memory_space<vmem>>, vector<1x16xf32>,
    %get3A_103 = vector.shape_cast %get3A_102 : vector<1x16xf32> to vector<16xf32>
    %gt3A_104 = arith.cmpf ogt, %get3A_103, %select_n3A_95 : vector<16xf32>
    %select_n3A_105 = arith.select %gt3A_104, %get3A_103, %select_n3A_95 : vector<16xi1>, vector<16xf32>
    %broadcast_in_dim3A_106 = arith.constant 6 : i32
    %broadcast_in_dim3A_107 = vector.broadcast %broadcast_in_dim3A_106 : i32 to vector<16xi32>
    %select_n3A_108 = arith.select %gt3A_104, %broadcast_in_dim3A_107, %select_n3A_98 : vector<16xi1>, vector<16xi32>
    %get3A_109 = arith.constant 7 : i32
    %get3A_110 = arith.index_cast %get3A_109 : i32 to index
    %get3A_111 = arith.constant 0 : index
    %get3A_112 = tpu.vector_load %arg5[%get3A_110, %get3A_111] {strides = array<i32>} : memref<22x64xf32, #tpu.memory_space<vmem>>, vector<1x16xf32>,
    %get3A_113 = vector.shape_cast %get3A_112 : vector<1x16xf32> to vector<16xf32>
    %gt3A_114 = arith.cmpf ogt, %get3A_113, %select_n3A_105 : vector<16xf32>
    %select_n3A_115 = arith.select %gt3A_114, %get3A_113, %select_n3A_105 : vector<16xi1>, vector<16xf32>
    %broadcast_in_dim3A_116 = arith.constant 7 : i32
    %broadcast_in_dim3A_117 = vector.broadcast %broadcast_in_dim3A_116 : i32 to vector<16xi32>
    %select_n3A_118 = arith.select %gt3A_114, %broadcast_in_dim3A_117, %select_n3A_108 : vector<16xi1>, vector<16xi32>
    %get3A_119 = arith.constant 8 : i32
    %get3A_120 = arith.index_cast %get3A_119 : i32 to index
    %get3A_121 = arith.constant 0 : index
    %get3A_122 = tpu.vector_load %arg5[%get3A_120, %get3A_121] {strides = array<i32>} : memref<22x64xf32, #tpu.memory_space<vmem>>, vector<1x16xf32>,
    %get3A_123 = vector.shape_cast %get3A_122 : vector<1x16xf32> to vector<16xf32>
    %gt3A_124 = arith.cmpf ogt, %get3A_123, %select_n3A_115 : vector<16xf32>
    %select_n3A_125 = arith.select %gt3A_124, %get3A_123, %select_n3A_115 : vector<16xi1>, vector<16xf32>
    %broadcast_in_dim3A_126 = arith.constant 8 : i32
    %broadcast_in_dim3A_127 = vector.broadcast %broadcast_in_dim3A_126 : i32 to vector<16xi32>
    %select_n3A_128 = arith.select %gt3A_124, %broadcast_in_dim3A_127, %select_n3A_118 : vector<16xi1>, vector<16xi32>
    %get3A_129 = arith.constant 9 : i32
    %get3A_130 = arith.index_cast %get3A_129 : i32 to index
    %get3A_131 = arith.constant 0 : index
    %get3A_132 = tpu.vector_load %arg5[%get3A_130, %get3A_131] {strides = array<i32>} : memref<22x64xf32, #tpu.memory_space<vmem>>, vector<1x16xf32>,
    %get3A_133 = vector.shape_cast %get3A_132 : vector<1x16xf32> to vector<16xf32>
    %gt3A_134 = arith.cmpf ogt, %get3A_133, %select_n3A_125 : vector<16xf32>
    %select_n3A_135 = arith.select %gt3A_134, %get3A_133, %select_n3A_125 : vector<16xi1>, vector<16xf32>
    %broadcast_in_dim3A_136 = arith.constant 9 : i32
    %broadcast_in_dim3A_137 = vector.broadcast %broadcast_in_dim3A_136 : i32 to vector<16xi32>
    %select_n3A_138 = arith.select %gt3A_134, %broadcast_in_dim3A_137, %select_n3A_128 : vector<16xi1>, vector<16xi32>
    %get3A_139 = arith.constant 10 : i32
    %get3A_140 = arith.index_cast %get3A_139 : i32 to index
    %get3A_141 = arith.constant 0 : index
    %get3A_142 = tpu.vector_load %arg5[%get3A_140, %get3A_141] {strides = array<i32>} : memref<22x64xf32, #tpu.memory_space<vmem>>, vector<1x16xf32>,
    %get3A_143 = vector.shape_cast %get3A_142 : vector<1x16xf32> to vector<16xf32>
    %gt3A_144 = arith.cmpf ogt, %get3A_143, %select_n3A_135 : vector<16xf32>
    %select_n3A_145 = arith.select %gt3A_144, %get3A_143, %select_n3A_135 : vector<16xi1>, vector<16xf32>
    %broadcast_in_dim3A_146 = arith.constant 10 : i32
    %broadcast_in_dim3A_147 = vector.broadcast %broadcast_in_dim3A_146 : i32 to vector<16xi32>
    %select_n3A_148 = arith.select %gt3A_144, %broadcast_in_dim3A_147, %select_n3A_138 : vector<16xi1>, vector<16xi32>
    %get3A_149 = arith.constant 11 : i32
    %get3A_150 = arith.index_cast %get3A_149 : i32 to index
    %get3A_151 = arith.constant 0 : index
    %get3A_152 = tpu.vector_load %arg5[%get3A_150, %get3A_151] {strides = array<i32>} : memref<22x64xf32, #tpu.memory_space<vmem>>, vector<1x16xf32>,
    %get3A_153 = vector.shape_cast %get3A_152 : vector<1x16xf32> to vector<16xf32>
    %gt3A_154 = arith.cmpf ogt, %get3A_153, %select_n3A_145 : vector<16xf32>
    %select_n3A_155 = arith.select %gt3A_154, %get3A_153, %select_n3A_145 : vector<16xi1>, vector<16xf32>
    %broadcast_in_dim3A_156 = arith.constant 11 : i32
    %broadcast_in_dim3A_157 = vector.broadcast %broadcast_in_dim3A_156 : i32 to vector<16xi32>
    %select_n3A_158 = arith.select %gt3A_154, %broadcast_in_dim3A_157, %select_n3A_148 : vector<16xi1>, vector<16xi32>
    %get3A_159 = arith.constant 12 : i32
    %get3A_160 = arith.index_cast %get3A_159 : i32 to index
    %get3A_161 = arith.constant 0 : index
    %get3A_162 = tpu.vector_load %arg5[%get3A_160, %get3A_161] {strides = array<i32>} : memref<22x64xf32, #tpu.memory_space<vmem>>, vector<1x16xf32>,
    %get3A_163 = vector.shape_cast %get3A_162 : vector<1x16xf32> to vector<16xf32>
    %gt3A_164 = arith.cmpf ogt, %get3A_163, %select_n3A_155 : vector<16xf32>
    %select_n3A_165 = arith.select %gt3A_164, %get3A_163, %select_n3A_155 : vector<16xi1>, vector<16xf32>
    %broadcast_in_dim3A_166 = arith.constant 12 : i32
    %broadcast_in_dim3A_167 = vector.broadcast %broadcast_in_dim3A_166 : i32 to vector<16xi32>
    %select_n3A_168 = arith.select %gt3A_164, %broadcast_in_dim3A_167, %select_n3A_158 : vector<16xi1>, vector<16xi32>
    %get3A_169 = arith.constant 13 : i32
    %get3A_170 = arith.index_cast %get3A_169 : i32 to index
    %get3A_171 = arith.constant 0 : index
    %get3A_172 = tpu.vector_load %arg5[%get3A_170, %get3A_171] {strides = array<i32>} : memref<22x64xf32, #tpu.memory_space<vmem>>, vector<1x16xf32>,
    %get3A_173 = vector.shape_cast %get3A_172 : vector<1x16xf32> to vector<16xf32>
    %gt3A_174 = arith.cmpf ogt, %get3A_173, %select_n3A_165 : vector<16xf32>
    %select_n3A_175 = arith.select %gt3A_174, %get3A_173, %select_n3A_165 : vector<16xi1>, vector<16xf32>
    %broadcast_in_dim3A_176 = arith.constant 13 : i32
    %broadcast_in_dim3A_177 = vector.broadcast %broadcast_in_dim3A_176 : i32 to vector<16xi32>
    %select_n3A_178 = arith.select %gt3A_174, %broadcast_in_dim3A_177, %select_n3A_168 : vector<16xi1>, vector<16xi32>
    %get3A_179 = arith.constant 14 : i32
    %get3A_180 = arith.index_cast %get3A_179 : i32 to index
    %get3A_181 = arith.constant 0 : index
    %get3A_182 = tpu.vector_load %arg5[%get3A_180, %get3A_181] {strides = array<i32>} : memref<22x64xf32, #tpu.memory_space<vmem>>, vector<1x16xf32>,
    %get3A_183 = vector.shape_cast %get3A_182 : vector<1x16xf32> to vector<16xf32>
    %gt3A_184 = arith.cmpf ogt, %get3A_183, %select_n3A_175 : vector<16xf32>
    %select_n3A_185 = arith.select %gt3A_184, %get3A_183, %select_n3A_175 : vector<16xi1>, vector<16xf32>
    %broadcast_in_dim3A_186 = arith.constant 14 : i32
    %broadcast_in_dim3A_187 = vector.broadcast %broadcast_in_dim3A_186 : i32 to vector<16xi32>
    %select_n3A_188 = arith.select %gt3A_184, %broadcast_in_dim3A_187, %select_n3A_178 : vector<16xi1>, vector<16xi32>
    %get3A_189 = arith.constant 15 : i32
    %get3A_190 = arith.index_cast %get3A_189 : i32 to index
    %get3A_191 = arith.constant 0 : index
    %get3A_192 = tpu.vector_load %arg5[%get3A_190, %get3A_191] {strides = array<i32>} : memref<22x64xf32, #tpu.memory_space<vmem>>, vector<1x16xf32>,
    %get3A_193 = vector.shape_cast %get3A_192 : vector<1x16xf32> to vector<16xf32>
    %gt3A_194 = arith.cmpf ogt, %get3A_193, %select_n3A_185 : vector<16xf32>
    %select_n3A_195 = arith.select %gt3A_194, %get3A_193, %select_n3A_185 : vector<16xi1>, vector<16xf32>
    %broadcast_in_dim3A_196 = arith.constant 15 : i32
    %broadcast_in_dim3A_197 = vector.broadcast %broadcast_in_dim3A_196 : i32 to vector<16xi32>
    %select_n3A_198 = arith.select %gt3A_194, %broadcast_in_dim3A_197, %select_n3A_188 : vector<16xi1>, vector<16xi32>
    %get3A_199 = arith.constant 16 : i32
    %get3A_200 = arith.index_cast %get3A_199 : i32 to index
    %get3A_201 = arith.constant 0 : index
    %get3A_202 = tpu.vector_load %arg5[%get3A_200, %get3A_201] {strides = array<i32>} : memref<22x64xf32, #tpu.memory_space<vmem>>, vector<1x16xf32>,
    %get3A_203 = vector.shape_cast %get3A_202 : vector<1x16xf32> to vector<16xf32>
    %gt3A_204 = arith.cmpf ogt, %get3A_203, %select_n3A_195 : vector<16xf32>
    %select_n3A_205 = arith.select %gt3A_204, %get3A_203, %select_n3A_195 : vector<16xi1>, vector<16xf32>
    %broadcast_in_dim3A_206 = arith.constant 16 : i32
    %broadcast_in_dim3A_207 = vector.broadcast %broadcast_in_dim3A_206 : i32 to vector<16xi32>
    %select_n3A_208 = arith.select %gt3A_204, %broadcast_in_dim3A_207, %select_n3A_198 : vector<16xi1>, vector<16xi32>
    %get3A_209 = arith.constant 17 : i32
    %get3A_210 = arith.index_cast %get3A_209 : i32 to index
    %get3A_211 = arith.constant 0 : index
    %get3A_212 = tpu.vector_load %arg5[%get3A_210, %get3A_211] {strides = array<i32>} : memref<22x64xf32, #tpu.memory_space<vmem>>, vector<1x16xf32>,
    %get3A_213 = vector.shape_cast %get3A_212 : vector<1x16xf32> to vector<16xf32>
    %gt3A_214 = arith.cmpf ogt, %get3A_213, %select_n3A_205 : vector<16xf32>
    %select_n3A_215 = arith.select %gt3A_214, %get3A_213, %select_n3A_205 : vector<16xi1>, vector<16xf32>
    %broadcast_in_dim3A_216 = arith.constant 17 : i32
    %broadcast_in_dim3A_217 = vector.broadcast %broadcast_in_dim3A_216 : i32 to vector<16xi32>
    %select_n3A_218 = arith.select %gt3A_214, %broadcast_in_dim3A_217, %select_n3A_208 : vector<16xi1>, vector<16xi32>
    %get3A_219 = arith.constant 18 : i32
    %get3A_220 = arith.index_cast %get3A_219 : i32 to index
    %get3A_221 = arith.constant 0 : index
    %get3A_222 = tpu.vector_load %arg5[%get3A_220, %get3A_221] {strides = array<i32>} : memref<22x64xf32, #tpu.memory_space<vmem>>, vector<1x16xf32>,
    %get3A_223 = vector.shape_cast %get3A_222 : vector<1x16xf32> to vector<16xf32>
    %gt3A_224 = arith.cmpf ogt, %get3A_223, %select_n3A_215 : vector<16xf32>
    %select_n3A_225 = arith.select %gt3A_224, %get3A_223, %select_n3A_215 : vector<16xi1>, vector<16xf32>
    %broadcast_in_dim3A_226 = arith.constant 18 : i32
    %broadcast_in_dim3A_227 = vector.broadcast %broadcast_in_dim3A_226 : i32 to vector<16xi32>
    %select_n3A_228 = arith.select %gt3A_224, %broadcast_in_dim3A_227, %select_n3A_218 : vector<16xi1>, vector<16xi32>
    %get3A_229 = arith.constant 19 : i32
    %get3A_230 = arith.index_cast %get3A_229 : i32 to index
    %get3A_231 = arith.constant 0 : index
    %get3A_232 = tpu.vector_load %arg5[%get3A_230, %get3A_231] {strides = array<i32>} : memref<22x64xf32, #tpu.memory_space<vmem>>, vector<1x16xf32>,
    %get3A_233 = vector.shape_cast %get3A_232 : vector<1x16xf32> to vector<16xf32>
    %gt3A_234 = arith.cmpf ogt, %get3A_233, %select_n3A_225 : vector<16xf32>
    %select_n3A_235 = arith.select %gt3A_234, %get3A_233, %select_n3A_225 : vector<16xi1>, vector<16xf32>
    %broadcast_in_dim3A_236 = arith.constant 19 : i32
    %broadcast_in_dim3A_237 = vector.broadcast %broadcast_in_dim3A_236 : i32 to vector<16xi32>
    %select_n3A_238 = arith.select %gt3A_234, %broadcast_in_dim3A_237, %select_n3A_228 : vector<16xi1>, vector<16xi32>
    %get3A_239 = arith.constant 20 : i32
    %get3A_240 = arith.index_cast %get3A_239 : i32 to index
    %get3A_241 = arith.constant 0 : index
    %get3A_242 = tpu.vector_load %arg5[%get3A_240, %get3A_241] {strides = array<i32>} : memref<22x64xf32, #tpu.memory_space<vmem>>, vector<1x16xf32>,
    %get3A_243 = vector.shape_cast %get3A_242 : vector<1x16xf32> to vector<16xf32>
    %gt3A_244 = arith.cmpf ogt, %get3A_243, %select_n3A_235 : vector<16xf32>
    %select_n3A_245 = arith.select %gt3A_244, %get3A_243, %select_n3A_235 : vector<16xi1>, vector<16xf32>
    %broadcast_in_dim3A_246 = arith.constant 20 : i32
    %broadcast_in_dim3A_247 = vector.broadcast %broadcast_in_dim3A_246 : i32 to vector<16xi32>
    %select_n3A_248 = arith.select %gt3A_244, %broadcast_in_dim3A_247, %select_n3A_238 : vector<16xi1>, vector<16xi32>
    %get3A_249 = arith.constant 21 : i32
    %get3A_250 = arith.index_cast %get3A_249 : i32 to index
    %get3A_251 = arith.constant 0 : index
    %get3A_252 = tpu.vector_load %arg5[%get3A_250, %get3A_251] {strides = array<i32>} : memref<22x64xf32, #tpu.memory_space<vmem>>, vector<1x16xf32>,
    %get3A_253 = vector.shape_cast %get3A_252 : vector<1x16xf32> to vector<16xf32>
    %gt3A_254 = arith.cmpf ogt, %get3A_253, %select_n3A_245 : vector<16xf32>
    %select_n3A_255 = arith.select %gt3A_254, %get3A_253, %select_n3A_245 : vector<16xi1>, vector<16xf32>
    %broadcast_in_dim3A_256 = arith.constant 21 : i32
    %broadcast_in_dim3A_257 = vector.broadcast %broadcast_in_dim3A_256 : i32 to vector<16xi32>
    %select_n3A_258 = arith.select %gt3A_254, %broadcast_in_dim3A_257, %select_n3A_248 : vector<16xi1>, vector<16xi32>
    %broadcast_in_dim3A_259 = arith.constant 0.000000e+00 : f32
    %broadcast_in_dim3A_260 = vector.broadcast %broadcast_in_dim3A_259 : f32 to vector<16xf32>
    %get3A_261 = arith.constant 0 : i32
    %get3A_262 = arith.index_cast %get3A_261 : i32 to index
    %get3A_263 = arith.constant 0 : index
    %get3A_264 = tpu.vector_load %arg5[%get3A_262, %get3A_263] {strides = array<i32>} : memref<22x64xf32, #tpu.memory_space<vmem>>, vector<1x16xf32>,
    %get3A_265 = vector.shape_cast %get3A_264 : vector<1x16xf32> to vector<16xf32>
    %sub3A = arith.subf %get3A_265, %select_n3A_255 : vector<16xf32>
    %exp3A = math.exp %sub3A : vector<16xf32>
    %add3A_266 = arith.addf %broadcast_in_dim3A_260, %exp3A : vector<16xf32>
    %get3A_267 = arith.constant 1 : i32
    %get3A_268 = arith.index_cast %get3A_267 : i32 to index
    %get3A_269 = arith.constant 0 : index
    %get3A_270 = tpu.vector_load %arg5[%get3A_268, %get3A_269] {strides = array<i32>} : memref<22x64xf32, #tpu.memory_space<vmem>>, vector<1x16xf32>,
    %get3A_271 = vector.shape_cast %get3A_270 : vector<1x16xf32> to vector<16xf32>
    %sub3A_272 = arith.subf %get3A_271, %select_n3A_255 : vector<16xf32>
    %exp3A_273 = math.exp %sub3A_272 : vector<16xf32>
    %add3A_274 = arith.addf %add3A_266, %exp3A_273 : vector<16xf32>
    %get3A_275 = arith.constant 2 : i32
    %get3A_276 = arith.index_cast %get3A_275 : i32 to index
    %get3A_277 = arith.constant 0 : index
    %get3A_278 = tpu.vector_load %arg5[%get3A_276, %get3A_277] {strides = array<i32>} : memref<22x64xf32, #tpu.memory_space<vmem>>, vector<1x16xf32>,
    %get3A_279 = vector.shape_cast %get3A_278 : vector<1x16xf32> to vector<16xf32>
    %sub3A_280 = arith.subf %get3A_279, %select_n3A_255 : vector<16xf32>
    %exp3A_281 = math.exp %sub3A_280 : vector<16xf32>
    %add3A_282 = arith.addf %add3A_274, %exp3A_281 : vector<16xf32>
    %get3A_283 = arith.constant 3 : i32
    %get3A_284 = arith.index_cast %get3A_283 : i32 to index
    %get3A_285 = arith.constant 0 : index
    %get3A_286 = tpu.vector_load %arg5[%get3A_284, %get3A_285] {strides = array<i32>} : memref<22x64xf32, #tpu.memory_space<vmem>>, vector<1x16xf32>,
    %get3A_287 = vector.shape_cast %get3A_286 : vector<1x16xf32> to vector<16xf32>
    %sub3A_288 = arith.subf %get3A_287, %select_n3A_255 : vector<16xf32>
    %exp3A_289 = math.exp %sub3A_288 : vector<16xf32>
    %add3A_290 = arith.addf %add3A_282, %exp3A_289 : vector<16xf32>
    %get3A_291 = arith.constant 4 : i32
    %get3A_292 = arith.index_cast %get3A_291 : i32 to index
    %get3A_293 = arith.constant 0 : index
    %get3A_294 = tpu.vector_load %arg5[%get3A_292, %get3A_293] {strides = array<i32>} : memref<22x64xf32, #tpu.memory_space<vmem>>, vector<1x16xf32>,
    %get3A_295 = vector.shape_cast %get3A_294 : vector<1x16xf32> to vector<16xf32>
    %sub3A_296 = arith.subf %get3A_295, %select_n3A_255 : vector<16xf32>
    %exp3A_297 = math.exp %sub3A_296 : vector<16xf32>
    %add3A_298 = arith.addf %add3A_290, %exp3A_297 : vector<16xf32>
    %get3A_299 = arith.constant 5 : i32
    %get3A_300 = arith.index_cast %get3A_299 : i32 to index
    %get3A_301 = arith.constant 0 : index
    %get3A_302 = tpu.vector_load %arg5[%get3A_300, %get3A_301] {strides = array<i32>} : memref<22x64xf32, #tpu.memory_space<vmem>>, vector<1x16xf32>,
    %get3A_303 = vector.shape_cast %get3A_302 : vector<1x16xf32> to vector<16xf32>
    %sub3A_304 = arith.subf %get3A_303, %select_n3A_255 : vector<16xf32>
    %exp3A_305 = math.exp %sub3A_304 : vector<16xf32>
    %add3A_306 = arith.addf %add3A_298, %exp3A_305 : vector<16xf32>
    %get3A_307 = arith.constant 6 : i32
    %get3A_308 = arith.index_cast %get3A_307 : i32 to index
    %get3A_309 = arith.constant 0 : index
    %get3A_310 = tpu.vector_load %arg5[%get3A_308, %get3A_309] {strides = array<i32>} : memref<22x64xf32, #tpu.memory_space<vmem>>, vector<1x16xf32>,
    %get3A_311 = vector.shape_cast %get3A_310 : vector<1x16xf32> to vector<16xf32>
    %sub3A_312 = arith.subf %get3A_311, %select_n3A_255 : vector<16xf32>
    %exp3A_313 = math.exp %sub3A_312 : vector<16xf32>
    %add3A_314 = arith.addf %add3A_306, %exp3A_313 : vector<16xf32>
    %get3A_315 = arith.constant 7 : i32
    %get3A_316 = arith.index_cast %get3A_315 : i32 to index
    %get3A_317 = arith.constant 0 : index
    %get3A_318 = tpu.vector_load %arg5[%get3A_316, %get3A_317] {strides = array<i32>} : memref<22x64xf32, #tpu.memory_space<vmem>>, vector<1x16xf32>,
    %get3A_319 = vector.shape_cast %get3A_318 : vector<1x16xf32> to vector<16xf32>
    %sub3A_320 = arith.subf %get3A_319, %select_n3A_255 : vector<16xf32>
    %exp3A_321 = math.exp %sub3A_320 : vector<16xf32>
    %add3A_322 = arith.addf %add3A_314, %exp3A_321 : vector<16xf32>
    %get3A_323 = arith.constant 8 : i32
    %get3A_324 = arith.index_cast %get3A_323 : i32 to index
    %get3A_325 = arith.constant 0 : index
    %get3A_326 = tpu.vector_load %arg5[%get3A_324, %get3A_325] {strides = array<i32>} : memref<22x64xf32, #tpu.memory_space<vmem>>, vector<1x16xf32>,
    %get3A_327 = vector.shape_cast %get3A_326 : vector<1x16xf32> to vector<16xf32>
    %sub3A_328 = arith.subf %get3A_327, %select_n3A_255 : vector<16xf32>
    %exp3A_329 = math.exp %sub3A_328 : vector<16xf32>
    %add3A_330 = arith.addf %add3A_322, %exp3A_329 : vector<16xf32>
    %get3A_331 = arith.constant 9 : i32
    %get3A_332 = arith.index_cast %get3A_331 : i32 to index
    %get3A_333 = arith.constant 0 : index
    %get3A_334 = tpu.vector_load %arg5[%get3A_332, %get3A_333] {strides = array<i32>} : memref<22x64xf32, #tpu.memory_space<vmem>>, vector<1x16xf32>,
    %get3A_335 = vector.shape_cast %get3A_334 : vector<1x16xf32> to vector<16xf32>
    %sub3A_336 = arith.subf %get3A_335, %select_n3A_255 : vector<16xf32>
    %exp3A_337 = math.exp %sub3A_336 : vector<16xf32>
    %add3A_338 = arith.addf %add3A_330, %exp3A_337 : vector<16xf32>
    %get3A_339 = arith.constant 10 : i32
    %get3A_340 = arith.index_cast %get3A_339 : i32 to index
    %get3A_341 = arith.constant 0 : index
    %get3A_342 = tpu.vector_load %arg5[%get3A_340, %get3A_341] {strides = array<i32>} : memref<22x64xf32, #tpu.memory_space<vmem>>, vector<1x16xf32>,
    %get3A_343 = vector.shape_cast %get3A_342 : vector<1x16xf32> to vector<16xf32>
    %sub3A_344 = arith.subf %get3A_343, %select_n3A_255 : vector<16xf32>
    %exp3A_345 = math.exp %sub3A_344 : vector<16xf32>
    %add3A_346 = arith.addf %add3A_338, %exp3A_345 : vector<16xf32>
    %get3A_347 = arith.constant 11 : i32
    %get3A_348 = arith.index_cast %get3A_347 : i32 to index
    %get3A_349 = arith.constant 0 : index
    %get3A_350 = tpu.vector_load %arg5[%get3A_348, %get3A_349] {strides = array<i32>} : memref<22x64xf32, #tpu.memory_space<vmem>>, vector<1x16xf32>,
    %get3A_351 = vector.shape_cast %get3A_350 : vector<1x16xf32> to vector<16xf32>
    %sub3A_352 = arith.subf %get3A_351, %select_n3A_255 : vector<16xf32>
    %exp3A_353 = math.exp %sub3A_352 : vector<16xf32>
    %add3A_354 = arith.addf %add3A_346, %exp3A_353 : vector<16xf32>
    %get3A_355 = arith.constant 12 : i32
    %get3A_356 = arith.index_cast %get3A_355 : i32 to index
    %get3A_357 = arith.constant 0 : index
    %get3A_358 = tpu.vector_load %arg5[%get3A_356, %get3A_357] {strides = array<i32>} : memref<22x64xf32, #tpu.memory_space<vmem>>, vector<1x16xf32>,
    %get3A_359 = vector.shape_cast %get3A_358 : vector<1x16xf32> to vector<16xf32>
    %sub3A_360 = arith.subf %get3A_359, %select_n3A_255 : vector<16xf32>
    %exp3A_361 = math.exp %sub3A_360 : vector<16xf32>
    %add3A_362 = arith.addf %add3A_354, %exp3A_361 : vector<16xf32>
    %get3A_363 = arith.constant 13 : i32
    %get3A_364 = arith.index_cast %get3A_363 : i32 to index
    %get3A_365 = arith.constant 0 : index
    %get3A_366 = tpu.vector_load %arg5[%get3A_364, %get3A_365] {strides = array<i32>} : memref<22x64xf32, #tpu.memory_space<vmem>>, vector<1x16xf32>,
    %get3A_367 = vector.shape_cast %get3A_366 : vector<1x16xf32> to vector<16xf32>
    %sub3A_368 = arith.subf %get3A_367, %select_n3A_255 : vector<16xf32>
    %exp3A_369 = math.exp %sub3A_368 : vector<16xf32>
    %add3A_370 = arith.addf %add3A_362, %exp3A_369 : vector<16xf32>
    %get3A_371 = arith.constant 14 : i32
    %get3A_372 = arith.index_cast %get3A_371 : i32 to index
    %get3A_373 = arith.constant 0 : index
    %get3A_374 = tpu.vector_load %arg5[%get3A_372, %get3A_373] {strides = array<i32>} : memref<22x64xf32, #tpu.memory_space<vmem>>, vector<1x16xf32>,
    %get3A_375 = vector.shape_cast %get3A_374 : vector<1x16xf32> to vector<16xf32>
    %sub3A_376 = arith.subf %get3A_375, %select_n3A_255 : vector<16xf32>
    %exp3A_377 = math.exp %sub3A_376 : vector<16xf32>
    %add3A_378 = arith.addf %add3A_370, %exp3A_377 : vector<16xf32>
    %get3A_379 = arith.constant 15 : i32
    %get3A_380 = arith.index_cast %get3A_379 : i32 to index
    %get3A_381 = arith.constant 0 : index
    %get3A_382 = tpu.vector_load %arg5[%get3A_380, %get3A_381] {strides = array<i32>} : memref<22x64xf32, #tpu.memory_space<vmem>>, vector<1x16xf32>,
    %get3A_383 = vector.shape_cast %get3A_382 : vector<1x16xf32> to vector<16xf32>
    %sub3A_384 = arith.subf %get3A_383, %select_n3A_255 : vector<16xf32>
    %exp3A_385 = math.exp %sub3A_384 : vector<16xf32>
    %add3A_386 = arith.addf %add3A_378, %exp3A_385 : vector<16xf32>
    %get3A_387 = arith.constant 16 : i32
    %get3A_388 = arith.index_cast %get3A_387 : i32 to index
    %get3A_389 = arith.constant 0 : index
    %get3A_390 = tpu.vector_load %arg5[%get3A_388, %get3A_389] {strides = array<i32>} : memref<22x64xf32, #tpu.memory_space<vmem>>, vector<1x16xf32>,
    %get3A_391 = vector.shape_cast %get3A_390 : vector<1x16xf32> to vector<16xf32>
    %sub3A_392 = arith.subf %get3A_391, %select_n3A_255 : vector<16xf32>
    %exp3A_393 = math.exp %sub3A_392 : vector<16xf32>
    %add3A_394 = arith.addf %add3A_386, %exp3A_393 : vector<16xf32>
    %get3A_395 = arith.constant 17 : i32
    %get3A_396 = arith.index_cast %get3A_395 : i32 to index
    %get3A_397 = arith.constant 0 : index
    %get3A_398 = tpu.vector_load %arg5[%get3A_396, %get3A_397] {strides = array<i32>} : memref<22x64xf32, #tpu.memory_space<vmem>>, vector<1x16xf32>,
    %get3A_399 = vector.shape_cast %get3A_398 : vector<1x16xf32> to vector<16xf32>
    %sub3A_400 = arith.subf %get3A_399, %select_n3A_255 : vector<16xf32>
    %exp3A_401 = math.exp %sub3A_400 : vector<16xf32>
    %add3A_402 = arith.addf %add3A_394, %exp3A_401 : vector<16xf32>
    %get3A_403 = arith.constant 18 : i32
    %get3A_404 = arith.index_cast %get3A_403 : i32 to index
    %get3A_405 = arith.constant 0 : index
    %get3A_406 = tpu.vector_load %arg5[%get3A_404, %get3A_405] {strides = array<i32>} : memref<22x64xf32, #tpu.memory_space<vmem>>, vector<1x16xf32>,
    %get3A_407 = vector.shape_cast %get3A_406 : vector<1x16xf32> to vector<16xf32>
    %sub3A_408 = arith.subf %get3A_407, %select_n3A_255 : vector<16xf32>
    %exp3A_409 = math.exp %sub3A_408 : vector<16xf32>
    %add3A_410 = arith.addf %add3A_402, %exp3A_409 : vector<16xf32>
    %get3A_411 = arith.constant 19 : i32
    %get3A_412 = arith.index_cast %get3A_411 : i32 to index
    %get3A_413 = arith.constant 0 : index
    %get3A_414 = tpu.vector_load %arg5[%get3A_412, %get3A_413] {strides = array<i32>} : memref<22x64xf32, #tpu.memory_space<vmem>>, vector<1x16xf32>,
    %get3A_415 = vector.shape_cast %get3A_414 : vector<1x16xf32> to vector<16xf32>
    %sub3A_416 = arith.subf %get3A_415, %select_n3A_255 : vector<16xf32>
    %exp3A_417 = math.exp %sub3A_416 : vector<16xf32>
    %add3A_418 = arith.addf %add3A_410, %exp3A_417 : vector<16xf32>
    %get3A_419 = arith.constant 20 : i32
    %get3A_420 = arith.index_cast %get3A_419 : i32 to index
    %get3A_421 = arith.constant 0 : index
    %get3A_422 = tpu.vector_load %arg5[%get3A_420, %get3A_421] {strides = array<i32>} : memref<22x64xf32, #tpu.memory_space<vmem>>, vector<1x16xf32>,
    %get3A_423 = vector.shape_cast %get3A_422 : vector<1x16xf32> to vector<16xf32>
    %sub3A_424 = arith.subf %get3A_423, %select_n3A_255 : vector<16xf32>
    %exp3A_425 = math.exp %sub3A_424 : vector<16xf32>
    %add3A_426 = arith.addf %add3A_418, %exp3A_425 : vector<16xf32>
    %get3A_427 = arith.constant 21 : i32
    %get3A_428 = arith.index_cast %get3A_427 : i32 to index
    %get3A_429 = arith.constant 0 : index
    %get3A_430 = tpu.vector_load %arg5[%get3A_428, %get3A_429] {strides = array<i32>} : memref<22x64xf32, #tpu.memory_space<vmem>>, vector<1x16xf32>,
    %get3A_431 = vector.shape_cast %get3A_430 : vector<1x16xf32> to vector<16xf32>
    %sub3A_432 = arith.subf %get3A_431, %select_n3A_255 : vector<16xf32>
    %exp3A_433 = math.exp %sub3A_432 : vector<16xf32>
    %add3A_434 = arith.addf %add3A_426, %exp3A_433 : vector<16xf32>
    %div3A = arith.constant 1.000000e+00 : f32
    %div3A_435 = vector.broadcast %div3A : f32 to vector<16xf32>
    %div3A_436 = arith.divf %div3A_435, %add3A_434 : vector<16xf32>
    %add3A_437 = arith.constant 9.99999997E-7 : f32
    %add3A_438 = vector.broadcast %add3A_437 : f32 to vector<16xf32>
    %add3A_439 = arith.addf %div3A_436, %add3A_438 : vector<16xf32>
    %div3A_440 = arith.divf %div3A_436, %add3A_439 : vector<16xf32>
    %swap3A = arith.constant 0 : index
    %swap3A_441 = tpu.vector_load %arg6[%swap3A] {strides = array<i32>} : memref<64xf32, #tpu.memory_space<vmem>>, vector<16xf32>,
    %swap3A_442 = vector.shape_cast %swap3A_441 : vector<16xf32> to vector<16xf32>
    %swap3A_443 = vector.shape_cast %div3A_440 : vector<16xf32> to vector<16xf32>
    tpu.vector_store %arg6[%swap3A], %swap3A_443 {strides = array<i32>} : memref<64xf32, #tpu.memory_space<vmem>>, vector<16xf32>,
    %swap3A_444 = arith.constant 0 : index
    %swap3A_445 = tpu.vector_load %arg7[%swap3A_444] {strides = array<i32>} : memref<64xi32, #tpu.memory_space<vmem>>, vector<16xi32>,
    %swap3A_446 = vector.shape_cast %swap3A_445 : vector<16xi32> to vector<16xi32>
    %swap3A_447 = vector.shape_cast %select_n3A_258 : vector<16xi32> to vector<16xi32>
    tpu.vector_store %arg7[%swap3A_444], %swap3A_447 {strides = array<i32>} : memref<64xi32, #tpu.memory_space<vmem>>, vector<16xi32>,
    %get3A_448 = arith.constant 0 : i32
    %get3A_449 = arith.index_cast %get3A_448 : i32 to index
    %get3A_450 = arith.constant 16 : index
    %get3A_451 = tpu.vector_load %arg5[%get3A_449, %get3A_450] {strides = array<i32>} : memref<22x64xf32, #tpu.memory_space<vmem>>, vector<1x16xf32>,
    %get3A_452 = vector.shape_cast %get3A_451 : vector<1x16xf32> to vector<16xf32>
    %broadcast_in_dim3A_453 = arith.constant 0 : i32
    %broadcast_in_dim3A_454 = vector.broadcast %broadcast_in_dim3A_453 : i32 to vector<16xi32>
    %get3A_455 = arith.constant 1 : i32
    %get3A_456 = arith.index_cast %get3A_455 : i32 to index
    %get3A_457 = arith.constant 16 : index
    %get3A_458 = tpu.vector_load %arg5[%get3A_456, %get3A_457] {strides = array<i32>} : memref<22x64xf32, #tpu.memory_space<vmem>>, vector<1x16xf32>,
    %get3A_459 = vector.shape_cast %get3A_458 : vector<1x16xf32> to vector<16xf32>
    %gt3A_460 = arith.cmpf ogt, %get3A_459, %get3A_452 : vector<16xf32>
    %select_n3A_461 = arith.select %gt3A_460, %get3A_459, %get3A_452 : vector<16xi1>, vector<16xf32>
    %broadcast_in_dim3A_462 = arith.constant 1 : i32
    %broadcast_in_dim3A_463 = vector.broadcast %broadcast_in_dim3A_462 : i32 to vector<16xi32>
    %select_n3A_464 = arith.select %gt3A_460, %broadcast_in_dim3A_463, %broadcast_in_dim3A_454 : vector<16xi1>, vector<16xi32>
    %get3A_465 = arith.constant 2 : i32
    %get3A_466 = arith.index_cast %get3A_465 : i32 to index
    %get3A_467 = arith.constant 16 : index
    %get3A_468 = tpu.vector_load %arg5[%get3A_466, %get3A_467] {strides = array<i32>} : memref<22x64xf32, #tpu.memory_space<vmem>>, vector<1x16xf32>,
    %get3A_469 = vector.shape_cast %get3A_468 : vector<1x16xf32> to vector<16xf32>
    %gt3A_470 = arith.cmpf ogt, %get3A_469, %select_n3A_461 : vector<16xf32>
    %select_n3A_471 = arith.select %gt3A_470, %get3A_469, %select_n3A_461 : vector<16xi1>, vector<16xf32>
    %broadcast_in_dim3A_472 = arith.constant 2 : i32
    %broadcast_in_dim3A_473 = vector.broadcast %broadcast_in_dim3A_472 : i32 to vector<16xi32>
    %select_n3A_474 = arith.select %gt3A_470, %broadcast_in_dim3A_473, %select_n3A_464 : vector<16xi1>, vector<16xi32>
    %get3A_475 = arith.constant 3 : i32
    %get3A_476 = arith.index_cast %get3A_475 : i32 to index
    %get3A_477 = arith.constant 16 : index
    %get3A_478 = tpu.vector_load %arg5[%get3A_476, %get3A_477] {strides = array<i32>} : memref<22x64xf32, #tpu.memory_space<vmem>>, vector<1x16xf32>,
    %get3A_479 = vector.shape_cast %get3A_478 : vector<1x16xf32> to vector<16xf32>
    %gt3A_480 = arith.cmpf ogt, %get3A_479, %select_n3A_471 : vector<16xf32>
    %select_n3A_481 = arith.select %gt3A_480, %get3A_479, %select_n3A_471 : vector<16xi1>, vector<16xf32>
    %broadcast_in_dim3A_482 = arith.constant 3 : i32
    %broadcast_in_dim3A_483 = vector.broadcast %broadcast_in_dim3A_482 : i32 to vector<16xi32>
    %select_n3A_484 = arith.select %gt3A_480, %broadcast_in_dim3A_483, %select_n3A_474 : vector<16xi1>, vector<16xi32>
    %get3A_485 = arith.constant 4 : i32
    %get3A_486 = arith.index_cast %get3A_485 : i32 to index
    %get3A_487 = arith.constant 16 : index
    %get3A_488 = tpu.vector_load %arg5[%get3A_486, %get3A_487] {strides = array<i32>} : memref<22x64xf32, #tpu.memory_space<vmem>>, vector<1x16xf32>,
    %get3A_489 = vector.shape_cast %get3A_488 : vector<1x16xf32> to vector<16xf32>
    %gt3A_490 = arith.cmpf ogt, %get3A_489, %select_n3A_481 : vector<16xf32>
    %select_n3A_491 = arith.select %gt3A_490, %get3A_489, %select_n3A_481 : vector<16xi1>, vector<16xf32>
    %broadcast_in_dim3A_492 = arith.constant 4 : i32
    %broadcast_in_dim3A_493 = vector.broadcast %broadcast_in_dim3A_492 : i32 to vector<16xi32>
    %select_n3A_494 = arith.select %gt3A_490, %broadcast_in_dim3A_493, %select_n3A_484 : vector<16xi1>, vector<16xi32>
    %get3A_495 = arith.constant 5 : i32
    %get3A_496 = arith.index_cast %get3A_495 : i32 to index
    %get3A_497 = arith.constant 16 : index
    %get3A_498 = tpu.vector_load %arg5[%get3A_496, %get3A_497] {strides = array<i32>} : memref<22x64xf32, #tpu.memory_space<vmem>>, vector<1x16xf32>,
    %get3A_499 = vector.shape_cast %get3A_498 : vector<1x16xf32> to vector<16xf32>
    %gt3A_500 = arith.cmpf ogt, %get3A_499, %select_n3A_491 : vector<16xf32>
    %select_n3A_501 = arith.select %gt3A_500, %get3A_499, %select_n3A_491 : vector<16xi1>, vector<16xf32>
    %broadcast_in_dim3A_502 = arith.constant 5 : i32
    %broadcast_in_dim3A_503 = vector.broadcast %broadcast_in_dim3A_502 : i32 to vector<16xi32>
    %select_n3A_504 = arith.select %gt3A_500, %broadcast_in_dim3A_503, %select_n3A_494 : vector<16xi1>, vector<16xi32>
    %get3A_505 = arith.constant 6 : i32
    %get3A_506 = arith.index_cast %get3A_505 : i32 to index
    %get3A_507 = arith.constant 16 : index
    %get3A_508 = tpu.vector_load %arg5[%get3A_506, %get3A_507] {strides = array<i32>} : memref<22x64xf32, #tpu.memory_space<vmem>>, vector<1x16xf32>,
    %get3A_509 = vector.shape_cast %get3A_508 : vector<1x16xf32> to vector<16xf32>
    %gt3A_510 = arith.cmpf ogt, %get3A_509, %select_n3A_501 : vector<16xf32>
    %select_n3A_511 = arith.select %gt3A_510, %get3A_509, %select_n3A_501 : vector<16xi1>, vector<16xf32>
    %broadcast_in_dim3A_512 = arith.constant 6 : i32
    %broadcast_in_dim3A_513 = vector.broadcast %broadcast_in_dim3A_512 : i32 to vector<16xi32>
    %select_n3A_514 = arith.select %gt3A_510, %broadcast_in_dim3A_513, %select_n3A_504 : vector<16xi1>, vector<16xi32>
    %get3A_515 = arith.constant 7 : i32
    %get3A_516 = arith.index_cast %get3A_515 : i32 to index
    %get3A_517 = arith.constant 16 : index
    %get3A_518 = tpu.vector_load %arg5[%get3A_516, %get3A_517] {strides = array<i32>} : memref<22x64xf32, #tpu.memory_space<vmem>>, vector<1x16xf32>,
    %get3A_519 = vector.shape_cast %get3A_518 : vector<1x16xf32> to vector<16xf32>
    %gt3A_520 = arith.cmpf ogt, %get3A_519, %select_n3A_511 : vector<16xf32>
    %select_n3A_521 = arith.select %gt3A_520, %get3A_519, %select_n3A_511 : vector<16xi1>, vector<16xf32>
    %broadcast_in_dim3A_522 = arith.constant 7 : i32
    %broadcast_in_dim3A_523 = vector.broadcast %broadcast_in_dim3A_522 : i32 to vector<16xi32>
    %select_n3A_524 = arith.select %gt3A_520, %broadcast_in_dim3A_523, %select_n3A_514 : vector<16xi1>, vector<16xi32>
    %get3A_525 = arith.constant 8 : i32
    %get3A_526 = arith.index_cast %get3A_525 : i32 to index
    %get3A_527 = arith.constant 16 : index
    %get3A_528 = tpu.vector_load %arg5[%get3A_526, %get3A_527] {strides = array<i32>} : memref<22x64xf32, #tpu.memory_space<vmem>>, vector<1x16xf32>,
    %get3A_529 = vector.shape_cast %get3A_528 : vector<1x16xf32> to vector<16xf32>
    %gt3A_530 = arith.cmpf ogt, %get3A_529, %select_n3A_521 : vector<16xf32>
    %select_n3A_531 = arith.select %gt3A_530, %get3A_529, %select_n3A_521 : vector<16xi1>, vector<16xf32>
    %broadcast_in_dim3A_532 = arith.constant 8 : i32
    %broadcast_in_dim3A_533 = vector.broadcast %broadcast_in_dim3A_532 : i32 to vector<16xi32>
    %select_n3A_534 = arith.select %gt3A_530, %broadcast_in_dim3A_533, %select_n3A_524 : vector<16xi1>, vector<16xi32>
    %get3A_535 = arith.constant 9 : i32
    %get3A_536 = arith.index_cast %get3A_535 : i32 to index
    %get3A_537 = arith.constant 16 : index
    %get3A_538 = tpu.vector_load %arg5[%get3A_536, %get3A_537] {strides = array<i32>} : memref<22x64xf32, #tpu.memory_space<vmem>>, vector<1x16xf32>,
    %get3A_539 = vector.shape_cast %get3A_538 : vector<1x16xf32> to vector<16xf32>
    %gt3A_540 = arith.cmpf ogt, %get3A_539, %select_n3A_531 : vector<16xf32>
    %select_n3A_541 = arith.select %gt3A_540, %get3A_539, %select_n3A_531 : vector<16xi1>, vector<16xf32>
    %broadcast_in_dim3A_542 = arith.constant 9 : i32
    %broadcast_in_dim3A_543 = vector.broadcast %broadcast_in_dim3A_542 : i32 to vector<16xi32>
    %select_n3A_544 = arith.select %gt3A_540, %broadcast_in_dim3A_543, %select_n3A_534 : vector<16xi1>, vector<16xi32>
    %get3A_545 = arith.constant 10 : i32
    %get3A_546 = arith.index_cast %get3A_545 : i32 to index
    %get3A_547 = arith.constant 16 : index
    %get3A_548 = tpu.vector_load %arg5[%get3A_546, %get3A_547] {strides = array<i32>} : memref<22x64xf32, #tpu.memory_space<vmem>>, vector<1x16xf32>,
    %get3A_549 = vector.shape_cast %get3A_548 : vector<1x16xf32> to vector<16xf32>
    %gt3A_550 = arith.cmpf ogt, %get3A_549, %select_n3A_541 : vector<16xf32>
    %select_n3A_551 = arith.select %gt3A_550, %get3A_549, %select_n3A_541 : vector<16xi1>, vector<16xf32>
    %broadcast_in_dim3A_552 = arith.constant 10 : i32
    %broadcast_in_dim3A_553 = vector.broadcast %broadcast_in_dim3A_552 : i32 to vector<16xi32>
    %select_n3A_554 = arith.select %gt3A_550, %broadcast_in_dim3A_553, %select_n3A_544 : vector<16xi1>, vector<16xi32>
    %get3A_555 = arith.constant 11 : i32
    %get3A_556 = arith.index_cast %get3A_555 : i32 to index
    %get3A_557 = arith.constant 16 : index
    %get3A_558 = tpu.vector_load %arg5[%get3A_556, %get3A_557] {strides = array<i32>} : memref<22x64xf32, #tpu.memory_space<vmem>>, vector<1x16xf32>,
    %get3A_559 = vector.shape_cast %get3A_558 : vector<1x16xf32> to vector<16xf32>
    %gt3A_560 = arith.cmpf ogt, %get3A_559, %select_n3A_551 : vector<16xf32>
    %select_n3A_561 = arith.select %gt3A_560, %get3A_559, %select_n3A_551 : vector<16xi1>, vector<16xf32>
    %broadcast_in_dim3A_562 = arith.constant 11 : i32
    %broadcast_in_dim3A_563 = vector.broadcast %broadcast_in_dim3A_562 : i32 to vector<16xi32>
    %select_n3A_564 = arith.select %gt3A_560, %broadcast_in_dim3A_563, %select_n3A_554 : vector<16xi1>, vector<16xi32>
    %get3A_565 = arith.constant 12 : i32
    %get3A_566 = arith.index_cast %get3A_565 : i32 to index
    %get3A_567 = arith.constant 16 : index
    %get3A_568 = tpu.vector_load %arg5[%get3A_566, %get3A_567] {strides = array<i32>} : memref<22x64xf32, #tpu.memory_space<vmem>>, vector<1x16xf32>,
    %get3A_569 = vector.shape_cast %get3A_568 : vector<1x16xf32> to vector<16xf32>
    %gt3A_570 = arith.cmpf ogt, %get3A_569, %select_n3A_561 : vector<16xf32>
    %select_n3A_571 = arith.select %gt3A_570, %get3A_569, %select_n3A_561 : vector<16xi1>, vector<16xf32>
    %broadcast_in_dim3A_572 = arith.constant 12 : i32
    %broadcast_in_dim3A_573 = vector.broadcast %broadcast_in_dim3A_572 : i32 to vector<16xi32>
    %select_n3A_574 = arith.select %gt3A_570, %broadcast_in_dim3A_573, %select_n3A_564 : vector<16xi1>, vector<16xi32>
    %get3A_575 = arith.constant 13 : i32
    %get3A_576 = arith.index_cast %get3A_575 : i32 to index
    %get3A_577 = arith.constant 16 : index
    %get3A_578 = tpu.vector_load %arg5[%get3A_576, %get3A_577] {strides = array<i32>} : memref<22x64xf32, #tpu.memory_space<vmem>>, vector<1x16xf32>,
    %get3A_579 = vector.shape_cast %get3A_578 : vector<1x16xf32> to vector<16xf32>
    %gt3A_580 = arith.cmpf ogt, %get3A_579, %select_n3A_571 : vector<16xf32>
    %select_n3A_581 = arith.select %gt3A_580, %get3A_579, %select_n3A_571 : vector<16xi1>, vector<16xf32>
    %broadcast_in_dim3A_582 = arith.constant 13 : i32
    %broadcast_in_dim3A_583 = vector.broadcast %broadcast_in_dim3A_582 : i32 to vector<16xi32>
    %select_n3A_584 = arith.select %gt3A_580, %broadcast_in_dim3A_583, %select_n3A_574 : vector<16xi1>, vector<16xi32>
    %get3A_585 = arith.constant 14 : i32
    %get3A_586 = arith.index_cast %get3A_585 : i32 to index
    %get3A_587 = arith.constant 16 : index
    %get3A_588 = tpu.vector_load %arg5[%get3A_586, %get3A_587] {strides = array<i32>} : memref<22x64xf32, #tpu.memory_space<vmem>>, vector<1x16xf32>,
    %get3A_589 = vector.shape_cast %get3A_588 : vector<1x16xf32> to vector<16xf32>
    %gt3A_590 = arith.cmpf ogt, %get3A_589, %select_n3A_581 : vector<16xf32>
    %select_n3A_591 = arith.select %gt3A_590, %get3A_589, %select_n3A_581 : vector<16xi1>, vector<16xf32>
    %broadcast_in_dim3A_592 = arith.constant 14 : i32
    %broadcast_in_dim3A_593 = vector.broadcast %broadcast_in_dim3A_592 : i32 to vector<16xi32>
    %select_n3A_594 = arith.select %gt3A_590, %broadcast_in_dim3A_593, %select_n3A_584 : vector<16xi1>, vector<16xi32>
    %get3A_595 = arith.constant 15 : i32
    %get3A_596 = arith.index_cast %get3A_595 : i32 to index
    %get3A_597 = arith.constant 16 : index
    %get3A_598 = tpu.vector_load %arg5[%get3A_596, %get3A_597] {strides = array<i32>} : memref<22x64xf32, #tpu.memory_space<vmem>>, vector<1x16xf32>,
    %get3A_599 = vector.shape_cast %get3A_598 : vector<1x16xf32> to vector<16xf32>
    %gt3A_600 = arith.cmpf ogt, %get3A_599, %select_n3A_591 : vector<16xf32>
    %select_n3A_601 = arith.select %gt3A_600, %get3A_599, %select_n3A_591 : vector<16xi1>, vector<16xf32>
    %broadcast_in_dim3A_602 = arith.constant 15 : i32
    %broadcast_in_dim3A_603 = vector.broadcast %broadcast_in_dim3A_602 : i32 to vector<16xi32>
    %select_n3A_604 = arith.select %gt3A_600, %broadcast_in_dim3A_603, %select_n3A_594 : vector<16xi1>, vector<16xi32>
    %get3A_605 = arith.constant 16 : i32
    %get3A_606 = arith.index_cast %get3A_605 : i32 to index
    %get3A_607 = arith.constant 16 : index
    %get3A_608 = tpu.vector_load %arg5[%get3A_606, %get3A_607] {strides = array<i32>} : memref<22x64xf32, #tpu.memory_space<vmem>>, vector<1x16xf32>,
    %get3A_609 = vector.shape_cast %get3A_608 : vector<1x16xf32> to vector<16xf32>
    %gt3A_610 = arith.cmpf ogt, %get3A_609, %select_n3A_601 : vector<16xf32>
    %select_n3A_611 = arith.select %gt3A_610, %get3A_609, %select_n3A_601 : vector<16xi1>, vector<16xf32>
    %broadcast_in_dim3A_612 = arith.constant 16 : i32
    %broadcast_in_dim3A_613 = vector.broadcast %broadcast_in_dim3A_612 : i32 to vector<16xi32>
    %select_n3A_614 = arith.select %gt3A_610, %broadcast_in_dim3A_613, %select_n3A_604 : vector<16xi1>, vector<16xi32>
    %get3A_615 = arith.constant 17 : i32
    %get3A_616 = arith.index_cast %get3A_615 : i32 to index
    %get3A_617 = arith.constant 16 : index
    %get3A_618 = tpu.vector_load %arg5[%get3A_616, %get3A_617] {strides = array<i32>} : memref<22x64xf32, #tpu.memory_space<vmem>>, vector<1x16xf32>,
    %get3A_619 = vector.shape_cast %get3A_618 : vector<1x16xf32> to vector<16xf32>
    %gt3A_620 = arith.cmpf ogt, %get3A_619, %select_n3A_611 : vector<16xf32>
    %select_n3A_621 = arith.select %gt3A_620, %get3A_619, %select_n3A_611 : vector<16xi1>, vector<16xf32>
    %broadcast_in_dim3A_622 = arith.constant 17 : i32
    %broadcast_in_dim3A_623 = vector.broadcast %broadcast_in_dim3A_622 : i32 to vector<16xi32>
    %select_n3A_624 = arith.select %gt3A_620, %broadcast_in_dim3A_623, %select_n3A_614 : vector<16xi1>, vector<16xi32>
    %get3A_625 = arith.constant 18 : i32
    %get3A_626 = arith.index_cast %get3A_625 : i32 to index
    %get3A_627 = arith.constant 16 : index
    %get3A_628 = tpu.vector_load %arg5[%get3A_626, %get3A_627] {strides = array<i32>} : memref<22x64xf32, #tpu.memory_space<vmem>>, vector<1x16xf32>,
    %get3A_629 = vector.shape_cast %get3A_628 : vector<1x16xf32> to vector<16xf32>
    %gt3A_630 = arith.cmpf ogt, %get3A_629, %select_n3A_621 : vector<16xf32>
    %select_n3A_631 = arith.select %gt3A_630, %get3A_629, %select_n3A_621 : vector<16xi1>, vector<16xf32>
    %broadcast_in_dim3A_632 = arith.constant 18 : i32
    %broadcast_in_dim3A_633 = vector.broadcast %broadcast_in_dim3A_632 : i32 to vector<16xi32>
    %select_n3A_634 = arith.select %gt3A_630, %broadcast_in_dim3A_633, %select_n3A_624 : vector<16xi1>, vector<16xi32>
    %get3A_635 = arith.constant 19 : i32
    %get3A_636 = arith.index_cast %get3A_635 : i32 to index
    %get3A_637 = arith.constant 16 : index
    %get3A_638 = tpu.vector_load %arg5[%get3A_636, %get3A_637] {strides = array<i32>} : memref<22x64xf32, #tpu.memory_space<vmem>>, vector<1x16xf32>,
    %get3A_639 = vector.shape_cast %get3A_638 : vector<1x16xf32> to vector<16xf32>
    %gt3A_640 = arith.cmpf ogt, %get3A_639, %select_n3A_631 : vector<16xf32>
    %select_n3A_641 = arith.select %gt3A_640, %get3A_639, %select_n3A_631 : vector<16xi1>, vector<16xf32>
    %broadcast_in_dim3A_642 = arith.constant 19 : i32
    %broadcast_in_dim3A_643 = vector.broadcast %broadcast_in_dim3A_642 : i32 to vector<16xi32>
    %select_n3A_644 = arith.select %gt3A_640, %broadcast_in_dim3A_643, %select_n3A_634 : vector<16xi1>, vector<16xi32>
    %get3A_645 = arith.constant 20 : i32
    %get3A_646 = arith.index_cast %get3A_645 : i32 to index
    %get3A_647 = arith.constant 16 : index
    %get3A_648 = tpu.vector_load %arg5[%get3A_646, %get3A_647] {strides = array<i32>} : memref<22x64xf32, #tpu.memory_space<vmem>>, vector<1x16xf32>,
    %get3A_649 = vector.shape_cast %get3A_648 : vector<1x16xf32> to vector<16xf32>
    %gt3A_650 = arith.cmpf ogt, %get3A_649, %select_n3A_641 : vector<16xf32>
    %select_n3A_651 = arith.select %gt3A_650, %get3A_649, %select_n3A_641 : vector<16xi1>, vector<16xf32>
    %broadcast_in_dim3A_652 = arith.constant 20 : i32
    %broadcast_in_dim3A_653 = vector.broadcast %broadcast_in_dim3A_652 : i32 to vector<16xi32>
    %select_n3A_654 = arith.select %gt3A_650, %broadcast_in_dim3A_653, %select_n3A_644 : vector<16xi1>, vector<16xi32>
    %get3A_655 = arith.constant 21 : i32
    %get3A_656 = arith.index_cast %get3A_655 : i32 to index
    %get3A_657 = arith.constant 16 : index
    %get3A_658 = tpu.vector_load %arg5[%get3A_656, %get3A_657] {strides = array<i32>} : memref<22x64xf32, #tpu.memory_space<vmem>>, vector<1x16xf32>,
    %get3A_659 = vector.shape_cast %get3A_658 : vector<1x16xf32> to vector<16xf32>
    %gt3A_660 = arith.cmpf ogt, %get3A_659, %select_n3A_651 : vector<16xf32>
    %select_n3A_661 = arith.select %gt3A_660, %get3A_659, %select_n3A_651 : vector<16xi1>, vector<16xf32>
    %broadcast_in_dim3A_662 = arith.constant 21 : i32
    %broadcast_in_dim3A_663 = vector.broadcast %broadcast_in_dim3A_662 : i32 to vector<16xi32>
    %select_n3A_664 = arith.select %gt3A_660, %broadcast_in_dim3A_663, %select_n3A_654 : vector<16xi1>, vector<16xi32>
    %broadcast_in_dim3A_665 = arith.constant 0.000000e+00 : f32
    %broadcast_in_dim3A_666 = vector.broadcast %broadcast_in_dim3A_665 : f32 to vector<16xf32>
    %get3A_667 = arith.constant 0 : i32
    %get3A_668 = arith.index_cast %get3A_667 : i32 to index
    %get3A_669 = arith.constant 16 : index
    %get3A_670 = tpu.vector_load %arg5[%get3A_668, %get3A_669] {strides = array<i32>} : memref<22x64xf32, #tpu.memory_space<vmem>>, vector<1x16xf32>,
    %get3A_671 = vector.shape_cast %get3A_670 : vector<1x16xf32> to vector<16xf32>
    %sub3A_672 = arith.subf %get3A_671, %select_n3A_661 : vector<16xf32>
    %exp3A_673 = math.exp %sub3A_672 : vector<16xf32>
    %add3A_674 = arith.addf %broadcast_in_dim3A_666, %exp3A_673 : vector<16xf32>
    %get3A_675 = arith.constant 1 : i32
    %get3A_676 = arith.index_cast %get3A_675 : i32 to index
    %get3A_677 = arith.constant 16 : index
    %get3A_678 = tpu.vector_load %arg5[%get3A_676, %get3A_677] {strides = array<i32>} : memref<22x64xf32, #tpu.memory_space<vmem>>, vector<1x16xf32>,
    %get3A_679 = vector.shape_cast %get3A_678 : vector<1x16xf32> to vector<16xf32>
    %sub3A_680 = arith.subf %get3A_679, %select_n3A_661 : vector<16xf32>
    %exp3A_681 = math.exp %sub3A_680 : vector<16xf32>
    %add3A_682 = arith.addf %add3A_674, %exp3A_681 : vector<16xf32>
    %get3A_683 = arith.constant 2 : i32
    %get3A_684 = arith.index_cast %get3A_683 : i32 to index
    %get3A_685 = arith.constant 16 : index
    %get3A_686 = tpu.vector_load %arg5[%get3A_684, %get3A_685] {strides = array<i32>} : memref<22x64xf32, #tpu.memory_space<vmem>>, vector<1x16xf32>,
    %get3A_687 = vector.shape_cast %get3A_686 : vector<1x16xf32> to vector<16xf32>
    %sub3A_688 = arith.subf %get3A_687, %select_n3A_661 : vector<16xf32>
    %exp3A_689 = math.exp %sub3A_688 : vector<16xf32>
    %add3A_690 = arith.addf %add3A_682, %exp3A_689 : vector<16xf32>
    %get3A_691 = arith.constant 3 : i32
    %get3A_692 = arith.index_cast %get3A_691 : i32 to index
    %get3A_693 = arith.constant 16 : index
    %get3A_694 = tpu.vector_load %arg5[%get3A_692, %get3A_693] {strides = array<i32>} : memref<22x64xf32, #tpu.memory_space<vmem>>, vector<1x16xf32>,
    %get3A_695 = vector.shape_cast %get3A_694 : vector<1x16xf32> to vector<16xf32>
    %sub3A_696 = arith.subf %get3A_695, %select_n3A_661 : vector<16xf32>
    %exp3A_697 = math.exp %sub3A_696 : vector<16xf32>
    %add3A_698 = arith.addf %add3A_690, %exp3A_697 : vector<16xf32>
    %get3A_699 = arith.constant 4 : i32
    %get3A_700 = arith.index_cast %get3A_699 : i32 to index
    %get3A_701 = arith.constant 16 : index
    %get3A_702 = tpu.vector_load %arg5[%get3A_700, %get3A_701] {strides = array<i32>} : memref<22x64xf32, #tpu.memory_space<vmem>>, vector<1x16xf32>,
    %get3A_703 = vector.shape_cast %get3A_702 : vector<1x16xf32> to vector<16xf32>
    %sub3A_704 = arith.subf %get3A_703, %select_n3A_661 : vector<16xf32>
    %exp3A_705 = math.exp %sub3A_704 : vector<16xf32>
    %add3A_706 = arith.addf %add3A_698, %exp3A_705 : vector<16xf32>
    %get3A_707 = arith.constant 5 : i32
    %get3A_708 = arith.index_cast %get3A_707 : i32 to index
    %get3A_709 = arith.constant 16 : index
    %get3A_710 = tpu.vector_load %arg5[%get3A_708, %get3A_709] {strides = array<i32>} : memref<22x64xf32, #tpu.memory_space<vmem>>, vector<1x16xf32>,
    %get3A_711 = vector.shape_cast %get3A_710 : vector<1x16xf32> to vector<16xf32>
    %sub3A_712 = arith.subf %get3A_711, %select_n3A_661 : vector<16xf32>
    %exp3A_713 = math.exp %sub3A_712 : vector<16xf32>
    %add3A_714 = arith.addf %add3A_706, %exp3A_713 : vector<16xf32>
    %get3A_715 = arith.constant 6 : i32
    %get3A_716 = arith.index_cast %get3A_715 : i32 to index
    %get3A_717 = arith.constant 16 : index
    %get3A_718 = tpu.vector_load %arg5[%get3A_716, %get3A_717] {strides = array<i32>} : memref<22x64xf32, #tpu.memory_space<vmem>>, vector<1x16xf32>,
    %get3A_719 = vector.shape_cast %get3A_718 : vector<1x16xf32> to vector<16xf32>
    %sub3A_720 = arith.subf %get3A_719, %select_n3A_661 : vector<16xf32>
    %exp3A_721 = math.exp %sub3A_720 : vector<16xf32>
    %add3A_722 = arith.addf %add3A_714, %exp3A_721 : vector<16xf32>
    %get3A_723 = arith.constant 7 : i32
    %get3A_724 = arith.index_cast %get3A_723 : i32 to index
    %get3A_725 = arith.constant 16 : index
    %get3A_726 = tpu.vector_load %arg5[%get3A_724, %get3A_725] {strides = array<i32>} : memref<22x64xf32, #tpu.memory_space<vmem>>, vector<1x16xf32>,
    %get3A_727 = vector.shape_cast %get3A_726 : vector<1x16xf32> to vector<16xf32>
    %sub3A_728 = arith.subf %get3A_727, %select_n3A_661 : vector<16xf32>
    %exp3A_729 = math.exp %sub3A_728 : vector<16xf32>
    %add3A_730 = arith.addf %add3A_722, %exp3A_729 : vector<16xf32>
    %get3A_731 = arith.constant 8 : i32
    %get3A_732 = arith.index_cast %get3A_731 : i32 to index
    %get3A_733 = arith.constant 16 : index
    %get3A_734 = tpu.vector_load %arg5[%get3A_732, %get3A_733] {strides = array<i32>} : memref<22x64xf32, #tpu.memory_space<vmem>>, vector<1x16xf32>,
    %get3A_735 = vector.shape_cast %get3A_734 : vector<1x16xf32> to vector<16xf32>
    %sub3A_736 = arith.subf %get3A_735, %select_n3A_661 : vector<16xf32>
    %exp3A_737 = math.exp %sub3A_736 : vector<16xf32>
    %add3A_738 = arith.addf %add3A_730, %exp3A_737 : vector<16xf32>
    %get3A_739 = arith.constant 9 : i32
    %get3A_740 = arith.index_cast %get3A_739 : i32 to index
    %get3A_741 = arith.constant 16 : index
    %get3A_742 = tpu.vector_load %arg5[%get3A_740, %get3A_741] {strides = array<i32>} : memref<22x64xf32, #tpu.memory_space<vmem>>, vector<1x16xf32>,
    %get3A_743 = vector.shape_cast %get3A_742 : vector<1x16xf32> to vector<16xf32>
    %sub3A_744 = arith.subf %get3A_743, %select_n3A_661 : vector<16xf32>
    %exp3A_745 = math.exp %sub3A_744 : vector<16xf32>
    %add3A_746 = arith.addf %add3A_738, %exp3A_745 : vector<16xf32>
    %get3A_747 = arith.constant 10 : i32
    %get3A_748 = arith.index_cast %get3A_747 : i32 to index
    %get3A_749 = arith.constant 16 : index
    %get3A_750 = tpu.vector_load %arg5[%get3A_748, %get3A_749] {strides = array<i32>} : memref<22x64xf32, #tpu.memory_space<vmem>>, vector<1x16xf32>,
    %get3A_751 = vector.shape_cast %get3A_750 : vector<1x16xf32> to vector<16xf32>
    %sub3A_752 = arith.subf %get3A_751, %select_n3A_661 : vector<16xf32>
    %exp3A_753 = math.exp %sub3A_752 : vector<16xf32>
    %add3A_754 = arith.addf %add3A_746, %exp3A_753 : vector<16xf32>
    %get3A_755 = arith.constant 11 : i32
    %get3A_756 = arith.index_cast %get3A_755 : i32 to index
    %get3A_757 = arith.constant 16 : index
    %get3A_758 = tpu.vector_load %arg5[%get3A_756, %get3A_757] {strides = array<i32>} : memref<22x64xf32, #tpu.memory_space<vmem>>, vector<1x16xf32>,
    %get3A_759 = vector.shape_cast %get3A_758 : vector<1x16xf32> to vector<16xf32>
    %sub3A_760 = arith.subf %get3A_759, %select_n3A_661 : vector<16xf32>
    %exp3A_761 = math.exp %sub3A_760 : vector<16xf32>
    %add3A_762 = arith.addf %add3A_754, %exp3A_761 : vector<16xf32>
    %get3A_763 = arith.constant 12 : i32
    %get3A_764 = arith.index_cast %get3A_763 : i32 to index
    %get3A_765 = arith.constant 16 : index
    %get3A_766 = tpu.vector_load %arg5[%get3A_764, %get3A_765] {strides = array<i32>} : memref<22x64xf32, #tpu.memory_space<vmem>>, vector<1x16xf32>,
    %get3A_767 = vector.shape_cast %get3A_766 : vector<1x16xf32> to vector<16xf32>
    %sub3A_768 = arith.subf %get3A_767, %select_n3A_661 : vector<16xf32>
    %exp3A_769 = math.exp %sub3A_768 : vector<16xf32>
    %add3A_770 = arith.addf %add3A_762, %exp3A_769 : vector<16xf32>
    %get3A_771 = arith.constant 13 : i32
    %get3A_772 = arith.index_cast %get3A_771 : i32 to index
    %get3A_773 = arith.constant 16 : index
    %get3A_774 = tpu.vector_load %arg5[%get3A_772, %get3A_773] {strides = array<i32>} : memref<22x64xf32, #tpu.memory_space<vmem>>, vector<1x16xf32>,
    %get3A_775 = vector.shape_cast %get3A_774 : vector<1x16xf32> to vector<16xf32>
    %sub3A_776 = arith.subf %get3A_775, %select_n3A_661 : vector<16xf32>
    %exp3A_777 = math.exp %sub3A_776 : vector<16xf32>
    %add3A_778 = arith.addf %add3A_770, %exp3A_777 : vector<16xf32>
    %get3A_779 = arith.constant 14 : i32
    %get3A_780 = arith.index_cast %get3A_779 : i32 to index
    %get3A_781 = arith.constant 16 : index
    %get3A_782 = tpu.vector_load %arg5[%get3A_780, %get3A_781] {strides = array<i32>} : memref<22x64xf32, #tpu.memory_space<vmem>>, vector<1x16xf32>,
    %get3A_783 = vector.shape_cast %get3A_782 : vector<1x16xf32> to vector<16xf32>
    %sub3A_784 = arith.subf %get3A_783, %select_n3A_661 : vector<16xf32>
    %exp3A_785 = math.exp %sub3A_784 : vector<16xf32>
    %add3A_786 = arith.addf %add3A_778, %exp3A_785 : vector<16xf32>
    %get3A_787 = arith.constant 15 : i32
    %get3A_788 = arith.index_cast %get3A_787 : i32 to index
    %get3A_789 = arith.constant 16 : index
    %get3A_790 = tpu.vector_load %arg5[%get3A_788, %get3A_789] {strides = array<i32>} : memref<22x64xf32, #tpu.memory_space<vmem>>, vector<1x16xf32>,
    %get3A_791 = vector.shape_cast %get3A_790 : vector<1x16xf32> to vector<16xf32>
    %sub3A_792 = arith.subf %get3A_791, %select_n3A_661 : vector<16xf32>
    %exp3A_793 = math.exp %sub3A_792 : vector<16xf32>
    %add3A_794 = arith.addf %add3A_786, %exp3A_793 : vector<16xf32>
    %get3A_795 = arith.constant 16 : i32
    %get3A_796 = arith.index_cast %get3A_795 : i32 to index
    %get3A_797 = arith.constant 16 : index
    %get3A_798 = tpu.vector_load %arg5[%get3A_796, %get3A_797] {strides = array<i32>} : memref<22x64xf32, #tpu.memory_space<vmem>>, vector<1x16xf32>,
    %get3A_799 = vector.shape_cast %get3A_798 : vector<1x16xf32> to vector<16xf32>
    %sub3A_800 = arith.subf %get3A_799, %select_n3A_661 : vector<16xf32>
    %exp3A_801 = math.exp %sub3A_800 : vector<16xf32>
    %add3A_802 = arith.addf %add3A_794, %exp3A_801 : vector<16xf32>
    %get3A_803 = arith.constant 17 : i32
    %get3A_804 = arith.index_cast %get3A_803 : i32 to index
    %get3A_805 = arith.constant 16 : index
    %get3A_806 = tpu.vector_load %arg5[%get3A_804, %get3A_805] {strides = array<i32>} : memref<22x64xf32, #tpu.memory_space<vmem>>, vector<1x16xf32>,
    %get3A_807 = vector.shape_cast %get3A_806 : vector<1x16xf32> to vector<16xf32>
    %sub3A_808 = arith.subf %get3A_807, %select_n3A_661 : vector<16xf32>
    %exp3A_809 = math.exp %sub3A_808 : vector<16xf32>
    %add3A_810 = arith.addf %add3A_802, %exp3A_809 : vector<16xf32>
    %get3A_811 = arith.constant 18 : i32
    %get3A_812 = arith.index_cast %get3A_811 : i32 to index
    %get3A_813 = arith.constant 16 : index
    %get3A_814 = tpu.vector_load %arg5[%get3A_812, %get3A_813] {strides = array<i32>} : memref<22x64xf32, #tpu.memory_space<vmem>>, vector<1x16xf32>,
    %get3A_815 = vector.shape_cast %get3A_814 : vector<1x16xf32> to vector<16xf32>
    %sub3A_816 = arith.subf %get3A_815, %select_n3A_661 : vector<16xf32>
    %exp3A_817 = math.exp %sub3A_816 : vector<16xf32>
    %add3A_818 = arith.addf %add3A_810, %exp3A_817 : vector<16xf32>
    %get3A_819 = arith.constant 19 : i32
    %get3A_820 = arith.index_cast %get3A_819 : i32 to index
    %get3A_821 = arith.constant 16 : index
    %get3A_822 = tpu.vector_load %arg5[%get3A_820, %get3A_821] {strides = array<i32>} : memref<22x64xf32, #tpu.memory_space<vmem>>, vector<1x16xf32>,
    %get3A_823 = vector.shape_cast %get3A_822 : vector<1x16xf32> to vector<16xf32>
    %sub3A_824 = arith.subf %get3A_823, %select_n3A_661 : vector<16xf32>
    %exp3A_825 = math.exp %sub3A_824 : vector<16xf32>
    %add3A_826 = arith.addf %add3A_818, %exp3A_825 : vector<16xf32>
    %get3A_827 = arith.constant 20 : i32
    %get3A_828 = arith.index_cast %get3A_827 : i32 to index
    %get3A_829 = arith.constant 16 : index
    %get3A_830 = tpu.vector_load %arg5[%get3A_828, %get3A_829] {strides = array<i32>} : memref<22x64xf32, #tpu.memory_space<vmem>>, vector<1x16xf32>,
    %get3A_831 = vector.shape_cast %get3A_830 : vector<1x16xf32> to vector<16xf32>
    %sub3A_832 = arith.subf %get3A_831, %select_n3A_661 : vector<16xf32>
    %exp3A_833 = math.exp %sub3A_832 : vector<16xf32>
    %add3A_834 = arith.addf %add3A_826, %exp3A_833 : vector<16xf32>
    %get3A_835 = arith.constant 21 : i32
    %get3A_836 = arith.index_cast %get3A_835 : i32 to index
    %get3A_837 = arith.constant 16 : index
    %get3A_838 = tpu.vector_load %arg5[%get3A_836, %get3A_837] {strides = array<i32>} : memref<22x64xf32, #tpu.memory_space<vmem>>, vector<1x16xf32>,
    %get3A_839 = vector.shape_cast %get3A_838 : vector<1x16xf32> to vector<16xf32>
    %sub3A_840 = arith.subf %get3A_839, %select_n3A_661 : vector<16xf32>
    %exp3A_841 = math.exp %sub3A_840 : vector<16xf32>
    %add3A_842 = arith.addf %add3A_834, %exp3A_841 : vector<16xf32>
    %div3A_843 = arith.constant 1.000000e+00 : f32
    %div3A_844 = vector.broadcast %div3A_843 : f32 to vector<16xf32>
    %div3A_845 = arith.divf %div3A_844, %add3A_842 : vector<16xf32>
    %add3A_846 = arith.constant 9.99999997E-7 : f32
    %add3A_847 = vector.broadcast %add3A_846 : f32 to vector<16xf32>
    %add3A_848 = arith.addf %div3A_845, %add3A_847 : vector<16xf32>
    %div3A_849 = arith.divf %div3A_845, %add3A_848 : vector<16xf32>
    %swap3A_850 = arith.constant 16 : index
    %swap3A_851 = tpu.vector_load %arg6[%swap3A_850] {strides = array<i32>} : memref<64xf32, #tpu.memory_space<vmem>>, vector<16xf32>,
    %swap3A_852 = vector.shape_cast %swap3A_851 : vector<16xf32> to vector<16xf32>
    %swap3A_853 = vector.shape_cast %div3A_849 : vector<16xf32> to vector<16xf32>
    tpu.vector_store %arg6[%swap3A_850], %swap3A_853 {strides = array<i32>} : memref<64xf32, #tpu.memory_space<vmem>>, vector<16xf32>,
    %swap3A_854 = arith.constant 16 : index
    %swap3A_855 = tpu.vector_load %arg7[%swap3A_854] {strides = array<i32>} : memref<64xi32, #tpu.memory_space<vmem>>, vector<16xi32>,
    %swap3A_856 = vector.shape_cast %swap3A_855 : vector<16xi32> to vector<16xi32>
    %swap3A_857 = vector.shape_cast %select_n3A_664 : vector<16xi32> to vector<16xi32>
    tpu.vector_store %arg7[%swap3A_854], %swap3A_857 {strides = array<i32>} : memref<64xi32, #tpu.memory_space<vmem>>, vector<16xi32>,
    %get3A_858 = arith.constant 0 : i32
    %get3A_859 = arith.index_cast %get3A_858 : i32 to index
    %get3A_860 = arith.constant 32 : index
    %get3A_861 = tpu.vector_load %arg5[%get3A_859, %get3A_860] {strides = array<i32>} : memref<22x64xf32, #tpu.memory_space<vmem>>, vector<1x16xf32>,
    %get3A_862 = vector.shape_cast %get3A_861 : vector<1x16xf32> to vector<16xf32>
    %broadcast_in_dim3A_863 = arith.constant 0 : i32
    %broadcast_in_dim3A_864 = vector.broadcast %broadcast_in_dim3A_863 : i32 to vector<16xi32>
    %get3A_865 = arith.constant 1 : i32
    %get3A_866 = arith.index_cast %get3A_865 : i32 to index
    %get3A_867 = arith.constant 32 : index
    %get3A_868 = tpu.vector_load %arg5[%get3A_866, %get3A_867] {strides = array<i32>} : memref<22x64xf32, #tpu.memory_space<vmem>>, vector<1x16xf32>,
    %get3A_869 = vector.shape_cast %get3A_868 : vector<1x16xf32> to vector<16xf32>
    %gt3A_870 = arith.cmpf ogt, %get3A_869, %get3A_862 : vector<16xf32>
    %select_n3A_871 = arith.select %gt3A_870, %get3A_869, %get3A_862 : vector<16xi1>, vector<16xf32>
    %broadcast_in_dim3A_872 = arith.constant 1 : i32
    %broadcast_in_dim3A_873 = vector.broadcast %broadcast_in_dim3A_872 : i32 to vector<16xi32>
    %select_n3A_874 = arith.select %gt3A_870, %broadcast_in_dim3A_873, %broadcast_in_dim3A_864 : vector<16xi1>, vector<16xi32>
    %get3A_875 = arith.constant 2 : i32
    %get3A_876 = arith.index_cast %get3A_875 : i32 to index
    %get3A_877 = arith.constant 32 : index
    %get3A_878 = tpu.vector_load %arg5[%get3A_876, %get3A_877] {strides = array<i32>} : memref<22x64xf32, #tpu.memory_space<vmem>>, vector<1x16xf32>,
    %get3A_879 = vector.shape_cast %get3A_878 : vector<1x16xf32> to vector<16xf32>
    %gt3A_880 = arith.cmpf ogt, %get3A_879, %select_n3A_871 : vector<16xf32>
    %select_n3A_881 = arith.select %gt3A_880, %get3A_879, %select_n3A_871 : vector<16xi1>, vector<16xf32>
    %broadcast_in_dim3A_882 = arith.constant 2 : i32
    %broadcast_in_dim3A_883 = vector.broadcast %broadcast_in_dim3A_882 : i32 to vector<16xi32>
    %select_n3A_884 = arith.select %gt3A_880, %broadcast_in_dim3A_883, %select_n3A_874 : vector<16xi1>, vector<16xi32>
    %get3A_885 = arith.constant 3 : i32
    %get3A_886 = arith.index_cast %get3A_885 : i32 to index
    %get3A_887 = arith.constant 32 : index
    %get3A_888 = tpu.vector_load %arg5[%get3A_886, %get3A_887] {strides = array<i32>} : memref<22x64xf32, #tpu.memory_space<vmem>>, vector<1x16xf32>,
    %get3A_889 = vector.shape_cast %get3A_888 : vector<1x16xf32> to vector<16xf32>
    %gt3A_890 = arith.cmpf ogt, %get3A_889, %select_n3A_881 : vector<16xf32>
    %select_n3A_891 = arith.select %gt3A_890, %get3A_889, %select_n3A_881 : vector<16xi1>, vector<16xf32>
    %broadcast_in_dim3A_892 = arith.constant 3 : i32
    %broadcast_in_dim3A_893 = vector.broadcast %broadcast_in_dim3A_892 : i32 to vector<16xi32>
    %select_n3A_894 = arith.select %gt3A_890, %broadcast_in_dim3A_893, %select_n3A_884 : vector<16xi1>, vector<16xi32>
    %get3A_895 = arith.constant 4 : i32
    %get3A_896 = arith.index_cast %get3A_895 : i32 to index
    %get3A_897 = arith.constant 32 : index
    %get3A_898 = tpu.vector_load %arg5[%get3A_896, %get3A_897] {strides = array<i32>} : memref<22x64xf32, #tpu.memory_space<vmem>>, vector<1x16xf32>,
    %get3A_899 = vector.shape_cast %get3A_898 : vector<1x16xf32> to vector<16xf32>
    %gt3A_900 = arith.cmpf ogt, %get3A_899, %select_n3A_891 : vector<16xf32>
    %select_n3A_901 = arith.select %gt3A_900, %get3A_899, %select_n3A_891 : vector<16xi1>, vector<16xf32>
    %broadcast_in_dim3A_902 = arith.constant 4 : i32
    %broadcast_in_dim3A_903 = vector.broadcast %broadcast_in_dim3A_902 : i32 to vector<16xi32>
    %select_n3A_904 = arith.select %gt3A_900, %broadcast_in_dim3A_903, %select_n3A_894 : vector<16xi1>, vector<16xi32>
    %get3A_905 = arith.constant 5 : i32
    %get3A_906 = arith.index_cast %get3A_905 : i32 to index
    %get3A_907 = arith.constant 32 : index
    %get3A_908 = tpu.vector_load %arg5[%get3A_906, %get3A_907] {strides = array<i32>} : memref<22x64xf32, #tpu.memory_space<vmem>>, vector<1x16xf32>,
    %get3A_909 = vector.shape_cast %get3A_908 : vector<1x16xf32> to vector<16xf32>
    %gt3A_910 = arith.cmpf ogt, %get3A_909, %select_n3A_901 : vector<16xf32>
    %select_n3A_911 = arith.select %gt3A_910, %get3A_909, %select_n3A_901 : vector<16xi1>, vector<16xf32>
    %broadcast_in_dim3A_912 = arith.constant 5 : i32
    %broadcast_in_dim3A_913 = vector.broadcast %broadcast_in_dim3A_912 : i32 to vector<16xi32>
    %select_n3A_914 = arith.select %gt3A_910, %broadcast_in_dim3A_913, %select_n3A_904 : vector<16xi1>, vector<16xi32>
    %get3A_915 = arith.constant 6 : i32
    %get3A_916 = arith.index_cast %get3A_915 : i32 to index
    %get3A_917 = arith.constant 32 : index
    %get3A_918 = tpu.vector_load %arg5[%get3A_916, %get3A_917] {strides = array<i32>} : memref<22x64xf32, #tpu.memory_space<vmem>>, vector<1x16xf32>,
    %get3A_919 = vector.shape_cast %get3A_918 : vector<1x16xf32> to vector<16xf32>
    %gt3A_920 = arith.cmpf ogt, %get3A_919, %select_n3A_911 : vector<16xf32>
    %select_n3A_921 = arith.select %gt3A_920, %get3A_919, %select_n3A_911 : vector<16xi1>, vector<16xf32>
    %broadcast_in_dim3A_922 = arith.constant 6 : i32
    %broadcast_in_dim3A_923 = vector.broadcast %broadcast_in_dim3A_922 : i32 to vector<16xi32>
    %select_n3A_924 = arith.select %gt3A_920, %broadcast_in_dim3A_923, %select_n3A_914 : vector<16xi1>, vector<16xi32>
    %get3A_925 = arith.constant 7 : i32
    %get3A_926 = arith.index_cast %get3A_925 : i32 to index
    %get3A_927 = arith.constant 32 : index
    %get3A_928 = tpu.vector_load %arg5[%get3A_926, %get3A_927] {strides = array<i32>} : memref<22x64xf32, #tpu.memory_space<vmem>>, vector<1x16xf32>,
    %get3A_929 = vector.shape_cast %get3A_928 : vector<1x16xf32> to vector<16xf32>
    %gt3A_930 = arith.cmpf ogt, %get3A_929, %select_n3A_921 : vector<16xf32>
    %select_n3A_931 = arith.select %gt3A_930, %get3A_929, %select_n3A_921 : vector<16xi1>, vector<16xf32>
    %broadcast_in_dim3A_932 = arith.constant 7 : i32
    %broadcast_in_dim3A_933 = vector.broadcast %broadcast_in_dim3A_932 : i32 to vector<16xi32>
    %select_n3A_934 = arith.select %gt3A_930, %broadcast_in_dim3A_933, %select_n3A_924 : vector<16xi1>, vector<16xi32>
    %get3A_935 = arith.constant 8 : i32
    %get3A_936 = arith.index_cast %get3A_935 : i32 to index
    %get3A_937 = arith.constant 32 : index
    %get3A_938 = tpu.vector_load %arg5[%get3A_936, %get3A_937] {strides = array<i32>} : memref<22x64xf32, #tpu.memory_space<vmem>>, vector<1x16xf32>,
    %get3A_939 = vector.shape_cast %get3A_938 : vector<1x16xf32> to vector<16xf32>
    %gt3A_940 = arith.cmpf ogt, %get3A_939, %select_n3A_931 : vector<16xf32>
    %select_n3A_941 = arith.select %gt3A_940, %get3A_939, %select_n3A_931 : vector<16xi1>, vector<16xf32>
    %broadcast_in_dim3A_942 = arith.constant 8 : i32
    %broadcast_in_dim3A_943 = vector.broadcast %broadcast_in_dim3A_942 : i32 to vector<16xi32>
    %select_n3A_944 = arith.select %gt3A_940, %broadcast_in_dim3A_943, %select_n3A_934 : vector<16xi1>, vector<16xi32>
    %get3A_945 = arith.constant 9 : i32
    %get3A_946 = arith.index_cast %get3A_945 : i32 to index
    %get3A_947 = arith.constant 32 : index
    %get3A_948 = tpu.vector_load %arg5[%get3A_946, %get3A_947] {strides = array<i32>} : memref<22x64xf32, #tpu.memory_space<vmem>>, vector<1x16xf32>,
    %get3A_949 = vector.shape_cast %get3A_948 : vector<1x16xf32> to vector<16xf32>
    %gt3A_950 = arith.cmpf ogt, %get3A_949, %select_n3A_941 : vector<16xf32>
    %select_n3A_951 = arith.select %gt3A_950, %get3A_949, %select_n3A_941 : vector<16xi1>, vector<16xf32>
    %broadcast_in_dim3A_952 = arith.constant 9 : i32
    %broadcast_in_dim3A_953 = vector.broadcast %broadcast_in_dim3A_952 : i32 to vector<16xi32>
    %select_n3A_954 = arith.select %gt3A_950, %broadcast_in_dim3A_953, %select_n3A_944 : vector<16xi1>, vector<16xi32>
    %get3A_955 = arith.constant 10 : i32
    %get3A_956 = arith.index_cast %get3A_955 : i32 to index
    %get3A_957 = arith.constant 32 : index
    %get3A_958 = tpu.vector_load %arg5[%get3A_956, %get3A_957] {strides = array<i32>} : memref<22x64xf32, #tpu.memory_space<vmem>>, vector<1x16xf32>,
    %get3A_959 = vector.shape_cast %get3A_958 : vector<1x16xf32> to vector<16xf32>
    %gt3A_960 = arith.cmpf ogt, %get3A_959, %select_n3A_951 : vector<16xf32>
    %select_n3A_961 = arith.select %gt3A_960, %get3A_959, %select_n3A_951 : vector<16xi1>, vector<16xf32>
    %broadcast_in_dim3A_962 = arith.constant 10 : i32
    %broadcast_in_dim3A_963 = vector.broadcast %broadcast_in_dim3A_962 : i32 to vector<16xi32>
    %select_n3A_964 = arith.select %gt3A_960, %broadcast_in_dim3A_963, %select_n3A_954 : vector<16xi1>, vector<16xi32>
    %get3A_965 = arith.constant 11 : i32
    %get3A_966 = arith.index_cast %get3A_965 : i32 to index
    %get3A_967 = arith.constant 32 : index
    %get3A_968 = tpu.vector_load %arg5[%get3A_966, %get3A_967] {strides = array<i32>} : memref<22x64xf32, #tpu.memory_space<vmem>>, vector<1x16xf32>,
    %get3A_969 = vector.shape_cast %get3A_968 : vector<1x16xf32> to vector<16xf32>
    %gt3A_970 = arith.cmpf ogt, %get3A_969, %select_n3A_961 : vector<16xf32>
    %select_n3A_971 = arith.select %gt3A_970, %get3A_969, %select_n3A_961 : vector<16xi1>, vector<16xf32>
    %broadcast_in_dim3A_972 = arith.constant 11 : i32
    %broadcast_in_dim3A_973 = vector.broadcast %broadcast_in_dim3A_972 : i32 to vector<16xi32>
    %select_n3A_974 = arith.select %gt3A_970, %broadcast_in_dim3A_973, %select_n3A_964 : vector<16xi1>, vector<16xi32>
    %get3A_975 = arith.constant 12 : i32
    %get3A_976 = arith.index_cast %get3A_975 : i32 to index
    %get3A_977 = arith.constant 32 : index
    %get3A_978 = tpu.vector_load %arg5[%get3A_976, %get3A_977] {strides = array<i32>} : memref<22x64xf32, #tpu.memory_space<vmem>>, vector<1x16xf32>,
    %get3A_979 = vector.shape_cast %get3A_978 : vector<1x16xf32> to vector<16xf32>
    %gt3A_980 = arith.cmpf ogt, %get3A_979, %select_n3A_971 : vector<16xf32>
    %select_n3A_981 = arith.select %gt3A_980, %get3A_979, %select_n3A_971 : vector<16xi1>, vector<16xf32>
    %broadcast_in_dim3A_982 = arith.constant 12 : i32
    %broadcast_in_dim3A_983 = vector.broadcast %broadcast_in_dim3A_982 : i32 to vector<16xi32>
    %select_n3A_984 = arith.select %gt3A_980, %broadcast_in_dim3A_983, %select_n3A_974 : vector<16xi1>, vector<16xi32>
    %get3A_985 = arith.constant 13 : i32
    %get3A_986 = arith.index_cast %get3A_985 : i32 to index
    %get3A_987 = arith.constant 32 : index
    %get3A_988 = tpu.vector_load %arg5[%get3A_986, %get3A_987] {strides = array<i32>} : memref<22x64xf32, #tpu.memory_space<vmem>>, vector<1x16xf32>,
    %get3A_989 = vector.shape_cast %get3A_988 : vector<1x16xf32> to vector<16xf32>
    %gt3A_990 = arith.cmpf ogt, %get3A_989, %select_n3A_981 : vector<16xf32>
    %select_n3A_991 = arith.select %gt3A_990, %get3A_989, %select_n3A_981 : vector<16xi1>, vector<16xf32>
    %broadcast_in_dim3A_992 = arith.constant 13 : i32
    %broadcast_in_dim3A_993 = vector.broadcast %broadcast_in_dim3A_992 : i32 to vector<16xi32>
    %select_n3A_994 = arith.select %gt3A_990, %broadcast_in_dim3A_993, %select_n3A_984 : vector<16xi1>, vector<16xi32>
    %get3A_995 = arith.constant 14 : i32
    %get3A_996 = arith.index_cast %get3A_995 : i32 to index
    %get3A_997 = arith.constant 32 : index
    %get3A_998 = tpu.vector_load %arg5[%get3A_996, %get3A_997] {strides = array<i32>} : memref<22x64xf32, #tpu.memory_space<vmem>>, vector<1x16xf32>,
    %get3A_999 = vector.shape_cast %get3A_998 : vector<1x16xf32> to vector<16xf32>
    %gt3A_1000 = arith.cmpf ogt, %get3A_999, %select_n3A_991 : vector<16xf32>
    %select_n3A_1001 = arith.select %gt3A_1000, %get3A_999, %select_n3A_991 : vector<16xi1>, vector<16xf32>
    %broadcast_in_dim3A_1002 = arith.constant 14 : i32
    %broadcast_in_dim3A_1003 = vector.broadcast %broadcast_in_dim3A_1002 : i32 to vector<16xi32>
    %select_n3A_1004 = arith.select %gt3A_1000, %broadcast_in_dim3A_1003, %select_n3A_994 : vector<16xi1>, vector<16xi32>
    %get3A_1005 = arith.constant 15 : i32
    %get3A_1006 = arith.index_cast %get3A_1005 : i32 to index
    %get3A_1007 = arith.constant 32 : index
    %get3A_1008 = tpu.vector_load %arg5[%get3A_1006, %get3A_1007] {strides = array<i32>} : memref<22x64xf32, #tpu.memory_space<vmem>>, vector<1x16xf32>,
    %get3A_1009 = vector.shape_cast %get3A_1008 : vector<1x16xf32> to vector<16xf32>
    %gt3A_1010 = arith.cmpf ogt, %get3A_1009, %select_n3A_1001 : vector<16xf32>
    %select_n3A_1011 = arith.select %gt3A_1010, %get3A_1009, %select_n3A_1001 : vector<16xi1>, vector<16xf32>
    %broadcast_in_dim3A_1012 = arith.constant 15 : i32
    %broadcast_in_dim3A_1013 = vector.broadcast %broadcast_in_dim3A_1012 : i32 to vector<16xi32>
    %select_n3A_1014 = arith.select %gt3A_1010, %broadcast_in_dim3A_1013, %select_n3A_1004 : vector<16xi1>, vector<16xi32>
    %get3A_1015 = arith.constant 16 : i32
    %get3A_1016 = arith.index_cast %get3A_1015 : i32 to index
    %get3A_1017 = arith.constant 32 : index
    %get3A_1018 = tpu.vector_load %arg5[%get3A_1016, %get3A_1017] {strides = array<i32>} : memref<22x64xf32, #tpu.memory_space<vmem>>, vector<1x16xf32>,
    %get3A_1019 = vector.shape_cast %get3A_1018 : vector<1x16xf32> to vector<16xf32>
    %gt3A_1020 = arith.cmpf ogt, %get3A_1019, %select_n3A_1011 : vector<16xf32>
    %select_n3A_1021 = arith.select %gt3A_1020, %get3A_1019, %select_n3A_1011 : vector<16xi1>, vector<16xf32>
    %broadcast_in_dim3A_1022 = arith.constant 16 : i32
    %broadcast_in_dim3A_1023 = vector.broadcast %broadcast_in_dim3A_1022 : i32 to vector<16xi32>
    %select_n3A_1024 = arith.select %gt3A_1020, %broadcast_in_dim3A_1023, %select_n3A_1014 : vector<16xi1>, vector<16xi32>
    %get3A_1025 = arith.constant 17 : i32
    %get3A_1026 = arith.index_cast %get3A_1025 : i32 to index
    %get3A_1027 = arith.constant 32 : index
    %get3A_1028 = tpu.vector_load %arg5[%get3A_1026, %get3A_1027] {strides = array<i32>} : memref<22x64xf32, #tpu.memory_space<vmem>>, vector<1x16xf32>,
    %get3A_1029 = vector.shape_cast %get3A_1028 : vector<1x16xf32> to vector<16xf32>
    %gt3A_1030 = arith.cmpf ogt, %get3A_1029, %select_n3A_1021 : vector<16xf32>
    %select_n3A_1031 = arith.select %gt3A_1030, %get3A_1029, %select_n3A_1021 : vector<16xi1>, vector<16xf32>
    %broadcast_in_dim3A_1032 = arith.constant 17 : i32
    %broadcast_in_dim3A_1033 = vector.broadcast %broadcast_in_dim3A_1032 : i32 to vector<16xi32>
    %select_n3A_1034 = arith.select %gt3A_1030, %broadcast_in_dim3A_1033, %select_n3A_1024 : vector<16xi1>, vector<16xi32>
    %get3A_1035 = arith.constant 18 : i32
    %get3A_1036 = arith.index_cast %get3A_1035 : i32 to index
    %get3A_1037 = arith.constant 32 : index
    %get3A_1038 = tpu.vector_load %arg5[%get3A_1036, %get3A_1037] {strides = array<i32>} : memref<22x64xf32, #tpu.memory_space<vmem>>, vector<1x16xf32>,
    %get3A_1039 = vector.shape_cast %get3A_1038 : vector<1x16xf32> to vector<16xf32>
    %gt3A_1040 = arith.cmpf ogt, %get3A_1039, %select_n3A_1031 : vector<16xf32>
    %select_n3A_1041 = arith.select %gt3A_1040, %get3A_1039, %select_n3A_1031 : vector<16xi1>, vector<16xf32>
    %broadcast_in_dim3A_1042 = arith.constant 18 : i32
    %broadcast_in_dim3A_1043 = vector.broadcast %broadcast_in_dim3A_1042 : i32 to vector<16xi32>
    %select_n3A_1044 = arith.select %gt3A_1040, %broadcast_in_dim3A_1043, %select_n3A_1034 : vector<16xi1>, vector<16xi32>
    %get3A_1045 = arith.constant 19 : i32
    %get3A_1046 = arith.index_cast %get3A_1045 : i32 to index
    %get3A_1047 = arith.constant 32 : index
    %get3A_1048 = tpu.vector_load %arg5[%get3A_1046, %get3A_1047] {strides = array<i32>} : memref<22x64xf32, #tpu.memory_space<vmem>>, vector<1x16xf32>,
    %get3A_1049 = vector.shape_cast %get3A_1048 : vector<1x16xf32> to vector<16xf32>
    %gt3A_1050 = arith.cmpf ogt, %get3A_1049, %select_n3A_1041 : vector<16xf32>
    %select_n3A_1051 = arith.select %gt3A_1050, %get3A_1049, %select_n3A_1041 : vector<16xi1>, vector<16xf32>
    %broadcast_in_dim3A_1052 = arith.constant 19 : i32
    %broadcast_in_dim3A_1053 = vector.broadcast %broadcast_in_dim3A_1052 : i32 to vector<16xi32>
    %select_n3A_1054 = arith.select %gt3A_1050, %broadcast_in_dim3A_1053, %select_n3A_1044 : vector<16xi1>, vector<16xi32>
    %get3A_1055 = arith.constant 20 : i32
    %get3A_1056 = arith.index_cast %get3A_1055 : i32 to index
    %get3A_1057 = arith.constant 32 : index
    %get3A_1058 = tpu.vector_load %arg5[%get3A_1056, %get3A_1057] {strides = array<i32>} : memref<22x64xf32, #tpu.memory_space<vmem>>, vector<1x16xf32>,
    %get3A_1059 = vector.shape_cast %get3A_1058 : vector<1x16xf32> to vector<16xf32>
    %gt3A_1060 = arith.cmpf ogt, %get3A_1059, %select_n3A_1051 : vector<16xf32>
    %select_n3A_1061 = arith.select %gt3A_1060, %get3A_1059, %select_n3A_1051 : vector<16xi1>, vector<16xf32>
    %broadcast_in_dim3A_1062 = arith.constant 20 : i32
    %broadcast_in_dim3A_1063 = vector.broadcast %broadcast_in_dim3A_1062 : i32 to vector<16xi32>
    %select_n3A_1064 = arith.select %gt3A_1060, %broadcast_in_dim3A_1063, %select_n3A_1054 : vector<16xi1>, vector<16xi32>
    %get3A_1065 = arith.constant 21 : i32
    %get3A_1066 = arith.index_cast %get3A_1065 : i32 to index
    %get3A_1067 = arith.constant 32 : index
    %get3A_1068 = tpu.vector_load %arg5[%get3A_1066, %get3A_1067] {strides = array<i32>} : memref<22x64xf32, #tpu.memory_space<vmem>>, vector<1x16xf32>,
    %get3A_1069 = vector.shape_cast %get3A_1068 : vector<1x16xf32> to vector<16xf32>
    %gt3A_1070 = arith.cmpf ogt, %get3A_1069, %select_n3A_1061 : vector<16xf32>
    %select_n3A_1071 = arith.select %gt3A_1070, %get3A_1069, %select_n3A_1061 : vector<16xi1>, vector<16xf32>
    %broadcast_in_dim3A_1072 = arith.constant 21 : i32
    %broadcast_in_dim3A_1073 = vector.broadcast %broadcast_in_dim3A_1072 : i32 to vector<16xi32>
    %select_n3A_1074 = arith.select %gt3A_1070, %broadcast_in_dim3A_1073, %select_n3A_1064 : vector<16xi1>, vector<16xi32>
    %broadcast_in_dim3A_1075 = arith.constant 0.000000e+00 : f32
    %broadcast_in_dim3A_1076 = vector.broadcast %broadcast_in_dim3A_1075 : f32 to vector<16xf32>
    %get3A_1077 = arith.constant 0 : i32
    %get3A_1078 = arith.index_cast %get3A_1077 : i32 to index
    %get3A_1079 = arith.constant 32 : index
    %get3A_1080 = tpu.vector_load %arg5[%get3A_1078, %get3A_1079] {strides = array<i32>} : memref<22x64xf32, #tpu.memory_space<vmem>>, vector<1x16xf32>,
    %get3A_1081 = vector.shape_cast %get3A_1080 : vector<1x16xf32> to vector<16xf32>
    %sub3A_1082 = arith.subf %get3A_1081, %select_n3A_1071 : vector<16xf32>
    %exp3A_1083 = math.exp %sub3A_1082 : vector<16xf32>
    %add3A_1084 = arith.addf %broadcast_in_dim3A_1076, %exp3A_1083 : vector<16xf32>
    %get3A_1085 = arith.constant 1 : i32
    %get3A_1086 = arith.index_cast %get3A_1085 : i32 to index
    %get3A_1087 = arith.constant 32 : index
    %get3A_1088 = tpu.vector_load %arg5[%get3A_1086, %get3A_1087] {strides = array<i32>} : memref<22x64xf32, #tpu.memory_space<vmem>>, vector<1x16xf32>,
    %get3A_1089 = vector.shape_cast %get3A_1088 : vector<1x16xf32> to vector<16xf32>
    %sub3A_1090 = arith.subf %get3A_1089, %select_n3A_1071 : vector<16xf32>
    %exp3A_1091 = math.exp %sub3A_1090 : vector<16xf32>
    %add3A_1092 = arith.addf %add3A_1084, %exp3A_1091 : vector<16xf32>
    %get3A_1093 = arith.constant 2 : i32
    %get3A_1094 = arith.index_cast %get3A_1093 : i32 to index
    %get3A_1095 = arith.constant 32 : index
    %get3A_1096 = tpu.vector_load %arg5[%get3A_1094, %get3A_1095] {strides = array<i32>} : memref<22x64xf32, #tpu.memory_space<vmem>>, vector<1x16xf32>,
    %get3A_1097 = vector.shape_cast %get3A_1096 : vector<1x16xf32> to vector<16xf32>
    %sub3A_1098 = arith.subf %get3A_1097, %select_n3A_1071 : vector<16xf32>
    %exp3A_1099 = math.exp %sub3A_1098 : vector<16xf32>
    %add3A_1100 = arith.addf %add3A_1092, %exp3A_1099 : vector<16xf32>
    %get3A_1101 = arith.constant 3 : i32
    %get3A_1102 = arith.index_cast %get3A_1101 : i32 to index
    %get3A_1103 = arith.constant 32 : index
    %get3A_1104 = tpu.vector_load %arg5[%get3A_1102, %get3A_1103] {strides = array<i32>} : memref<22x64xf32, #tpu.memory_space<vmem>>, vector<1x16xf32>,
    %get3A_1105 = vector.shape_cast %get3A_1104 : vector<1x16xf32> to vector<16xf32>
    %sub3A_1106 = arith.subf %get3A_1105, %select_n3A_1071 : vector<16xf32>
    %exp3A_1107 = math.exp %sub3A_1106 : vector<16xf32>
    %add3A_1108 = arith.addf %add3A_1100, %exp3A_1107 : vector<16xf32>
    %get3A_1109 = arith.constant 4 : i32
    %get3A_1110 = arith.index_cast %get3A_1109 : i32 to index
    %get3A_1111 = arith.constant 32 : index
    %get3A_1112 = tpu.vector_load %arg5[%get3A_1110, %get3A_1111] {strides = array<i32>} : memref<22x64xf32, #tpu.memory_space<vmem>>, vector<1x16xf32>,
    %get3A_1113 = vector.shape_cast %get3A_1112 : vector<1x16xf32> to vector<16xf32>
    %sub3A_1114 = arith.subf %get3A_1113, %select_n3A_1071 : vector<16xf32>
    %exp3A_1115 = math.exp %sub3A_1114 : vector<16xf32>
    %add3A_1116 = arith.addf %add3A_1108, %exp3A_1115 : vector<16xf32>
    %get3A_1117 = arith.constant 5 : i32
    %get3A_1118 = arith.index_cast %get3A_1117 : i32 to index
    %get3A_1119 = arith.constant 32 : index
    %get3A_1120 = tpu.vector_load %arg5[%get3A_1118, %get3A_1119] {strides = array<i32>} : memref<22x64xf32, #tpu.memory_space<vmem>>, vector<1x16xf32>,
    %get3A_1121 = vector.shape_cast %get3A_1120 : vector<1x16xf32> to vector<16xf32>
    %sub3A_1122 = arith.subf %get3A_1121, %select_n3A_1071 : vector<16xf32>
    %exp3A_1123 = math.exp %sub3A_1122 : vector<16xf32>
    %add3A_1124 = arith.addf %add3A_1116, %exp3A_1123 : vector<16xf32>
    %get3A_1125 = arith.constant 6 : i32
    %get3A_1126 = arith.index_cast %get3A_1125 : i32 to index
    %get3A_1127 = arith.constant 32 : index
    %get3A_1128 = tpu.vector_load %arg5[%get3A_1126, %get3A_1127] {strides = array<i32>} : memref<22x64xf32, #tpu.memory_space<vmem>>, vector<1x16xf32>,
    %get3A_1129 = vector.shape_cast %get3A_1128 : vector<1x16xf32> to vector<16xf32>
    %sub3A_1130 = arith.subf %get3A_1129, %select_n3A_1071 : vector<16xf32>
    %exp3A_1131 = math.exp %sub3A_1130 : vector<16xf32>
    %add3A_1132 = arith.addf %add3A_1124, %exp3A_1131 : vector<16xf32>
    %get3A_1133 = arith.constant 7 : i32
    %get3A_1134 = arith.index_cast %get3A_1133 : i32 to index
    %get3A_1135 = arith.constant 32 : index
    %get3A_1136 = tpu.vector_load %arg5[%get3A_1134, %get3A_1135] {strides = array<i32>} : memref<22x64xf32, #tpu.memory_space<vmem>>, vector<1x16xf32>,
    %get3A_1137 = vector.shape_cast %get3A_1136 : vector<1x16xf32> to vector<16xf32>
    %sub3A_1138 = arith.subf %get3A_1137, %select_n3A_1071 : vector<16xf32>
    %exp3A_1139 = math.exp %sub3A_1138 : vector<16xf32>
    %add3A_1140 = arith.addf %add3A_1132, %exp3A_1139 : vector<16xf32>
    %get3A_1141 = arith.constant 8 : i32
    %get3A_1142 = arith.index_cast %get3A_1141 : i32 to index
    %get3A_1143 = arith.constant 32 : index
    %get3A_1144 = tpu.vector_load %arg5[%get3A_1142, %get3A_1143] {strides = array<i32>} : memref<22x64xf32, #tpu.memory_space<vmem>>, vector<1x16xf32>,
    %get3A_1145 = vector.shape_cast %get3A_1144 : vector<1x16xf32> to vector<16xf32>
    %sub3A_1146 = arith.subf %get3A_1145, %select_n3A_1071 : vector<16xf32>
    %exp3A_1147 = math.exp %sub3A_1146 : vector<16xf32>
    %add3A_1148 = arith.addf %add3A_1140, %exp3A_1147 : vector<16xf32>
    %get3A_1149 = arith.constant 9 : i32
    %get3A_1150 = arith.index_cast %get3A_1149 : i32 to index
    %get3A_1151 = arith.constant 32 : index
    %get3A_1152 = tpu.vector_load %arg5[%get3A_1150, %get3A_1151] {strides = array<i32>} : memref<22x64xf32, #tpu.memory_space<vmem>>, vector<1x16xf32>,
    %get3A_1153 = vector.shape_cast %get3A_1152 : vector<1x16xf32> to vector<16xf32>
    %sub3A_1154 = arith.subf %get3A_1153, %select_n3A_1071 : vector<16xf32>
    %exp3A_1155 = math.exp %sub3A_1154 : vector<16xf32>
    %add3A_1156 = arith.addf %add3A_1148, %exp3A_1155 : vector<16xf32>
    %get3A_1157 = arith.constant 10 : i32
    %get3A_1158 = arith.index_cast %get3A_1157 : i32 to index
    %get3A_1159 = arith.constant 32 : index
    %get3A_1160 = tpu.vector_load %arg5[%get3A_1158, %get3A_1159] {strides = array<i32>} : memref<22x64xf32, #tpu.memory_space<vmem>>, vector<1x16xf32>,
    %get3A_1161 = vector.shape_cast %get3A_1160 : vector<1x16xf32> to vector<16xf32>
    %sub3A_1162 = arith.subf %get3A_1161, %select_n3A_1071 : vector<16xf32>
    %exp3A_1163 = math.exp %sub3A_1162 : vector<16xf32>
    %add3A_1164 = arith.addf %add3A_1156, %exp3A_1163 : vector<16xf32>
    %get3A_1165 = arith.constant 11 : i32
    %get3A_1166 = arith.index_cast %get3A_1165 : i32 to index
    %get3A_1167 = arith.constant 32 : index
    %get3A_1168 = tpu.vector_load %arg5[%get3A_1166, %get3A_1167] {strides = array<i32>} : memref<22x64xf32, #tpu.memory_space<vmem>>, vector<1x16xf32>,
    %get3A_1169 = vector.shape_cast %get3A_1168 : vector<1x16xf32> to vector<16xf32>
    %sub3A_1170 = arith.subf %get3A_1169, %select_n3A_1071 : vector<16xf32>
    %exp3A_1171 = math.exp %sub3A_1170 : vector<16xf32>
    %add3A_1172 = arith.addf %add3A_1164, %exp3A_1171 : vector<16xf32>
    %get3A_1173 = arith.constant 12 : i32
    %get3A_1174 = arith.index_cast %get3A_1173 : i32 to index
    %get3A_1175 = arith.constant 32 : index
    %get3A_1176 = tpu.vector_load %arg5[%get3A_1174, %get3A_1175] {strides = array<i32>} : memref<22x64xf32, #tpu.memory_space<vmem>>, vector<1x16xf32>,
    %get3A_1177 = vector.shape_cast %get3A_1176 : vector<1x16xf32> to vector<16xf32>
    %sub3A_1178 = arith.subf %get3A_1177, %select_n3A_1071 : vector<16xf32>
    %exp3A_1179 = math.exp %sub3A_1178 : vector<16xf32>
    %add3A_1180 = arith.addf %add3A_1172, %exp3A_1179 : vector<16xf32>
    %get3A_1181 = arith.constant 13 : i32
    %get3A_1182 = arith.index_cast %get3A_1181 : i32 to index
    %get3A_1183 = arith.constant 32 : index
    %get3A_1184 = tpu.vector_load %arg5[%get3A_1182, %get3A_1183] {strides = array<i32>} : memref<22x64xf32, #tpu.memory_space<vmem>>, vector<1x16xf32>,
    %get3A_1185 = vector.shape_cast %get3A_1184 : vector<1x16xf32> to vector<16xf32>
    %sub3A_1186 = arith.subf %get3A_1185, %select_n3A_1071 : vector<16xf32>
    %exp3A_1187 = math.exp %sub3A_1186 : vector<16xf32>
    %add3A_1188 = arith.addf %add3A_1180, %exp3A_1187 : vector<16xf32>
    %get3A_1189 = arith.constant 14 : i32
    %get3A_1190 = arith.index_cast %get3A_1189 : i32 to index
    %get3A_1191 = arith.constant 32 : index
    %get3A_1192 = tpu.vector_load %arg5[%get3A_1190, %get3A_1191] {strides = array<i32>} : memref<22x64xf32, #tpu.memory_space<vmem>>, vector<1x16xf32>,
    %get3A_1193 = vector.shape_cast %get3A_1192 : vector<1x16xf32> to vector<16xf32>
    %sub3A_1194 = arith.subf %get3A_1193, %select_n3A_1071 : vector<16xf32>
    %exp3A_1195 = math.exp %sub3A_1194 : vector<16xf32>
    %add3A_1196 = arith.addf %add3A_1188, %exp3A_1195 : vector<16xf32>
    %get3A_1197 = arith.constant 15 : i32
    %get3A_1198 = arith.index_cast %get3A_1197 : i32 to index
    %get3A_1199 = arith.constant 32 : index
    %get3A_1200 = tpu.vector_load %arg5[%get3A_1198, %get3A_1199] {strides = array<i32>} : memref<22x64xf32, #tpu.memory_space<vmem>>, vector<1x16xf32>,
    %get3A_1201 = vector.shape_cast %get3A_1200 : vector<1x16xf32> to vector<16xf32>
    %sub3A_1202 = arith.subf %get3A_1201, %select_n3A_1071 : vector<16xf32>
    %exp3A_1203 = math.exp %sub3A_1202 : vector<16xf32>
    %add3A_1204 = arith.addf %add3A_1196, %exp3A_1203 : vector<16xf32>
    %get3A_1205 = arith.constant 16 : i32
    %get3A_1206 = arith.index_cast %get3A_1205 : i32 to index
    %get3A_1207 = arith.constant 32 : index
    %get3A_1208 = tpu.vector_load %arg5[%get3A_1206, %get3A_1207] {strides = array<i32>} : memref<22x64xf32, #tpu.memory_space<vmem>>, vector<1x16xf32>,
    %get3A_1209 = vector.shape_cast %get3A_1208 : vector<1x16xf32> to vector<16xf32>
    %sub3A_1210 = arith.subf %get3A_1209, %select_n3A_1071 : vector<16xf32>
    %exp3A_1211 = math.exp %sub3A_1210 : vector<16xf32>
    %add3A_1212 = arith.addf %add3A_1204, %exp3A_1211 : vector<16xf32>
    %get3A_1213 = arith.constant 17 : i32
    %get3A_1214 = arith.index_cast %get3A_1213 : i32 to index
    %get3A_1215 = arith.constant 32 : index
    %get3A_1216 = tpu.vector_load %arg5[%get3A_1214, %get3A_1215] {strides = array<i32>} : memref<22x64xf32, #tpu.memory_space<vmem>>, vector<1x16xf32>,
    %get3A_1217 = vector.shape_cast %get3A_1216 : vector<1x16xf32> to vector<16xf32>
    %sub3A_1218 = arith.subf %get3A_1217, %select_n3A_1071 : vector<16xf32>
    %exp3A_1219 = math.exp %sub3A_1218 : vector<16xf32>
    %add3A_1220 = arith.addf %add3A_1212, %exp3A_1219 : vector<16xf32>
    %get3A_1221 = arith.constant 18 : i32
    %get3A_1222 = arith.index_cast %get3A_1221 : i32 to index
    %get3A_1223 = arith.constant 32 : index
    %get3A_1224 = tpu.vector_load %arg5[%get3A_1222, %get3A_1223] {strides = array<i32>} : memref<22x64xf32, #tpu.memory_space<vmem>>, vector<1x16xf32>,
    %get3A_1225 = vector.shape_cast %get3A_1224 : vector<1x16xf32> to vector<16xf32>
    %sub3A_1226 = arith.subf %get3A_1225, %select_n3A_1071 : vector<16xf32>
    %exp3A_1227 = math.exp %sub3A_1226 : vector<16xf32>
    %add3A_1228 = arith.addf %add3A_1220, %exp3A_1227 : vector<16xf32>
    %get3A_1229 = arith.constant 19 : i32
    %get3A_1230 = arith.index_cast %get3A_1229 : i32 to index
    %get3A_1231 = arith.constant 32 : index
    %get3A_1232 = tpu.vector_load %arg5[%get3A_1230, %get3A_1231] {strides = array<i32>} : memref<22x64xf32, #tpu.memory_space<vmem>>, vector<1x16xf32>,
    %get3A_1233 = vector.shape_cast %get3A_1232 : vector<1x16xf32> to vector<16xf32>
    %sub3A_1234 = arith.subf %get3A_1233, %select_n3A_1071 : vector<16xf32>
    %exp3A_1235 = math.exp %sub3A_1234 : vector<16xf32>
    %add3A_1236 = arith.addf %add3A_1228, %exp3A_1235 : vector<16xf32>
    %get3A_1237 = arith.constant 20 : i32
    %get3A_1238 = arith.index_cast %get3A_1237 : i32 to index
    %get3A_1239 = arith.constant 32 : index
    %get3A_1240 = tpu.vector_load %arg5[%get3A_1238, %get3A_1239] {strides = array<i32>} : memref<22x64xf32, #tpu.memory_space<vmem>>, vector<1x16xf32>,
    %get3A_1241 = vector.shape_cast %get3A_1240 : vector<1x16xf32> to vector<16xf32>
    %sub3A_1242 = arith.subf %get3A_1241, %select_n3A_1071 : vector<16xf32>
    %exp3A_1243 = math.exp %sub3A_1242 : vector<16xf32>
    %add3A_1244 = arith.addf %add3A_1236, %exp3A_1243 : vector<16xf32>
    %get3A_1245 = arith.constant 21 : i32
    %get3A_1246 = arith.index_cast %get3A_1245 : i32 to index
    %get3A_1247 = arith.constant 32 : index
    %get3A_1248 = tpu.vector_load %arg5[%get3A_1246, %get3A_1247] {strides = array<i32>} : memref<22x64xf32, #tpu.memory_space<vmem>>, vector<1x16xf32>,
    %get3A_1249 = vector.shape_cast %get3A_1248 : vector<1x16xf32> to vector<16xf32>
    %sub3A_1250 = arith.subf %get3A_1249, %select_n3A_1071 : vector<16xf32>
    %exp3A_1251 = math.exp %sub3A_1250 : vector<16xf32>
    %add3A_1252 = arith.addf %add3A_1244, %exp3A_1251 : vector<16xf32>
    %div3A_1253 = arith.constant 1.000000e+00 : f32
    %div3A_1254 = vector.broadcast %div3A_1253 : f32 to vector<16xf32>
    %div3A_1255 = arith.divf %div3A_1254, %add3A_1252 : vector<16xf32>
    %add3A_1256 = arith.constant 9.99999997E-7 : f32
    %add3A_1257 = vector.broadcast %add3A_1256 : f32 to vector<16xf32>
    %add3A_1258 = arith.addf %div3A_1255, %add3A_1257 : vector<16xf32>
    %div3A_1259 = arith.divf %div3A_1255, %add3A_1258 : vector<16xf32>
    %swap3A_1260 = arith.constant 32 : index
    %swap3A_1261 = tpu.vector_load %arg6[%swap3A_1260] {strides = array<i32>} : memref<64xf32, #tpu.memory_space<vmem>>, vector<16xf32>,
    %swap3A_1262 = vector.shape_cast %swap3A_1261 : vector<16xf32> to vector<16xf32>
    %swap3A_1263 = vector.shape_cast %div3A_1259 : vector<16xf32> to vector<16xf32>
    tpu.vector_store %arg6[%swap3A_1260], %swap3A_1263 {strides = array<i32>} : memref<64xf32, #tpu.memory_space<vmem>>, vector<16xf32>,
    %swap3A_1264 = arith.constant 32 : index
    %swap3A_1265 = tpu.vector_load %arg7[%swap3A_1264] {strides = array<i32>} : memref<64xi32, #tpu.memory_space<vmem>>, vector<16xi32>,
    %swap3A_1266 = vector.shape_cast %swap3A_1265 : vector<16xi32> to vector<16xi32>
    %swap3A_1267 = vector.shape_cast %select_n3A_1074 : vector<16xi32> to vector<16xi32>
    tpu.vector_store %arg7[%swap3A_1264], %swap3A_1267 {strides = array<i32>} : memref<64xi32, #tpu.memory_space<vmem>>, vector<16xi32>,
    %get3A_1268 = arith.constant 0 : i32
    %get3A_1269 = arith.index_cast %get3A_1268 : i32 to index
    %get3A_1270 = arith.constant 48 : index
    %get3A_1271 = tpu.vector_load %arg5[%get3A_1269, %get3A_1270] {strides = array<i32>} : memref<22x64xf32, #tpu.memory_space<vmem>>, vector<1x16xf32>,
    %get3A_1272 = vector.shape_cast %get3A_1271 : vector<1x16xf32> to vector<16xf32>
    %broadcast_in_dim3A_1273 = arith.constant 0 : i32
    %broadcast_in_dim3A_1274 = vector.broadcast %broadcast_in_dim3A_1273 : i32 to vector<16xi32>
    %get3A_1275 = arith.constant 1 : i32
    %get3A_1276 = arith.index_cast %get3A_1275 : i32 to index
    %get3A_1277 = arith.constant 48 : index
    %get3A_1278 = tpu.vector_load %arg5[%get3A_1276, %get3A_1277] {strides = array<i32>} : memref<22x64xf32, #tpu.memory_space<vmem>>, vector<1x16xf32>,
    %get3A_1279 = vector.shape_cast %get3A_1278 : vector<1x16xf32> to vector<16xf32>
    %gt3A_1280 = arith.cmpf ogt, %get3A_1279, %get3A_1272 : vector<16xf32>
    %select_n3A_1281 = arith.select %gt3A_1280, %get3A_1279, %get3A_1272 : vector<16xi1>, vector<16xf32>
    %broadcast_in_dim3A_1282 = arith.constant 1 : i32
    %broadcast_in_dim3A_1283 = vector.broadcast %broadcast_in_dim3A_1282 : i32 to vector<16xi32>
    %select_n3A_1284 = arith.select %gt3A_1280, %broadcast_in_dim3A_1283, %broadcast_in_dim3A_1274 : vector<16xi1>, vector<16xi32>
    %get3A_1285 = arith.constant 2 : i32
    %get3A_1286 = arith.index_cast %get3A_1285 : i32 to index
    %get3A_1287 = arith.constant 48 : index
    %get3A_1288 = tpu.vector_load %arg5[%get3A_1286, %get3A_1287] {strides = array<i32>} : memref<22x64xf32, #tpu.memory_space<vmem>>, vector<1x16xf32>,
    %get3A_1289 = vector.shape_cast %get3A_1288 : vector<1x16xf32> to vector<16xf32>
    %gt3A_1290 = arith.cmpf ogt, %get3A_1289, %select_n3A_1281 : vector<16xf32>
    %select_n3A_1291 = arith.select %gt3A_1290, %get3A_1289, %select_n3A_1281 : vector<16xi1>, vector<16xf32>
    %broadcast_in_dim3A_1292 = arith.constant 2 : i32
    %broadcast_in_dim3A_1293 = vector.broadcast %broadcast_in_dim3A_1292 : i32 to vector<16xi32>
    %select_n3A_1294 = arith.select %gt3A_1290, %broadcast_in_dim3A_1293, %select_n3A_1284 : vector<16xi1>, vector<16xi32>
    %get3A_1295 = arith.constant 3 : i32
    %get3A_1296 = arith.index_cast %get3A_1295 : i32 to index
    %get3A_1297 = arith.constant 48 : index
    %get3A_1298 = tpu.vector_load %arg5[%get3A_1296, %get3A_1297] {strides = array<i32>} : memref<22x64xf32, #tpu.memory_space<vmem>>, vector<1x16xf32>,
    %get3A_1299 = vector.shape_cast %get3A_1298 : vector<1x16xf32> to vector<16xf32>
    %gt3A_1300 = arith.cmpf ogt, %get3A_1299, %select_n3A_1291 : vector<16xf32>
    %select_n3A_1301 = arith.select %gt3A_1300, %get3A_1299, %select_n3A_1291 : vector<16xi1>, vector<16xf32>
    %broadcast_in_dim3A_1302 = arith.constant 3 : i32
    %broadcast_in_dim3A_1303 = vector.broadcast %broadcast_in_dim3A_1302 : i32 to vector<16xi32>
    %select_n3A_1304 = arith.select %gt3A_1300, %broadcast_in_dim3A_1303, %select_n3A_1294 : vector<16xi1>, vector<16xi32>
    %get3A_1305 = arith.constant 4 : i32
    %get3A_1306 = arith.index_cast %get3A_1305 : i32 to index
    %get3A_1307 = arith.constant 48 : index
    %get3A_1308 = tpu.vector_load %arg5[%get3A_1306, %get3A_1307] {strides = array<i32>} : memref<22x64xf32, #tpu.memory_space<vmem>>, vector<1x16xf32>,
    %get3A_1309 = vector.shape_cast %get3A_1308 : vector<1x16xf32> to vector<16xf32>
    %gt3A_1310 = arith.cmpf ogt, %get3A_1309, %select_n3A_1301 : vector<16xf32>
    %select_n3A_1311 = arith.select %gt3A_1310, %get3A_1309, %select_n3A_1301 : vector<16xi1>, vector<16xf32>
    %broadcast_in_dim3A_1312 = arith.constant 4 : i32
    %broadcast_in_dim3A_1313 = vector.broadcast %broadcast_in_dim3A_1312 : i32 to vector<16xi32>
    %select_n3A_1314 = arith.select %gt3A_1310, %broadcast_in_dim3A_1313, %select_n3A_1304 : vector<16xi1>, vector<16xi32>
    %get3A_1315 = arith.constant 5 : i32
    %get3A_1316 = arith.index_cast %get3A_1315 : i32 to index
    %get3A_1317 = arith.constant 48 : index
    %get3A_1318 = tpu.vector_load %arg5[%get3A_1316, %get3A_1317] {strides = array<i32>} : memref<22x64xf32, #tpu.memory_space<vmem>>, vector<1x16xf32>,
    %get3A_1319 = vector.shape_cast %get3A_1318 : vector<1x16xf32> to vector<16xf32>
    %gt3A_1320 = arith.cmpf ogt, %get3A_1319, %select_n3A_1311 : vector<16xf32>
    %select_n3A_1321 = arith.select %gt3A_1320, %get3A_1319, %select_n3A_1311 : vector<16xi1>, vector<16xf32>
    %broadcast_in_dim3A_1322 = arith.constant 5 : i32
    %broadcast_in_dim3A_1323 = vector.broadcast %broadcast_in_dim3A_1322 : i32 to vector<16xi32>
    %select_n3A_1324 = arith.select %gt3A_1320, %broadcast_in_dim3A_1323, %select_n3A_1314 : vector<16xi1>, vector<16xi32>
    %get3A_1325 = arith.constant 6 : i32
    %get3A_1326 = arith.index_cast %get3A_1325 : i32 to index
    %get3A_1327 = arith.constant 48 : index
    %get3A_1328 = tpu.vector_load %arg5[%get3A_1326, %get3A_1327] {strides = array<i32>} : memref<22x64xf32, #tpu.memory_space<vmem>>, vector<1x16xf32>,
    %get3A_1329 = vector.shape_cast %get3A_1328 : vector<1x16xf32> to vector<16xf32>
    %gt3A_1330 = arith.cmpf ogt, %get3A_1329, %select_n3A_1321 : vector<16xf32>
    %select_n3A_1331 = arith.select %gt3A_1330, %get3A_1329, %select_n3A_1321 : vector<16xi1>, vector<16xf32>
    %broadcast_in_dim3A_1332 = arith.constant 6 : i32
    %broadcast_in_dim3A_1333 = vector.broadcast %broadcast_in_dim3A_1332 : i32 to vector<16xi32>
    %select_n3A_1334 = arith.select %gt3A_1330, %broadcast_in_dim3A_1333, %select_n3A_1324 : vector<16xi1>, vector<16xi32>
    %get3A_1335 = arith.constant 7 : i32
    %get3A_1336 = arith.index_cast %get3A_1335 : i32 to index
    %get3A_1337 = arith.constant 48 : index
    %get3A_1338 = tpu.vector_load %arg5[%get3A_1336, %get3A_1337] {strides = array<i32>} : memref<22x64xf32, #tpu.memory_space<vmem>>, vector<1x16xf32>,
    %get3A_1339 = vector.shape_cast %get3A_1338 : vector<1x16xf32> to vector<16xf32>
    %gt3A_1340 = arith.cmpf ogt, %get3A_1339, %select_n3A_1331 : vector<16xf32>
    %select_n3A_1341 = arith.select %gt3A_1340, %get3A_1339, %select_n3A_1331 : vector<16xi1>, vector<16xf32>
    %broadcast_in_dim3A_1342 = arith.constant 7 : i32
    %broadcast_in_dim3A_1343 = vector.broadcast %broadcast_in_dim3A_1342 : i32 to vector<16xi32>
    %select_n3A_1344 = arith.select %gt3A_1340, %broadcast_in_dim3A_1343, %select_n3A_1334 : vector<16xi1>, vector<16xi32>
    %get3A_1345 = arith.constant 8 : i32
    %get3A_1346 = arith.index_cast %get3A_1345 : i32 to index
    %get3A_1347 = arith.constant 48 : index
    %get3A_1348 = tpu.vector_load %arg5[%get3A_1346, %get3A_1347] {strides = array<i32>} : memref<22x64xf32, #tpu.memory_space<vmem>>, vector<1x16xf32>,
    %get3A_1349 = vector.shape_cast %get3A_1348 : vector<1x16xf32> to vector<16xf32>
    %gt3A_1350 = arith.cmpf ogt, %get3A_1349, %select_n3A_1341 : vector<16xf32>
    %select_n3A_1351 = arith.select %gt3A_1350, %get3A_1349, %select_n3A_1341 : vector<16xi1>, vector<16xf32>
    %broadcast_in_dim3A_1352 = arith.constant 8 : i32
    %broadcast_in_dim3A_1353 = vector.broadcast %broadcast_in_dim3A_1352 : i32 to vector<16xi32>
    %select_n3A_1354 = arith.select %gt3A_1350, %broadcast_in_dim3A_1353, %select_n3A_1344 : vector<16xi1>, vector<16xi32>
    %get3A_1355 = arith.constant 9 : i32
    %get3A_1356 = arith.index_cast %get3A_1355 : i32 to index
    %get3A_1357 = arith.constant 48 : index
    %get3A_1358 = tpu.vector_load %arg5[%get3A_1356, %get3A_1357] {strides = array<i32>} : memref<22x64xf32, #tpu.memory_space<vmem>>, vector<1x16xf32>,
    %get3A_1359 = vector.shape_cast %get3A_1358 : vector<1x16xf32> to vector<16xf32>
    %gt3A_1360 = arith.cmpf ogt, %get3A_1359, %select_n3A_1351 : vector<16xf32>
    %select_n3A_1361 = arith.select %gt3A_1360, %get3A_1359, %select_n3A_1351 : vector<16xi1>, vector<16xf32>
    %broadcast_in_dim3A_1362 = arith.constant 9 : i32
    %broadcast_in_dim3A_1363 = vector.broadcast %broadcast_in_dim3A_1362 : i32 to vector<16xi32>
    %select_n3A_1364 = arith.select %gt3A_1360, %broadcast_in_dim3A_1363, %select_n3A_1354 : vector<16xi1>, vector<16xi32>
    %get3A_1365 = arith.constant 10 : i32
    %get3A_1366 = arith.index_cast %get3A_1365 : i32 to index
    %get3A_1367 = arith.constant 48 : index
    %get3A_1368 = tpu.vector_load %arg5[%get3A_1366, %get3A_1367] {strides = array<i32>} : memref<22x64xf32, #tpu.memory_space<vmem>>, vector<1x16xf32>,
    %get3A_1369 = vector.shape_cast %get3A_1368 : vector<1x16xf32> to vector<16xf32>
    %gt3A_1370 = arith.cmpf ogt, %get3A_1369, %select_n3A_1361 : vector<16xf32>
    %select_n3A_1371 = arith.select %gt3A_1370, %get3A_1369, %select_n3A_1361 : vector<16xi1>, vector<16xf32>
    %broadcast_in_dim3A_1372 = arith.constant 10 : i32
    %broadcast_in_dim3A_1373 = vector.broadcast %broadcast_in_dim3A_1372 : i32 to vector<16xi32>
    %select_n3A_1374 = arith.select %gt3A_1370, %broadcast_in_dim3A_1373, %select_n3A_1364 : vector<16xi1>, vector<16xi32>
    %get3A_1375 = arith.constant 11 : i32
    %get3A_1376 = arith.index_cast %get3A_1375 : i32 to index
    %get3A_1377 = arith.constant 48 : index
    %get3A_1378 = tpu.vector_load %arg5[%get3A_1376, %get3A_1377] {strides = array<i32>} : memref<22x64xf32, #tpu.memory_space<vmem>>, vector<1x16xf32>,
    %get3A_1379 = vector.shape_cast %get3A_1378 : vector<1x16xf32> to vector<16xf32>
    %gt3A_1380 = arith.cmpf ogt, %get3A_1379, %select_n3A_1371 : vector<16xf32>
    %select_n3A_1381 = arith.select %gt3A_1380, %get3A_1379, %select_n3A_1371 : vector<16xi1>, vector<16xf32>
    %broadcast_in_dim3A_1382 = arith.constant 11 : i32
    %broadcast_in_dim3A_1383 = vector.broadcast %broadcast_in_dim3A_1382 : i32 to vector<16xi32>
    %select_n3A_1384 = arith.select %gt3A_1380, %broadcast_in_dim3A_1383, %select_n3A_1374 : vector<16xi1>, vector<16xi32>
    %get3A_1385 = arith.constant 12 : i32
    %get3A_1386 = arith.index_cast %get3A_1385 : i32 to index
    %get3A_1387 = arith.constant 48 : index
    %get3A_1388 = tpu.vector_load %arg5[%get3A_1386, %get3A_1387] {strides = array<i32>} : memref<22x64xf32, #tpu.memory_space<vmem>>, vector<1x16xf32>,
    %get3A_1389 = vector.shape_cast %get3A_1388 : vector<1x16xf32> to vector<16xf32>
    %gt3A_1390 = arith.cmpf ogt, %get3A_1389, %select_n3A_1381 : vector<16xf32>
    %select_n3A_1391 = arith.select %gt3A_1390, %get3A_1389, %select_n3A_1381 : vector<16xi1>, vector<16xf32>
    %broadcast_in_dim3A_1392 = arith.constant 12 : i32
    %broadcast_in_dim3A_1393 = vector.broadcast %broadcast_in_dim3A_1392 : i32 to vector<16xi32>
    %select_n3A_1394 = arith.select %gt3A_1390, %broadcast_in_dim3A_1393, %select_n3A_1384 : vector<16xi1>, vector<16xi32>
    %get3A_1395 = arith.constant 13 : i32
    %get3A_1396 = arith.index_cast %get3A_1395 : i32 to index
    %get3A_1397 = arith.constant 48 : index
    %get3A_1398 = tpu.vector_load %arg5[%get3A_1396, %get3A_1397] {strides = array<i32>} : memref<22x64xf32, #tpu.memory_space<vmem>>, vector<1x16xf32>,
    %get3A_1399 = vector.shape_cast %get3A_1398 : vector<1x16xf32> to vector<16xf32>
    %gt3A_1400 = arith.cmpf ogt, %get3A_1399, %select_n3A_1391 : vector<16xf32>
    %select_n3A_1401 = arith.select %gt3A_1400, %get3A_1399, %select_n3A_1391 : vector<16xi1>, vector<16xf32>
    %broadcast_in_dim3A_1402 = arith.constant 13 : i32
    %broadcast_in_dim3A_1403 = vector.broadcast %broadcast_in_dim3A_1402 : i32 to vector<16xi32>
    %select_n3A_1404 = arith.select %gt3A_1400, %broadcast_in_dim3A_1403, %select_n3A_1394 : vector<16xi1>, vector<16xi32>
    %get3A_1405 = arith.constant 14 : i32
    %get3A_1406 = arith.index_cast %get3A_1405 : i32 to index
    %get3A_1407 = arith.constant 48 : index
    %get3A_1408 = tpu.vector_load %arg5[%get3A_1406, %get3A_1407] {strides = array<i32>} : memref<22x64xf32, #tpu.memory_space<vmem>>, vector<1x16xf32>,
    %get3A_1409 = vector.shape_cast %get3A_1408 : vector<1x16xf32> to vector<16xf32>
    %gt3A_1410 = arith.cmpf ogt, %get3A_1409, %select_n3A_1401 : vector<16xf32>
    %select_n3A_1411 = arith.select %gt3A_1410, %get3A_1409, %select_n3A_1401 : vector<16xi1>, vector<16xf32>
    %broadcast_in_dim3A_1412 = arith.constant 14 : i32
    %broadcast_in_dim3A_1413 = vector.broadcast %broadcast_in_dim3A_1412 : i32 to vector<16xi32>
    %select_n3A_1414 = arith.select %gt3A_1410, %broadcast_in_dim3A_1413, %select_n3A_1404 : vector<16xi1>, vector<16xi32>
    %get3A_1415 = arith.constant 15 : i32
    %get3A_1416 = arith.index_cast %get3A_1415 : i32 to index
    %get3A_1417 = arith.constant 48 : index
    %get3A_1418 = tpu.vector_load %arg5[%get3A_1416, %get3A_1417] {strides = array<i32>} : memref<22x64xf32, #tpu.memory_space<vmem>>, vector<1x16xf32>,
    %get3A_1419 = vector.shape_cast %get3A_1418 : vector<1x16xf32> to vector<16xf32>
    %gt3A_1420 = arith.cmpf ogt, %get3A_1419, %select_n3A_1411 : vector<16xf32>
    %select_n3A_1421 = arith.select %gt3A_1420, %get3A_1419, %select_n3A_1411 : vector<16xi1>, vector<16xf32>
    %broadcast_in_dim3A_1422 = arith.constant 15 : i32
    %broadcast_in_dim3A_1423 = vector.broadcast %broadcast_in_dim3A_1422 : i32 to vector<16xi32>
    %select_n3A_1424 = arith.select %gt3A_1420, %broadcast_in_dim3A_1423, %select_n3A_1414 : vector<16xi1>, vector<16xi32>
    %get3A_1425 = arith.constant 16 : i32
    %get3A_1426 = arith.index_cast %get3A_1425 : i32 to index
    %get3A_1427 = arith.constant 48 : index
    %get3A_1428 = tpu.vector_load %arg5[%get3A_1426, %get3A_1427] {strides = array<i32>} : memref<22x64xf32, #tpu.memory_space<vmem>>, vector<1x16xf32>,
    %get3A_1429 = vector.shape_cast %get3A_1428 : vector<1x16xf32> to vector<16xf32>
    %gt3A_1430 = arith.cmpf ogt, %get3A_1429, %select_n3A_1421 : vector<16xf32>
    %select_n3A_1431 = arith.select %gt3A_1430, %get3A_1429, %select_n3A_1421 : vector<16xi1>, vector<16xf32>
    %broadcast_in_dim3A_1432 = arith.constant 16 : i32
    %broadcast_in_dim3A_1433 = vector.broadcast %broadcast_in_dim3A_1432 : i32 to vector<16xi32>
    %select_n3A_1434 = arith.select %gt3A_1430, %broadcast_in_dim3A_1433, %select_n3A_1424 : vector<16xi1>, vector<16xi32>
    %get3A_1435 = arith.constant 17 : i32
    %get3A_1436 = arith.index_cast %get3A_1435 : i32 to index
    %get3A_1437 = arith.constant 48 : index
    %get3A_1438 = tpu.vector_load %arg5[%get3A_1436, %get3A_1437] {strides = array<i32>} : memref<22x64xf32, #tpu.memory_space<vmem>>, vector<1x16xf32>,
    %get3A_1439 = vector.shape_cast %get3A_1438 : vector<1x16xf32> to vector<16xf32>
    %gt3A_1440 = arith.cmpf ogt, %get3A_1439, %select_n3A_1431 : vector<16xf32>
    %select_n3A_1441 = arith.select %gt3A_1440, %get3A_1439, %select_n3A_1431 : vector<16xi1>, vector<16xf32>
    %broadcast_in_dim3A_1442 = arith.constant 17 : i32
    %broadcast_in_dim3A_1443 = vector.broadcast %broadcast_in_dim3A_1442 : i32 to vector<16xi32>
    %select_n3A_1444 = arith.select %gt3A_1440, %broadcast_in_dim3A_1443, %select_n3A_1434 : vector<16xi1>, vector<16xi32>
    %get3A_1445 = arith.constant 18 : i32
    %get3A_1446 = arith.index_cast %get3A_1445 : i32 to index
    %get3A_1447 = arith.constant 48 : index
    %get3A_1448 = tpu.vector_load %arg5[%get3A_1446, %get3A_1447] {strides = array<i32>} : memref<22x64xf32, #tpu.memory_space<vmem>>, vector<1x16xf32>,
    %get3A_1449 = vector.shape_cast %get3A_1448 : vector<1x16xf32> to vector<16xf32>
    %gt3A_1450 = arith.cmpf ogt, %get3A_1449, %select_n3A_1441 : vector<16xf32>
    %select_n3A_1451 = arith.select %gt3A_1450, %get3A_1449, %select_n3A_1441 : vector<16xi1>, vector<16xf32>
    %broadcast_in_dim3A_1452 = arith.constant 18 : i32
    %broadcast_in_dim3A_1453 = vector.broadcast %broadcast_in_dim3A_1452 : i32 to vector<16xi32>
    %select_n3A_1454 = arith.select %gt3A_1450, %broadcast_in_dim3A_1453, %select_n3A_1444 : vector<16xi1>, vector<16xi32>
    %get3A_1455 = arith.constant 19 : i32
    %get3A_1456 = arith.index_cast %get3A_1455 : i32 to index
    %get3A_1457 = arith.constant 48 : index
    %get3A_1458 = tpu.vector_load %arg5[%get3A_1456, %get3A_1457] {strides = array<i32>} : memref<22x64xf32, #tpu.memory_space<vmem>>, vector<1x16xf32>,
    %get3A_1459 = vector.shape_cast %get3A_1458 : vector<1x16xf32> to vector<16xf32>
    %gt3A_1460 = arith.cmpf ogt, %get3A_1459, %select_n3A_1451 : vector<16xf32>
    %select_n3A_1461 = arith.select %gt3A_1460, %get3A_1459, %select_n3A_1451 : vector<16xi1>, vector<16xf32>
    %broadcast_in_dim3A_1462 = arith.constant 19 : i32
    %broadcast_in_dim3A_1463 = vector.broadcast %broadcast_in_dim3A_1462 : i32 to vector<16xi32>
    %select_n3A_1464 = arith.select %gt3A_1460, %broadcast_in_dim3A_1463, %select_n3A_1454 : vector<16xi1>, vector<16xi32>
    %get3A_1465 = arith.constant 20 : i32
    %get3A_1466 = arith.index_cast %get3A_1465 : i32 to index
    %get3A_1467 = arith.constant 48 : index
    %get3A_1468 = tpu.vector_load %arg5[%get3A_1466, %get3A_1467] {strides = array<i32>} : memref<22x64xf32, #tpu.memory_space<vmem>>, vector<1x16xf32>,
    %get3A_1469 = vector.shape_cast %get3A_1468 : vector<1x16xf32> to vector<16xf32>
    %gt3A_1470 = arith.cmpf ogt, %get3A_1469, %select_n3A_1461 : vector<16xf32>
    %select_n3A_1471 = arith.select %gt3A_1470, %get3A_1469, %select_n3A_1461 : vector<16xi1>, vector<16xf32>
    %broadcast_in_dim3A_1472 = arith.constant 20 : i32
    %broadcast_in_dim3A_1473 = vector.broadcast %broadcast_in_dim3A_1472 : i32 to vector<16xi32>
    %select_n3A_1474 = arith.select %gt3A_1470, %broadcast_in_dim3A_1473, %select_n3A_1464 : vector<16xi1>, vector<16xi32>
    %get3A_1475 = arith.constant 21 : i32
    %get3A_1476 = arith.index_cast %get3A_1475 : i32 to index
    %get3A_1477 = arith.constant 48 : index
    %get3A_1478 = tpu.vector_load %arg5[%get3A_1476, %get3A_1477] {strides = array<i32>} : memref<22x64xf32, #tpu.memory_space<vmem>>, vector<1x16xf32>,
    %get3A_1479 = vector.shape_cast %get3A_1478 : vector<1x16xf32> to vector<16xf32>
    %gt3A_1480 = arith.cmpf ogt, %get3A_1479, %select_n3A_1471 : vector<16xf32>
    %select_n3A_1481 = arith.select %gt3A_1480, %get3A_1479, %select_n3A_1471 : vector<16xi1>, vector<16xf32>
    %broadcast_in_dim3A_1482 = arith.constant 21 : i32
    %broadcast_in_dim3A_1483 = vector.broadcast %broadcast_in_dim3A_1482 : i32 to vector<16xi32>
    %select_n3A_1484 = arith.select %gt3A_1480, %broadcast_in_dim3A_1483, %select_n3A_1474 : vector<16xi1>, vector<16xi32>
    %broadcast_in_dim3A_1485 = arith.constant 0.000000e+00 : f32
    %broadcast_in_dim3A_1486 = vector.broadcast %broadcast_in_dim3A_1485 : f32 to vector<16xf32>
    %get3A_1487 = arith.constant 0 : i32
    %get3A_1488 = arith.index_cast %get3A_1487 : i32 to index
    %get3A_1489 = arith.constant 48 : index
    %get3A_1490 = tpu.vector_load %arg5[%get3A_1488, %get3A_1489] {strides = array<i32>} : memref<22x64xf32, #tpu.memory_space<vmem>>, vector<1x16xf32>,
    %get3A_1491 = vector.shape_cast %get3A_1490 : vector<1x16xf32> to vector<16xf32>
    %sub3A_1492 = arith.subf %get3A_1491, %select_n3A_1481 : vector<16xf32>
    %exp3A_1493 = math.exp %sub3A_1492 : vector<16xf32>
    %add3A_1494 = arith.addf %broadcast_in_dim3A_1486, %exp3A_1493 : vector<16xf32>
    %get3A_1495 = arith.constant 1 : i32
    %get3A_1496 = arith.index_cast %get3A_1495 : i32 to index
    %get3A_1497 = arith.constant 48 : index
    %get3A_1498 = tpu.vector_load %arg5[%get3A_1496, %get3A_1497] {strides = array<i32>} : memref<22x64xf32, #tpu.memory_space<vmem>>, vector<1x16xf32>,
    %get3A_1499 = vector.shape_cast %get3A_1498 : vector<1x16xf32> to vector<16xf32>
    %sub3A_1500 = arith.subf %get3A_1499, %select_n3A_1481 : vector<16xf32>
    %exp3A_1501 = math.exp %sub3A_1500 : vector<16xf32>
    %add3A_1502 = arith.addf %add3A_1494, %exp3A_1501 : vector<16xf32>
    %get3A_1503 = arith.constant 2 : i32
    %get3A_1504 = arith.index_cast %get3A_1503 : i32 to index
    %get3A_1505 = arith.constant 48 : index
    %get3A_1506 = tpu.vector_load %arg5[%get3A_1504, %get3A_1505] {strides = array<i32>} : memref<22x64xf32, #tpu.memory_space<vmem>>, vector<1x16xf32>,
    %get3A_1507 = vector.shape_cast %get3A_1506 : vector<1x16xf32> to vector<16xf32>
    %sub3A_1508 = arith.subf %get3A_1507, %select_n3A_1481 : vector<16xf32>
    %exp3A_1509 = math.exp %sub3A_1508 : vector<16xf32>
    %add3A_1510 = arith.addf %add3A_1502, %exp3A_1509 : vector<16xf32>
    %get3A_1511 = arith.constant 3 : i32
    %get3A_1512 = arith.index_cast %get3A_1511 : i32 to index
    %get3A_1513 = arith.constant 48 : index
    %get3A_1514 = tpu.vector_load %arg5[%get3A_1512, %get3A_1513] {strides = array<i32>} : memref<22x64xf32, #tpu.memory_space<vmem>>, vector<1x16xf32>,
    %get3A_1515 = vector.shape_cast %get3A_1514 : vector<1x16xf32> to vector<16xf32>
    %sub3A_1516 = arith.subf %get3A_1515, %select_n3A_1481 : vector<16xf32>
    %exp3A_1517 = math.exp %sub3A_1516 : vector<16xf32>
    %add3A_1518 = arith.addf %add3A_1510, %exp3A_1517 : vector<16xf32>
    %get3A_1519 = arith.constant 4 : i32
    %get3A_1520 = arith.index_cast %get3A_1519 : i32 to index
    %get3A_1521 = arith.constant 48 : index
    %get3A_1522 = tpu.vector_load %arg5[%get3A_1520, %get3A_1521] {strides = array<i32>} : memref<22x64xf32, #tpu.memory_space<vmem>>, vector<1x16xf32>,
    %get3A_1523 = vector.shape_cast %get3A_1522 : vector<1x16xf32> to vector<16xf32>
    %sub3A_1524 = arith.subf %get3A_1523, %select_n3A_1481 : vector<16xf32>
    %exp3A_1525 = math.exp %sub3A_1524 : vector<16xf32>
    %add3A_1526 = arith.addf %add3A_1518, %exp3A_1525 : vector<16xf32>
    %get3A_1527 = arith.constant 5 : i32
    %get3A_1528 = arith.index_cast %get3A_1527 : i32 to index
    %get3A_1529 = arith.constant 48 : index
    %get3A_1530 = tpu.vector_load %arg5[%get3A_1528, %get3A_1529] {strides = array<i32>} : memref<22x64xf32, #tpu.memory_space<vmem>>, vector<1x16xf32>,
    %get3A_1531 = vector.shape_cast %get3A_1530 : vector<1x16xf32> to vector<16xf32>
    %sub3A_1532 = arith.subf %get3A_1531, %select_n3A_1481 : vector<16xf32>
    %exp3A_1533 = math.exp %sub3A_1532 : vector<16xf32>
    %add3A_1534 = arith.addf %add3A_1526, %exp3A_1533 : vector<16xf32>
    %get3A_1535 = arith.constant 6 : i32
    %get3A_1536 = arith.index_cast %get3A_1535 : i32 to index
    %get3A_1537 = arith.constant 48 : index
    %get3A_1538 = tpu.vector_load %arg5[%get3A_1536, %get3A_1537] {strides = array<i32>} : memref<22x64xf32, #tpu.memory_space<vmem>>, vector<1x16xf32>,
    %get3A_1539 = vector.shape_cast %get3A_1538 : vector<1x16xf32> to vector<16xf32>
    %sub3A_1540 = arith.subf %get3A_1539, %select_n3A_1481 : vector<16xf32>
    %exp3A_1541 = math.exp %sub3A_1540 : vector<16xf32>
    %add3A_1542 = arith.addf %add3A_1534, %exp3A_1541 : vector<16xf32>
    %get3A_1543 = arith.constant 7 : i32
    %get3A_1544 = arith.index_cast %get3A_1543 : i32 to index
    %get3A_1545 = arith.constant 48 : index
    %get3A_1546 = tpu.vector_load %arg5[%get3A_1544, %get3A_1545] {strides = array<i32>} : memref<22x64xf32, #tpu.memory_space<vmem>>, vector<1x16xf32>,
    %get3A_1547 = vector.shape_cast %get3A_1546 : vector<1x16xf32> to vector<16xf32>
    %sub3A_1548 = arith.subf %get3A_1547, %select_n3A_1481 : vector<16xf32>
    %exp3A_1549 = math.exp %sub3A_1548 : vector<16xf32>
    %add3A_1550 = arith.addf %add3A_1542, %exp3A_1549 : vector<16xf32>
    %get3A_1551 = arith.constant 8 : i32
    %get3A_1552 = arith.index_cast %get3A_1551 : i32 to index
    %get3A_1553 = arith.constant 48 : index
    %get3A_1554 = tpu.vector_load %arg5[%get3A_1552, %get3A_1553] {strides = array<i32>} : memref<22x64xf32, #tpu.memory_space<vmem>>, vector<1x16xf32>,
    %get3A_1555 = vector.shape_cast %get3A_1554 : vector<1x16xf32> to vector<16xf32>
    %sub3A_1556 = arith.subf %get3A_1555, %select_n3A_1481 : vector<16xf32>
    %exp3A_1557 = math.exp %sub3A_1556 : vector<16xf32>
    %add3A_1558 = arith.addf %add3A_1550, %exp3A_1557 : vector<16xf32>
    %get3A_1559 = arith.constant 9 : i32
    %get3A_1560 = arith.index_cast %get3A_1559 : i32 to index
    %get3A_1561 = arith.constant 48 : index
    %get3A_1562 = tpu.vector_load %arg5[%get3A_1560, %get3A_1561] {strides = array<i32>} : memref<22x64xf32, #tpu.memory_space<vmem>>, vector<1x16xf32>,
    %get3A_1563 = vector.shape_cast %get3A_1562 : vector<1x16xf32> to vector<16xf32>
    %sub3A_1564 = arith.subf %get3A_1563, %select_n3A_1481 : vector<16xf32>
    %exp3A_1565 = math.exp %sub3A_1564 : vector<16xf32>
    %add3A_1566 = arith.addf %add3A_1558, %exp3A_1565 : vector<16xf32>
    %get3A_1567 = arith.constant 10 : i32
    %get3A_1568 = arith.index_cast %get3A_1567 : i32 to index
    %get3A_1569 = arith.constant 48 : index
    %get3A_1570 = tpu.vector_load %arg5[%get3A_1568, %get3A_1569] {strides = array<i32>} : memref<22x64xf32, #tpu.memory_space<vmem>>, vector<1x16xf32>,
    %get3A_1571 = vector.shape_cast %get3A_1570 : vector<1x16xf32> to vector<16xf32>
    %sub3A_1572 = arith.subf %get3A_1571, %select_n3A_1481 : vector<16xf32>
    %exp3A_1573 = math.exp %sub3A_1572 : vector<16xf32>
    %add3A_1574 = arith.addf %add3A_1566, %exp3A_1573 : vector<16xf32>
    %get3A_1575 = arith.constant 11 : i32
    %get3A_1576 = arith.index_cast %get3A_1575 : i32 to index
    %get3A_1577 = arith.constant 48 : index
    %get3A_1578 = tpu.vector_load %arg5[%get3A_1576, %get3A_1577] {strides = array<i32>} : memref<22x64xf32, #tpu.memory_space<vmem>>, vector<1x16xf32>,
    %get3A_1579 = vector.shape_cast %get3A_1578 : vector<1x16xf32> to vector<16xf32>
    %sub3A_1580 = arith.subf %get3A_1579, %select_n3A_1481 : vector<16xf32>
    %exp3A_1581 = math.exp %sub3A_1580 : vector<16xf32>
    %add3A_1582 = arith.addf %add3A_1574, %exp3A_1581 : vector<16xf32>
    %get3A_1583 = arith.constant 12 : i32
    %get3A_1584 = arith.index_cast %get3A_1583 : i32 to index
    %get3A_1585 = arith.constant 48 : index
    %get3A_1586 = tpu.vector_load %arg5[%get3A_1584, %get3A_1585] {strides = array<i32>} : memref<22x64xf32, #tpu.memory_space<vmem>>, vector<1x16xf32>,
    %get3A_1587 = vector.shape_cast %get3A_1586 : vector<1x16xf32> to vector<16xf32>
    %sub3A_1588 = arith.subf %get3A_1587, %select_n3A_1481 : vector<16xf32>
    %exp3A_1589 = math.exp %sub3A_1588 : vector<16xf32>
    %add3A_1590 = arith.addf %add3A_1582, %exp3A_1589 : vector<16xf32>
    %get3A_1591 = arith.constant 13 : i32
    %get3A_1592 = arith.index_cast %get3A_1591 : i32 to index
    %get3A_1593 = arith.constant 48 : index
    %get3A_1594 = tpu.vector_load %arg5[%get3A_1592, %get3A_1593] {strides = array<i32>} : memref<22x64xf32, #tpu.memory_space<vmem>>, vector<1x16xf32>,
    %get3A_1595 = vector.shape_cast %get3A_1594 : vector<1x16xf32> to vector<16xf32>
    %sub3A_1596 = arith.subf %get3A_1595, %select_n3A_1481 : vector<16xf32>
    %exp3A_1597 = math.exp %sub3A_1596 : vector<16xf32>
    %add3A_1598 = arith.addf %add3A_1590, %exp3A_1597 : vector<16xf32>
    %get3A_1599 = arith.constant 14 : i32
    %get3A_1600 = arith.index_cast %get3A_1599 : i32 to index
    %get3A_1601 = arith.constant 48 : index
    %get3A_1602 = tpu.vector_load %arg5[%get3A_1600, %get3A_1601] {strides = array<i32>} : memref<22x64xf32, #tpu.memory_space<vmem>>, vector<1x16xf32>,
    %get3A_1603 = vector.shape_cast %get3A_1602 : vector<1x16xf32> to vector<16xf32>
    %sub3A_1604 = arith.subf %get3A_1603, %select_n3A_1481 : vector<16xf32>
    %exp3A_1605 = math.exp %sub3A_1604 : vector<16xf32>
    %add3A_1606 = arith.addf %add3A_1598, %exp3A_1605 : vector<16xf32>
    %get3A_1607 = arith.constant 15 : i32
    %get3A_1608 = arith.index_cast %get3A_1607 : i32 to index
    %get3A_1609 = arith.constant 48 : index
    %get3A_1610 = tpu.vector_load %arg5[%get3A_1608, %get3A_1609] {strides = array<i32>} : memref<22x64xf32, #tpu.memory_space<vmem>>, vector<1x16xf32>,
    %get3A_1611 = vector.shape_cast %get3A_1610 : vector<1x16xf32> to vector<16xf32>
    %sub3A_1612 = arith.subf %get3A_1611, %select_n3A_1481 : vector<16xf32>
    %exp3A_1613 = math.exp %sub3A_1612 : vector<16xf32>
    %add3A_1614 = arith.addf %add3A_1606, %exp3A_1613 : vector<16xf32>
    %get3A_1615 = arith.constant 16 : i32
    %get3A_1616 = arith.index_cast %get3A_1615 : i32 to index
    %get3A_1617 = arith.constant 48 : index
    %get3A_1618 = tpu.vector_load %arg5[%get3A_1616, %get3A_1617] {strides = array<i32>} : memref<22x64xf32, #tpu.memory_space<vmem>>, vector<1x16xf32>,
    %get3A_1619 = vector.shape_cast %get3A_1618 : vector<1x16xf32> to vector<16xf32>
    %sub3A_1620 = arith.subf %get3A_1619, %select_n3A_1481 : vector<16xf32>
    %exp3A_1621 = math.exp %sub3A_1620 : vector<16xf32>
    %add3A_1622 = arith.addf %add3A_1614, %exp3A_1621 : vector<16xf32>
    %get3A_1623 = arith.constant 17 : i32
    %get3A_1624 = arith.index_cast %get3A_1623 : i32 to index
    %get3A_1625 = arith.constant 48 : index
    %get3A_1626 = tpu.vector_load %arg5[%get3A_1624, %get3A_1625] {strides = array<i32>} : memref<22x64xf32, #tpu.memory_space<vmem>>, vector<1x16xf32>,
    %get3A_1627 = vector.shape_cast %get3A_1626 : vector<1x16xf32> to vector<16xf32>
    %sub3A_1628 = arith.subf %get3A_1627, %select_n3A_1481 : vector<16xf32>
    %exp3A_1629 = math.exp %sub3A_1628 : vector<16xf32>
    %add3A_1630 = arith.addf %add3A_1622, %exp3A_1629 : vector<16xf32>
    %get3A_1631 = arith.constant 18 : i32
    %get3A_1632 = arith.index_cast %get3A_1631 : i32 to index
    %get3A_1633 = arith.constant 48 : index
    %get3A_1634 = tpu.vector_load %arg5[%get3A_1632, %get3A_1633] {strides = array<i32>} : memref<22x64xf32, #tpu.memory_space<vmem>>, vector<1x16xf32>,
    %get3A_1635 = vector.shape_cast %get3A_1634 : vector<1x16xf32> to vector<16xf32>
    %sub3A_1636 = arith.subf %get3A_1635, %select_n3A_1481 : vector<16xf32>
    %exp3A_1637 = math.exp %sub3A_1636 : vector<16xf32>
    %add3A_1638 = arith.addf %add3A_1630, %exp3A_1637 : vector<16xf32>
    %get3A_1639 = arith.constant 19 : i32
    %get3A_1640 = arith.index_cast %get3A_1639 : i32 to index
    %get3A_1641 = arith.constant 48 : index
    %get3A_1642 = tpu.vector_load %arg5[%get3A_1640, %get3A_1641] {strides = array<i32>} : memref<22x64xf32, #tpu.memory_space<vmem>>, vector<1x16xf32>,
    %get3A_1643 = vector.shape_cast %get3A_1642 : vector<1x16xf32> to vector<16xf32>
    %sub3A_1644 = arith.subf %get3A_1643, %select_n3A_1481 : vector<16xf32>
    %exp3A_1645 = math.exp %sub3A_1644 : vector<16xf32>
    %add3A_1646 = arith.addf %add3A_1638, %exp3A_1645 : vector<16xf32>
    %get3A_1647 = arith.constant 20 : i32
    %get3A_1648 = arith.index_cast %get3A_1647 : i32 to index
    %get3A_1649 = arith.constant 48 : index
    %get3A_1650 = tpu.vector_load %arg5[%get3A_1648, %get3A_1649] {strides = array<i32>} : memref<22x64xf32, #tpu.memory_space<vmem>>, vector<1x16xf32>,
    %get3A_1651 = vector.shape_cast %get3A_1650 : vector<1x16xf32> to vector<16xf32>
    %sub3A_1652 = arith.subf %get3A_1651, %select_n3A_1481 : vector<16xf32>
    %exp3A_1653 = math.exp %sub3A_1652 : vector<16xf32>
    %add3A_1654 = arith.addf %add3A_1646, %exp3A_1653 : vector<16xf32>
    %get3A_1655 = arith.constant 21 : i32
    %get3A_1656 = arith.index_cast %get3A_1655 : i32 to index
    %get3A_1657 = arith.constant 48 : index
    %get3A_1658 = tpu.vector_load %arg5[%get3A_1656, %get3A_1657] {strides = array<i32>} : memref<22x64xf32, #tpu.memory_space<vmem>>, vector<1x16xf32>,
    %get3A_1659 = vector.shape_cast %get3A_1658 : vector<1x16xf32> to vector<16xf32>
    %sub3A_1660 = arith.subf %get3A_1659, %select_n3A_1481 : vector<16xf32>
    %exp3A_1661 = math.exp %sub3A_1660 : vector<16xf32>
    %add3A_1662 = arith.addf %add3A_1654, %exp3A_1661 : vector<16xf32>
    %div3A_1663 = arith.constant 1.000000e+00 : f32
    %div3A_1664 = vector.broadcast %div3A_1663 : f32 to vector<16xf32>
    %div3A_1665 = arith.divf %div3A_1664, %add3A_1662 : vector<16xf32>
    %add3A_1666 = arith.constant 9.99999997E-7 : f32
    %add3A_1667 = vector.broadcast %add3A_1666 : f32 to vector<16xf32>
    %add3A_1668 = arith.addf %div3A_1665, %add3A_1667 : vector<16xf32>
    %div3A_1669 = arith.divf %div3A_1665, %add3A_1668 : vector<16xf32>
    %swap3A_1670 = arith.constant 48 : index
    %swap3A_1671 = tpu.vector_load %arg6[%swap3A_1670] {strides = array<i32>} : memref<64xf32, #tpu.memory_space<vmem>>, vector<16xf32>,
    %swap3A_1672 = vector.shape_cast %swap3A_1671 : vector<16xf32> to vector<16xf32>
    %swap3A_1673 = vector.shape_cast %div3A_1669 : vector<16xf32> to vector<16xf32>
    tpu.vector_store %arg6[%swap3A_1670], %swap3A_1673 {strides = array<i32>} : memref<64xf32, #tpu.memory_space<vmem>>, vector<16xf32>,
    %swap3A_1674 = arith.constant 48 : index
    %swap3A_1675 = tpu.vector_load %arg7[%swap3A_1674] {strides = array<i32>} : memref<64xi32, #tpu.memory_space<vmem>>, vector<16xi32>,
    %swap3A_1676 = vector.shape_cast %swap3A_1675 : vector<16xi32> to vector<16xi32>
    %swap3A_1677 = vector.shape_cast %select_n3A_1484 : vector<16xi32> to vector<16xi32>
    tpu.vector_store %arg7[%swap3A_1674], %swap3A_1677 {strides = array<i32>} : memref<64xi32, #tpu.memory_space<vmem>>, vector<16xi32>,
    "tpu.region"() ({
      %run_scoped3A_1678 = tpu.sem_alloc : memref<!tpu.dma_semaphore, #tpu.memory_space<semaphore_mem>>
      %dma_start3A = tpu.memref_slice %arg3[%mul3A_2] : memref<2048xf32, #tpu.memory_space<hbm>> -> memref<64xf32, #tpu.memory_space<hbm>>
      %dma_start3A_1679 = tpu.memref_slice %arg3[%mul3A_2] : memref<2048xf32, #tpu.memory_space<hbm>> -> memref<64xf32, #tpu.memory_space<hbm>>
      tpu.enqueue_dma source(%arg6 : memref<64xf32, #tpu.memory_space<vmem>>) target(%dma_start3A_1679 : memref<64xf32, #tpu.memory_space<hbm>>) target_semaphore(%run_scoped3A_1678 : memref<!tpu.dma_semaphore, #tpu.memory_space<semaphore_mem>>)
      %dma_wait3A = tpu.memref_slice %arg3[%mul3A_2] : memref<2048xf32, #tpu.memory_space<hbm>> -> memref<64xf32, #tpu.memory_space<hbm>>
      %dma_wait3A_1680 = tpu.memref_slice %arg3[%mul3A_2] : memref<2048xf32, #tpu.memory_space<hbm>> -> memref<64xf32, #tpu.memory_space<hbm>>
      tpu.wait_dma2 semaphore(%run_scoped3A_1678 : memref<!tpu.dma_semaphore, #tpu.memory_space<semaphore_mem>>) src(%arg6 : memref<64xf32, #tpu.memory_space<vmem>>) dst(%dma_wait3A_1680 : memref<64xf32, #tpu.memory_space<hbm>>)
      tpu.yield
    }) : () -> ()
    "tpu.region"() ({
      %run_scoped3A_1678 = tpu.sem_alloc : memref<!tpu.dma_semaphore, #tpu.memory_space<semaphore_mem>>
      %dma_start3A = tpu.memref_slice %arg4[%mul3A_2] : memref<2048xi32, #tpu.memory_space<hbm>> -> memref<64xi32, #tpu.memory_space<hbm>>
      %dma_start3A_1679 = tpu.memref_slice %arg4[%mul3A_2] : memref<2048xi32, #tpu.memory_space<hbm>> -> memref<64xi32, #tpu.memory_space<hbm>>
      tpu.enqueue_dma source(%arg7 : memref<64xi32, #tpu.memory_space<vmem>>) target(%dma_start3A_1679 : memref<64xi32, #tpu.memory_space<hbm>>) target_semaphore(%run_scoped3A_1678 : memref<!tpu.dma_semaphore, #tpu.memory_space<semaphore_mem>>)
      %dma_wait3A = tpu.memref_slice %arg4[%mul3A_2] : memref<2048xi32, #tpu.memory_space<hbm>> -> memref<64xi32, #tpu.memory_space<hbm>>
      %dma_wait3A_1680 = tpu.memref_slice %arg4[%mul3A_2] : memref<2048xi32, #tpu.memory_space<hbm>> -> memref<64xi32, #tpu.memory_space<hbm>>
      tpu.wait_dma2 semaphore(%run_scoped3A_1678 : memref<!tpu.dma_semaphore, #tpu.memory_space<semaphore_mem>>) src(%arg7 : memref<64xi32, #tpu.memory_space<vmem>>) dst(%dma_wait3A_1680 : memref<64xi32, #tpu.memory_space<hbm>>)
      tpu.yield
    }) : () -> ()
    return
  }
}

module attributes {stable_mosaic.version = 14 : i64} {
  func.func @_k1_body(%arg0: i32, %arg1: memref<512x768xf32, #tpu.memory_space<vmem>>, %arg2: memref<1x768xf32, #tpu.memory_space<vmem>>, %arg3: memref<1x768xf32, #tpu.memory_space<vmem>>, %arg4: memref<2304x768xbf16, #tpu.memory_space<vmem>>, %arg5: memref<2304x1xf32, #tpu.memory_space<vmem>>, %arg6: memref<2304x512xbf16, #tpu.memory_space<vmem>>) attributes {dimension_semantics = [#tpu.dimension_semantics<arbitrary>], iteration_bounds = array<i64: 4>, scalar_prefetch = 0 : i64, scratch_operands = 0 : i64, tpu.core_type = #tpu.core_type<tc>, window_params = [{transform_indices = @transform_0, window_bounds = array<i64: 512, 768>}, {pipeline_mode = #tpu.pipeline_mode<synchronous>, transform_indices = @transform_1, window_bounds = array<i64: 1, 768>}, {pipeline_mode = #tpu.pipeline_mode<synchronous>, transform_indices = @transform_2, window_bounds = array<i64: 1, 768>}, {pipeline_mode = #tpu.pipeline_mode<synchronous>, transform_indices = @transform_3, window_bounds = array<i64: 2304, 768>}, {pipeline_mode = #tpu.pipeline_mode<synchronous>, transform_indices = @transform_4, window_bounds = array<i64: 2304, 1>}, {transform_indices = @transform_5, window_bounds = array<i64: 2304, 512>}]} {
    %get3A = arith.constant 0 : index
    %get3A_0 = arith.constant 0 : index
    %get3A_1 = vector.load %arg1[%get3A, %get3A_0] : memref<512x768xf32, #tpu.memory_space<vmem>>, vector<512x768xf32>
    %get3A_2 = arith.constant 0 : index
    %get3A_3 = arith.constant 0 : index
    %get3A_4 = vector.load %arg2[%get3A_2, %get3A_3] : memref<1x768xf32, #tpu.memory_space<vmem>>, vector<1x768xf32>
    %get3A_5 = arith.constant 0 : index
    %get3A_6 = arith.constant 0 : index
    %get3A_7 = vector.load %arg3[%get3A_5, %get3A_6] : memref<1x768xf32, #tpu.memory_space<vmem>>, vector<1x768xf32>
    %reduce_sum3A = arith.constant dense<0.000000e+00> : vector<512xf32>
    %reduce_sum3A_8 = vector.multi_reduction <add>, %get3A_1, %reduce_sum3A [1] : vector<512x768xf32> to vector<512xf32>
    %broadcast_in_dim3A = vector.shape_cast %reduce_sum3A_8 : vector<512xf32> to vector<512x1xf32>
    %div3A = arith.constant 7.680000e+02 : f32
    %div3A_9 = vector.broadcast %div3A : f32 to vector<512x1xf32>
    %div3A_10 = arith.divf %broadcast_in_dim3A, %div3A_9 : vector<512x1xf32>
    %sub3A = vector.broadcast %div3A_10 : vector<512x1xf32> to vector<512x768xf32>
    %sub3A_11 = arith.subf %get3A_1, %sub3A : vector<512x768xf32>
    %integer_pow3A = arith.mulf %sub3A_11, %sub3A_11 : vector<512x768xf32>
    %reduce_sum3A_12 = arith.constant dense<0.000000e+00> : vector<512xf32>
    %reduce_sum3A_13 = vector.multi_reduction <add>, %integer_pow3A, %reduce_sum3A_12 [1] : vector<512x768xf32> to vector<512xf32>
    %broadcast_in_dim3A_14 = vector.shape_cast %reduce_sum3A_13 : vector<512xf32> to vector<512x1xf32>
    %div3A_15 = arith.constant 7.680000e+02 : f32
    %div3A_16 = vector.broadcast %div3A_15 : f32 to vector<512x1xf32>
    %div3A_17 = arith.divf %broadcast_in_dim3A_14, %div3A_16 : vector<512x1xf32>
    %sub3A_18 = vector.broadcast %div3A_10 : vector<512x1xf32> to vector<512x768xf32>
    %sub3A_19 = arith.subf %get3A_1, %sub3A_18 : vector<512x768xf32>
    %add3A = arith.constant 9.99999974E-6 : f32
    %add3A_20 = vector.broadcast %add3A : f32 to vector<512x1xf32>
    %add3A_21 = arith.addf %div3A_17, %add3A_20 : vector<512x1xf32>
    %sqrt3A = math.sqrt %add3A_21 : vector<512x1xf32>
    %div3A_22 = vector.broadcast %sqrt3A : vector<512x1xf32> to vector<512x768xf32>
    %div3A_23 = arith.divf %sub3A_19, %div3A_22 : vector<512x768xf32>
    %mul3A = vector.broadcast %get3A_4 : vector<1x768xf32> to vector<512x768xf32>
    %mul3A_24 = arith.mulf %div3A_23, %mul3A : vector<512x768xf32>
    %add3A_25 = vector.broadcast %get3A_7 : vector<1x768xf32> to vector<512x768xf32>
    %add3A_26 = arith.addf %mul3A_24, %add3A_25 : vector<512x768xf32>
    %convert_element_type3A = arith.truncf %add3A_26 : vector<512x768xf32> to vector<512x768xbf16>
    %get3A_27 = arith.constant 0 : index
    %get3A_28 = arith.constant 0 : index
    %get3A_29 = vector.load %arg4[%get3A_27, %get3A_28] : memref<2304x768xbf16, #tpu.memory_space<vmem>>, vector<2304x768xbf16>
    %dot_general3A = arith.constant dense<0.000000e+00> : vector<2304x512xf32>
    %dot_general3A_30 = tpu.matmul %get3A_29, %convert_element_type3A, %dot_general3A {dimension_numbers = #tpu.dot_dimension_numbers<[1], [1], [0], [0], [0, 0, 1, 0], [], []>, transpose_lhs_hint = false} : vector<2304x768xbf16>, vector<512x768xbf16>, vector<2304x512xf32> -> vector<2304x512xf32>
    %get3A_31 = arith.constant 0 : index
    %get3A_32 = arith.constant 0 : index
    %get3A_33 = vector.load %arg5[%get3A_31, %get3A_32] : memref<2304x1xf32, #tpu.memory_space<vmem>>, vector<2304x1xf32>
    %add3A_34 = vector.broadcast %get3A_33 : vector<2304x1xf32> to vector<2304x512xf32>
    %add3A_35 = arith.addf %dot_general3A_30, %add3A_34 : vector<2304x512xf32>
    %iota3A = tpu.iota {dimensions = array<i32: 0>} : vector<2304x1xi32>
    %lt3A = arith.constant 768 : i32
    %lt3A_36 = vector.broadcast %lt3A : i32 to vector<2304x1xi32>
    %lt3A_37 = arith.cmpi slt, %iota3A, %lt3A_36 : vector<2304x1xi32>
    %jit3A = arith.constant 1.250000e-01 : f32
    %jit3A_38 = arith.constant 1.000000e+00 : f32
    %broadcast_in_dim3A_39 = vector.broadcast %jit3A : f32 to vector<2304x1xf32>
    %broadcast_in_dim3A_40 = vector.broadcast %jit3A_38 : f32 to vector<2304x1xf32>
    %select_n3A = arith.select %lt3A_37, %broadcast_in_dim3A_39, %broadcast_in_dim3A_40 : vector<2304x1xi1>, vector<2304x1xf32>
    %mul3A_41 = vector.broadcast %select_n3A : vector<2304x1xf32> to vector<2304x512xf32>
    %mul3A_42 = arith.mulf %add3A_35, %mul3A_41 : vector<2304x512xf32>
    %convert_element_type3A_43 = arith.truncf %mul3A_42 : vector<2304x512xf32> to vector<2304x512xbf16>
    %swap3A = arith.constant 0 : index
    %swap3A_44 = arith.constant 0 : index
    %swap3A_45 = vector.load %arg6[%swap3A, %swap3A_44] : memref<2304x512xbf16, #tpu.memory_space<vmem>>, vector<2304x512xbf16>
    tpu.vector_store %arg6[%swap3A, %swap3A_44], %convert_element_type3A_43 {strides = array<i32>} : memref<2304x512xbf16, #tpu.memory_space<vmem>>, vector<2304x512xbf16>,
    return
  }
  func.func @transform_0(%arg0: i32) -> (i32, i32) {
    %c0_i32 = arith.constant 0 : i32
    %c0_i32_0 = arith.constant 0 : i32
    return %arg0, %c0_i32 : i32, i32
  }
  func.func @transform_1(%arg0: i32) -> (i32, i32) {
    %c0_i32 = arith.constant 0 : i32
    %c0_i32_0 = arith.constant 0 : i32
    %c0_i32_1 = arith.constant 0 : i32
    return %c0_i32, %c0_i32_0 : i32, i32
  }
  func.func @transform_2(%arg0: i32) -> (i32, i32) {
    %c0_i32 = arith.constant 0 : i32
    %c0_i32_0 = arith.constant 0 : i32
    %c0_i32_1 = arith.constant 0 : i32
    return %c0_i32, %c0_i32_0 : i32, i32
  }
  func.func @transform_3(%arg0: i32) -> (i32, i32) {
    %c0_i32 = arith.constant 0 : i32
    %c0_i32_0 = arith.constant 0 : i32
    %c0_i32_1 = arith.constant 0 : i32
    return %c0_i32, %c0_i32_0 : i32, i32
  }
  func.func @transform_4(%arg0: i32) -> (i32, i32) {
    %c0_i32 = arith.constant 0 : i32
    %c0_i32_0 = arith.constant 0 : i32
    %c0_i32_1 = arith.constant 0 : i32
    return %c0_i32, %c0_i32_0 : i32, i32
  }
  func.func @transform_5(%arg0: i32) -> (i32, i32) {
    %c0_i32 = arith.constant 0 : i32
    %c0_i32_0 = arith.constant 0 : i32
    return %c0_i32, %arg0 : i32, i32
  }
}

module attributes {stable_mosaic.version = 14 : i64} {
  func.func @_k2_body(%arg0: i32, %arg1: i32, %arg2: memref<64x2048xbf16, #tpu.memory_space<vmem>>, %arg3: memref<64x2048xbf16, #tpu.memory_space<vmem>>, %arg4: memref<64x2048xbf16, #tpu.memory_space<vmem>>, %arg5: memref<64x2048xbf16, #tpu.memory_space<vmem>>) attributes {dimension_semantics = [#tpu.dimension_semantics<arbitrary>, #tpu.dimension_semantics<arbitrary>], iteration_bounds = array<i64: 12, 1>, scalar_prefetch = 0 : i64, scratch_operands = 0 : i64, tpu.core_type = #tpu.core_type<tc>, window_params = [{transform_indices = @transform_0, window_bounds = array<i64: 64, 2048>}, {transform_indices = @transform_1, window_bounds = array<i64: 64, 2048>}, {transform_indices = @transform_2, window_bounds = array<i64: 64, 2048>}, {transform_indices = @transform_3, window_bounds = array<i64: 64, 2048>}]} {
    %get3A = arith.constant 0 : index
    %get3A_0 = arith.constant 0 : index
    %get3A_1 = vector.load %arg2[%get3A, %get3A_0] : memref<64x2048xbf16, #tpu.memory_space<vmem>>, vector<64x2048xbf16>
    %get3A_2 = arith.constant 0 : index
    %get3A_3 = arith.constant 0 : index
    %get3A_4 = vector.load %arg3[%get3A_2, %get3A_3] : memref<64x2048xbf16, #tpu.memory_space<vmem>>, vector<64x2048xbf16>
    %get3A_5 = arith.constant 0 : index
    %get3A_6 = arith.constant 0 : index
    %get3A_7 = vector.load %arg4[%get3A_5, %get3A_6] : memref<64x2048xbf16, #tpu.memory_space<vmem>>, vector<64x2048xbf16>
    %dot_general3A = arith.constant dense<0.000000e+00> : vector<2048x2048xf32>
    %dot_general3A_8 = tpu.matmul %get3A_1, %get3A_4, %dot_general3A {dimension_numbers = #tpu.dot_dimension_numbers<[0], [0], [1], [1], [0, 1, 1, 1], [], []>, transpose_lhs_hint = false} : vector<64x2048xbf16>, vector<64x2048xbf16>, vector<2048x2048xf32> -> vector<2048x2048xf32>
    %exp3A = math.exp %dot_general3A_8 : vector<2048x2048xf32>
    %convert_element_type3A = arith.truncf %exp3A : vector<2048x2048xf32> to vector<2048x2048xbf16>
    %broadcast_in_dim3A = arith.constant 1.000000e+00 : bf16
    %broadcast_in_dim3A_9 = vector.broadcast %broadcast_in_dim3A : bf16 to vector<1x2048xbf16>
    %concatenate3A = tpu.concatenate %get3A_7, %broadcast_in_dim3A_9 in 0 : vector<64x2048xbf16>, vector<1x2048xbf16> -> vector<65x2048xbf16>
    %dot_general3A_10 = arith.constant dense<0.000000e+00> : vector<65x2048xf32>
    %dot_general3A_11 = tpu.matmul %concatenate3A, %convert_element_type3A, %dot_general3A_10 {dimension_numbers = #tpu.dot_dimension_numbers<[1], [1], [0], [0], [0, 0, 1, 0], [], []>, transpose_lhs_hint = false} : vector<65x2048xbf16>, vector<2048x2048xbf16>, vector<65x2048xf32> -> vector<65x2048xf32>
    %slice3A = vector.extract_strided_slice %dot_general3A_11 {offsets = [0, 0], sizes = [64, 2048], strides = [1, 1]} : vector<65x2048xf32> to vector<64x2048xf32>
    %slice3A_12 = vector.extract_strided_slice %dot_general3A_11 {offsets = [64, 0], sizes = [1, 2048], strides = [1, 1]} : vector<65x2048xf32> to vector<1x2048xf32>
    %div3A = vector.broadcast %slice3A_12 : vector<1x2048xf32> to vector<64x2048xf32>
    %div3A_13 = arith.divf %slice3A, %div3A : vector<64x2048xf32>
    %convert_element_type3A_14 = arith.truncf %div3A_13 : vector<64x2048xf32> to vector<64x2048xbf16>
    %swap3A = arith.constant 0 : index
    %swap3A_15 = arith.constant 0 : index
    %swap3A_16 = vector.load %arg5[%swap3A, %swap3A_15] : memref<64x2048xbf16, #tpu.memory_space<vmem>>, vector<64x2048xbf16>
    tpu.vector_store %arg5[%swap3A, %swap3A_15], %convert_element_type3A_14 {strides = array<i32>} : memref<64x2048xbf16, #tpu.memory_space<vmem>>, vector<64x2048xbf16>,
    return
  }
  func.func @transform_0(%arg0: i32, %arg1: i32) -> (i32, i32) {
    %c0_i32 = arith.constant 0 : i32
    return %arg0, %arg1 : i32, i32
  }
  func.func @transform_1(%arg0: i32, %arg1: i32) -> (i32, i32) {
    %add3A = arith.constant 12 : i32
    %add3A_0 = arith.addi %add3A, %arg0 : i32
    %c0_i32 = arith.constant 0 : i32
    %c0_i32_1 = arith.constant 0 : i32
    return %add3A_0, %c0_i32 : i32, i32
  }
  func.func @transform_2(%arg0: i32, %arg1: i32) -> (i32, i32) {
    %add3A = arith.constant 24 : i32
    %add3A_0 = arith.addi %add3A, %arg0 : i32
    %c0_i32 = arith.constant 0 : i32
    %c0_i32_1 = arith.constant 0 : i32
    return %add3A_0, %c0_i32 : i32, i32
  }
  func.func @transform_3(%arg0: i32, %arg1: i32) -> (i32, i32) {
    %c0_i32 = arith.constant 0 : i32
    return %arg0, %arg1 : i32, i32
  }
}

module attributes {stable_mosaic.version = 14 : i64} {
  func.func @_k3_body(%arg0: i32, %arg1: memref<768x512xbf16, #tpu.memory_space<vmem>>, %arg2: memref<768x768xbf16, #tpu.memory_space<vmem>>, %arg3: memref<1x768xf32, #tpu.memory_space<vmem>>, %arg4: memref<512x768xf32, #tpu.memory_space<vmem>>, %arg5: memref<768x22xf32, #tpu.memory_space<vmem>>, %arg6: memref<512x768xf32, #tpu.memory_space<vmem>>, %arg7: memref<22x512xf32, #tpu.memory_space<vmem>>) attributes {dimension_semantics = [#tpu.dimension_semantics<arbitrary>], iteration_bounds = array<i64: 4>, scalar_prefetch = 0 : i64, scratch_operands = 0 : i64, tpu.core_type = #tpu.core_type<tc>, window_params = [{transform_indices = @transform_0, window_bounds = array<i64: 768, 512>}, {pipeline_mode = #tpu.pipeline_mode<synchronous>, transform_indices = @transform_1, window_bounds = array<i64: 768, 768>}, {pipeline_mode = #tpu.pipeline_mode<synchronous>, transform_indices = @transform_2, window_bounds = array<i64: 1, 768>}, {transform_indices = @transform_3, window_bounds = array<i64: 512, 768>}, {pipeline_mode = #tpu.pipeline_mode<synchronous>, transform_indices = @transform_4, window_bounds = array<i64: 768, 22>}, {transform_indices = @transform_5, window_bounds = array<i64: 512, 768>}, {transform_indices = @transform_6, window_bounds = array<i64: 22, 512>}]} {
    %get3A = arith.constant 0 : index
    %get3A_0 = arith.constant 0 : index
    %get3A_1 = vector.load %arg1[%get3A, %get3A_0] : memref<768x512xbf16, #tpu.memory_space<vmem>>, vector<768x512xbf16>
    %get3A_2 = arith.constant 0 : index
    %get3A_3 = arith.constant 0 : index
    %get3A_4 = vector.load %arg4[%get3A_2, %get3A_3] : memref<512x768xf32, #tpu.memory_space<vmem>>, vector<512x768xf32>
    %get3A_5 = arith.constant 0 : index
    %get3A_6 = arith.constant 0 : index
    %get3A_7 = vector.load %arg2[%get3A_5, %get3A_6] : memref<768x768xbf16, #tpu.memory_space<vmem>>, vector<768x768xbf16>
    %dot_general3A = arith.constant dense<0.000000e+00> : vector<512x768xf32>
    %dot_general3A_8 = tpu.matmul %get3A_1, %get3A_7, %dot_general3A {dimension_numbers = #tpu.dot_dimension_numbers<[0], [1], [1], [0], [0, 1, 1, 0], [], []>, transpose_lhs_hint = false} : vector<768x512xbf16>, vector<768x768xbf16>, vector<512x768xf32> -> vector<512x768xf32>
    %add3A = arith.addf %get3A_4, %dot_general3A_8 : vector<512x768xf32>
    %get3A_9 = arith.constant 0 : index
    %get3A_10 = arith.constant 0 : index
    %get3A_11 = vector.load %arg3[%get3A_9, %get3A_10] : memref<1x768xf32, #tpu.memory_space<vmem>>, vector<1x768xf32>
    %add3A_12 = vector.broadcast %get3A_11 : vector<1x768xf32> to vector<512x768xf32>
    %add3A_13 = arith.addf %add3A, %add3A_12 : vector<512x768xf32>
    %swap3A = arith.constant 0 : index
    %swap3A_14 = arith.constant 0 : index
    %swap3A_15 = vector.load %arg6[%swap3A, %swap3A_14] : memref<512x768xf32, #tpu.memory_space<vmem>>, vector<512x768xf32>
    tpu.vector_store %arg6[%swap3A, %swap3A_14], %add3A_13 {strides = array<i32>} : memref<512x768xf32, #tpu.memory_space<vmem>>, vector<512x768xf32>,
    %get3A_16 = arith.constant 0 : index
    %get3A_17 = arith.constant 0 : index
    %get3A_18 = vector.load %arg5[%get3A_16, %get3A_17] : memref<768x22xf32, #tpu.memory_space<vmem>>, vector<768x22xf32>
    %dot_general3A_19 = arith.constant dense<0.000000e+00> : vector<22x512xf32>
    %dot_general3A_20 = tpu.matmul %get3A_18, %add3A_13, %dot_general3A_19 {dimension_numbers = #tpu.dot_dimension_numbers<[0], [1], [1], [0], [0, 1, 1, 0], [], []>, transpose_lhs_hint = false} : vector<768x22xf32>, vector<512x768xf32>, vector<22x512xf32> -> vector<22x512xf32>
    %swap3A_21 = arith.constant 0 : index
    %swap3A_22 = arith.constant 0 : index
    %swap3A_23 = vector.load %arg7[%swap3A_21, %swap3A_22] : memref<22x512xf32, #tpu.memory_space<vmem>>, vector<22x512xf32>
    tpu.vector_store %arg7[%swap3A_21, %swap3A_22], %dot_general3A_20 {strides = array<i32>} : memref<22x512xf32, #tpu.memory_space<vmem>>, vector<22x512xf32>,
    return
  }
  func.func @transform_0(%arg0: i32) -> (i32, i32) {
    %c0_i32 = arith.constant 0 : i32
    %c0_i32_0 = arith.constant 0 : i32
    return %c0_i32, %arg0 : i32, i32
  }
  func.func @transform_1(%arg0: i32) -> (i32, i32) {
    %c0_i32 = arith.constant 0 : i32
    %c0_i32_0 = arith.constant 0 : i32
    %c0_i32_1 = arith.constant 0 : i32
    return %c0_i32, %c0_i32_0 : i32, i32
  }
  func.func @transform_2(%arg0: i32) -> (i32, i32) {
    %c0_i32 = arith.constant 0 : i32
    %c0_i32_0 = arith.constant 0 : i32
    %c0_i32_1 = arith.constant 0 : i32
    return %c0_i32, %c0_i32_0 : i32, i32
  }
  func.func @transform_3(%arg0: i32) -> (i32, i32) {
    %c0_i32 = arith.constant 0 : i32
    %c0_i32_0 = arith.constant 0 : i32
    return %arg0, %c0_i32 : i32, i32
  }
  func.func @transform_4(%arg0: i32) -> (i32, i32) {
    %c0_i32 = arith.constant 0 : i32
    %c0_i32_0 = arith.constant 0 : i32
    %c0_i32_1 = arith.constant 0 : i32
    return %c0_i32, %c0_i32_0 : i32, i32
  }
  func.func @transform_5(%arg0: i32) -> (i32, i32) {
    %c0_i32 = arith.constant 0 : i32
    %c0_i32_0 = arith.constant 0 : i32
    return %arg0, %c0_i32 : i32, i32
  }
  func.func @transform_6(%arg0: i32) -> (i32, i32) {
    %c0_i32 = arith.constant 0 : i32
    %c0_i32_0 = arith.constant 0 : i32
    return %c0_i32, %arg0 : i32, i32
  }
}

module attributes {stable_mosaic.version = 14 : i64} {
  func.func @_k45_body(%arg0: i32, %arg1: memref<512x768xf32, #tpu.memory_space<vmem>>, %arg2: memref<512x1xf32, #tpu.memory_space<vmem>>, %arg3: memref<512x1xi32, #tpu.memory_space<vmem>>, %arg4: memref<768x1408xbf16, #tpu.memory_space<vmem>>, %arg5: memref<1x1408xf32, #tpu.memory_space<vmem>>, %arg6: memref<768x1408xbf16, #tpu.memory_space<vmem>>, %arg7: memref<1x1408xf32, #tpu.memory_space<vmem>>, %arg8: memref<1408x768xbf16, #tpu.memory_space<vmem>>, %arg9: memref<1408x768xbf16, #tpu.memory_space<vmem>>, %arg10: memref<22x768xf32, #tpu.memory_space<vmem>>, %arg11: memref<1x768xf32, #tpu.memory_space<vmem>>, %arg12: memref<1x768xf32, #tpu.memory_space<vmem>>, %arg13: memref<1x768xf32, #tpu.memory_space<vmem>>, %arg14: memref<3072x768xbf16, #tpu.memory_space<vmem>>, %arg15: memref<1x3072xf32, #tpu.memory_space<vmem>>, %arg16: memref<768x3072xbf16, #tpu.memory_space<vmem>>, %arg17: memref<1x768xf32, #tpu.memory_space<vmem>>, %arg18: memref<512x768xf32, #tpu.memory_space<vmem>>) attributes {dimension_semantics = [#tpu.dimension_semantics<arbitrary>], iteration_bounds = array<i64: 4>, scalar_prefetch = 0 : i64, scratch_operands = 0 : i64, tpu.core_type = #tpu.core_type<tc>, window_params = [{transform_indices = @transform_0, window_bounds = array<i64: 512, 768>}, {transform_indices = @transform_1, window_bounds = array<i64: 512, 1>}, {transform_indices = @transform_2, window_bounds = array<i64: 512, 1>}, {pipeline_mode = #tpu.pipeline_mode<synchronous>, transform_indices = @transform_3, window_bounds = array<i64: 768, 1408>}, {pipeline_mode = #tpu.pipeline_mode<synchronous>, transform_indices = @transform_4, window_bounds = array<i64: 1, 1408>}, {pipeline_mode = #tpu.pipeline_mode<synchronous>, transform_indices = @transform_5, window_bounds = array<i64: 768, 1408>}, {pipeline_mode = #tpu.pipeline_mode<synchronous>, transform_indices = @transform_6, window_bounds = array<i64: 1, 1408>}, {pipeline_mode = #tpu.pipeline_mode<synchronous>, transform_indices = @transform_7, window_bounds = array<i64: 1408, 768>}, {pipeline_mode = #tpu.pipeline_mode<synchronous>, transform_indices = @transform_8, window_bounds = array<i64: 1408, 768>}, {pipeline_mode = #tpu.pipeline_mode<synchronous>, transform_indices = @transform_9, window_bounds = array<i64: 22, 768>}, {pipeline_mode = #tpu.pipeline_mode<synchronous>, transform_indices = @transform_10, window_bounds = array<i64: 1, 768>}, {pipeline_mode = #tpu.pipeline_mode<synchronous>, transform_indices = @transform_11, window_bounds = array<i64: 1, 768>}, {pipeline_mode = #tpu.pipeline_mode<synchronous>, transform_indices = @transform_12, window_bounds = array<i64: 1, 768>}, {pipeline_mode = #tpu.pipeline_mode<synchronous>, transform_indices = @transform_13, window_bounds = array<i64: 3072, 768>}, {pipeline_mode = #tpu.pipeline_mode<synchronous>, transform_indices = @transform_14, window_bounds = array<i64: 1, 3072>}, {pipeline_mode = #tpu.pipeline_mode<synchronous>, transform_indices = @transform_15, window_bounds = array<i64: 768, 3072>}, {pipeline_mode = #tpu.pipeline_mode<synchronous>, transform_indices = @transform_16, window_bounds = array<i64: 1, 768>}, {transform_indices = @transform_17, window_bounds = array<i64: 512, 768>}]} {
    %get3A = arith.constant 0 : index
    %get3A_0 = arith.constant 0 : index
    %get3A_1 = vector.load %arg1[%get3A, %get3A_0] : memref<512x768xf32, #tpu.memory_space<vmem>>, vector<512x768xf32>
    %convert_element_type3A = arith.truncf %get3A_1 : vector<512x768xf32> to vector<512x768xbf16>
    %get3A_2 = arith.constant 0 : index
    %get3A_3 = arith.constant 0 : index
    %get3A_4 = vector.load %arg2[%get3A_2, %get3A_3] : memref<512x1xf32, #tpu.memory_space<vmem>>, vector<512x1xf32>
    %get3A_5 = arith.constant 0 : index
    %get3A_6 = arith.constant 0 : index
    %get3A_7 = vector.load %arg3[%get3A_5, %get3A_6] : memref<512x1xi32, #tpu.memory_space<vmem>>, vector<512x1xi32>
    %get3A_8 = arith.constant 0 : index
    %get3A_9 = arith.constant 0 : index
    %get3A_10 = vector.load %arg4[%get3A_8, %get3A_9] : memref<768x1408xbf16, #tpu.memory_space<vmem>>, vector<768x1408xbf16>
    %dot_general3A = arith.constant dense<0.000000e+00> : vector<512x1408xf32>
    %dot_general3A_11 = tpu.matmul %convert_element_type3A, %get3A_10, %dot_general3A {dimension_numbers = #tpu.dot_dimension_numbers<[1], [0], [0], [1], [0, 0, 1, 1], [], []>, transpose_lhs_hint = false} : vector<512x768xbf16>, vector<768x1408xbf16>, vector<512x1408xf32> -> vector<512x1408xf32>
    %get3A_12 = arith.constant 0 : index
    %get3A_13 = arith.constant 0 : index
    %get3A_14 = vector.load %arg5[%get3A_12, %get3A_13] : memref<1x1408xf32, #tpu.memory_space<vmem>>, vector<1x1408xf32>
    %add3A = vector.broadcast %get3A_14 : vector<1x1408xf32> to vector<512x1408xf32>
    %add3A_15 = arith.addf %dot_general3A_11, %add3A : vector<512x1408xf32>
    %max3A = arith.constant 0.000000e+00 : f32
    %max3A_16 = vector.broadcast %max3A : f32 to vector<512x1408xf32>
    %max3A_17 = arith.maximumf %add3A_15, %max3A_16 : vector<512x1408xf32>
    %iota3A = tpu.iota {dimensions = array<i32: 1>} : vector<512x1408xi32>
    %jit3A = arith.constant 64 : i32
    %div3A = vector.broadcast %jit3A : i32 to vector<512x1408xi32>
    %div3A_18 = arith.divsi %iota3A, %div3A : vector<512x1408xi32>
    %sign3A = arith.constant 0 : i32
    %sign3A_19 = vector.broadcast %sign3A : i32 to vector<512x1408xi32>
    %sign3A_20 = arith.cmpi sgt, %iota3A, %sign3A_19 : vector<512x1408xi32>
    %sign3A_21 = arith.extui %sign3A_20 : vector<512x1408xi1> to vector<512x1408xi32>
    %sign3A_22 = arith.constant 0 : i32
    %sign3A_23 = vector.broadcast %sign3A_22 : i32 to vector<512x1408xi32>
    %sign3A_24 = arith.cmpi slt, %iota3A, %sign3A_23 : vector<512x1408xi32>
    %sign3A_25 = arith.extui %sign3A_24 : vector<512x1408xi1> to vector<512x1408xi32>
    %sign3A_26 = arith.subi %sign3A_21, %sign3A_25 : vector<512x1408xi32>
    %sign3A_27 = arith.constant 0 : i32
    %sign3A_28 = arith.cmpi sgt, %jit3A, %sign3A_27 : i32
    %sign3A_29 = arith.extui %sign3A_28 : i1 to i32
    %sign3A_30 = arith.constant 0 : i32
    %sign3A_31 = arith.cmpi slt, %jit3A, %sign3A_30 : i32
    %sign3A_32 = arith.extui %sign3A_31 : i1 to i32
    %sign3A_33 = arith.subi %sign3A_29, %sign3A_32 : i32
    %ne3A = vector.broadcast %sign3A_33 : i32 to vector<512x1408xi32>
    %ne3A_34 = arith.cmpi ne, %sign3A_26, %ne3A : vector<512x1408xi32>
    %rem3A = vector.broadcast %jit3A : i32 to vector<512x1408xi32>
    %rem3A_35 = arith.remsi %iota3A, %rem3A : vector<512x1408xi32>
    %ne3A_36 = arith.constant 0 : i32
    %ne3A_37 = vector.broadcast %ne3A_36 : i32 to vector<512x1408xi32>
    %ne3A_38 = arith.cmpi ne, %rem3A_35, %ne3A_37 : vector<512x1408xi32>
    %and3A = arith.andi %ne3A_34, %ne3A_38 : vector<512x1408xi1>
    %sub3A = arith.constant 1 : i32
    %sub3A_39 = vector.broadcast %sub3A : i32 to vector<512x1408xi32>
    %sub3A_40 = arith.subi %div3A_18, %sub3A_39 : vector<512x1408xi32>
    %select_n3A = arith.select %and3A, %sub3A_40, %div3A_18 : vector<512x1408xi1>, vector<512x1408xi32>
    %eq3A = vector.broadcast %get3A_7 : vector<512x1xi32> to vector<512x1408xi32>
    %eq3A_41 = arith.cmpi eq, %select_n3A, %eq3A : vector<512x1408xi32>
    %jit3A_42 = arith.constant 0.000000e+00 : f32
    %broadcast_in_dim3A = vector.shape_cast %get3A_4 : vector<512x1xf32> to vector<512x1xf32>
    %broadcast_in_dim3A_43 = vector.broadcast %broadcast_in_dim3A : vector<512x1xf32> to vector<512x1408xf32>
    %broadcast_in_dim3A_44 = vector.broadcast %jit3A_42 : f32 to vector<512x1408xf32>
    %select_n3A_45 = arith.select %eq3A_41, %broadcast_in_dim3A_43, %broadcast_in_dim3A_44 : vector<512x1408xi1>, vector<512x1408xf32>
    %mul3A = arith.mulf %max3A_17, %select_n3A_45 : vector<512x1408xf32>
    %convert_element_type3A_46 = arith.truncf %mul3A : vector<512x1408xf32> to vector<512x1408xbf16>
    %get3A_47 = arith.constant 0 : index
    %get3A_48 = arith.constant 0 : index
    %get3A_49 = vector.load %arg6[%get3A_47, %get3A_48] : memref<768x1408xbf16, #tpu.memory_space<vmem>>, vector<768x1408xbf16>
    %dot_general3A_50 = arith.constant dense<0.000000e+00> : vector<512x1408xf32>
    %dot_general3A_51 = tpu.matmul %convert_element_type3A, %get3A_49, %dot_general3A_50 {dimension_numbers = #tpu.dot_dimension_numbers<[1], [0], [0], [1], [0, 0, 1, 1], [], []>, transpose_lhs_hint = false} : vector<512x768xbf16>, vector<768x1408xbf16>, vector<512x1408xf32> -> vector<512x1408xf32>
    %get3A_52 = arith.constant 0 : index
    %get3A_53 = arith.constant 0 : index
    %get3A_54 = vector.load %arg7[%get3A_52, %get3A_53] : memref<1x1408xf32, #tpu.memory_space<vmem>>, vector<1x1408xf32>
    %add3A_55 = vector.broadcast %get3A_54 : vector<1x1408xf32> to vector<512x1408xf32>
    %add3A_56 = arith.addf %dot_general3A_51, %add3A_55 : vector<512x1408xf32>
    %max3A_57 = arith.constant 0.000000e+00 : f32
    %max3A_58 = vector.broadcast %max3A_57 : f32 to vector<512x1408xf32>
    %max3A_59 = arith.maximumf %add3A_56, %max3A_58 : vector<512x1408xf32>
    %convert_element_type3A_60 = arith.truncf %max3A_59 : vector<512x1408xf32> to vector<512x1408xbf16>
    %get3A_61 = arith.constant 0 : index
    %get3A_62 = arith.constant 0 : index
    %get3A_63 = vector.load %arg8[%get3A_61, %get3A_62] : memref<1408x768xbf16, #tpu.memory_space<vmem>>, vector<1408x768xbf16>
    %dot_general3A_64 = arith.constant dense<0.000000e+00> : vector<512x768xf32>
    %dot_general3A_65 = tpu.matmul %convert_element_type3A_46, %get3A_63, %dot_general3A_64 {dimension_numbers = #tpu.dot_dimension_numbers<[1], [0], [0], [1], [0, 0, 1, 1], [], []>, transpose_lhs_hint = false} : vector<512x1408xbf16>, vector<1408x768xbf16>, vector<512x768xf32> -> vector<512x768xf32>
    %get3A_66 = arith.constant 0 : index
    %get3A_67 = arith.constant 0 : index
    %get3A_68 = vector.load %arg9[%get3A_66, %get3A_67] : memref<1408x768xbf16, #tpu.memory_space<vmem>>, vector<1408x768xbf16>
    %dot_general3A_69 = arith.constant dense<0.000000e+00> : vector<512x768xf32>
    %dot_general3A_70 = tpu.matmul %convert_element_type3A_60, %get3A_68, %dot_general3A_69 {dimension_numbers = #tpu.dot_dimension_numbers<[1], [0], [0], [1], [0, 0, 1, 1], [], []>, transpose_lhs_hint = false} : vector<512x1408xbf16>, vector<1408x768xbf16>, vector<512x768xf32> -> vector<512x768xf32>
    %add3A_71 = arith.addf %dot_general3A_65, %dot_general3A_70 : vector<512x768xf32>
    %iota3A_72 = tpu.iota {dimensions = array<i32: 1>} : vector<512x22xi32>
    %eq3A_73 = vector.broadcast %get3A_7 : vector<512x1xi32> to vector<512x22xi32>
    %eq3A_74 = arith.cmpi eq, %iota3A_72, %eq3A_73 : vector<512x22xi32>
    %jit3A_75 = arith.constant 0.000000e+00 : f32
    %broadcast_in_dim3A_76 = vector.shape_cast %get3A_4 : vector<512x1xf32> to vector<512x1xf32>
    %broadcast_in_dim3A_77 = vector.broadcast %broadcast_in_dim3A_76 : vector<512x1xf32> to vector<512x22xf32>
    %broadcast_in_dim3A_78 = vector.broadcast %jit3A_75 : f32 to vector<512x22xf32>
    %select_n3A_79 = arith.select %eq3A_74, %broadcast_in_dim3A_77, %broadcast_in_dim3A_78 : vector<512x22xi1>, vector<512x22xf32>
    %get3A_80 = arith.constant 0 : index
    %get3A_81 = arith.constant 0 : index
    %get3A_82 = vector.load %arg10[%get3A_80, %get3A_81] : memref<22x768xf32, #tpu.memory_space<vmem>>, vector<22x768xf32>
    %dot_general3A_83 = arith.constant dense<0.000000e+00> : vector<512x768xf32>
    %dot_general3A_84 = tpu.matmul %select_n3A_79, %get3A_82, %dot_general3A_83 {dimension_numbers = #tpu.dot_dimension_numbers<[1], [0], [0], [1], [0, 0, 1, 1], [], []>, transpose_lhs_hint = false} : vector<512x22xf32>, vector<22x768xf32>, vector<512x768xf32> -> vector<512x768xf32>
    %get3A_85 = arith.constant 0 : index
    %get3A_86 = arith.constant 0 : index
    %get3A_87 = vector.load %arg12[%get3A_85, %get3A_86] : memref<1x768xf32, #tpu.memory_space<vmem>>, vector<1x768xf32>
    %get3A_88 = arith.constant 0 : index
    %get3A_89 = arith.constant 0 : index
    %get3A_90 = vector.load %arg13[%get3A_88, %get3A_89] : memref<1x768xf32, #tpu.memory_space<vmem>>, vector<1x768xf32>
    %reduce_sum3A = arith.constant dense<0.000000e+00> : vector<512xf32>
    %reduce_sum3A_91 = vector.multi_reduction <add>, %get3A_1, %reduce_sum3A [1] : vector<512x768xf32> to vector<512xf32>
    %broadcast_in_dim3A_92 = vector.shape_cast %reduce_sum3A_91 : vector<512xf32> to vector<512x1xf32>
    %div3A_93 = arith.constant 7.680000e+02 : f32
    %div3A_94 = vector.broadcast %div3A_93 : f32 to vector<512x1xf32>
    %div3A_95 = arith.divf %broadcast_in_dim3A_92, %div3A_94 : vector<512x1xf32>
    %sub3A_96 = vector.broadcast %div3A_95 : vector<512x1xf32> to vector<512x768xf32>
    %sub3A_97 = arith.subf %get3A_1, %sub3A_96 : vector<512x768xf32>
    %integer_pow3A = arith.mulf %sub3A_97, %sub3A_97 : vector<512x768xf32>
    %reduce_sum3A_98 = arith.constant dense<0.000000e+00> : vector<512xf32>
    %reduce_sum3A_99 = vector.multi_reduction <add>, %integer_pow3A, %reduce_sum3A_98 [1] : vector<512x768xf32> to vector<512xf32>
    %broadcast_in_dim3A_100 = vector.shape_cast %reduce_sum3A_99 : vector<512xf32> to vector<512x1xf32>
    %div3A_101 = arith.constant 7.680000e+02 : f32
    %div3A_102 = vector.broadcast %div3A_101 : f32 to vector<512x1xf32>
    %div3A_103 = arith.divf %broadcast_in_dim3A_100, %div3A_102 : vector<512x1xf32>
    %sub3A_104 = vector.broadcast %div3A_95 : vector<512x1xf32> to vector<512x768xf32>
    %sub3A_105 = arith.subf %get3A_1, %sub3A_104 : vector<512x768xf32>
    %add3A_106 = arith.constant 9.99999974E-6 : f32
    %add3A_107 = vector.broadcast %add3A_106 : f32 to vector<512x1xf32>
    %add3A_108 = arith.addf %div3A_103, %add3A_107 : vector<512x1xf32>
    %sqrt3A = math.sqrt %add3A_108 : vector<512x1xf32>
    %div3A_109 = vector.broadcast %sqrt3A : vector<512x1xf32> to vector<512x768xf32>
    %div3A_110 = arith.divf %sub3A_105, %div3A_109 : vector<512x768xf32>
    %mul3A_111 = vector.broadcast %get3A_87 : vector<1x768xf32> to vector<512x768xf32>
    %mul3A_112 = arith.mulf %div3A_110, %mul3A_111 : vector<512x768xf32>
    %add3A_113 = vector.broadcast %get3A_90 : vector<1x768xf32> to vector<512x768xf32>
    %add3A_114 = arith.addf %mul3A_112, %add3A_113 : vector<512x768xf32>
    %convert_element_type3A_115 = arith.truncf %add3A_114 : vector<512x768xf32> to vector<512x768xbf16>
    %get3A_116 = arith.constant 0 : index
    %get3A_117 = arith.constant 0 : index
    %get3A_118 = vector.load %arg14[%get3A_116, %get3A_117] : memref<3072x768xbf16, #tpu.memory_space<vmem>>, vector<3072x768xbf16>
    %dot_general3A_119 = arith.constant dense<0.000000e+00> : vector<512x3072xf32>
    %dot_general3A_120 = tpu.matmul %convert_element_type3A_115, %get3A_118, %dot_general3A_119 {dimension_numbers = #tpu.dot_dimension_numbers<[1], [1], [0], [0], [0, 0, 1, 0], [], []>, transpose_lhs_hint = false} : vector<512x768xbf16>, vector<3072x768xbf16>, vector<512x3072xf32> -> vector<512x3072xf32>
    %get3A_121 = arith.constant 0 : index
    %get3A_122 = arith.constant 0 : index
    %get3A_123 = vector.load %arg15[%get3A_121, %get3A_122] : memref<1x3072xf32, #tpu.memory_space<vmem>>, vector<1x3072xf32>
    %add3A_124 = vector.broadcast %get3A_123 : vector<1x3072xf32> to vector<512x3072xf32>
    %add3A_125 = arith.addf %dot_general3A_120, %add3A_124 : vector<512x3072xf32>
    %mul3A_126 = arith.constant 1.702000e+00 : f32
    %mul3A_127 = vector.broadcast %mul3A_126 : f32 to vector<512x3072xf32>
    %mul3A_128 = arith.mulf %mul3A_127, %add3A_125 : vector<512x3072xf32>
    %logistic3A = arith.negf %mul3A_128 : vector<512x3072xf32>
    %logistic3A_129 = math.exp %logistic3A : vector<512x3072xf32>
    %logistic3A_130 = arith.constant 1.000000e+00 : f32
    %logistic3A_131 = vector.broadcast %logistic3A_130 : f32 to vector<512x3072xf32>
    %logistic3A_132 = arith.addf %logistic3A_131, %logistic3A_129 : vector<512x3072xf32>
    %logistic3A_133 = arith.divf %logistic3A_131, %logistic3A_132 : vector<512x3072xf32>
    %mul3A_134 = arith.mulf %add3A_125, %logistic3A_133 : vector<512x3072xf32>
    %convert_element_type3A_135 = arith.truncf %mul3A_134 : vector<512x3072xf32> to vector<512x3072xbf16>
    %get3A_136 = arith.constant 0 : index
    %get3A_137 = arith.constant 0 : index
    %get3A_138 = vector.load %arg16[%get3A_136, %get3A_137] : memref<768x3072xbf16, #tpu.memory_space<vmem>>, vector<768x3072xbf16>
    %dot_general3A_139 = arith.constant dense<0.000000e+00> : vector<512x768xf32>
    %dot_general3A_140 = tpu.matmul %convert_element_type3A_135, %get3A_138, %dot_general3A_139 {dimension_numbers = #tpu.dot_dimension_numbers<[1], [1], [0], [0], [0, 0, 1, 0], [], []>, transpose_lhs_hint = false} : vector<512x3072xbf16>, vector<768x3072xbf16>, vector<512x768xf32> -> vector<512x768xf32>
    %get3A_141 = arith.constant 0 : index
    %get3A_142 = arith.constant 0 : index
    %get3A_143 = vector.load %arg17[%get3A_141, %get3A_142] : memref<1x768xf32, #tpu.memory_space<vmem>>, vector<1x768xf32>
    %add3A_144 = vector.broadcast %get3A_143 : vector<1x768xf32> to vector<512x768xf32>
    %add3A_145 = arith.addf %dot_general3A_140, %add3A_144 : vector<512x768xf32>
    %add3A_146 = arith.addf %get3A_1, %add3A_145 : vector<512x768xf32>
    %add3A_147 = arith.addf %add3A_71, %dot_general3A_84 : vector<512x768xf32>
    %get3A_148 = arith.constant 0 : index
    %get3A_149 = arith.constant 0 : index
    %get3A_150 = vector.load %arg11[%get3A_148, %get3A_149] : memref<1x768xf32, #tpu.memory_space<vmem>>, vector<1x768xf32>
    %add3A_151 = vector.broadcast %get3A_150 : vector<1x768xf32> to vector<512x768xf32>
    %add3A_152 = arith.addf %add3A_147, %add3A_151 : vector<512x768xf32>
    %mul3A_153 = arith.constant 3.000000e-01 : f32
    %mul3A_154 = vector.broadcast %mul3A_153 : f32 to vector<512x768xf32>
    %mul3A_155 = arith.mulf %add3A_152, %mul3A_154 : vector<512x768xf32>
    %add3A_156 = arith.addf %add3A_146, %mul3A_155 : vector<512x768xf32>
    %swap3A = arith.constant 0 : index
    %swap3A_157 = arith.constant 0 : index
    %swap3A_158 = vector.load %arg18[%swap3A, %swap3A_157] : memref<512x768xf32, #tpu.memory_space<vmem>>, vector<512x768xf32>
    tpu.vector_store %arg18[%swap3A, %swap3A_157], %add3A_156 {strides = array<i32>} : memref<512x768xf32, #tpu.memory_space<vmem>>, vector<512x768xf32>,
    return
  }
  func.func @transform_0(%arg0: i32) -> (i32, i32) {
    %c0_i32 = arith.constant 0 : i32
    %c0_i32_0 = arith.constant 0 : i32
    return %arg0, %c0_i32 : i32, i32
  }
  func.func @transform_1(%arg0: i32) -> (i32, i32) {
    %c0_i32 = arith.constant 0 : i32
    %c0_i32_0 = arith.constant 0 : i32
    return %arg0, %c0_i32 : i32, i32
  }
  func.func @transform_2(%arg0: i32) -> (i32, i32) {
    %c0_i32 = arith.constant 0 : i32
    %c0_i32_0 = arith.constant 0 : i32
    return %arg0, %c0_i32 : i32, i32
  }
  func.func @transform_3(%arg0: i32) -> (i32, i32) {
    %c0_i32 = arith.constant 0 : i32
    %c0_i32_0 = arith.constant 0 : i32
    %c0_i32_1 = arith.constant 0 : i32
    return %c0_i32, %c0_i32_0 : i32, i32
  }
  func.func @transform_4(%arg0: i32) -> (i32, i32) {
    %c0_i32 = arith.constant 0 : i32
    %c0_i32_0 = arith.constant 0 : i32
    %c0_i32_1 = arith.constant 0 : i32
    return %c0_i32, %c0_i32_0 : i32, i32
  }
  func.func @transform_5(%arg0: i32) -> (i32, i32) {
    %c0_i32 = arith.constant 0 : i32
    %c0_i32_0 = arith.constant 0 : i32
    %c0_i32_1 = arith.constant 0 : i32
    return %c0_i32, %c0_i32_0 : i32, i32
  }
  func.func @transform_6(%arg0: i32) -> (i32, i32) {
    %c0_i32 = arith.constant 0 : i32
    %c0_i32_0 = arith.constant 0 : i32
    %c0_i32_1 = arith.constant 0 : i32
    return %c0_i32, %c0_i32_0 : i32, i32
  }
  func.func @transform_7(%arg0: i32) -> (i32, i32) {
    %c0_i32 = arith.constant 0 : i32
    %c0_i32_0 = arith.constant 0 : i32
    %c0_i32_1 = arith.constant 0 : i32
    return %c0_i32, %c0_i32_0 : i32, i32
  }
  func.func @transform_8(%arg0: i32) -> (i32, i32) {
    %c0_i32 = arith.constant 0 : i32
    %c0_i32_0 = arith.constant 0 : i32
    %c0_i32_1 = arith.constant 0 : i32
    return %c0_i32, %c0_i32_0 : i32, i32
  }
  func.func @transform_9(%arg0: i32) -> (i32, i32) {
    %c0_i32 = arith.constant 0 : i32
    %c0_i32_0 = arith.constant 0 : i32
    %c0_i32_1 = arith.constant 0 : i32
    return %c0_i32, %c0_i32_0 : i32, i32
  }
  func.func @transform_10(%arg0: i32) -> (i32, i32) {
    %c0_i32 = arith.constant 0 : i32
    %c0_i32_0 = arith.constant 0 : i32
    %c0_i32_1 = arith.constant 0 : i32
    return %c0_i32, %c0_i32_0 : i32, i32
  }
  func.func @transform_11(%arg0: i32) -> (i32, i32) {
    %c0_i32 = arith.constant 0 : i32
    %c0_i32_0 = arith.constant 0 : i32
    %c0_i32_1 = arith.constant 0 : i32
    return %c0_i32, %c0_i32_0 : i32, i32
  }
  func.func @transform_12(%arg0: i32) -> (i32, i32) {
    %c0_i32 = arith.constant 0 : i32
    %c0_i32_0 = arith.constant 0 : i32
    %c0_i32_1 = arith.constant 0 : i32
    return %c0_i32, %c0_i32_0 : i32, i32
  }
  func.func @transform_13(%arg0: i32) -> (i32, i32) {
    %c0_i32 = arith.constant 0 : i32
    %c0_i32_0 = arith.constant 0 : i32
    %c0_i32_1 = arith.constant 0 : i32
    return %c0_i32, %c0_i32_0 : i32, i32
  }
  func.func @transform_14(%arg0: i32) -> (i32, i32) {
    %c0_i32 = arith.constant 0 : i32
    %c0_i32_0 = arith.constant 0 : i32
    %c0_i32_1 = arith.constant 0 : i32
    return %c0_i32, %c0_i32_0 : i32, i32
  }
  func.func @transform_15(%arg0: i32) -> (i32, i32) {
    %c0_i32 = arith.constant 0 : i32
    %c0_i32_0 = arith.constant 0 : i32
    %c0_i32_1 = arith.constant 0 : i32
    return %c0_i32, %c0_i32_0 : i32, i32
  }
  func.func @transform_16(%arg0: i32) -> (i32, i32) {
    %c0_i32 = arith.constant 0 : i32
    %c0_i32_0 = arith.constant 0 : i32
    %c0_i32_1 = arith.constant 0 : i32
    return %c0_i32, %c0_i32_0 : i32, i32
  }
  func.func @transform_17(%arg0: i32) -> (i32, i32) {
    %c0_i32 = arith.constant 0 : i32
    %c0_i32_0 = arith.constant 0 : i32
    return %arg0, %c0_i32 : i32, i32
  }
}

</mosaic_0001>

<sc_bundles>
// kernel: kernel.7.cloned.1.call-start
scs
__scs_entry_jumppad:
0x0: {  	(pc) =	sbr.rel $0x88, $3  }
0x1: {  	(tag) =	ssettag $0x0;
	lr =	simm.s32 $0x1  }
0x2: {  	[smem:$0x3F8B] =	sst lr;
	_ =	strace $0xD0000000  }
0x3: {  	_ = 	snop  }
0x4: {  	_ = 	snop  }
0x5: {  	_ = 	snop  }
0x6: {  	_ = 	snop  }
0x7: {  	_ = 	snop  }
__scs_overlays_trampoline_lowered:
0x8: {  	[smem:$0x3F9A] =	sst s0  }
0x9: {  	[smem:$0x3F9B] =	sst s1  }
0xa: {  	[smem:$0x3F9C] =	sst s2  }
0xb: {  	[smem:$0x3F9D] =	sst s3  }
0xc: {  	[smem:$0x3F9E] =	sst s4  }
0xd: {  	[smem:$0x3F9F] =	sst s5  }
0xe: {  	[smem:$0x3FA0] =	sst s6  }
0xf: {  	[smem:$0x3FA1] =	sst s7  }
0x10: {  	[smem:$0x3FA2] =	sst s8  }
0x11: {  	[smem:$0x3FA3] =	sst s9;
	s0 =	simm.s32 @!p0 $0x0  }
0x12: {  	s1 =	sld [smem:$0x3F89];
	s0 =	simm.s32 @p0 $0x1  }
0x13: {  	[smem:$0x3FA4] =	sst s0;
	s0 =	simm.s32 @!p1 $0x0  }
0x14: {  	s2 =	sld [smem:$0x3F88];
	s0 =	simm.s32 @p1 $0x1  }
0x15: {  	[smem:$0x3FA5] =	sst s0;
	s0 =	simm.s32 @!p2 $0x0  }
0x16: {  	s3 =	sld [smem:$0x3FDB];
	s0 =	simm.s32 @p2 $0x1  }
0x17: {  	s4 =	simm.s32 $0x1BF5;
	[smem:$0x3FA7] =	sst s0  }
0x18: {  	s0 =	sld [smem:$0x3F8A];
	_ =	swait.ge [sflag:s4], $0x0  }
0x19: {  	s7 =	sld [smem:$0x3F8B]  }
0x1a: {  	s8 =	sadd.s32 $0xFFFFE003, lr  }
0x1b: {  	s9 =	sadd.s32 $0xFFFFFEF7, lr;
	s5 =	simm.s32 $0xFFFFFFFF;
	p2 =	slt.u32 s8, $0xFFFFF086  }
0x1c: {  	p1 =	slt.u32 s9, $0xF7A;
	s5 =	simm.s32 @!p2 $0x0  }
0x1d: {  	s5 =	simm.s32 @p1 $0x1;
	p0 =	seq.s32 s7, s2  }
0x1e: {  	s7 =	smul.u32 @!p0 $0xF7A, s2;
	p2 =	seq.s32 @!p0 s5, $0x0  }
0x1f: {  	s9 =	smul.u32 $0xF7A, s1;
	s8 =	simm.s32 @!p0 $0x1BF5;
	p2 =	por !p2, p0  }
0x20: {  	[sflag:s8] =	ssyncset.s32 @!p0 $0xFFFFF086;
	s6 =	sadd.s32 @!p0 s3, s7;
	s7 =	simm.s32 @!p0 $0x108  }
0x21: {  	s3 =	sadd.s32 s3, s9;
	s6 =	sadd.s32 @!p0 $0x88, s6;
	s7 =	simm.s32 @p2 $0x1082  }
0x22: {  	[simem:s7], [sflag:s8] =	dma.local @!p0 [hbm:s6], $0xF7A  }
0x23: {  	s9 =	sor.u32 $0xD0000000, s2;
	s6 =	simm.s32 $0x108;
	_ =	swait.ge @!p0 [sflag:s8], $0x0  }
0x24: {  	s3 =	sadd.s32 $0x88, s3;
	s6 =	simm.s32 @!p1 $0x1082;
	[sflag:s4] =	ssyncset.s32 $0xFFFFF086  }
0x25: {  	[simem:s6], [sflag:s4] =	dma.local [hbm:s3], $0xF7A  }
0x26: {  	[smem:$0x3F8B] =	sst s1;
	(tag) =	ssettag s2;
	_ =	strace s9  }
0x27: {  	s1 =	sld [smem:$0x3F9B]  }
0x28: {  	s2 =	sld [smem:$0x3F9C]  }
0x29: {  	s4 =	sld [smem:$0x3F9E]  }
0x2a: {  	p0 =	seq.s32 s5, $0x0;
	s5 =	sld [smem:$0x3F9F]  }
0x2b: {  	s6 =	sld [smem:$0x3FA0]  }
0x2c: {  	s7 =	sld [smem:$0x3FA1]  }
0x2d: {  	s3 =	simm.s32 $0x108;
	s8 =	sld [smem:$0x3FA2]  }
0x2e: {  	s3 =	simm.s32 @!p0 $0x1082;
	s9 =	sld [smem:$0x3FA3]  }
0x2f: {  	lr =	sadd.s32 s0, s3;
	s0 =	sld [smem:$0x3F9A]  }
0x30: {  	s3 =	sld [smem:$0x3F9D]  }
0x31: {  	[smem:$0x3FA6] =	sst s10  }
0x32: {  	s10 =	sld [smem:$0x3FA4];
	_ =	sdelay $0x3  }
0x33: {  	p0 =	seq.s32 s10, $0x1;
	s10 =	sld [smem:$0x3FA6];
	_ =	sdelay $0x3  }
0x34: {  	[smem:$0x3FA6] =	sst s10  }
0x35: {  	s10 =	sld [smem:$0x3FA5];
	_ =	sdelay $0x3  }
0x36: {  	p1 =	seq.s32 s10, $0x1;
	s10 =	sld [smem:$0x3FA6];
	_ =	sdelay $0x3  }
0x37: {  	[smem:$0x3FA6] =	sst s10  }
0x38: {  	s10 =	sld [smem:$0x3FA7]  }
0x39: {  	_ = 	snop;
	(pc) =	sbr.ind lr, $3  }
0x3a: {  	_ = 	snop  }
0x3b: {  	_ = 	snop  }
0x3c: {  	p2 =	seq.s32 s10, $0x1;
	s10 =	sld [smem:$0x3FA6]  }
0x3d: {  	_ =	shalt  }
0x3e: {  	_ =	shalt  }
0x3f: {  	_ =	shalt  }
0x40: {  	_ =	shalt  }
0x41: {  	_ =	shalt  }
0x42: {  	_ =	shalt  }
0x43: {  	_ =	shalt  }
0x44: {  	_ =	shalt  }
0x45: {  	_ =	shalt  }
0x46: {  	_ =	shalt  }
0x47: {  	_ =	shalt  }
0x48: {  	_ =	shalt  }
0x49: {  	_ =	shalt  }
0x4a: {  	_ =	shalt  }
0x4b: {  	_ =	shalt  }
0x4c: {  	_ =	shalt  }
0x4d: {  	_ =	shalt  }
0x4e: {  	_ =	shalt  }
0x4f: {  	_ =	shalt  }
0x50: {  	_ =	shalt  }
0x51: {  	_ =	shalt  }
0x52: {  	_ =	shalt  }
0x53: {  	_ =	shalt  }
0x54: {  	_ =	shalt  }
0x55: {  	_ =	shalt  }
0x56: {  	_ =	shalt  }
0x57: {  	_ =	shalt  }
0x58: {  	_ =	shalt  }
0x59: {  	_ =	shalt  }
0x5a: {  	_ =	shalt  }
0x5b: {  	_ =	shalt  }
0x5c: {  	_ =	shalt  }
0x5d: {  	_ =	shalt  }
0x5e: {  	_ =	shalt  }
0x5f: {  	_ =	shalt  }
0x60: {  	_ =	shalt  }
0x61: {  	_ =	shalt  }
0x62: {  	_ =	shalt  }
0x63: {  	_ =	shalt  }
0x64: {  	_ =	shalt  }
0x65: {  	_ =	shalt  }
0x66: {  	_ =	shalt  }
0x67: {  	_ =	shalt  }
0x68: {  	_ =	shalt  }
0x69: {  	_ =	shalt  }
0x6a: {  	_ =	shalt  }
0x6b: {  	_ =	shalt  }
0x6c: {  	_ =	shalt  }
0x6d: {  	_ =	shalt  }
0x6e: {  	_ =	shalt  }
0x6f: {  	_ =	shalt  }
0x70: {  	_ =	shalt  }
0x71: {  	_ =	shalt  }
0x72: {  	_ =	shalt  }
0x73: {  	_ =	shalt  }
0x74: {  	_ =	shalt  }
0x75: {  	_ =	shalt  }
0x76: {  	_ =	shalt  }
0x77: {  	_ =	shalt  }
0x78: {  	_ =	shalt  }
0x79: {  	_ =	shalt  }
0x7a: {  	_ =	shalt  }
0x7b: {  	_ =	shalt  }
0x7c: {  	_ =	shalt  }
0x7d: {  	_ =	shalt  }
0x7e: {  	_ =	shalt  }
0x7f: {  	_ =	shalt  }
0x80: {  	_ =	shalt  }
0x81: {  	_ =	shalt  }
0x82: {  	_ =	shalt  }
0x83: {  	_ =	shalt  }
0x84: {  	_ =	shalt  }
0x85: {  	_ =	shalt  }
0x86: {  	_ =	shalt  }
0x87: {  	_ =	shalt  }
.Lfunc_end0:
.L_simem_size_0:
called_computation_lowered:
.L_overlay_start_0:
0x88: {  	s2 =	sld [smem:$0x3FD9]  }
0x89: {  	s3 =	sld [smem:$0x3FFE];
	_ =	sdelay $0x1  }
0x8a: {  	s1 =	srdreg.scid  }
0x8b: {  	s0 =	sand.u32 $0x1, s1  }
0x8c: {  	s16 =	sshll.u32 s0, $0xA;
	s2 =	sadd.s32 s3, s2  }
0x8d: {  	s2 =	sadd.s32 s2, s16  }
0x8e: {  	[smem:$0x3FB2] =	sst s2  }
0x8f: {  	_ = 	snop  }
0x90: {  	(tm) =	ssettm $0x1  }
0x91: {  	s17 =	sld [smem:$0x3FFB];
	_ =	sdelay $0x3  }
0x92: {  	_ =	strace s17  }
0x93: {  	s2 =	sld [smem:$0x3FFC];
	_ =	sdelay $0x3  }
0x94: {  	_ =	strace s2  }
0x95: {  	s2 =	sld [smem:$0x3FFD];
	_ =	sdelay $0x3  }
0x96: {  	_ =	strace s2  }
0x97: {  	_ =	strace $0x8FFFFFFF  }
0x98: {  	s18 =	sld [smem:$0x3FDB];
	_ =	sdelay $0x1  }
0x99: {  	s19 =	simm.s32 $_scs_section_size  }
0x9a: {  	s4 =	simm.s32 $_size__tile_overlayer_lowered;
	s5 =	simm.s32 $_tile_overlayer_lowered  }
0x9b: {  	s22 =	simm.s32 $0x1BFF;
	s21 =	sshll.u32 s5, $0x1;
	s2 =	sadd.s32 s19, s18  }
0x9c: {  	s6 =	simm.s32 $0x0;
	s20 =	sshll.u32 s4, $0x1;
	s4 =	sadd.s32 s21, s2  }
0x9d: {  	[timem:s6], [sflag:s22] =	dma.local [hbm:s4], s20  }
0x9e: {  	_ =	swait.ge [sflag:s22], s20  }
0x9f: {  	s3 =	ssub.s32 $0x0, s20;
	[sflag:s22] =	ssyncset.done $0x0  }
0xa0: {  	[sflag:s22] =	ssyncadd.s32 s3;
	_ =	sdelay $0x1  }
0xa1: {  	s23 =	simm.s32 $0x1B8B  }
0xa2: {  	_ =	swait.ge [sflag:s23], $0x1  }
0xa3: {  	[sflag:s23] =	ssyncset.done $0x0  }
0xa4: {  	s25 =	simm.s32 $0x1B8E;
	s24 =	sld [smem:$0x3FFE];
	[sflag:s23] =	ssyncadd.s32 $0xFFFFFFFF  }
0xa5: {  	s26 =	simm.s32 $execute0_lowered;
	[smem:$0x3FD2] =	sst s25  }
0xa6: {  	s4 =	sshll.u32 s26, $0x1;
	_ =	strace $0x80000046;
	[dreg:$0x1] =	wrdreg $0xFFFFFFFF  }
0xa7: {  	s28 =	simm.s32 $_size_execute0_lowered;
	s2 =	sadd.s32 s2, s4;
	[dreg:$0x0] =	wrdreg $0x0  }
0xa8: {  	s4 =	sshll.u32 s28, $0x1;
	[dreg:$0x2] =	wrdreg s2  }
0xa9: {  	[dreg:$0x3] =	wrdreg s4  }
0xaa: {  	[dreg:$0x4] =	wrdreg $0xC0  }
0xab: {  	_ =	task [dreg:s6], $0x5FFFF  }
0xac: {  	[dreg:$0x1] =	wrdreg $0xFFFFFFFF  }
0xad: {  	[dreg:$0x0] =	wrdreg $0x60  }
0xae: {  	[dreg:$0x2] =	wrdreg s24  }
0xaf: {  	[dreg:$0x3] =	wrdreg $0x9  }
0xb0: {  	_ =	task.clear_ibuf [dreg:s6], $0x4FFFF;
	_ =	strace $0x90000046  }
0xb1: {  	s29 =	simm.s32 $0x9;
	_ =	strace $0x80000048  }
0xb2: {  	_ =	swait.ge [sflag:s29], $0x1  }
0xb3: {  	[sflag:s29] =	ssyncadd.s32 $0xFFFFFFFF  }
0xb4: {  	_ =	strace $0x90000048  }
0xb5: {  	_ =	sfence  }
0xb6: {  	s30 =	sld [smem:$0x0];
	_ =	sdelay $0x2  }
0xb7: {  	s31 =	sshll.u32 s1, $0xD;
	s1 =	sshrl.u32 s1, $0x2  }
0xb8: {  	s3 =	sand.u32 $0x4000, s31;
	s1 =	sadd.s32 s1, s30  }
0xb9: {  	s0 =	sor.u32 s3, s0;
	s1 =	sshll.u32 s1, $0x11  }
0xba: {  	s0 =	sor.u32 s1, s0  }
0xbb: {  	s0 =	sadd.s32 $0x8F2B, s0  }
0xbc: {  	[sflag:s0] =	ssyncadd.remote.s32 $0x1  }
0xbd: {  	_ =	sfence.sel $0xFFFF  }
0xbe: {  	[dreg:$0x0] =	wrdreg $0xFFFFFFFF;
	(pc) =	sbr.abs _section_cstart, $3  }
0xbf: {  	[dreg:$0x1] =	wrdreg $0xFFFFFFFF  }
0xc0: {  	_ =	task.clear_ibuf [dreg:s6], $0x2FFFF;
	_ =	strace $0x9FFFFFFF  }
0xc1: {  	(tm) =	ssettm $0x7FFFFFFF  }
tec
execute0_lowered:
.L_overlay_start_1:
0x0: {  	(tag) =	ssettag $0x1  }
0x1: {  	s1 =	srdreg.scid  }
0x2: {  	s0 =	stileid.u32;
	s1 =	sand.u32 $0x1, s1  }
0x3: {  	s3 =	sshll.u32 s0, $0xA;
	s5 =	sshll.u32 s1, $0x6  }
0x4: {  	s4 =	rddreg [dreg:$0x0];
	s2 =	simm.s32 $0x0;
	s3 =	sor.u32 s5, s3  }
0x5: {  	[smem:$0x7FF] =	sst s2;
	s6 =	sadd.s32 $0x5800, s4;
	s3 =	sshrl.u32 s3, $0x3  }
0x6: {  	s7 =	sshll.u32 s0, $0x7;
	_ =	strace $0x80000047;
	s3 =	sadd.s32 s6, s3  }
0x7: {  	s8 =	sshll.u32 s1, $0x3;
	s5 =	sor.u32 s5, s7;
	s23 =	sadd.s32 $0x10, s3  }
0x8: {  	s8 =	sor.u32 s8, s5;
	s24 =	sadd.s32 $0x20, s3;
	[dreg:$0x2] =	wrdreg s23  }
0x9: {  	s9 =	sor.u32 $0x40, s8;
	s25 =	sadd.s32 $0x30, s3;
	[dreg:$0x3] =	wrdreg s24  }
0xa: {  	s0 =	sor.u32 $0x50, s8;
	s26 =	sadd.s32 s6, s9;
	[dreg:$0x4] =	wrdreg s25  }
0xb: {  	s10 =	sor.u32 $0x60, s8;
	s9 =	sadd.s32 s6, s0;
	[dreg:$0x5] =	wrdreg s26  }
0xc: {  	s8 =	sor.u32 $0x70, s8;
	s11 =	sadd.s32 s6, s10;
	[dreg:$0x6] =	wrdreg s9  }
0xd: {  	s6 =	sadd.s32 s6, s8;
	[dreg:$0x7] =	wrdreg s11  }
0xe: {  	s28 =	simm.s32 $0x980;
	s12 =	sadd.s32 $0x800, s3;
	[dreg:$0x8] =	wrdreg s6  }
0xf: {  	s29 =	simm.s32 $0xA00;
	s13 =	sadd.s32 $0x810, s3;
	[dreg:$0x9] =	wrdreg s12  }
0x10: {  	s30 =	simm.s32 $0xA80;
	s14 =	sadd.s32 $0x820, s3;
	[dreg:$0xa] =	wrdreg s13  }
0x11: {  	s31 =	simm.s32 $0xC00;
	s15 =	sadd.s32 $0x830, s3;
	[dreg:$0xb] =	wrdreg s14  }
0x12: {  	s1 =	ssub.s32 $0x2, s1;
	s16 =	sadd.s32 $0x840, s3;
	[dreg:$0xc] =	wrdreg s15  }
0x13: {  	s5 =	sshrl.u32 s5, $0x3;
	s17 =	sadd.s32 $0x850, s3;
	[dreg:$0xd] =	wrdreg s16  }
0x14: {  	s22 =	sadd.s32 s5, s4;
	s18 =	sadd.s32 $0x860, s3;
	[dreg:$0xe] =	wrdreg s17  }
0x15: {  	s19 =	sadd.s32 $0x870, s3;
	s20 =	sadd.s32 $0x1000, s3;
	[dreg:$0xf] =	wrdreg s18  }
0x16: {  	s21 =	sadd.s32 $0x1010, s3;
	s4 =	sadd.s32 $0x1050, s3;
	[dreg:$0x10] =	wrdreg s19  }
0x17: {  	s5 =	sadd.s32 $0x7000, s22;
	s8 =	simm.s32 $0x1;
	[dreg:$0x11] =	wrdreg s20  }
0x18: {  	s10 =	simm.s32 $0x100;
	[dreg:$0x12] =	wrdreg s21;
	s23 =	sadd.s32 $0x1020, s3  }
0x19: {  	s24 =	sadd.s32 $0x1030, s3;
	s25 =	sshrl.u32 s1, $0x1;
	s26 =	sadd.s32 $0x1040, s3  }
0x1a: {  	s6 =	sadd.s32 $0x7200, s22;
	s9 =	simm.s32 $0x80;
	s11 =	simm.s32 $0x180  }
0x1b: {  	s12 =	simm.s32 $0x200;
	s13 =	simm.s32 $0x280;
	s14 =	simm.s32 $0x300  }
0x1c: {  	s15 =	simm.s32 $0x380;
	s16 =	simm.s32 $0x400;
	s17 =	simm.s32 $0x480  }
0x1d: {  	s18 =	simm.s32 $0x500;
	s19 =	simm.s32 $0x580;
	[dreg:$0x13] =	wrdreg s23  }
0x1e: {  	s20 =	simm.s32 $0x600;
	s21 =	simm.s32 $0x680;
	[dreg:$0x14] =	wrdreg s24  }
0x1f: {  	s22 =	simm.s32 $0x700;
	s1 =	ssub.s32 s1, s25;
	[dreg:$0x15] =	wrdreg s26  }
0x20: {  	s23 =	simm.s32 $0x780;
	s24 =	simm.s32 $0x800;
	s25 =	simm.s32 $0x880  }
0x21: {  	v0 =	vimm.s32 $0x0;
	s26 =	simm.s32 $0x900;
	s7 =	smax.u32 s1, $0x1;
	s1 =	simm.s32 $0xC80  }
.LBB2_1:
0x22: {  	[tilespmem:s2], [sflag:$0x1] =	stream.linear.gather [hbm4b:s3+s2], $0x40, $0x38;
	[tilespmem:$0xD00] =	vst v63  }
0x23: {  	_ =	swait.ge [sflag:s8], $0x40  }
0x24: {  	[sflag:s8] =	ssyncset.done $0x0  }
0x25: {  	s0 =	rddreg [dreg:$0x2];
	[sflag:s8] =	ssyncadd.s32 $0xFFFFFFC0  }
0x26: {  	[tilespmem:s9], [sflag:$0x1] =	stream.linear.gather [hbm4b:s0+s2], $0x40, $0x38;
	[tilespmem:$0xD00] =	vst v63  }
0x27: {  	_ =	swait.ge [sflag:s8], $0x40  }
0x28: {  	[sflag:s8] =	ssyncset.done $0x0  }
0x29: {  	s0 =	rddreg [dreg:$0x3];
	[sflag:s8] =	ssyncadd.s32 $0xFFFFFFC0  }
0x2a: {  	[tilespmem:s10], [sflag:$0x1] =	stream.linear.gather [hbm4b:s0+s2], $0x40, $0x38;
	[tilespmem:$0xD00] =	vst v63  }
0x2b: {  	_ =	swait.ge [sflag:s8], $0x40  }
0x2c: {  	[sflag:s8] =	ssyncset.done $0x0  }
0x2d: {  	s0 =	rddreg [dreg:$0x4];
	[sflag:s8] =	ssyncadd.s32 $0xFFFFFFC0  }
0x2e: {  	[tilespmem:s11], [sflag:$0x1] =	stream.linear.gather [hbm4b:s0+s2], $0x40, $0x38;
	[tilespmem:$0xD00] =	vst v63  }
0x2f: {  	_ =	swait.ge [sflag:s8], $0x40  }
0x30: {  	[sflag:s8] =	ssyncset.done $0x0  }
0x31: {  	s0 =	rddreg [dreg:$0x5];
	[sflag:s8] =	ssyncadd.s32 $0xFFFFFFC0  }
0x32: {  	[tilespmem:s12], [sflag:$0x1] =	stream.linear.gather [hbm4b:s0+s2], $0x40, $0x38;
	[tilespmem:$0xD00] =	vst v63  }
0x33: {  	_ =	swait.ge [sflag:s8], $0x40  }
0x34: {  	s0 =	rddreg [dreg:$0x6];
	[sflag:s8] =	ssyncset.done $0x0  }
0x35: {  	[sflag:s8] =	ssyncadd.s32 $0xFFFFFFC0  }
0x36: {  	[tilespmem:s13], [sflag:$0x1] =	stream.linear.gather [hbm4b:s0+s2], $0x40, $0x38;
	[tilespmem:$0xD00] =	vst v63  }
0x37: {  	_ =	swait.ge [sflag:s8], $0x40  }
0x38: {  	[sflag:s8] =	ssyncset.done $0x0  }
0x39: {  	s0 =	rddreg [dreg:$0x7];
	[sflag:s8] =	ssyncadd.s32 $0xFFFFFFC0  }
0x3a: {  	[tilespmem:s14], [sflag:$0x1] =	stream.linear.gather [hbm4b:s0+s2], $0x40, $0x38;
	[tilespmem:$0xD00] =	vst v63  }
0x3b: {  	_ =	swait.ge [sflag:s8], $0x40  }
0x3c: {  	[sflag:s8] =	ssyncset.done $0x0  }
0x3d: {  	s0 =	rddreg [dreg:$0x8];
	[sflag:s8] =	ssyncadd.s32 $0xFFFFFFC0  }
0x3e: {  	[tilespmem:s15], [sflag:$0x1] =	stream.linear.gather [hbm4b:s0+s2], $0x40, $0x38;
	[tilespmem:$0xD00] =	vst v63  }
0x3f: {  	_ =	swait.ge [sflag:s8], $0x40  }
0x40: {  	[sflag:s8] =	ssyncset.done $0x0  }
0x41: {  	s0 =	rddreg [dreg:$0x9];
	[sflag:s8] =	ssyncadd.s32 $0xFFFFFFC0  }
0x42: {  	[tilespmem:s16], [sflag:$0x1] =	stream.linear.gather [hbm4b:s0+s2], $0x40, $0x38;
	[tilespmem:$0xD00] =	vst v63  }
0x43: {  	_ =	swait.ge [sflag:s8], $0x40  }
0x44: {  	[sflag:s8] =	ssyncset.done $0x0  }
0x45: {  	s0 =	rddreg [dreg:$0xa];
	[sflag:s8] =	ssyncadd.s32 $0xFFFFFFC0  }
0x46: {  	[tilespmem:s17], [sflag:$0x1] =	stream.linear.gather [hbm4b:s0+s2], $0x40, $0x38;
	[tilespmem:$0xD00] =	vst v63  }
0x47: {  	_ =	swait.ge [sflag:s8], $0x40  }
0x48: {  	[sflag:s8] =	ssyncset.done $0x0  }
0x49: {  	s0 =	rddreg [dreg:$0xb];
	[sflag:s8] =	ssyncadd.s32 $0xFFFFFFC0  }
0x4a: {  	[tilespmem:s18], [sflag:$0x1] =	stream.linear.gather [hbm4b:s0+s2], $0x40, $0x38;
	[tilespmem:$0xD00] =	vst v63  }
0x4b: {  	_ =	swait.ge [sflag:s8], $0x40  }
0x4c: {  	[sflag:s8] =	ssyncset.done $0x0  }
0x4d: {  	s0 =	rddreg [dreg:$0xc];
	[sflag:s8] =	ssyncadd.s32 $0xFFFFFFC0  }
0x4e: {  	[tilespmem:s19], [sflag:$0x1] =	stream.linear.gather [hbm4b:s0+s2], $0x40, $0x38;
	[tilespmem:$0xD00] =	vst v63  }
0x4f: {  	_ =	swait.ge [sflag:s8], $0x40  }
0x50: {  	[sflag:s8] =	ssyncset.done $0x0  }
0x51: {  	s0 =	rddreg [dreg:$0xd];
	[sflag:s8] =	ssyncadd.s32 $0xFFFFFFC0  }
0x52: {  	[tilespmem:s20], [sflag:$0x1] =	stream.linear.gather [hbm4b:s0+s2], $0x40, $0x38;
	[tilespmem:$0xD00] =	vst v63  }
0x53: {  	_ =	swait.ge [sflag:s8], $0x40  }
0x54: {  	[sflag:s8] =	ssyncset.done $0x0  }
0x55: {  	s0 =	rddreg [dreg:$0xe];
	[sflag:s8] =	ssyncadd.s32 $0xFFFFFFC0  }
0x56: {  	[tilespmem:s21], [sflag:$0x1] =	stream.linear.gather [hbm4b:s0+s2], $0x40, $0x38;
	[tilespmem:$0xD00] =	vst v63  }
0x57: {  	_ =	swait.ge [sflag:s8], $0x40  }
0x58: {  	[sflag:s8] =	ssyncset.done $0x0  }
0x59: {  	s0 =	rddreg [dreg:$0xf];
	[sflag:s8] =	ssyncadd.s32 $0xFFFFFFC0  }
0x5a: {  	[tilespmem:s22], [sflag:$0x1] =	stream.linear.gather [hbm4b:s0+s2], $0x40, $0x38;
	[tilespmem:$0xD00] =	vst v63  }
0x5b: {  	_ =	swait.ge [sflag:s8], $0x40  }
0x5c: {  	[sflag:s8] =	ssyncset.done $0x0  }
0x5d: {  	s0 =	rddreg [dreg:$0x10];
	[sflag:s8] =	ssyncadd.s32 $0xFFFFFFC0  }
0x5e: {  	[tilespmem:s23], [sflag:$0x1] =	stream.linear.gather [hbm4b:s0+s2], $0x40, $0x38;
	[tilespmem:$0xD00] =	vst v63  }
0x5f: {  	_ =	swait.ge [sflag:s8], $0x40  }
0x60: {  	[sflag:s8] =	ssyncset.done $0x0  }
0x61: {  	s0 =	rddreg [dreg:$0x11];
	[sflag:s8] =	ssyncadd.s32 $0xFFFFFFC0  }
0x62: {  	[tilespmem:s24], [sflag:$0x1] =	stream.linear.gather [hbm4b:s0+s2], $0x40, $0x38;
	[tilespmem:$0xD00] =	vst v63  }
0x63: {  	_ =	swait.ge [sflag:s8], $0x40  }
0x64: {  	[sflag:s8] =	ssyncset.done $0x0  }
0x65: {  	s0 =	rddreg [dreg:$0x12];
	[sflag:s8] =	ssyncadd.s32 $0xFFFFFFC0  }
0x66: {  	[tilespmem:s25], [sflag:$0x1] =	stream.linear.gather [hbm4b:s0+s2], $0x40, $0x38;
	[tilespmem:$0xD00] =	vst v63  }
0x67: {  	_ =	swait.ge [sflag:s8], $0x40  }
0x68: {  	[sflag:s8] =	ssyncset.done $0x0  }
0x69: {  	s0 =	rddreg [dreg:$0x13];
	[sflag:s8] =	ssyncadd.s32 $0xFFFFFFC0  }
0x6a: {  	[tilespmem:s26], [sflag:$0x1] =	stream.linear.gather [hbm4b:s0+s2], $0x40, $0x38;
	[tilespmem:$0xD00] =	vst v63  }
0x6b: {  	_ =	swait.ge [sflag:s8], $0x40  }
0x6c: {  	[sflag:s8] =	ssyncset.done $0x0  }
0x6d: {  	s0 =	rddreg [dreg:$0x14];
	[sflag:s8] =	ssyncadd.s32 $0xFFFFFFC0  }
0x6e: {  	[tilespmem:s28], [sflag:$0x1] =	stream.linear.gather [hbm4b:s0+s2], $0x40, $0x38;
	[tilespmem:$0xD00] =	vst v63  }
0x6f: {  	_ =	swait.ge [sflag:s8], $0x40  }
0x70: {  	[sflag:s8] =	ssyncset.done $0x0  }
0x71: {  	s0 =	rddreg [dreg:$0x15];
	[sflag:s8] =	ssyncadd.s32 $0xFFFFFFC0  }
0x72: {  	[tilespmem:s29], [sflag:$0x1] =	stream.linear.gather [hbm4b:s0+s2], $0x40, $0x38;
	[tilespmem:$0xD00] =	vst v63  }
0x73: {  	_ =	swait.ge [sflag:s8], $0x40  }
0x74: {  	[sflag:s8] =	ssyncset.done $0x0  }
0x75: {  	[sflag:s8] =	ssyncadd.s32 $0xFFFFFFC0  }
0x76: {  	[tilespmem:s30], [sflag:$0x1] =	stream.linear.gather [hbm4b:s4+s2], $0x40, $0x38;
	[tilespmem:$0xD00] =	vst v63  }
0x77: {  	_ =	swait.ge [sflag:s8], $0x40  }
0x78: {  	[sflag:s8] =	ssyncset.done $0x0  }
0x79: {  	[sflag:s8] =	ssyncadd.s32 $0xFFFFFFC0  }
0x7a: {  	v2 =	vld [tilespmem:$0x0]  }
0x7b: {  	v3 =	vld [tilespmem:$0x80];
	_ =	sdelay $0x2  }
0x7c: {  	v4 =	vld [tilespmem:$0x100];
	_ =	sdelay $0x1  }
0x7d: {  	v1 =	vimm.s32 $0x0;
	v5 =	vld [tilespmem:$0x180];
	vm0 =	vgt.f32 v3, v2  }
0x7e: {  	v1 =	vsel vm0, $0xFFFFFFFF, v1  }
0x7f: {  	v6 =	vld [tilespmem:$0x200];
	[tilespmem:$0x1FBB0] =	vst v1;
	v1 =	vsel vm0, v3, v2  }
0x80: {  	vm0 =	vgt.f32 v4, v1  }
0x81: {  	v7 =	vimm.s32 $0x0;
	v48 =	vld [tilespmem:$0x280];
	v1 =	vsel vm0, v4, v1  }
0x82: {  	v7 =	vsel vm0, $0xFFFFFFFF, v7;
	vm0 =	vgt.f32 v5, v1  }
0x83: {  	v8 =	vimm.s32 $0x0;
	v49 =	vld [tilespmem:$0x300];
	v1 =	vsel vm0, v5, v1  }
0x84: {  	v8 =	vsel vm0, $0xFFFFFFFF, v8;
	vm0 =	vgt.f32 v6, v1  }
0x85: {  	v9 =	vimm.s32 $0x0;
	v50 =	vld [tilespmem:$0x380];
	v1 =	vsel vm0, v6, v1  }
0x86: {  	v9 =	vsel vm0, $0xFFFFFFFF, v9;
	vm0 =	vgt.f32 v48, v1  }
0x87: {  	v10 =	vimm.s32 $0x0;
	v51 =	vld [tilespmem:$0x400];
	v1 =	vsel vm0, v48, v1  }
0x88: {  	v10 =	vsel vm0, $0xFFFFFFFF, v10;
	vm0 =	vgt.f32 v49, v1  }
0x89: {  	v11 =	vimm.s32 $0x0;
	v52 =	vld [tilespmem:$0x480];
	v1 =	vsel vm0, v49, v1  }
0x8a: {  	v11 =	vsel vm0, $0xFFFFFFFF, v11;
	vm0 =	vgt.f32 v50, v1  }
0x8b: {  	v12 =	vimm.s32 $0x0;
	v53 =	vld [tilespmem:$0x500];
	v1 =	vsel vm0, v50, v1  }
0x8c: {  	v12 =	vsel vm0, $0xFFFFFFFF, v12;
	vm0 =	vgt.f32 v51, v1  }
0x8d: {  	v13 =	vimm.s32 $0x0;
	v54 =	vld [tilespmem:$0x580];
	v1 =	vsel vm0, v51, v1  }
0x8e: {  	v13 =	vsel vm0, $0xFFFFFFFF, v13;
	vm0 =	vgt.f32 v52, v1  }
0x8f: {  	v14 =	vimm.s32 $0x0;
	v55 =	vld [tilespmem:$0x600];
	v1 =	vsel vm0, v52, v1  }
0x90: {  	v14 =	vsel vm0, $0xFFFFFFFF, v14;
	vm0 =	vgt.f32 v53, v1  }
0x91: {  	v15 =	vimm.s32 $0x0;
	v56 =	vld [tilespmem:$0x680];
	v1 =	vsel vm0, v53, v1  }
0x92: {  	v15 =	vsel vm0, $0xFFFFFFFF, v15;
	vm0 =	vgt.f32 v54, v1  }
0x93: {  	v16 =	vimm.s32 $0x0;
	v57 =	vld [tilespmem:$0x700];
	v1 =	vsel vm0, v54, v1  }
0x94: {  	v16 =	vsel vm0, $0xFFFFFFFF, v16;
	vm0 =	vgt.f32 v55, v1  }
0x95: {  	v17 =	vimm.s32 $0x0;
	v58 =	vld [tilespmem:$0x780];
	v1 =	vsel vm0, v55, v1  }
0x96: {  	v17 =	vsel vm0, $0xFFFFFFFF, v17;
	vm0 =	vgt.f32 v56, v1  }
0x97: {  	v18 =	vimm.s32 $0x0;
	v59 =	vld [tilespmem:$0x800];
	v1 =	vsel vm0, v56, v1  }
0x98: {  	v18 =	vsel vm0, $0xFFFFFFFF, v18;
	vm0 =	vgt.f32 v57, v1  }
0x99: {  	v19 =	vimm.s32 $0x0;
	v60 =	vld [tilespmem:$0x880];
	v1 =	vsel vm0, v57, v1  }
0x9a: {  	v20 =	vimm.s32 $0x0;
	v19 =	vsel vm0, $0xFFFFFFFF, v19;
	vm0 =	vgt.f32 v58, v1  }
0x9b: {  	v20 =	vsel vm0, $0xFFFFFFFF, v20;
	v1 =	vsel vm0, v58, v1  }
0x9c: {  	v21 =	vimm.s32 $0x0;
	[tilespmem:$0x1FCB0] =	vst v20;
	v20 =	vld [tilespmem:$0x900];
	vm0 =	vgt.f32 v59, v1  }
0x9d: {  	v21 =	vsel vm0, $0xFFFFFFFF, v21;
	v1 =	vsel vm0, v59, v1  }
0x9e: {  	v22 =	vimm.s32 $0x0;
	[tilespmem:$0x1FCD0] =	vst v21;
	v21 =	vld [tilespmem:$0x980];
	vm0 =	vgt.f32 v60, v1  }
0x9f: {  	v22 =	vsel vm0, $0xFFFFFFFF, v22  }
0xa0: {  	v1 =	vsel vm0, v60, v1;
	[tilespmem:$0x1FCF0] =	vst v22;
	v22 =	vld [tilespmem:$0xA00]  }
0xa1: {  	vm0 =	vgt.f32 v20, v1  }
0xa2: {  	v23 =	vimm.s32 $0x0;
	v61 =	vsel vm0, v20, v1;
	v1 =	vld [tilespmem:$0xA80]  }
0xa3: {  	v23 =	vsel vm0, $0xFFFFFFFF, v23;
	vm0 =	vgt.f32 v21, v61  }
0xa4: {  	v24 =	vimm.s32 $0x0;
	[tilespmem:$0x1FD10] =	vst v23;
	v23 =	vsel vm0, v21, v61  }
0xa5: {  	v24 =	vsel vm0, $0xFFFFFFFF, v24;
	vm0 =	vgt.f32 v22, v23  }
0xa6: {  	v62 =	vimm.s32 $0x0;
	v23 =	vsel vm0, v22, v23  }
0xa7: {  	[tilespmem:$0x1FD30] =	vst v24;
	v24 =	vsel vm0, $0xFFFFFFFF, v62;
	vm0 =	vgt.f32 v1, v23  }
0xa8: {  	v23 =	vsel vm0, v1, v23  }
0xa9: {  	v2 =	vsub.f32 v2, v23;
	_ =	sdelay $0x1  }
0xaa: {  	v3 =	vsub.f32 v3, v23;
	v2 =	vmul.f32 $1.442695020e+00, v2;
	_ =	sdelay $0x1  }
0xab: {  	(erf) = vpow2.f32 v2;
	v2 =	vmul.f32 $1.442695020e+00, v3;
	v3 =	vsub.f32 v4, v23;
	_ =	sdelay $0x1  }
0xac: {  	(erf) = vpow2.f32 v2;
	v2 =	vmul.f32 $1.442695020e+00, v3;
	v3 =	vsub.f32 v5, v23;
	_ =	sdelay $0x1  }
0xad: {  	(erf) = vpow2.f32 v2;
	v2 =	vmul.f32 $1.442695020e+00, v3;
	v3 =	vsub.f32 v6, v23;
	_ =	sdelay $0x1  }
0xae: {  	(erf) = vpow2.f32 v2;
	v2 =	vmul.f32 $1.442695020e+00, v3;
	_ =	sdelay $0x1  }
0xaf: {  	v3 =	vsub.f32 v48, v23  }
0xb0: {  	(erf) = vpow2.f32 v2  }
0xb1: {  	v63 =	vimm.s32 $0x0;
	v28 =	vsub.f32 v49, v23;
	v3 =	vmul.f32 $1.442695020e+00, v3;
	v2 =	vpop (erf)  }
0xb2: {  	v43 =	vimm.s32 $0x0;
	v30 =	vsub.f32 v50, v23;
	v2 =	vadd.f32 $0.0e+00, v2  }
0xb3: {  	v32 =	vsub.f32 v51, v23;
	v29 =	vpop (erf);
	(erf) = vpow2.f32 v3;
	v3 =	vmul.f32 $1.442695020e+00, v28  }
0xb4: {  	v26 =	vimm.s32 $0x0;
	v34 =	vsub.f32 v52, v23;
	v2 =	vadd.f32 v2, v29  }
0xb5: {  	v36 =	vsub.f32 v53, v23;
	v31 =	vpop (erf);
	(erf) = vpow2.f32 v3;
	v3 =	vmul.f32 $1.442695020e+00, v30  }
0xb6: {  	v61 =	vimm.s32 $0x0;
	v37 =	vsub.f32 v54, v23;
	v2 =	vadd.f32 v2, v31  }
0xb7: {  	v40 =	vsub.f32 v55, v23;
	v33 =	vpop (erf);
	(erf) = vpow2.f32 v3;
	v3 =	vmul.f32 $1.442695020e+00, v32  }
0xb8: {  	[tilespmem:$0x1FD50] =	vst v24;
	v24 =	vsel vm0, $0xFFFFFFFF, v63;
	v42 =	vsub.f32 v56, v23;
	v2 =	vadd.f32 v2, v33  }
0xb9: {  	v44 =	vsub.f32 v57, v23;
	v35 =	vpop (erf);
	(erf) = vpow2.f32 v3;
	v3 =	vmul.f32 $1.442695020e+00, v34  }
0xba: {  	v51 =	vsub.f32 v58, v23;
	v52 =	vimm.s32 $0x0;
	v5 =	vadd.f32 v2, v35;
	v2 =	vld [tilespmem:$0x10]  }
0xbb: {  	v55 =	vsub.f32 v59, v23;
	v4 =	vmul.f32 $1.442695020e+00, v36;
	(erf) = vpow2.f32 v3;
	v3 =	vld [tilespmem:$0x90]  }
0xbc: {  	v56 =	vimm.s32 $0x0;
	v58 =	vimm.s32 $0x0;
	v60 =	vsub.f32 v60, v23;
	v38 =	vpop (erf)  }
0xbd: {  	[tilespmem:$0x1FD80] =	vst v24;
	v24 =	vsub.f32 v20, v23;
	(erf) = vpow2.f32 v4;
	v4 =	vld [tilespmem:$0x110];
	v5 =	vadd.f32 v5, v38  }
0xbe: {  	[tilespmem:$0x1FBD0] =	vst v8;
	v25 =	vsub.f32 v21, v23;
	v1 =	vsub.f32 v1, v23;
	v8 =	vmul.f32 $1.442695020e+00, v40;
	v39 =	vpop (erf)  }
0xbf: {  	[tilespmem:$0x1FBC0] =	vst v7;
	v47 =	vmul.f32 $1.442695020e+00, v42;
	v57 =	vmul.f32 $1.442695020e+00, v55;
	v7 =	vadd.f32 v5, v39;
	v5 =	vld [tilespmem:$0x190]  }
0xc0: {  	v63 =	vmul.f32 $1.442695020e+00, v60;
	v6 =	vmul.f32 $1.442695020e+00, v37;
	vm10 =	vgt.f32 v3, v2  }
0xc1: {  	[tilespmem:$0x1FC00] =	vst v11;
	v11 =	vld [tilespmem:$0x210];
	v1 =	vmul.f32 $1.442695020e+00, v1;
	v48 =	vimm.s32 $0x0;
	v45 =	vsel vm10, v3, v2  }
0xc2: {  	[tilespmem:$0x1FBF0] =	vst v10;
	(erf) = vpow2.f32 v6;
	v10 =	vsel vm10, $0xFFFFFFFF, v43;
	vm0 =	vgt.f32 v4, v45  }
0xc3: {  	v28 =	vmul.f32 $1.442695020e+00, v24;
	v41 =	vpop (erf);
	(erf) = vpow2.f32 v8;
	[tilespmem:$0x1FC80] =	vst v10;
	v10 =	vld [tilespmem:$0x290];
	v49 =	vsel vm0, v4, v45  }
0xc4: {  	[tilespmem:$0x1FBE0] =	vst v9;
	v6 =	vadd.f32 v7, v41;
	v9 =	vsel vm0, $0xFFFFFFFF, v48;
	vm0 =	vgt.f32 v5, v49  }
0xc5: {  	v7 =	vmul.f32 $1.442695020e+00, v44;
	v46 =	vpop (erf);
	(erf) = vpow2.f32 v47;
	[tilespmem:$0x1FCA0] =	vst v9;
	v9 =	vld [tilespmem:$0x310];
	v53 =	vsel vm0, v5, v49  }
0xc6: {  	[tilespmem:$0x1FC20] =	vst v13;
	v6 =	vadd.f32 v6, v46;
	v13 =	vsel vm0, $0xFFFFFFFF, v52;
	vm0 =	vgt.f32 v11, v53  }
0xc7: {  	[tilespmem:$0x1FC10] =	vst v12;
	v12 =	vld [tilespmem:$0x390];
	v8 =	vmul.f32 $1.442695020e+00, v51;
	v50 =	vpop (erf);
	(erf) = vpow2.f32 v7;
	v7 =	vsel vm0, v11, v53  }
0xc8: {  	[tilespmem:$0x1FC30] =	vst v14;
	v6 =	vadd.f32 v6, v50;
	v14 =	vsel vm0, $0xFFFFFFFF, v56;
	vm0 =	vgt.f32 v10, v7  }
0xc9: {  	[tilespmem:$0x1FC40] =	vst v15;
	v15 =	vld [tilespmem:$0x410];
	v30 =	vimm.s32 $0x0;
	v54 =	vpop (erf);
	(erf) = vpow2.f32 v8;
	v7 =	vsel vm0, v10, v7  }
0xca: {  	[tilespmem:$0x1FCC0] =	vst v13;
	v6 =	vadd.f32 v6, v54;
	v13 =	vsel vm0, $0xFFFFFFFF, v58;
	vm0 =	vgt.f32 v9, v7  }
0xcb: {  	[tilespmem:$0x1FC50] =	vst v16;
	v16 =	vld [tilespmem:$0x490];
	v32 =	vsub.f32 v22, v23;
	v59 =	vpop (erf);
	(erf) = vpow2.f32 v57;
	v7 =	vsel vm0, v9, v7  }
0xcc: {  	v6 =	vadd.f32 v6, v59;
	v8 =	vsel vm0, $0xFFFFFFFF, v61;
	vm0 =	vgt.f32 v12, v7  }
0xcd: {  	v29 =	vld [tilespmem:$0x510];
	v34 =	vimm.s32 $0x0;
	v62 =	vpop (erf);
	(erf) = vpow2.f32 v63;
	v7 =	vsel vm0, v12, v7  }
0xce: {  	[tilespmem:$0x1FC60] =	vst v17;
	v6 =	vadd.f32 v6, v62;
	v17 =	vsel vm0, $0xFFFFFFFF, v26;
	vm0 =	vgt.f32 v15, v7  }
0xcf: {  	v33 =	vld [tilespmem:$0x590];
	v27 =	vpop (erf);
	(erf) = vpow2.f32 v28;
	[tilespmem:$0x1FD20] =	vst v8;
	v8 =	vmul.f32 $1.442695020e+00, v25;
	v7 =	vsel vm0, v15, v7  }
0xd0: {  	v6 =	vadd.f32 v6, v27;
	[tilespmem:$0x1FD40] =	vst v17;
	v17 =	vsel vm0, $0xFFFFFFFF, v30;
	vm0 =	vgt.f32 v16, v7  }
0xd1: {  	v36 =	vld [tilespmem:$0x610];
	[tilespmem:$0x1FD00] =	vst v13;
	v13 =	vmul.f32 $1.442695020e+00, v32;
	v31 =	vpop (erf);
	(erf) = vpow2.f32 v8;
	v7 =	vsel vm0, v16, v7  }
0xd2: {  	v6 =	vadd.f32 v6, v31;
	v8 =	vsel vm0, $0xFFFFFFFF, v34;
	vm0 =	vgt.f32 v29, v7  }
0xd3: {  	v37 =	vimm.s32 $0x0;
	v38 =	vld [tilespmem:$0x690];
	v35 =	vpop (erf);
	(erf) = vpow2.f32 v13;
	v7 =	vsel vm0, v29, v7  }
0xd4: {  	v6 =	vadd.f32 v6, v35;
	[tilespmem:$0x1FD90] =	vst v8;
	v8 =	vsel vm0, $0xFFFFFFFF, v37;
	vm0 =	vgt.f32 v33, v7  }
0xd5: {  	v40 =	vimm.s32 $0x0;
	v41 =	vld [tilespmem:$0x710];
	v39 =	vpop (erf);
	(erf) = vpow2.f32 v1;
	v1 =	vsel vm0, v33, v7  }
0xd6: {  	[tilespmem:$0x1FC90] =	vst v19;
	v6 =	vadd.f32 v6, v39;
	v19 =	vsel vm0, $0xFFFFFFFF, v40;
	vm0 =	vgt.f32 v36, v1  }
0xd7: {  	v43 =	vimm.s32 $0x0;
	v44 =	vld [tilespmem:$0x790];
	v42 =	vpop (erf);
	v1 =	vsel vm0, v36, v1  }
0xd8: {  	v6 =	vadd.f32 v6, v42;
	[tilespmem:$0x1FDE0] =	vst v19;
	v19 =	vsel vm0, $0xFFFFFFFF, v43;
	vm0 =	vgt.f32 v38, v1  }
0xd9: {  	v47 =	vld [tilespmem:$0x810];
	v46 =	vimm.s32 $0x0;
	v49 =	vimm.s32 $0x0;
	v45 =	vpop (erf);
	v1 =	vsel vm0, v38, v1  }
0xda: {  	v6 =	vadd.f32 v6, v45;
	v20 =	vsel vm0, $0xFFFFFFFF, v46;
	vm0 =	vgt.f32 v41, v1  }
0xdb: {  	v48 =	vpop (erf);
	v21 =	vsel vm0, $0xFFFFFFFF, v49;
	v1 =	vsel vm0, v41, v1  }
0xdc: {  	v51 =	vimm.s32 $0x0;
	v6 =	vadd.f32 v6, v48;
	[tilespmem:$0x1FE70] =	vst v21;
	v21 =	vld [tilespmem:$0x890];
	vm0 =	vgt.f32 v44, v1  }
0xdd: {  	v50 =	vpop (erf);
	v22 =	vsel vm0, $0xFFFFFFFF, v51;
	v1 =	vsel vm0, v44, v1  }
0xde: {  	v53 =	vimm.s32 $0x0;
	v6 =	vadd.f32 v6, v50;
	[tilespmem:$0x1FEA0] =	vst v22;
	v22 =	vld [tilespmem:$0x910];
	vm0 =	vgt.f32 v47, v1  }
0xdf: {  	v52 =	vpop (erf);
	v23 =	vsel vm0, $0xFFFFFFFF, v53  }
0xe0: {  	v6 =	vadd.f32 v6, v52;
	v1 =	vsel vm0, v47, v1;
	[tilespmem:$0x1FEE0] =	vst v23;
	v23 =	vld [tilespmem:$0x990]  }
0xe1: {  	vm0 =	vgt.f32 v21, v1  }
0xe2: {  	v24 =	vld [tilespmem:$0xA10];
	v54 =	vimm.s32 $0x0;
	(erf) = vrcp.f32 v6;
	v1 =	vsel vm0, v21, v1  }
0xe3: {  	v7 =	vsel vm0, $0xFFFFFFFF, v54;
	vm0 =	vgt.f32 v22, v1  }
0xe4: {  	v55 =	vimm.s32 $0x0;
	[tilespmem:$0x1FF10] =	vst v7;
	v7 =	vld [tilespmem:$0xA90];
	v1 =	vsel vm0, v22, v1  }
0xe5: {  	v6 =	vsel vm0, $0xFFFFFFFF, v55;
	vm0 =	vgt.f32 v23, v1  }
0xe6: {  	v56 =	vimm.s32 $0x0;
	v1 =	vsel vm0, v23, v1  }
0xe7: {  	[tilespmem:$0x1FF30] =	vst v6;
	v6 =	vsel vm0, $0xFFFFFFFF, v56;
	vm0 =	vgt.f32 v24, v1  }
0xe8: {  	v57 =	vimm.s32 $0x0;
	v1 =	vsel vm0, v24, v1  }
0xe9: {  	[tilespmem:$0x1FF50] =	vst v6;
	v6 =	vsel vm0, $0xFFFFFFFF, v57;
	vm0 =	vgt.f32 v7, v1  }
0xea: {  	v25 =	vsel vm0, v7, v1  }
0xeb: {  	v1 =	vpop (erf);
	v2 =	vsub.f32 v2, v25  }
0xec: {  	v59 =	vadd.f32 $9.999999970e-07, v1  }
0xed: {  	v3 =	vsub.f32 v3, v25;
	v2 =	vmul.f32 $1.442695020e+00, v2  }
0xee: {  	(erf) = vrcp.f32 v59  }
0xef: {  	(erf) = vpow2.f32 v2;
	v2 =	vmul.f32 $1.442695020e+00, v3;
	v3 =	vsub.f32 v4, v25;
	_ =	sdelay $0x1  }
0xf0: {  	(erf) = vpow2.f32 v2;
	v2 =	vmul.f32 $1.442695020e+00, v3;
	v3 =	vsub.f32 v5, v25;
	_ =	sdelay $0x1  }
0xf1: {  	(erf) = vpow2.f32 v2;
	v2 =	vmul.f32 $1.442695020e+00, v3;
	v3 =	vsub.f32 v11, v25;
	_ =	sdelay $0x1  }
0xf2: {  	v3 =	vmul.f32 $1.442695020e+00, v3  }
0xf3: {  	v58 =	vimm.s32 $0x0;
	v40 =	vimm.s32 $0x0;
	(erf) = vpow2.f32 v2  }
0xf4: {  	v48 =	vimm.s32 $0x0;
	v60 =	vsub.f32 v10, v25;
	(erf) = vpow2.f32 v3  }
0xf5: {  	v50 =	vimm.s32 $0x0;
	v53 =	vimm.s32 $0x0;
	v61 =	vsub.f32 v9, v25  }
0xf6: {  	[tilespmem:$0x1FF80] =	vst v6;
	v6 =	vsel vm0, $0xFFFFFFFF, v58;
	v58 =	vimm.s32 $0x0;
	v4 =	vmul.f32 $1.442695020e+00, v60;
	v2 =	vpop (erf)  }
0xf7: {  	v9 =	vsub.f32 v12, v25;
	v12 =	vsub.f32 v15, v25;
	v63 =	vmul.f32 $1.442695020e+00, v61;
	v3 =	vpop (erf)  }
0xf8: {  	v27 =	vsub.f32 v16, v25;
	v29 =	vsub.f32 v29, v25;
	(erf) = vpow2.f32 v4;
	v62 =	vpop (erf)  }
0xf9: {  	v31 =	vsub.f32 v33, v25;
	v34 =	vsub.f32 v36, v25;
	v10 =	vpop (erf);
	(erf) = vpow2.f32 v63  }
0xfa: {  	[tilespmem:$0x1FDB0] =	vst v8;
	v8 =	vsub.f32 v38, v25;
	v11 =	vmul.f32 $1.442695020e+00, v9;
	v3 =	vadd.f32 $0.0e+00, v3  }
0xfb: {  	v36 =	vimm.s32 $0x0;
	v37 =	vsub.f32 v41, v25;
	v26 =	vmul.f32 $1.442695020e+00, v12  }
0xfc: {  	v5 =	vmul.f32 $1.442695020e+00, v27;
	v3 =	vadd.f32 v3, v62;
	(erf) = vpow2.f32 v11;
	v15 =	vpop (erf)  }
0xfd: {  	v43 =	vsub.f32 v44, v25;
	v44 =	vimm.s32 $0x0;
	v4 =	vld [tilespmem:$0x20];
	v28 =	vpop (erf);
	(erf) = vpow2.f32 v26  }
0xfe: {  	v47 =	vsub.f32 v47, v25;
	v3 =	vadd.f32 v3, v10;
	(erf) = vpow2.f32 v5;
	v5 =	vld [tilespmem:$0xA0]  }
0xff: {  	v52 =	vsub.f32 v21, v25;
	v56 =	vsub.f32 v22, v25;
	v30 =	vmul.f32 $1.442695020e+00, v29  }
0x100: {  	[tilespmem:$0x1FFB0] =	vst v6;
	v6 =	vld [tilespmem:$0x120];
	v57 =	vsub.f32 v23, v25;
	v9 =	vmul.f32 $1.442695020e+00, v31;
	v3 =	vadd.f32 v3, v15  }
0x101: {  	v23 =	vimm.s32 $0x0;
	v7 =	vsub.f32 v7, v25;
	v32 =	vpop (erf);
	(erf) = vpow2.f32 v30  }
0x102: {  	v8 =	vmul.f32 $1.442695020e+00, v8;
	v3 =	vadd.f32 v3, v28;
	v33 =	vpop (erf);
	(erf) = vpow2.f32 v9;
	v9 =	vld [tilespmem:$0x1A0]  }
0x103: {  	v49 =	vmul.f32 $1.442695020e+00, v47;
	v55 =	vmul.f32 $1.442695020e+00, v52;
	vm11 =	vgt.f32 v5, v4  }
0x104: {  	v13 =	vld [tilespmem:$0x220];
	v61 =	vimm.s32 $0x0;
	v3 =	vadd.f32 v3, v32;
	v38 =	vsel vm11, v5, v4  }
0x105: {  	v11 =	vmul.f32 $1.442695020e+00, v34;
	v12 =	vsel vm11, $0xFFFFFFFF, v36;
	vm0 =	vgt.f32 v6, v38  }
0x106: {  	v7 =	vmul.f32 $1.442695020e+00, v7;
	v3 =	vadd.f32 v3, v33;
	v35 =	vpop (erf);
	[tilespmem:$0x1FD70] =	vst v12;
	v12 =	vld [tilespmem:$0x2A0];
	v41 =	vsel vm0, v6, v38  }
0x107: {  	v39 =	vpop (erf);
	(erf) = vpow2.f32 v11;
	v11 =	vsel vm0, $0xFFFFFFFF, v40;
	vm0 =	vgt.f32 v9, v41  }
0x108: {  	v10 =	vmul.f32 $1.442695020e+00, v37;
	v3 =	vadd.f32 v3, v35;
	[tilespmem:$0x1FDA0] =	vst v11;
	v11 =	vld [tilespmem:$0x320];
	v45 =	vsel vm0, v9, v41  }
0x109: {  	(erf) = vpow2.f32 v8;
	v15 =	vsel vm0, $0xFFFFFFFF, v44;
	vm0 =	vgt.f32 v13, v45  }
0x10a: {  	[tilespmem:$0x1FCE0] =	vst v14;
	v14 =	vld [tilespmem:$0x3A0];
	v3 =	vadd.f32 v3, v39;
	v42 =	vpop (erf);
	(erf) = vpow2.f32 v10;
	v10 =	vsel vm0, v13, v45  }
0x10b: {  	v29 =	vimm.s32 $0x0;
	v16 =	vsel vm0, $0xFFFFFFFF, v48;
	vm0 =	vgt.f32 v12, v10  }
0x10c: {  	[tilespmem:$0x1FD60] =	vst v17;
	v17 =	vld [tilespmem:$0x420];
	v8 =	vmul.f32 $1.442695020e+00, v43;
	v3 =	vadd.f32 v3, v42;
	v10 =	vsel vm0, v12, v10  }
0x10d: {  	v60 =	vmul.f32 $1.442695020e+00, v56;
	v46 =	vpop (erf);
	[tilespmem:$0x1FDC0] =	vst v15;
	v15 =	vsel vm0, $0xFFFFFFFF, v50;
	vm0 =	vgt.f32 v11, v10  }
0x10e: {  	[tilespmem:$0x1FC70] =	vst v18;
	v18 =	vld [tilespmem:$0x4A0];
	(erf) = vpow2.f32 v8;
	v3 =	vadd.f32 v3, v46;
	v10 =	vsel vm0, v11, v10  }
0x10f: {  	[tilespmem:$0x1FE10] =	vst v19;
	v63 =	vsub.f32 v24, v25;
	v51 =	vpop (erf);
	v8 =	vsel vm0, $0xFFFFFFFF, v53;
	vm0 =	vgt.f32 v14, v10  }
0x110: {  	[tilespmem:$0x1FDF0] =	vst v16;
	(erf) = vpow2.f32 v49;
	v16 =	vld [tilespmem:$0x520];
	v3 =	vadd.f32 v3, v51;
	v10 =	vsel vm0, v14, v10  }
0x111: {  	[tilespmem:$0x1FE40] =	vst v20;
	v26 =	vimm.s32 $0x0;
	v54 =	vpop (erf);
	v19 =	vsel vm0, $0xFFFFFFFF, v58;
	vm0 =	vgt.f32 v17, v10  }
0x112: {  	v20 =	vld [tilespmem:$0x5A0];
	[tilespmem:$0x1FE50] =	vst v8;
	(erf) = vpow2.f32 v55;
	v3 =	vadd.f32 v3, v54;
	v10 =	vsel vm0, v17, v10  }
0x113: {  	v8 =	vmul.f32 $1.442695020e+00, v57;
	v59 =	vpop (erf);
	[tilespmem:$0x1FE80] =	vst v19;
	v19 =	vsel vm0, $0xFFFFFFFF, v61;
	vm0 =	vgt.f32 v18, v10  }
0x114: {  	(erf) = vpow2.f32 v60;
	v3 =	vadd.f32 v3, v59;
	[tilespmem:$0x1FEB0] =	vst v19;
	v19 =	vld [tilespmem:$0x620];
	v10 =	vsel vm0, v18, v10  }
0x115: {  	v62 =	vpop (erf);
	(erf) = vpow2.f32 v8;
	v8 =	vsel vm0, $0xFFFFFFFF, v23;
	vm0 =	vgt.f32 v16, v10  }
0x116: {  	[tilespmem:$0x1FE20] =	vst v15;
	v15 =	vmul.f32 $1.442695020e+00, v63;
	v3 =	vadd.f32 v3, v62;
	v27 =	vsel vm0, v16, v10;
	v10 =	vld [tilespmem:$0x6A0]  }
0x117: {  	v32 =	vimm.s32 $0x0;
	v24 =	vpop (erf);
	[tilespmem:$0x1FED0] =	vst v8;
	v8 =	vsel vm0, $0xFFFFFFFF, v26;
	vm0 =	vgt.f32 v20, v27  }
0x118: {  	(erf) = vpow2.f32 v15;
	v3 =	vadd.f32 v3, v24;
	v30 =	vsel vm0, v20, v27  }
0x119: {  	v15 =	vld [tilespmem:$0x720];
	v28 =	vpop (erf);
	(erf) = vpow2.f32 v7;
	v21 =	vsel vm0, $0xFFFFFFFF, v29;
	vm0 =	vgt.f32 v19, v30  }
0x11a: {  	v3 =	vadd.f32 v3, v28;
	[tilespmem:$0x1FF00] =	vst v21;
	v21 =	vsel vm0, $0xFFFFFFFF, v32;
	v7 =	vsel vm0, v19, v30  }
0x11b: {  	v34 =	vimm.s32 $0x0;
	v31 =	vpop (erf);
	[tilespmem:$0x1FF20] =	vst v21;
	v21 =	vld [tilespmem:$0x7A0];
	vm0 =	vgt.f32 v10, v7  }
0x11c: {  	v3 =	vadd.f32 v3, v31;
	v22 =	vsel vm0, $0xFFFFFFFF, v34  }
0x11d: {  	v33 =	vpop (erf);
	v7 =	vsel vm0, v10, v7;
	[tilespmem:$0x1FF40] =	vst v22;
	v22 =	vld [tilespmem:$0x820]  }
0x11e: {  	v36 =	vimm.s32 $0x0;
	v3 =	vadd.f32 v3, v33;
	vm0 =	vgt.f32 v15, v7  }
0x11f: {  	v35 =	vpop (erf);
	v23 =	vsel vm0, $0xFFFFFFFF, v36;
	v7 =	vsel vm0, v15, v7  }
0x120: {  	v38 =	vimm.s32 $0x0;
	v3 =	vadd.f32 v3, v35;
	[tilespmem:$0x1FF60] =	vst v23;
	v23 =	vld [tilespmem:$0x8A0];
	vm0 =	vgt.f32 v21, v7  }
0x121: {  	v37 =	vpop (erf);
	v24 =	vsel vm0, $0xFFFFFFFF, v38;
	v7 =	vsel vm0, v21, v7  }
0x122: {  	v40 =	vimm.s32 $0x0;
	v3 =	vadd.f32 v3, v37;
	[tilespmem:$0x1FF70] =	vst v24;
	v24 =	vld [tilespmem:$0x920];
	vm0 =	vgt.f32 v22, v7  }
0x123: {  	v39 =	vpop (erf);
	v25 =	vsel vm0, $0xFFFFFFFF, v40  }
0x124: {  	v3 =	vadd.f32 v3, v39;
	v7 =	vsel vm0, v22, v7;
	[tilespmem:$0x1FF90] =	vst v25;
	v25 =	vld [tilespmem:$0x9A0]  }
0x125: {  	vm0 =	vgt.f32 v23, v7  }
0x126: {  	v41 =	vimm.s32 $0x0;
	v26 =	vld [tilespmem:$0xA20];
	(erf) = vrcp.f32 v3;
	v3 =	vsel vm0, v23, v7  }
0x127: {  	[tilespmem:$0x1FEF0] =	vst v8;
	v8 =	vsel vm0, $0xFFFFFFFF, v41;
	vm0 =	vgt.f32 v24, v3  }
0x128: {  	v42 =	vimm.s32 $0x0;
	[tilespmem:$0x1FFA0] =	vst v8;
	v8 =	vld [tilespmem:$0xAA0];
	v3 =	vsel vm0, v24, v3  }
0x129: {  	v7 =	vsel vm0, $0xFFFFFFFF, v42;
	vm0 =	vgt.f32 v25, v3  }
0x12a: {  	v43 =	vimm.s32 $0x0;
	v3 =	vsel vm0, v25, v3  }
0x12b: {  	[tilespmem:$0x1FFC0] =	vst v7;
	v7 =	vsel vm0, $0xFFFFFFFF, v43;
	vm0 =	vgt.f32 v26, v3  }
0x12c: {  	v44 =	vimm.s32 $0x0;
	v3 =	vsel vm0, v26, v3  }
0x12d: {  	[tilespmem:$0x1FFD0] =	vst v7;
	v7 =	vsel vm0, $0xFFFFFFFF, v44;
	vm0 =	vgt.f32 v8, v3  }
0x12e: {  	v27 =	vsel vm0, v8, v3  }
0x12f: {  	v3 =	vpop (erf);
	v4 =	vsub.f32 v4, v27  }
0x130: {  	v46 =	vadd.f32 $9.999999970e-07, v3  }
0x131: {  	v5 =	vsub.f32 v5, v27;
	v4 =	vmul.f32 $1.442695020e+00, v4  }
0x132: {  	v48 =	vsub.f32 v6, v27;
	(erf) = vrcp.f32 v46  }
0x133: {  	v47 =	vmul.f32 $1.442695020e+00, v5;
	(erf) = vpow2.f32 v4  }
0x134: {  	v49 =	vmul.f32 $1.442695020e+00, v48  }
0x135: {  	v50 =	vsub.f32 v9, v27;
	(erf) = vpow2.f32 v47  }
0x136: {  	(erf) = vpow2.f32 v49  }
0x137: {  	v52 =	vsub.f32 v13, v27;
	v51 =	vmul.f32 $1.442695020e+00, v50;
	_ =	sdelay $0x1  }
0x138: {  	v53 =	vsub.f32 v12, v27;
	v5 =	vmul.f32 $1.442695020e+00, v52;
	(erf) = vpow2.f32 v51;
	_ =	sdelay $0x1  }
0x139: {  	v55 =	vsub.f32 v11, v27;
	v6 =	vmul.f32 $1.442695020e+00, v53;
	(erf) = vpow2.f32 v5;
	v4 =	vpop (erf)  }
0x13a: {  	v54 =	vpop (erf)  }
0x13b: {  	v57 =	vmul.f32 $1.442695020e+00, v55;
	(erf) = vpow2.f32 v6;
	v5 =	vadd.f32 $0.0e+00, v54  }
0x13c: {  	v45 =	vimm.s32 $0x0;
	v30 =	vimm.s32 $0x0;
	v56 =	vpop (erf)  }
0x13d: {  	v58 =	vsub.f32 v14, v27;
	v59 =	vpop (erf);
	(erf) = vpow2.f32 v57;
	v5 =	vadd.f32 v5, v56  }
0x13e: {  	v34 =	vimm.s32 $0x0;
	v38 =	vimm.s32 $0x0;
	v61 =	vsub.f32 v17, v27  }
0x13f: {  	v42 =	vimm.s32 $0x0;
	v60 =	vmul.f32 $1.442695020e+00, v58;
	v5 =	vadd.f32 v5, v59  }
0x140: {  	v44 =	vimm.s32 $0x0;
	v12 =	vsub.f32 v18, v27;
	v63 =	vmul.f32 $1.442695020e+00, v61;
	v62 =	vpop (erf)  }
0x141: {  	v16 =	vsub.f32 v16, v27;
	(erf) = vpow2.f32 v60;
	v5 =	vadd.f32 v5, v62  }
0x142: {  	[tilespmem:$0x1FFE0] =	vst v7;
	v7 =	vsel vm0, $0xFFFFFFFF, v45;
	v14 =	vmul.f32 $1.442695020e+00, v12;
	v6 =	vld [tilespmem:$0xB0];
	v13 =	vpop (erf);
	(erf) = vpow2.f32 v63  }
0x143: {  	[tilespmem:$0x1FFF0] =	vst v7;
	v17 =	vsub.f32 v20, v27;
	v7 =	vmul.f32 $1.442695020e+00, v16;
	v9 =	vadd.f32 v5, v13;
	v5 =	vld [tilespmem:$0x30]  }
0x144: {  	v28 =	vsub.f32 v19, v27;
	v10 =	vsub.f32 v10, v27;
	(erf) = vpow2.f32 v14;
	v18 =	vpop (erf)  }
0x145: {  	v41 =	vsub.f32 v22, v27;
	(erf) = vpow2.f32 v7;
	v7 =	vld [tilespmem:$0x130];
	v9 =	vadd.f32 v9, v18  }
0x146: {  	v31 =	vsub.f32 v15, v27;
	v37 =	vsub.f32 v21, v27;
	v11 =	vmul.f32 $1.442695020e+00, v17;
	v20 =	vpop (erf)  }
0x147: {  	v10 =	vmul.f32 $1.442695020e+00, v10;
	v43 =	vmul.f32 $1.442695020e+00, v41;
	v12 =	vadd.f32 v9, v20;
	v9 =	vld [tilespmem:$0x1B0]  }
0x148: {  	v48 =	vimm.s32 $0x0;
	v53 =	vsub.f32 v25, v27;
	vm12 =	vgt.f32 v6, v5  }
0x149: {  	v15 =	vld [tilespmem:$0x230];
	v13 =	vmul.f32 $1.442695020e+00, v28;
	(erf) = vpow2.f32 v11;
	v32 =	vsel vm12, v6, v5  }
0x14a: {  	v46 =	vsub.f32 v23, v27;
	v29 =	vpop (erf);
	v14 =	vsel vm12, $0xFFFFFFFF, v30;
	vm0 =	vgt.f32 v7, v32  }
0x14b: {  	v33 =	vpop (erf);
	(erf) = vpow2.f32 v13;
	v11 =	vadd.f32 v12, v29;
	[tilespmem:$0x1FDD0] =	vst v14;
	v14 =	vld [tilespmem:$0x2B0];
	v35 =	vsel vm0, v7, v32  }
0x14c: {  	(erf) = vpow2.f32 v10;
	v13 =	vsel vm0, $0xFFFFFFFF, v34;
	vm0 =	vgt.f32 v9, v35  }
0x14d: {  	v12 =	vmul.f32 $1.442695020e+00, v31;
	v11 =	vadd.f32 v11, v33;
	[tilespmem:$0x1FE00] =	vst v13;
	v13 =	vld [tilespmem:$0x330];
	v39 =	vsel vm0, v9, v35  }
0x14e: {  	v36 =	vpop (erf);
	v10 =	vmul.f32 $1.442695020e+00, v37;
	v17 =	vsel vm0, $0xFFFFFFFF, v38;
	vm0 =	vgt.f32 v15, v39  }
0x14f: {  	v16 =	vld [tilespmem:$0x3B0];
	(erf) = vpow2.f32 v12;
	v11 =	vadd.f32 v11, v36;
	v12 =	vsel vm0, v15, v39  }
0x150: {  	v50 =	vmul.f32 $1.442695020e+00, v46;
	v40 =	vpop (erf);
	v18 =	vsel vm0, $0xFFFFFFFF, v42;
	vm0 =	vgt.f32 v14, v12  }
0x151: {  	v47 =	vld [tilespmem:$0x430];
	(erf) = vpow2.f32 v10;
	v11 =	vadd.f32 v11, v40;
	v12 =	vsel vm0, v14, v12  }
0x152: {  	v51 =	vsub.f32 v24, v27;
	[tilespmem:$0x1FE30] =	vst v17;
	v45 =	vpop (erf);
	v17 =	vsel vm0, $0xFFFFFFFF, v44;
	vm0 =	vgt.f32 v13, v12  }
0x153: {  	v52 =	vld [tilespmem:$0x4B0];
	(erf) = vpow2.f32 v43;
	v11 =	vadd.f32 v11, v45;
	v12 =	vsel vm0, v13, v12  }
0x154: {  	v55 =	vmul.f32 $1.442695020e+00, v51;
	v49 =	vpop (erf);
	v10 =	vsel vm0, $0xFFFFFFFF, v48;
	vm14 =	vgt.f32 v16, v12  }
0x155: {  	v56 =	vld [tilespmem:$0x530];
	(erf) = vpow2.f32 v50;
	[tilespmem:$0x1FEC0] =	vst v10;
	v10 =	vadd.f32 v11, v49;
	v12 =	vsel vm14, v16, v12  }
0x156: {  	v58 =	vsub.f32 v26, v27;
	v54 =	vpop (erf);
	(erf) = vpow2.f32 v55;
	vm13 =	vgt.f32 v47, v12  }
0x157: {  	v59 =	vld [tilespmem:$0x5B0];
	v11 =	vmul.f32 $1.442695020e+00, v53;
	v10 =	vadd.f32 v10, v54;
	v12 =	vsel vm13, v47, v12  }
0x158: {  	v8 =	vsub.f32 v8, v27;
	[tilespmem:$0x1FE90] =	vst v17;
	v17 =	vmul.f32 $1.442695020e+00, v58;
	v57 =	vpop (erf);
	vm12 =	vgt.f32 v52, v12  }
0x159: {  	v61 =	vld [tilespmem:$0x630];
	(erf) = vpow2.f32 v11;
	v10 =	vadd.f32 v10, v57;
	v12 =	vsel vm12, v52, v12  }
0x15a: {  	v8 =	vmul.f32 $1.442695020e+00, v8;
	v60 =	vpop (erf);
	vm11 =	vgt.f32 v56, v12  }
0x15b: {  	v63 =	vld [tilespmem:$0x6B0];
	(erf) = vpow2.f32 v17;
	v10 =	vadd.f32 v10, v60;
	v62 =	vsel vm11, v56, v12  }
0x15c: {  	v27 =	vpop (erf);
	vm10 =	vgt.f32 v59, v62  }
0x15d: {  	v11 =	vld [tilespmem:$0x730];
	(erf) = vpow2.f32 v8;
	v10 =	vadd.f32 v10, v27;
	v28 =	vsel vm10, v59, v62  }
0x15e: {  	v29 =	vpop (erf);
	vm9 =	vgt.f32 v61, v28  }
0x15f: {  	v17 =	vld [tilespmem:$0x7B0];
	v10 =	vadd.f32 v10, v29;
	v8 =	vsel vm9, v61, v28  }
0x160: {  	v30 =	vpop (erf);
	vm8 =	vgt.f32 v63, v8  }
0x161: {  	v23 =	vld [tilespmem:$0x830];
	v10 =	vadd.f32 v10, v30;
	v8 =	vsel vm8, v63, v8  }
0x162: {  	v31 =	vpop (erf);
	vm7 =	vgt.f32 v11, v8  }
0x163: {  	v24 =	vld [tilespmem:$0x8B0];
	v10 =	vadd.f32 v10, v31;
	v8 =	vsel vm7, v11, v8  }
0x164: {  	v32 =	vpop (erf);
	vm3 =	vgt.f32 v17, v8  }
0x165: {  	v33 =	vld [tilespmem:$0x930];
	v10 =	vadd.f32 v10, v32;
	v8 =	vsel vm3, v17, v8  }
0x166: {  	v34 =	vpop (erf);
	vm4 =	vgt.f32 v23, v8  }
0x167: {  	v26 =	vld [tilespmem:$0x9B0];
	v10 =	vadd.f32 v10, v34;
	v8 =	vsel vm4, v23, v8  }
0x168: {  	vm0 =	vgt.f32 v24, v8  }
0x169: {  	(erf) = vrcp.f32 v10;
	v10 =	vld [tilespmem:$0xA30];
	v8 =	vsel vm0, v24, v8  }
0x16a: {  	vm1 =	vgt.f32 v33, v8  }
0x16b: {  	v27 =	vld [tilespmem:$0xAB0];
	v8 =	vsel vm1, v33, v8  }
0x16c: {  	vm2 =	vgt.f32 v26, v8  }
0x16d: {  	v8 =	vsel vm2, v26, v8  }
0x16e: {  	vm6 =	vgt.f32 v10, v8  }
0x16f: {  	v8 =	vsel vm6, v10, v8  }
0x170: {  	vm5 =	vgt.f32 v27, v8  }
0x171: {  	v8 =	vsel vm5, v27, v8  }
0x172: {  	v28 =	vsub.f32 v5, v8;
	v5 =	vpop (erf)  }
0x173: {  	v29 =	vadd.f32 $9.999999970e-07, v5  }
0x174: {  	v6 =	vsub.f32 v6, v8;
	v28 =	vmul.f32 $1.442695020e+00, v28  }
0x175: {  	(erf) = vrcp.f32 v29  }
0x176: {  	v7 =	vsub.f32 v7, v8;
	v6 =	vmul.f32 $1.442695020e+00, v6;
	(erf) = vpow2.f32 v28;
	_ =	sdelay $0x1  }
0x177: {  	v36 =	vsub.f32 v9, v8;
	v35 =	vmul.f32 $1.442695020e+00, v7;
	(erf) = vpow2.f32 v6;
	_ =	sdelay $0x1  }
0x178: {  	v38 =	vsub.f32 v15, v8;
	v37 =	vmul.f32 $1.442695020e+00, v36;
	(erf) = vpow2.f32 v35  }
0x179: {  	v39 =	vsub.f32 v14, v8  }
0x17a: {  	v42 =	vsub.f32 v13, v8;
	v40 =	vmul.f32 $1.442695020e+00, v38;
	(erf) = vpow2.f32 v37  }
0x17b: {  	v41 =	vmul.f32 $1.442695020e+00, v39  }
0x17c: {  	v9 =	vmul.f32 $1.442695020e+00, v42;
	(erf) = vpow2.f32 v40;
	v6 =	vpop (erf)  }
0x17d: {  	(erf) = vpow2.f32 v41;
	v43 =	vpop (erf)  }
0x17e: {  	v44 =	vsub.f32 v16, v8;
	(erf) = vpow2.f32 v9;
	v7 =	vadd.f32 $0.0e+00, v43  }
0x17f: {  	v45 =	vpop (erf)  }
0x180: {  	v47 =	vsub.f32 v47, v8;
	v46 =	vmul.f32 $1.442695020e+00, v44;
	v7 =	vadd.f32 v7, v45  }
0x181: {  	v50 =	vsub.f32 v52, v8;
	v53 =	vsub.f32 v56, v8;
	v48 =	vpop (erf)  }
0x182: {  	v49 =	vmul.f32 $1.442695020e+00, v47;
	(erf) = vpow2.f32 v46;
	v7 =	vadd.f32 v7, v48  }
0x183: {  	v56 =	vsub.f32 v59, v8;
	v52 =	vmul.f32 $1.442695020e+00, v50;
	v51 =	vpop (erf)  }
0x184: {  	v34 =	vld [tilespmem:$0x1FBB0];
	v55 =	vmul.f32 $1.442695020e+00, v53;
	(erf) = vpow2.f32 v49;
	v7 =	vadd.f32 v7, v51  }
0x185: {  	v58 =	vmul.f32 $1.442695020e+00, v56;
	(erf) = vpow2.f32 v52;
	v54 =	vpop (erf)  }
0x186: {  	v1 =	vmul.f32 v2, v1;
	v57 =	vpop (erf);
	(erf) = vpow2.f32 v55;
	v7 =	vadd.f32 v7, v54  }
0x187: {  	v59 =	vsub.f32 v61, v8;
	v60 =	vpop (erf);
	(erf) = vpow2.f32 v58  }
0x188: {  	[tilespmem:$0xC00] =	vst v1;
	v1 =	vmul.f32 v4, v3;
	v12 =	vsub.f32 v63, v8;
	v7 =	vadd.f32 v7, v57  }
0x189: {  	vm15 =	vnez.u8 v34;
	v11 =	vsub.f32 v11, v8;
	v19 =	vsub.f32 v17, v8  }
0x18a: {  	v2 =	vld [tilespmem:$0x1FF80];
	v22 =	vsub.f32 v23, v8;
	v61 =	vmul.f32 $1.442695020e+00, v59;
	v7 =	vadd.f32 v7, v60  }
0x18b: {  	v25 =	vld [tilespmem:$0x1FDA0];
	v32 =	vsub.f32 v33, v8;
	v13 =	vsel vm15, $0x1, v0;
	v63 =	vmul.f32 $1.442695020e+00, v12;
	v62 =	vpop (erf)  }
0x18c: {  	[tilespmem:$0x1FE60] =	vst v18;
	v18 =	vmul.f32 $1.442695020e+00, v11;
	v38 =	vld [tilespmem:$0x1FBC0];
	(erf) = vpow2.f32 v61;
	v7 =	vadd.f32 v7, v62  }
0x18d: {  	v10 =	vsub.f32 v10, v8;
	v21 =	vmul.f32 $1.442695020e+00, v19;
	v40 =	vld [tilespmem:$0x1FBD0];
	v16 =	vpop (erf);
	(erf) = vpow2.f32 v63  }
0x18e: {  	v42 =	vld [tilespmem:$0x1FBE0];
	v28 =	vmul.f32 $1.442695020e+00, v22;
	v20 =	vpop (erf);
	(erf) = vpow2.f32 v18;
	v7 =	vadd.f32 v7, v16  }
0x18f: {  	v36 =	vsub.f32 v26, v8;
	v44 =	vld [tilespmem:$0x1FBF0];
	v29 =	vsub.f32 v24, v8;
	v23 =	vpop (erf);
	(erf) = vpow2.f32 v21  }
0x190: {  	v3 =	vld [tilespmem:$0x1FFB0];
	v8 =	vsub.f32 v27, v8;
	v30 =	vpop (erf);
	(erf) = vpow2.f32 v28;
	v7 =	vadd.f32 v7, v20  }
0x191: {  	v31 =	vmul.f32 $1.442695020e+00, v29;
	v35 =	vmul.f32 $1.442695020e+00, v32;
	vm15 =	vnez.u8 v38;
	v46 =	vld [tilespmem:$0x1FC00]  }
0x192: {  	v34 =	vld [tilespmem:$0x1FE30];
	v13 =	vsel vm15, $0x2, v13;
	vm15 =	vnez.u8 v40;
	v7 =	vadd.f32 v7, v23  }
0x193: {  	v47 =	vld [tilespmem:$0x1FC10];
	v41 =	vmul.f32 $1.442695020e+00, v10;
	v12 =	vsel vm15, $0x3, v13;
	vm15 =	vnez.u8 v42  }
0x194: {  	v10 =	vsel vm15, $0x4, v12;
	vm15 =	vnez.u8 v44;
	v49 =	vld [tilespmem:$0x1FC20];
	v7 =	vadd.f32 v7, v30  }
0x195: {  	v50 =	vld [tilespmem:$0x1FC30];
	v11 =	vmul.f32 $1.442695020e+00, v36;
	v9 =	vsel vm15, $0x5, v10;
	v33 =	vpop (erf);
	(erf) = vpow2.f32 v31  }
0x196: {  	v52 =	vld [tilespmem:$0x1FC40];
	vm15 =	vnez.u8 v46;
	v37 =	vpop (erf);
	(erf) = vpow2.f32 v35;
	v7 =	vadd.f32 v7, v33  }
0x197: {  	v53 =	vld [tilespmem:$0x1FC50];
	v8 =	vmul.f32 $1.442695020e+00, v8;
	v9 =	vsel vm15, $0x6, v9;
	v39 =	vpop (erf);
	(erf) = vpow2.f32 v11  }
0x198: {  	vm15 =	vnez.u8 v47;
	v55 =	vld [tilespmem:$0x1FC60];
	v43 =	vpop (erf);
	(erf) = vpow2.f32 v41;
	v7 =	vadd.f32 v7, v37  }
0x199: {  	v56 =	vld [tilespmem:$0x1FC70];
	v45 =	vpop (erf);
	(erf) = vpow2.f32 v8;
	v8 =	vsel vm15, $0x7, v9;
	vm15 =	vnez.u8 v49  }
0x19a: {  	v57 =	vld [tilespmem:$0x1FC80];
	v8 =	vsel vm15, $0x8, v8;
	vm15 =	vnez.u8 v50  }
0x19b: {  	v59 =	vld [tilespmem:$0x1FC90];
	v7 =	vadd.f32 v7, v39;
	v8 =	vsel vm15, $0x9, v8;
	vm15 =	vnez.u8 v52  }
0x19c: {  	v60 =	vld [tilespmem:$0x1FCA0];
	v8 =	vsel vm15, $0xA, v8;
	vm15 =	vnez.u8 v53  }
0x19d: {  	v61 =	vld [tilespmem:$0x1FCB0];
	v7 =	vadd.f32 v7, v43;
	v8 =	vsel vm15, $0xB, v8;
	vm15 =	vnez.u8 v55  }
0x19e: {  	v62 =	vld [tilespmem:$0x1FCC0];
	v8 =	vsel vm15, $0xC, v8;
	vm15 =	vnez.u8 v56  }
0x19f: {  	v12 =	vld [tilespmem:$0x1FCD0];
	v7 =	vadd.f32 v7, v45;
	v8 =	vsel vm15, $0xD, v8;
	vm15 =	vnez.u8 v57  }
0x1a0: {  	v13 =	vld [tilespmem:$0x1FCE0];
	v48 =	vpop (erf);
	v9 =	vsel vm15, $0x1, v0;
	vm15 =	vnez.u8 v59  }
0x1a1: {  	v14 =	vld [tilespmem:$0x1FCF0];
	v7 =	vadd.f32 v7, v48;
	v8 =	vsel vm15, $0xE, v8;
	vm15 =	vnez.u8 v60  }
0x1a2: {  	v15 =	vld [tilespmem:$0x1FD00];
	v51 =	vpop (erf);
	v9 =	vsel vm15, $0x2, v9;
	vm15 =	vnez.u8 v61  }
0x1a3: {  	v16 =	vld [tilespmem:$0x1FD10];
	v7 =	vadd.f32 v7, v51;
	v8 =	vsel vm15, $0xF, v8;
	vm15 =	vnez.u8 v62  }
0x1a4: {  	v17 =	vld [tilespmem:$0x1FD20];
	v54 =	vpop (erf);
	v9 =	vsel vm15, $0x3, v9;
	vm15 =	vnez.u8 v12  }
0x1a5: {  	v18 =	vld [tilespmem:$0x1FD30];
	v7 =	vadd.f32 v7, v54;
	v8 =	vsel vm15, $0x10, v8;
	vm15 =	vnez.u8 v13  }
0x1a6: {  	v19 =	vld [tilespmem:$0x1FD40];
	v58 =	vpop (erf);
	v9 =	vsel vm15, $0x4, v9;
	vm15 =	vnez.u8 v14  }
0x1a7: {  	v20 =	vld [tilespmem:$0x1FD50];
	v7 =	vadd.f32 v7, v58;
	v8 =	vsel vm15, $0x11, v8;
	vm15 =	vnez.u8 v15  }
0x1a8: {  	v21 =	vld [tilespmem:$0x1FD60];
	v63 =	vpop (erf);
	v9 =	vsel vm15, $0x5, v9;
	vm15 =	vnez.u8 v16  }
0x1a9: {  	v22 =	vld [tilespmem:$0x1FD70];
	v7 =	vadd.f32 v7, v63;
	v8 =	vsel vm15, $0x12, v8;
	vm15 =	vnez.u8 v17  }
0x1aa: {  	v23 =	vld [tilespmem:$0x1FD80];
	v9 =	vsel vm15, $0x6, v9;
	vm15 =	vnez.u8 v18  }
0x1ab: {  	v24 =	vld [tilespmem:$0x1FD90];
	(erf) = vrcp.f32 v7;
	v7 =	vsel vm15, $0x13, v8;
	vm15 =	vnez.u8 v19  }
0x1ac: {  	v26 =	vld [tilespmem:$0x1FDB0];
	v8 =	vsel vm15, $0x7, v9;
	vm15 =	vnez.u8 v20  }
0x1ad: {  	v27 =	vld [tilespmem:$0x1FDC0];
	v7 =	vsel vm15, $0x14, v7;
	vm15 =	vnez.u8 v21  }
0x1ae: {  	v36 =	vld [tilespmem:$0x1FE50];
	v8 =	vsel vm15, $0x8, v8;
	vm15 =	vnez.u8 v22  }
0x1af: {  	v28 =	vld [tilespmem:$0x1FDD0];
	v9 =	vsel vm15, $0x1, v0;
	vm15 =	vnez.u8 v23  }
0x1b0: {  	v29 =	vld [tilespmem:$0x1FDE0];
	v7 =	vsel vm15, $0x15, v7;
	vm15 =	vnez.u8 v24  }
0x1b1: {  	v30 =	vld [tilespmem:$0x1FDF0];
	v8 =	vsel vm15, $0x9, v8;
	vm15 =	vnez.u8 v25  }
0x1b2: {  	v31 =	vld [tilespmem:$0x1FE00];
	v9 =	vsel vm15, $0x2, v9;
	vm15 =	vnez.u8 v26  }
0x1b3: {  	v32 =	vld [tilespmem:$0x1FE10];
	v8 =	vsel vm15, $0xA, v8;
	vm15 =	vnez.u8 v27  }
0x1b4: {  	v33 =	vld [tilespmem:$0x1FE20];
	v9 =	vsel vm15, $0x3, v9;
	vm15 =	vnez.u8 v28  }
0x1b5: {  	v38 =	vld [tilespmem:$0x1FE70];
	v10 =	vsel vm15, $0x1, v0;
	vm15 =	vnez.u8 v29  }
0x1b6: {  	v35 =	vld [tilespmem:$0x1FE40];
	v8 =	vsel vm15, $0xB, v8;
	vm15 =	vnez.u8 v30  }
0x1b7: {  	v40 =	vld [tilespmem:$0x1FE90];
	v9 =	vsel vm15, $0x4, v9;
	vm15 =	vnez.u8 v31  }
0x1b8: {  	v37 =	vld [tilespmem:$0x1FE60];
	v10 =	vsel vm15, $0x2, v10;
	vm15 =	vnez.u8 v32  }
0x1b9: {  	v42 =	vld [tilespmem:$0x1FEB0];
	v8 =	vsel vm15, $0xC, v8;
	vm15 =	vnez.u8 v33  }
0x1ba: {  	v39 =	vld [tilespmem:$0x1FE80];
	v9 =	vsel vm15, $0x5, v9;
	vm15 =	vnez.u8 v34  }
0x1bb: {  	v47 =	vld [tilespmem:$0x1FEE0];
	v10 =	vsel vm15, $0x3, v10;
	vm15 =	vnez.u8 v35  }
0x1bc: {  	v41 =	vld [tilespmem:$0x1FEA0];
	v8 =	vsel vm15, $0xD, v8;
	vm15 =	vnez.u8 v36  }
0x1bd: {  	v49 =	vld [tilespmem:$0x1FF00];
	v9 =	vsel vm15, $0x6, v9;
	vm15 =	vnez.u8 v37  }
0x1be: {  	v43 =	vld [tilespmem:$0x1FEC0];
	v10 =	vsel vm15, $0x4, v10;
	vm15 =	vnez.u8 v38  }
0x1bf: {  	v50 =	vld [tilespmem:$0x1FF10];
	v8 =	vsel vm15, $0xE, v8;
	vm15 =	vnez.u8 v39  }
0x1c0: {  	v45 =	vld [tilespmem:$0x1FED0];
	v9 =	vsel vm15, $0x7, v9;
	vm15 =	vnez.u8 v40  }
0x1c1: {  	v54 =	vld [tilespmem:$0x1FF50];
	v44 =	vpop (erf);
	v10 =	vsel vm15, $0x5, v10;
	vm15 =	vnez.u8 v41  }
0x1c2: {  	v48 =	vld [tilespmem:$0x1FEF0];
	v46 =	vadd.f32 $9.999999970e-07, v44;
	v8 =	vsel vm15, $0xF, v8;
	vm15 =	vnez.u8 v42  }
0x1c3: {  	v52 =	vld [tilespmem:$0x1FF30];
	v9 =	vsel vm15, $0x8, v9;
	vm15 =	vnez.u8 v43  }
0x1c4: {  	[tilespmem:$0xC10] =	vst v1;
	v1 =	vmul.f32 v6, v5;
	v53 =	vld [tilespmem:$0x1FF40];
	(erf) = vrcp.f32 v46;
	v10 =	vsel vm15, $0x6, v10  }
0x1c5: {  	v51 =	vld [tilespmem:$0x1FF20];
	vm15 =	vnez.u8 v45;
	v10 =	vsel vm14, $0x7, v10;
	vm14 =	vnez.u8 v47  }
0x1c6: {  	v55 =	vld [tilespmem:$0x1FF60];
	v9 =	vsel vm15, $0x9, v9;
	vm15 =	vnez.u8 v54;
	v8 =	vsel vm14, $0x10, v8  }
0x1c7: {  	v56 =	vld [tilespmem:$0x1FF70];
	vm14 =	vnez.u8 v48;
	v10 =	vsel vm13, $0x8, v10;
	vm13 =	vnez.u8 v49  }
0x1c8: {  	v59 =	vld [tilespmem:$0x1FFA0];
	v9 =	vsel vm14, $0xA, v9;
	v10 =	vsel vm12, $0x9, v10;
	vm12 =	vnez.u8 v50  }
0x1c9: {  	v57 =	vld [tilespmem:$0x1FF90];
	vm14 =	vnez.u8 v53;
	v9 =	vsel vm13, $0xB, v9;
	v8 =	vsel vm12, $0x11, v8  }
0x1ca: {  	vm12 =	vnez.u8 v51;
	v10 =	vsel vm11, $0xA, v10;
	vm13 =	vnez.u8 v52  }
0x1cb: {  	vm11 =	vnez.u8 v3;
	v9 =	vsel vm12, $0xC, v9;
	v8 =	vsel vm13, $0x12, v8  }
0x1cc: {  	v62 =	vld [tilespmem:$0x1FFE0];
	v10 =	vsel vm10, $0xB, v10;
	vm12 =	vnez.u8 v55;
	vm13 =	vnez.u8 v56  }
0x1cd: {  	v3 =	vld [tilespmem:$0x1FFC0];
	vm10 =	vnez.u8 v59;
	v9 =	vsel vm14, $0xD, v9;
	v8 =	vsel vm15, $0x13, v8  }
0x1ce: {  	v61 =	vld [tilespmem:$0x1FFD0];
	v10 =	vsel vm9, $0xC, v10;
	vm14 =	vnez.u8 v2;
	vm15 =	vnez.u8 v57  }
0x1cf: {  	v9 =	vsel vm12, $0xE, v9;
	v10 =	vsel vm8, $0xD, v10;
	v2 =	vsel vm14, $0x14, v8  }
0x1d0: {  	v63 =	vld [tilespmem:$0x1FFF0];
	v9 =	vsel vm13, $0xF, v9;
	v58 =	vsel vm7, $0xE, v10;
	v2 =	vsel vm11, $0x15, v2  }
0x1d1: {  	vm14 =	vnez.u8 v62;
	v8 =	vsel vm15, $0x10, v9;
	v9 =	vsel vm3, $0xF, v58  }
0x1d2: {  	vm12 =	vnez.u8 v3;
	v8 =	vsel vm10, $0x11, v8;
	v60 =	vsel vm4, $0x10, v9  }
0x1d3: {  	vm13 =	vnez.u8 v61;
	[tilespmem:$0xC90] =	vst v2;
	v3 =	vsel vm12, $0x12, v8;
	v4 =	vsel vm0, $0x11, v60;
	v2 =	vpop (erf)  }
0x1d4: {  	[tilespmem:$0xC20] =	vst v1;
	v3 =	vsel vm13, $0x13, v3;
	v4 =	vsel vm1, $0x12, v4;
	v1 =	vmul.f32 v2, v44  }
0x1d5: {  	[tilespmem:$0xC80] =	vst v7;
	vm15 =	vnez.u8 v63;
	v3 =	vsel vm14, $0x14, v3;
	v4 =	vsel vm2, $0x13, v4  }
0x1d6: {  	v3 =	vsel vm15, $0x15, v3;
	v2 =	vsel vm6, $0x14, v4;
	[tilespmem:$0xC30] =	vst v1  }
0x1d7: {  	[tilespmem:$0xCA0] =	vst v3;
	v2 =	vsel vm5, $0x15, v2  }
0x1d8: {  	[tilespmem:$0xCB0] =	vst v2  }
0x1d9: {  	[hbm4b:s5+s2] =	stream.linear.scatter [tilespmem:s31], [sflag:$0x1], $0x40, $0x38;
	[tilespmem:$0xD00] =	vst v63  }
0x1da: {  	_ =	swait.ge [sflag:s8], $0x40  }
0x1db: {  	p0 =	sne.s32 s7, $0x1;
	[sflag:s8] =	ssyncset.done $0x0  }
.Ltmp0:
0x1dc: {  	[sflag:s8] =	ssyncadd.s32 $0xFFFFFFC0;
	(pc) =	sbr.rel @p0 .LBB2_1-.Ltmp0, $4  }
0x1dd: {  	[hbm4b:s6+s2] =	stream.linear.scatter [tilespmem:s1], [sflag:$0x1], $0x40, $0x38;
	[tilespmem:$0xD00] =	vst v63  }
0x1de: {  	_ =	swait.ge [sflag:s8], $0x40  }
0x1df: {  	[sflag:s8] =	ssyncset.done $0x0  }
0x1e0: {  	s7 =	sadd.s32 $0xFFFFFFFF, s7;
	[sflag:s8] =	ssyncadd.s32 $0xFFFFFFC0  }
0x1e1: {  	_ =	sfence.sel $0x180000  }
0x1e2: {  	[bflag:$0x0] =	sbarrier.arrive $0xFFFF  }
0x1e3: {  	_ =	strace $0x90000047  }
0x1e4: {  	s0 =	stileid.u32;
	[bflag:$0x2] =	sbarrier.arrive $0xFFFF  }
0x1e5: {  	p0 =	sne.s32 s0, $0x0;
	s0 =	rddreg [dreg:$0x1]  }
0x1e6: {  	s0 =	sadd.s32 @!p0 $0x100000, s0  }
0x1e7: {  	[sflag:s0] =	ssyncadd.tile.s32 @!p0 $0x1;
	_ =	shalt  }
.Lfunc_end2:
_tile_overlayer_lowered:
.L_overlay_start_2:
0x1e8: {  	(tag) =	ssettag $0x2  }
0x1e9: {  	s0 =	rddreg [dreg:$0x0];
	s2 =	stileid.u32  }
0x1ea: {  	s1 =	rddreg [dreg:$0x1];
	p0 =	sne.s32 s2, $0x0  }
0x1eb: {  	s3 =	rddreg [dreg:$0x2];
	[bflag:$0x3] =	sbarrier.arrive $0xFFFF;
	s2 =	simm.s32 @!p0 $0x1C01  }
0x1ec: {  	[timem:s3], [sflag:s2] =	dma.local @!p0 [hbm:s0], s1  }
0x1ed: {  	s0 =	simm.s32 @!p0 $0x1  }
0x1ee: {  	_ =	swait.ge @!p0 [sflag:s0], s1  }
0x1ef: {  	s1 =	ssub.s32 @!p0 $0x0, s1;
	[sflag:s0] =	ssyncset.done @!p0 $0x0  }
0x1f0: {  	[sflag:s0] =	ssyncadd.s32 @!p0 s1  }
0x1f1: {  	[bflag:$0x3] =	sbarrier.arrive $0xFFFF  }
0x1f2: {  	_ =	shalt  }

</sc_bundles>
